<compile_context>
chip_gen: v7x
topology: tpu7x:2x2x1
jax: 0.10.2.dev20260603
libtpu: 0.0.44.dev20260713+nightly
codegen_flags: <defaults>
</compile_context>

<pallas_src>
import functools

import jax
import jax.numpy as jnp
from jax import lax
from jax.experimental import pallas as pl
from jax.experimental.pallas import tpu as pltpu
from jax.experimental.pallas import tpu_sc as plsc

N_NODES = 50000
DIM = 128
D_FEAT = 256
D_OUT = DIM + D_FEAT

CHUNK = 96
NUM_FULL = N_NODES // CHUNK
NUM_CHUNKS = NUM_FULL + (1 if N_NODES % CHUNK else 0)
TAIL_BASE = N_NODES - CHUNK
NBUF = 3


@functools.lru_cache(maxsize=None)
def _build():
    mesh = plsc.VectorSubcoreMesh(core_axis_name="c", subcore_axis_name="s")
    nc, ns = mesh.num_cores, mesh.num_subcores
    nw = nc * ns
    iters = -(-NUM_CHUNKS // nw)
    full_iters = (NUM_CHUNKS - nw) // nw + 1 if NUM_CHUNKS >= nw else 0

    @functools.partial(
        pl.kernel,
        out_type=jax.ShapeDtypeStruct((N_NODES, D_OUT), jnp.float32),
        mesh=mesh,
        scratch_types=[
            pltpu.VMEM((iters, CHUNK), jnp.int32),
            pltpu.VMEM((NBUF, CHUNK, DIM), jnp.float32),
            pltpu.VMEM_SHARED((ns, NBUF, CHUNK, D_FEAT), jnp.float32),
            pltpu.SemaphoreType.DMA,
        ] + [pltpu.SemaphoreType.DMA] * (4 * NBUF),
    )
    def body(x_hbm, lt_hbm, idx_hbm, out_hbm, idx_v, h_v, x_v, isem, *sems):
        gsem = sems[0:NBUF]
        wsem = sems[NBUF:2 * NBUF]
        xrsem = sems[2 * NBUF:3 * NBUF]
        xwsem = sems[3 * NBUF:4 * NBUF]
        sid = lax.axis_index("s")
        wid = sid * nc + lax.axis_index("c")

        def chunk_base(i):
            c = jnp.minimum(wid + i * nw, NUM_CHUNKS - 1)
            b = jnp.where(c < NUM_FULL, c * CHUNK, TAIL_BASE)
            return pl.multiple_of(b, 8)

        bases = [chunk_base(i) for i in range(full_iters)]

        idx_cp = [
            pltpu.async_copy(idx_hbm.at[pl.ds(bases[i], CHUNK)], idx_v.at[i], isem)
            for i in range(full_iters)
        ]
        for cp in idx_cp:
            cp.wait()

        gathers = [None] * NBUF
        writes = [None] * NBUF
        xreads = [None] * NBUF
        xwrites = [None] * NBUF

        def finalize(j):
            q = j % NBUF
            gathers[q].wait()
            writes[q] = pltpu.async_copy(
                h_v.at[q],
                out_hbm.at[pl.ds(bases[j], CHUNK), pl.ds(0, DIM)],
                wsem[q])
            xreads[q].wait()
            xwrites[q] = pltpu.async_copy(
                x_v.at[sid, q],
                out_hbm.at[pl.ds(bases[j], CHUNK), pl.ds(DIM, D_FEAT)],
                xwsem[q])

        for i in range(full_iters):
            p = i % NBUF
            if writes[p] is not None:
                writes[p].wait()
            if xwrites[p] is not None:
                xwrites[p].wait()
            gathers[p] = pltpu.async_copy(lt_hbm.at[idx_v.at[i]], h_v.at[p], gsem[p])
            xreads[p] = pltpu.async_copy(
                x_hbm.at[pl.ds(bases[i], CHUNK)], x_v.at[sid, p], xrsem[p])
            if i >= 1:
                finalize(i - 1)
        finalize(full_iters - 1)
        for cp in writes + xwrites:
            if cp is not None:
                cp.wait()

        n_tail = NUM_CHUNKS - full_iters * nw
        if n_tail:
            @pl.when(wid < n_tail)
            def _():
                c = wid + full_iters * nw
                b = jnp.where(c < NUM_FULL, c * CHUNK, TAIL_BASE)
                b = pl.multiple_of(b, 8)
                pltpu.sync_copy(idx_hbm.at[pl.ds(b, CHUNK)], idx_v.at[0])
                pltpu.async_copy(lt_hbm.at[idx_v.at[0]], h_v.at[0], gsem[0]).wait()
                pltpu.sync_copy(h_v.at[0],
                                out_hbm.at[pl.ds(b, CHUNK), pl.ds(0, DIM)])
                pltpu.sync_copy(x_hbm.at[pl.ds(b, CHUNK)], x_v.at[sid, 0])
                pltpu.sync_copy(x_v.at[sid, 0],
                                out_hbm.at[pl.ds(b, CHUNK), pl.ds(DIM, D_FEAT)])

    return body


def kernel(x, lt, all_nodes):
    idx32 = all_nodes.astype(jnp.int32)
    return _build()(x, lt, idx32)

# --- scband reference (transcript-rebuilt; emitter-appended) ---
"""Pipeline reference for scband-shallow-47777216201096 (READ-ONLY COPY).

The authoritative reference and input builder live on the scoring server;
editing this copy changes nothing except your own understanding.
"""

import jax, jax.numpy as jnp
import numpy as np

N_NODES = 50000
DIM = 128
D_FEAT = 256


def setup_inputs(seed: int = 0) -> dict:
    key = jax.random.key(seed)
    k1, k2 = jax.random.split(key)
    x = jax.random.normal(k1, (N_NODES, D_FEAT), dtype=jnp.float32)
    # Poincare-ball style init: small uniform weights (stand-in for manifold.init_weights)
    lt = jax.random.uniform(k2, (N_NODES, DIM), dtype=jnp.float32, minval=-1e-3, maxval=1e-3)
    all_nodes = jnp.arange(N_NODES, dtype=jnp.int64 if jax.config.jax_enable_x64 else jnp.int32)
    return {"x": x, "lt": lt, "all_nodes": all_nodes}


def reference(x, lt, all_nodes):
    # h = self.lt[self.all_nodes, :]
    h = jnp.take(lt, all_nodes, axis=0)
    # h = torch.cat((h, x), 1)
    out = jnp.concatenate((h, x), axis=1)
    return out

if __name__ == "__main__":
    import jax
    _d = setup_inputs()
    print(jax.jit(kernel)(*tuple(_d.values())))

</pallas_src>

<mosaic_0001>
#map = affine_map<(d0, d1) -> (0, 0)>
#map1 = affine_map<(d0, d1) -> (0)>
module attributes {stable_mosaic.version = 14 : i64} {
  func.func @body(%arg0: i32, %arg1: i32, %arg2: memref<50000x256xf32, #tpu.memory_space<hbm>>, %arg3: memref<50000x128xf32, #tpu.memory_space<hbm>>, %arg4: memref<50000xi32, #tpu.memory_space<hbm>>, %arg5: memref<50000x384xf32, #tpu.memory_space<hbm>>, %arg6: memref<17x96xi32, #tpu.memory_space<vmem>>, %arg7: memref<3x96x128xf32, #tpu.memory_space<vmem>>, %arg8: memref<16x3x96x256xf32, #tpu.memory_space<vmem_shared>>, %arg9: memref<!tpu.dma_semaphore, #tpu.memory_space<semaphore_mem>>, %arg10: memref<!tpu.dma_semaphore, #tpu.memory_space<semaphore_mem>>, %arg11: memref<!tpu.dma_semaphore, #tpu.memory_space<semaphore_mem>>, %arg12: memref<!tpu.dma_semaphore, #tpu.memory_space<semaphore_mem>>, %arg13: memref<!tpu.dma_semaphore, #tpu.memory_space<semaphore_mem>>, %arg14: memref<!tpu.dma_semaphore, #tpu.memory_space<semaphore_mem>>, %arg15: memref<!tpu.dma_semaphore, #tpu.memory_space<semaphore_mem>>, %arg16: memref<!tpu.dma_semaphore, #tpu.memory_space<semaphore_mem>>, %arg17: memref<!tpu.dma_semaphore, #tpu.memory_space<semaphore_mem>>, %arg18: memref<!tpu.dma_semaphore, #tpu.memory_space<semaphore_mem>>, %arg19: memref<!tpu.dma_semaphore, #tpu.memory_space<semaphore_mem>>, %arg20: memref<!tpu.dma_semaphore, #tpu.memory_space<semaphore_mem>>, %arg21: memref<!tpu.dma_semaphore, #tpu.memory_space<semaphore_mem>>) attributes {dimension_semantics = [#tpu.dimension_semantics<core_parallel>, #tpu.dimension_semantics<subcore_parallel>], iteration_bounds = array<i64: 2, 16>, scalar_prefetch = 0 : i64, scratch_operands = 16 : i64, tpu.core_type = #tpu.core_type<sc_vector_subcore>, window_params = [{transform_indices = #map}, {transform_indices = #map}, {transform_indices = #map1}, {transform_indices = #map}]} {
    %mul3A = arith.constant 2 : i32
    %mul3A_0 = arith.muli %arg1, %mul3A : i32
    %add3A = arith.addi %mul3A_0, %arg0 : i32
    %add3A_1 = arith.constant 0 : i32
    %add3A_2 = arith.addi %add3A, %add3A_1 : i32
    %min3A = arith.constant 520 : i32
    %min3A_3 = arith.minsi %add3A_2, %min3A : i32
    %lt3A = arith.constant 520 : i32
    %lt3A_4 = arith.cmpi slt, %min3A_3, %lt3A : i32
    %mul3A_5 = arith.constant 96 : i32
    %mul3A_6 = arith.muli %min3A_3, %mul3A_5 : i32
    %jit3A = arith.constant 49904 : i32
    %select_n3A = arith.select %lt3A_4, %mul3A_6, %jit3A : i32
    %multiple_of3A = tpu.assume_multiple %select_n3A, 8 : i32
    %add3A_7 = arith.constant 32 : i32
    %add3A_8 = arith.addi %add3A, %add3A_7 : i32
    %min3A_9 = arith.constant 520 : i32
    %min3A_10 = arith.minsi %add3A_8, %min3A_9 : i32
    %lt3A_11 = arith.constant 520 : i32
    %lt3A_12 = arith.cmpi slt, %min3A_10, %lt3A_11 : i32
    %mul3A_13 = arith.constant 96 : i32
    %mul3A_14 = arith.muli %min3A_10, %mul3A_13 : i32
    %jit3A_15 = arith.constant 49904 : i32
    %select_n3A_16 = arith.select %lt3A_12, %mul3A_14, %jit3A_15 : i32
    %multiple_of3A_17 = tpu.assume_multiple %select_n3A_16, 8 : i32
    %add3A_18 = arith.constant 64 : i32
    %add3A_19 = arith.addi %add3A, %add3A_18 : i32
    %min3A_20 = arith.constant 520 : i32
    %min3A_21 = arith.minsi %add3A_19, %min3A_20 : i32
    %lt3A_22 = arith.constant 520 : i32
    %lt3A_23 = arith.cmpi slt, %min3A_21, %lt3A_22 : i32
    %mul3A_24 = arith.constant 96 : i32
    %mul3A_25 = arith.muli %min3A_21, %mul3A_24 : i32
    %jit3A_26 = arith.constant 49904 : i32
    %select_n3A_27 = arith.select %lt3A_23, %mul3A_25, %jit3A_26 : i32
    %multiple_of3A_28 = tpu.assume_multiple %select_n3A_27, 8 : i32
    %add3A_29 = arith.constant 96 : i32
    %add3A_30 = arith.addi %add3A, %add3A_29 : i32
    %min3A_31 = arith.constant 520 : i32
    %min3A_32 = arith.minsi %add3A_30, %min3A_31 : i32
    %lt3A_33 = arith.constant 520 : i32
    %lt3A_34 = arith.cmpi slt, %min3A_32, %lt3A_33 : i32
    %mul3A_35 = arith.constant 96 : i32
    %mul3A_36 = arith.muli %min3A_32, %mul3A_35 : i32
    %jit3A_37 = arith.constant 49904 : i32
    %select_n3A_38 = arith.select %lt3A_34, %mul3A_36, %jit3A_37 : i32
    %multiple_of3A_39 = tpu.assume_multiple %select_n3A_38, 8 : i32
    %add3A_40 = arith.constant 128 : i32
    %add3A_41 = arith.addi %add3A, %add3A_40 : i32
    %min3A_42 = arith.constant 520 : i32
    %min3A_43 = arith.minsi %add3A_41, %min3A_42 : i32
    %lt3A_44 = arith.constant 520 : i32
    %lt3A_45 = arith.cmpi slt, %min3A_43, %lt3A_44 : i32
    %mul3A_46 = arith.constant 96 : i32
    %mul3A_47 = arith.muli %min3A_43, %mul3A_46 : i32
    %jit3A_48 = arith.constant 49904 : i32
    %select_n3A_49 = arith.select %lt3A_45, %mul3A_47, %jit3A_48 : i32
    %multiple_of3A_50 = tpu.assume_multiple %select_n3A_49, 8 : i32
    %add3A_51 = arith.constant 160 : i32
    %add3A_52 = arith.addi %add3A, %add3A_51 : i32
    %min3A_53 = arith.constant 520 : i32
    %min3A_54 = arith.minsi %add3A_52, %min3A_53 : i32
    %lt3A_55 = arith.constant 520 : i32
    %lt3A_56 = arith.cmpi slt, %min3A_54, %lt3A_55 : i32
    %mul3A_57 = arith.constant 96 : i32
    %mul3A_58 = arith.muli %min3A_54, %mul3A_57 : i32
    %jit3A_59 = arith.constant 49904 : i32
    %select_n3A_60 = arith.select %lt3A_56, %mul3A_58, %jit3A_59 : i32
    %multiple_of3A_61 = tpu.assume_multiple %select_n3A_60, 8 : i32
    %add3A_62 = arith.constant 192 : i32
    %add3A_63 = arith.addi %add3A, %add3A_62 : i32
    %min3A_64 = arith.constant 520 : i32
    %min3A_65 = arith.minsi %add3A_63, %min3A_64 : i32
    %lt3A_66 = arith.constant 520 : i32
    %lt3A_67 = arith.cmpi slt, %min3A_65, %lt3A_66 : i32
    %mul3A_68 = arith.constant 96 : i32
    %mul3A_69 = arith.muli %min3A_65, %mul3A_68 : i32
    %jit3A_70 = arith.constant 49904 : i32
    %select_n3A_71 = arith.select %lt3A_67, %mul3A_69, %jit3A_70 : i32
    %multiple_of3A_72 = tpu.assume_multiple %select_n3A_71, 8 : i32
    %add3A_73 = arith.constant 224 : i32
    %add3A_74 = arith.addi %add3A, %add3A_73 : i32
    %min3A_75 = arith.constant 520 : i32
    %min3A_76 = arith.minsi %add3A_74, %min3A_75 : i32
    %lt3A_77 = arith.constant 520 : i32
    %lt3A_78 = arith.cmpi slt, %min3A_76, %lt3A_77 : i32
    %mul3A_79 = arith.constant 96 : i32
    %mul3A_80 = arith.muli %min3A_76, %mul3A_79 : i32
    %jit3A_81 = arith.constant 49904 : i32
    %select_n3A_82 = arith.select %lt3A_78, %mul3A_80, %jit3A_81 : i32
    %multiple_of3A_83 = tpu.assume_multiple %select_n3A_82, 8 : i32
    %add3A_84 = arith.constant 256 : i32
    %add3A_85 = arith.addi %add3A, %add3A_84 : i32
    %min3A_86 = arith.constant 520 : i32
    %min3A_87 = arith.minsi %add3A_85, %min3A_86 : i32
    %lt3A_88 = arith.constant 520 : i32
    %lt3A_89 = arith.cmpi slt, %min3A_87, %lt3A_88 : i32
    %mul3A_90 = arith.constant 96 : i32
    %mul3A_91 = arith.muli %min3A_87, %mul3A_90 : i32
    %jit3A_92 = arith.constant 49904 : i32
    %select_n3A_93 = arith.select %lt3A_89, %mul3A_91, %jit3A_92 : i32
    %multiple_of3A_94 = tpu.assume_multiple %select_n3A_93, 8 : i32
    %add3A_95 = arith.constant 288 : i32
    %add3A_96 = arith.addi %add3A, %add3A_95 : i32
    %min3A_97 = arith.constant 520 : i32
    %min3A_98 = arith.minsi %add3A_96, %min3A_97 : i32
    %lt3A_99 = arith.constant 520 : i32
    %lt3A_100 = arith.cmpi slt, %min3A_98, %lt3A_99 : i32
    %mul3A_101 = arith.constant 96 : i32
    %mul3A_102 = arith.muli %min3A_98, %mul3A_101 : i32
    %jit3A_103 = arith.constant 49904 : i32
    %select_n3A_104 = arith.select %lt3A_100, %mul3A_102, %jit3A_103 : i32
    %multiple_of3A_105 = tpu.assume_multiple %select_n3A_104, 8 : i32
    %add3A_106 = arith.constant 320 : i32
    %add3A_107 = arith.addi %add3A, %add3A_106 : i32
    %min3A_108 = arith.constant 520 : i32
    %min3A_109 = arith.minsi %add3A_107, %min3A_108 : i32
    %lt3A_110 = arith.constant 520 : i32
    %lt3A_111 = arith.cmpi slt, %min3A_109, %lt3A_110 : i32
    %mul3A_112 = arith.constant 96 : i32
    %mul3A_113 = arith.muli %min3A_109, %mul3A_112 : i32
    %jit3A_114 = arith.constant 49904 : i32
    %select_n3A_115 = arith.select %lt3A_111, %mul3A_113, %jit3A_114 : i32
    %multiple_of3A_116 = tpu.assume_multiple %select_n3A_115, 8 : i32
    %add3A_117 = arith.constant 352 : i32
    %add3A_118 = arith.addi %add3A, %add3A_117 : i32
    %min3A_119 = arith.constant 520 : i32
    %min3A_120 = arith.minsi %add3A_118, %min3A_119 : i32
    %lt3A_121 = arith.constant 520 : i32
    %lt3A_122 = arith.cmpi slt, %min3A_120, %lt3A_121 : i32
    %mul3A_123 = arith.constant 96 : i32
    %mul3A_124 = arith.muli %min3A_120, %mul3A_123 : i32
    %jit3A_125 = arith.constant 49904 : i32
    %select_n3A_126 = arith.select %lt3A_122, %mul3A_124, %jit3A_125 : i32
    %multiple_of3A_127 = tpu.assume_multiple %select_n3A_126, 8 : i32
    %add3A_128 = arith.constant 384 : i32
    %add3A_129 = arith.addi %add3A, %add3A_128 : i32
    %min3A_130 = arith.constant 520 : i32
    %min3A_131 = arith.minsi %add3A_129, %min3A_130 : i32
    %lt3A_132 = arith.constant 520 : i32
    %lt3A_133 = arith.cmpi slt, %min3A_131, %lt3A_132 : i32
    %mul3A_134 = arith.constant 96 : i32
    %mul3A_135 = arith.muli %min3A_131, %mul3A_134 : i32
    %jit3A_136 = arith.constant 49904 : i32
    %select_n3A_137 = arith.select %lt3A_133, %mul3A_135, %jit3A_136 : i32
    %multiple_of3A_138 = tpu.assume_multiple %select_n3A_137, 8 : i32
    %add3A_139 = arith.constant 416 : i32
    %add3A_140 = arith.addi %add3A, %add3A_139 : i32
    %min3A_141 = arith.constant 520 : i32
    %min3A_142 = arith.minsi %add3A_140, %min3A_141 : i32
    %lt3A_143 = arith.constant 520 : i32
    %lt3A_144 = arith.cmpi slt, %min3A_142, %lt3A_143 : i32
    %mul3A_145 = arith.constant 96 : i32
    %mul3A_146 = arith.muli %min3A_142, %mul3A_145 : i32
    %jit3A_147 = arith.constant 49904 : i32
    %select_n3A_148 = arith.select %lt3A_144, %mul3A_146, %jit3A_147 : i32
    %multiple_of3A_149 = tpu.assume_multiple %select_n3A_148, 8 : i32
    %add3A_150 = arith.constant 448 : i32
    %add3A_151 = arith.addi %add3A, %add3A_150 : i32
    %min3A_152 = arith.constant 520 : i32
    %min3A_153 = arith.minsi %add3A_151, %min3A_152 : i32
    %lt3A_154 = arith.constant 520 : i32
    %lt3A_155 = arith.cmpi slt, %min3A_153, %lt3A_154 : i32
    %mul3A_156 = arith.constant 96 : i32
    %mul3A_157 = arith.muli %min3A_153, %mul3A_156 : i32
    %jit3A_158 = arith.constant 49904 : i32
    %select_n3A_159 = arith.select %lt3A_155, %mul3A_157, %jit3A_158 : i32
    %multiple_of3A_160 = tpu.assume_multiple %select_n3A_159, 8 : i32
    %add3A_161 = arith.constant 480 : i32
    %add3A_162 = arith.addi %add3A, %add3A_161 : i32
    %min3A_163 = arith.constant 520 : i32
    %min3A_164 = arith.minsi %add3A_162, %min3A_163 : i32
    %lt3A_165 = arith.constant 520 : i32
    %lt3A_166 = arith.cmpi slt, %min3A_164, %lt3A_165 : i32
    %mul3A_167 = arith.constant 96 : i32
    %mul3A_168 = arith.muli %min3A_164, %mul3A_167 : i32
    %jit3A_169 = arith.constant 49904 : i32
    %select_n3A_170 = arith.select %lt3A_166, %mul3A_168, %jit3A_169 : i32
    %multiple_of3A_171 = tpu.assume_multiple %select_n3A_170, 8 : i32
    %dma_start3A = arith.constant 0 : i32
    %dma_start3A_172 = arith.constant 0 : i32
    %dma_start3A_173 = tpu.memref_slice %arg6[%dma_start3A, %dma_start3A_172] : memref<17x96xi32, #tpu.memory_space<vmem>> -> memref<1x96xi32, #tpu.memory_space<vmem>>
    %dma_start3A_174 = tpu.memref_squeeze %dma_start3A_173 : memref<1x96xi32, #tpu.memory_space<vmem>> -> memref<96xi32, #tpu.memory_space<vmem>>
    %dma_start3A_175 = tpu.memref_slice %arg4[%multiple_of3A] : memref<50000xi32, #tpu.memory_space<hbm>> -> memref<96xi32, #tpu.memory_space<hbm>>
    %dma_start3A_176 = arith.constant 0 : i32
    %dma_start3A_177 = tpu.memref_slice %arg6[%dma_start3A, %dma_start3A_176] : memref<17x96xi32, #tpu.memory_space<vmem>> -> memref<1x96xi32, #tpu.memory_space<vmem>>
    %dma_start3A_178 = tpu.memref_squeeze %dma_start3A_177 : memref<1x96xi32, #tpu.memory_space<vmem>> -> memref<96xi32, #tpu.memory_space<vmem>>
    %dma_start3A_179 = tpu.memref_slice %arg4[%multiple_of3A] : memref<50000xi32, #tpu.memory_space<hbm>> -> memref<96xi32, #tpu.memory_space<hbm>>
    tpu.enqueue_dma source(%dma_start3A_179 : memref<96xi32, #tpu.memory_space<hbm>>) target(%dma_start3A_178 : memref<96xi32, #tpu.memory_space<vmem>>) target_semaphore(%arg9 : memref<!tpu.dma_semaphore, #tpu.memory_space<semaphore_mem>>)
    %dma_start3A_180 = arith.constant 1 : i32
    %dma_start3A_181 = arith.constant 0 : i32
    %dma_start3A_182 = tpu.memref_slice %arg6[%dma_start3A_180, %dma_start3A_181] : memref<17x96xi32, #tpu.memory_space<vmem>> -> memref<1x96xi32, #tpu.memory_space<vmem>>
    %dma_start3A_183 = tpu.memref_squeeze %dma_start3A_182 : memref<1x96xi32, #tpu.memory_space<vmem>> -> memref<96xi32, #tpu.memory_space<vmem>>
    %dma_start3A_184 = tpu.memref_slice %arg4[%multiple_of3A_17] : memref<50000xi32, #tpu.memory_space<hbm>> -> memref<96xi32, #tpu.memory_space<hbm>>
    %dma_start3A_185 = arith.constant 0 : i32
    %dma_start3A_186 = tpu.memref_slice %arg6[%dma_start3A_180, %dma_start3A_185] : memref<17x96xi32, #tpu.memory_space<vmem>> -> memref<1x96xi32, #tpu.memory_space<vmem>>
    %dma_start3A_187 = tpu.memref_squeeze %dma_start3A_186 : memref<1x96xi32, #tpu.memory_space<vmem>> -> memref<96xi32, #tpu.memory_space<vmem>>
    %dma_start3A_188 = tpu.memref_slice %arg4[%multiple_of3A_17] : memref<50000xi32, #tpu.memory_space<hbm>> -> memref<96xi32, #tpu.memory_space<hbm>>
    tpu.enqueue_dma source(%dma_start3A_188 : memref<96xi32, #tpu.memory_space<hbm>>) target(%dma_start3A_187 : memref<96xi32, #tpu.memory_space<vmem>>) target_semaphore(%arg9 : memref<!tpu.dma_semaphore, #tpu.memory_space<semaphore_mem>>)
    %dma_start3A_189 = arith.constant 2 : i32
    %dma_start3A_190 = arith.constant 0 : i32
    %dma_start3A_191 = tpu.memref_slice %arg6[%dma_start3A_189, %dma_start3A_190] : memref<17x96xi32, #tpu.memory_space<vmem>> -> memref<1x96xi32, #tpu.memory_space<vmem>>
    %dma_start3A_192 = tpu.memref_squeeze %dma_start3A_191 : memref<1x96xi32, #tpu.memory_space<vmem>> -> memref<96xi32, #tpu.memory_space<vmem>>
    %dma_start3A_193 = tpu.memref_slice %arg4[%multiple_of3A_28] : memref<50000xi32, #tpu.memory_space<hbm>> -> memref<96xi32, #tpu.memory_space<hbm>>
    %dma_start3A_194 = arith.constant 0 : i32
    %dma_start3A_195 = tpu.memref_slice %arg6[%dma_start3A_189, %dma_start3A_194] : memref<17x96xi32, #tpu.memory_space<vmem>> -> memref<1x96xi32, #tpu.memory_space<vmem>>
    %dma_start3A_196 = tpu.memref_squeeze %dma_start3A_195 : memref<1x96xi32, #tpu.memory_space<vmem>> -> memref<96xi32, #tpu.memory_space<vmem>>
    %dma_start3A_197 = tpu.memref_slice %arg4[%multiple_of3A_28] : memref<50000xi32, #tpu.memory_space<hbm>> -> memref<96xi32, #tpu.memory_space<hbm>>
    tpu.enqueue_dma source(%dma_start3A_197 : memref<96xi32, #tpu.memory_space<hbm>>) target(%dma_start3A_196 : memref<96xi32, #tpu.memory_space<vmem>>) target_semaphore(%arg9 : memref<!tpu.dma_semaphore, #tpu.memory_space<semaphore_mem>>)
    %dma_start3A_198 = arith.constant 3 : i32
    %dma_start3A_199 = arith.constant 0 : i32
    %dma_start3A_200 = tpu.memref_slice %arg6[%dma_start3A_198, %dma_start3A_199] : memref<17x96xi32, #tpu.memory_space<vmem>> -> memref<1x96xi32, #tpu.memory_space<vmem>>
    %dma_start3A_201 = tpu.memref_squeeze %dma_start3A_200 : memref<1x96xi32, #tpu.memory_space<vmem>> -> memref<96xi32, #tpu.memory_space<vmem>>
    %dma_start3A_202 = tpu.memref_slice %arg4[%multiple_of3A_39] : memref<50000xi32, #tpu.memory_space<hbm>> -> memref<96xi32, #tpu.memory_space<hbm>>
    %dma_start3A_203 = arith.constant 0 : i32
    %dma_start3A_204 = tpu.memref_slice %arg6[%dma_start3A_198, %dma_start3A_203] : memref<17x96xi32, #tpu.memory_space<vmem>> -> memref<1x96xi32, #tpu.memory_space<vmem>>
    %dma_start3A_205 = tpu.memref_squeeze %dma_start3A_204 : memref<1x96xi32, #tpu.memory_space<vmem>> -> memref<96xi32, #tpu.memory_space<vmem>>
    %dma_start3A_206 = tpu.memref_slice %arg4[%multiple_of3A_39] : memref<50000xi32, #tpu.memory_space<hbm>> -> memref<96xi32, #tpu.memory_space<hbm>>
    tpu.enqueue_dma source(%dma_start3A_206 : memref<96xi32, #tpu.memory_space<hbm>>) target(%dma_start3A_205 : memref<96xi32, #tpu.memory_space<vmem>>) target_semaphore(%arg9 : memref<!tpu.dma_semaphore, #tpu.memory_space<semaphore_mem>>)
    %dma_start3A_207 = arith.constant 4 : i32
    %dma_start3A_208 = arith.constant 0 : i32
    %dma_start3A_209 = tpu.memref_slice %arg6[%dma_start3A_207, %dma_start3A_208] : memref<17x96xi32, #tpu.memory_space<vmem>> -> memref<1x96xi32, #tpu.memory_space<vmem>>
    %dma_start3A_210 = tpu.memref_squeeze %dma_start3A_209 : memref<1x96xi32, #tpu.memory_space<vmem>> -> memref<96xi32, #tpu.memory_space<vmem>>
    %dma_start3A_211 = tpu.memref_slice %arg4[%multiple_of3A_50] : memref<50000xi32, #tpu.memory_space<hbm>> -> memref<96xi32, #tpu.memory_space<hbm>>
    %dma_start3A_212 = arith.constant 0 : i32
    %dma_start3A_213 = tpu.memref_slice %arg6[%dma_start3A_207, %dma_start3A_212] : memref<17x96xi32, #tpu.memory_space<vmem>> -> memref<1x96xi32, #tpu.memory_space<vmem>>
    %dma_start3A_214 = tpu.memref_squeeze %dma_start3A_213 : memref<1x96xi32, #tpu.memory_space<vmem>> -> memref<96xi32, #tpu.memory_space<vmem>>
    %dma_start3A_215 = tpu.memref_slice %arg4[%multiple_of3A_50] : memref<50000xi32, #tpu.memory_space<hbm>> -> memref<96xi32, #tpu.memory_space<hbm>>
    tpu.enqueue_dma source(%dma_start3A_215 : memref<96xi32, #tpu.memory_space<hbm>>) target(%dma_start3A_214 : memref<96xi32, #tpu.memory_space<vmem>>) target_semaphore(%arg9 : memref<!tpu.dma_semaphore, #tpu.memory_space<semaphore_mem>>)
    %dma_start3A_216 = arith.constant 5 : i32
    %dma_start3A_217 = arith.constant 0 : i32
    %dma_start3A_218 = tpu.memref_slice %arg6[%dma_start3A_216, %dma_start3A_217] : memref<17x96xi32, #tpu.memory_space<vmem>> -> memref<1x96xi32, #tpu.memory_space<vmem>>
    %dma_start3A_219 = tpu.memref_squeeze %dma_start3A_218 : memref<1x96xi32, #tpu.memory_space<vmem>> -> memref<96xi32, #tpu.memory_space<vmem>>
    %dma_start3A_220 = tpu.memref_slice %arg4[%multiple_of3A_61] : memref<50000xi32, #tpu.memory_space<hbm>> -> memref<96xi32, #tpu.memory_space<hbm>>
    %dma_start3A_221 = arith.constant 0 : i32
    %dma_start3A_222 = tpu.memref_slice %arg6[%dma_start3A_216, %dma_start3A_221] : memref<17x96xi32, #tpu.memory_space<vmem>> -> memref<1x96xi32, #tpu.memory_space<vmem>>
    %dma_start3A_223 = tpu.memref_squeeze %dma_start3A_222 : memref<1x96xi32, #tpu.memory_space<vmem>> -> memref<96xi32, #tpu.memory_space<vmem>>
    %dma_start3A_224 = tpu.memref_slice %arg4[%multiple_of3A_61] : memref<50000xi32, #tpu.memory_space<hbm>> -> memref<96xi32, #tpu.memory_space<hbm>>
    tpu.enqueue_dma source(%dma_start3A_224 : memref<96xi32, #tpu.memory_space<hbm>>) target(%dma_start3A_223 : memref<96xi32, #tpu.memory_space<vmem>>) target_semaphore(%arg9 : memref<!tpu.dma_semaphore, #tpu.memory_space<semaphore_mem>>)
    %dma_start3A_225 = arith.constant 6 : i32
    %dma_start3A_226 = arith.constant 0 : i32
    %dma_start3A_227 = tpu.memref_slice %arg6[%dma_start3A_225, %dma_start3A_226] : memref<17x96xi32, #tpu.memory_space<vmem>> -> memref<1x96xi32, #tpu.memory_space<vmem>>
    %dma_start3A_228 = tpu.memref_squeeze %dma_start3A_227 : memref<1x96xi32, #tpu.memory_space<vmem>> -> memref<96xi32, #tpu.memory_space<vmem>>
    %dma_start3A_229 = tpu.memref_slice %arg4[%multiple_of3A_72] : memref<50000xi32, #tpu.memory_space<hbm>> -> memref<96xi32, #tpu.memory_space<hbm>>
    %dma_start3A_230 = arith.constant 0 : i32
    %dma_start3A_231 = tpu.memref_slice %arg6[%dma_start3A_225, %dma_start3A_230] : memref<17x96xi32, #tpu.memory_space<vmem>> -> memref<1x96xi32, #tpu.memory_space<vmem>>
    %dma_start3A_232 = tpu.memref_squeeze %dma_start3A_231 : memref<1x96xi32, #tpu.memory_space<vmem>> -> memref<96xi32, #tpu.memory_space<vmem>>
    %dma_start3A_233 = tpu.memref_slice %arg4[%multiple_of3A_72] : memref<50000xi32, #tpu.memory_space<hbm>> -> memref<96xi32, #tpu.memory_space<hbm>>
    tpu.enqueue_dma source(%dma_start3A_233 : memref<96xi32, #tpu.memory_space<hbm>>) target(%dma_start3A_232 : memref<96xi32, #tpu.memory_space<vmem>>) target_semaphore(%arg9 : memref<!tpu.dma_semaphore, #tpu.memory_space<semaphore_mem>>)
    %dma_start3A_234 = arith.constant 7 : i32
    %dma_start3A_235 = arith.constant 0 : i32
    %dma_start3A_236 = tpu.memref_slice %arg6[%dma_start3A_234, %dma_start3A_235] : memref<17x96xi32, #tpu.memory_space<vmem>> -> memref<1x96xi32, #tpu.memory_space<vmem>>
    %dma_start3A_237 = tpu.memref_squeeze %dma_start3A_236 : memref<1x96xi32, #tpu.memory_space<vmem>> -> memref<96xi32, #tpu.memory_space<vmem>>
    %dma_start3A_238 = tpu.memref_slice %arg4[%multiple_of3A_83] : memref<50000xi32, #tpu.memory_space<hbm>> -> memref<96xi32, #tpu.memory_space<hbm>>
    %dma_start3A_239 = arith.constant 0 : i32
    %dma_start3A_240 = tpu.memref_slice %arg6[%dma_start3A_234, %dma_start3A_239] : memref<17x96xi32, #tpu.memory_space<vmem>> -> memref<1x96xi32, #tpu.memory_space<vmem>>
    %dma_start3A_241 = tpu.memref_squeeze %dma_start3A_240 : memref<1x96xi32, #tpu.memory_space<vmem>> -> memref<96xi32, #tpu.memory_space<vmem>>
    %dma_start3A_242 = tpu.memref_slice %arg4[%multiple_of3A_83] : memref<50000xi32, #tpu.memory_space<hbm>> -> memref<96xi32, #tpu.memory_space<hbm>>
    tpu.enqueue_dma source(%dma_start3A_242 : memref<96xi32, #tpu.memory_space<hbm>>) target(%dma_start3A_241 : memref<96xi32, #tpu.memory_space<vmem>>) target_semaphore(%arg9 : memref<!tpu.dma_semaphore, #tpu.memory_space<semaphore_mem>>)
    %dma_start3A_243 = arith.constant 8 : i32
    %dma_start3A_244 = arith.constant 0 : i32
    %dma_start3A_245 = tpu.memref_slice %arg6[%dma_start3A_243, %dma_start3A_244] : memref<17x96xi32, #tpu.memory_space<vmem>> -> memref<1x96xi32, #tpu.memory_space<vmem>>
    %dma_start3A_246 = tpu.memref_squeeze %dma_start3A_245 : memref<1x96xi32, #tpu.memory_space<vmem>> -> memref<96xi32, #tpu.memory_space<vmem>>
    %dma_start3A_247 = tpu.memref_slice %arg4[%multiple_of3A_94] : memref<50000xi32, #tpu.memory_space<hbm>> -> memref<96xi32, #tpu.memory_space<hbm>>
    %dma_start3A_248 = arith.constant 0 : i32
    %dma_start3A_249 = tpu.memref_slice %arg6[%dma_start3A_243, %dma_start3A_248] : memref<17x96xi32, #tpu.memory_space<vmem>> -> memref<1x96xi32, #tpu.memory_space<vmem>>
    %dma_start3A_250 = tpu.memref_squeeze %dma_start3A_249 : memref<1x96xi32, #tpu.memory_space<vmem>> -> memref<96xi32, #tpu.memory_space<vmem>>
    %dma_start3A_251 = tpu.memref_slice %arg4[%multiple_of3A_94] : memref<50000xi32, #tpu.memory_space<hbm>> -> memref<96xi32, #tpu.memory_space<hbm>>
    tpu.enqueue_dma source(%dma_start3A_251 : memref<96xi32, #tpu.memory_space<hbm>>) target(%dma_start3A_250 : memref<96xi32, #tpu.memory_space<vmem>>) target_semaphore(%arg9 : memref<!tpu.dma_semaphore, #tpu.memory_space<semaphore_mem>>)
    %dma_start3A_252 = arith.constant 9 : i32
    %dma_start3A_253 = arith.constant 0 : i32
    %dma_start3A_254 = tpu.memref_slice %arg6[%dma_start3A_252, %dma_start3A_253] : memref<17x96xi32, #tpu.memory_space<vmem>> -> memref<1x96xi32, #tpu.memory_space<vmem>>
    %dma_start3A_255 = tpu.memref_squeeze %dma_start3A_254 : memref<1x96xi32, #tpu.memory_space<vmem>> -> memref<96xi32, #tpu.memory_space<vmem>>
    %dma_start3A_256 = tpu.memref_slice %arg4[%multiple_of3A_105] : memref<50000xi32, #tpu.memory_space<hbm>> -> memref<96xi32, #tpu.memory_space<hbm>>
    %dma_start3A_257 = arith.constant 0 : i32
    %dma_start3A_258 = tpu.memref_slice %arg6[%dma_start3A_252, %dma_start3A_257] : memref<17x96xi32, #tpu.memory_space<vmem>> -> memref<1x96xi32, #tpu.memory_space<vmem>>
    %dma_start3A_259 = tpu.memref_squeeze %dma_start3A_258 : memref<1x96xi32, #tpu.memory_space<vmem>> -> memref<96xi32, #tpu.memory_space<vmem>>
    %dma_start3A_260 = tpu.memref_slice %arg4[%multiple_of3A_105] : memref<50000xi32, #tpu.memory_space<hbm>> -> memref<96xi32, #tpu.memory_space<hbm>>
    tpu.enqueue_dma source(%dma_start3A_260 : memref<96xi32, #tpu.memory_space<hbm>>) target(%dma_start3A_259 : memref<96xi32, #tpu.memory_space<vmem>>) target_semaphore(%arg9 : memref<!tpu.dma_semaphore, #tpu.memory_space<semaphore_mem>>)
    %dma_start3A_261 = arith.constant 10 : i32
    %dma_start3A_262 = arith.constant 0 : i32
    %dma_start3A_263 = tpu.memref_slice %arg6[%dma_start3A_261, %dma_start3A_262] : memref<17x96xi32, #tpu.memory_space<vmem>> -> memref<1x96xi32, #tpu.memory_space<vmem>>
    %dma_start3A_264 = tpu.memref_squeeze %dma_start3A_263 : memref<1x96xi32, #tpu.memory_space<vmem>> -> memref<96xi32, #tpu.memory_space<vmem>>
    %dma_start3A_265 = tpu.memref_slice %arg4[%multiple_of3A_116] : memref<50000xi32, #tpu.memory_space<hbm>> -> memref<96xi32, #tpu.memory_space<hbm>>
    %dma_start3A_266 = arith.constant 0 : i32
    %dma_start3A_267 = tpu.memref_slice %arg6[%dma_start3A_261, %dma_start3A_266] : memref<17x96xi32, #tpu.memory_space<vmem>> -> memref<1x96xi32, #tpu.memory_space<vmem>>
    %dma_start3A_268 = tpu.memref_squeeze %dma_start3A_267 : memref<1x96xi32, #tpu.memory_space<vmem>> -> memref<96xi32, #tpu.memory_space<vmem>>
    %dma_start3A_269 = tpu.memref_slice %arg4[%multiple_of3A_116] : memref<50000xi32, #tpu.memory_space<hbm>> -> memref<96xi32, #tpu.memory_space<hbm>>
    tpu.enqueue_dma source(%dma_start3A_269 : memref<96xi32, #tpu.memory_space<hbm>>) target(%dma_start3A_268 : memref<96xi32, #tpu.memory_space<vmem>>) target_semaphore(%arg9 : memref<!tpu.dma_semaphore, #tpu.memory_space<semaphore_mem>>)
    %dma_start3A_270 = arith.constant 11 : i32
    %dma_start3A_271 = arith.constant 0 : i32
    %dma_start3A_272 = tpu.memref_slice %arg6[%dma_start3A_270, %dma_start3A_271] : memref<17x96xi32, #tpu.memory_space<vmem>> -> memref<1x96xi32, #tpu.memory_space<vmem>>
    %dma_start3A_273 = tpu.memref_squeeze %dma_start3A_272 : memref<1x96xi32, #tpu.memory_space<vmem>> -> memref<96xi32, #tpu.memory_space<vmem>>
    %dma_start3A_274 = tpu.memref_slice %arg4[%multiple_of3A_127] : memref<50000xi32, #tpu.memory_space<hbm>> -> memref<96xi32, #tpu.memory_space<hbm>>
    %dma_start3A_275 = arith.constant 0 : i32
    %dma_start3A_276 = tpu.memref_slice %arg6[%dma_start3A_270, %dma_start3A_275] : memref<17x96xi32, #tpu.memory_space<vmem>> -> memref<1x96xi32, #tpu.memory_space<vmem>>
    %dma_start3A_277 = tpu.memref_squeeze %dma_start3A_276 : memref<1x96xi32, #tpu.memory_space<vmem>> -> memref<96xi32, #tpu.memory_space<vmem>>
    %dma_start3A_278 = tpu.memref_slice %arg4[%multiple_of3A_127] : memref<50000xi32, #tpu.memory_space<hbm>> -> memref<96xi32, #tpu.memory_space<hbm>>
    tpu.enqueue_dma source(%dma_start3A_278 : memref<96xi32, #tpu.memory_space<hbm>>) target(%dma_start3A_277 : memref<96xi32, #tpu.memory_space<vmem>>) target_semaphore(%arg9 : memref<!tpu.dma_semaphore, #tpu.memory_space<semaphore_mem>>)
    %dma_start3A_279 = arith.constant 12 : i32
    %dma_start3A_280 = arith.constant 0 : i32
    %dma_start3A_281 = tpu.memref_slice %arg6[%dma_start3A_279, %dma_start3A_280] : memref<17x96xi32, #tpu.memory_space<vmem>> -> memref<1x96xi32, #tpu.memory_space<vmem>>
    %dma_start3A_282 = tpu.memref_squeeze %dma_start3A_281 : memref<1x96xi32, #tpu.memory_space<vmem>> -> memref<96xi32, #tpu.memory_space<vmem>>
    %dma_start3A_283 = tpu.memref_slice %arg4[%multiple_of3A_138] : memref<50000xi32, #tpu.memory_space<hbm>> -> memref<96xi32, #tpu.memory_space<hbm>>
    %dma_start3A_284 = arith.constant 0 : i32
    %dma_start3A_285 = tpu.memref_slice %arg6[%dma_start3A_279, %dma_start3A_284] : memref<17x96xi32, #tpu.memory_space<vmem>> -> memref<1x96xi32, #tpu.memory_space<vmem>>
    %dma_start3A_286 = tpu.memref_squeeze %dma_start3A_285 : memref<1x96xi32, #tpu.memory_space<vmem>> -> memref<96xi32, #tpu.memory_space<vmem>>
    %dma_start3A_287 = tpu.memref_slice %arg4[%multiple_of3A_138] : memref<50000xi32, #tpu.memory_space<hbm>> -> memref<96xi32, #tpu.memory_space<hbm>>
    tpu.enqueue_dma source(%dma_start3A_287 : memref<96xi32, #tpu.memory_space<hbm>>) target(%dma_start3A_286 : memref<96xi32, #tpu.memory_space<vmem>>) target_semaphore(%arg9 : memref<!tpu.dma_semaphore, #tpu.memory_space<semaphore_mem>>)
    %dma_start3A_288 = arith.constant 13 : i32
    %dma_start3A_289 = arith.constant 0 : i32
    %dma_start3A_290 = tpu.memref_slice %arg6[%dma_start3A_288, %dma_start3A_289] : memref<17x96xi32, #tpu.memory_space<vmem>> -> memref<1x96xi32, #tpu.memory_space<vmem>>
    %dma_start3A_291 = tpu.memref_squeeze %dma_start3A_290 : memref<1x96xi32, #tpu.memory_space<vmem>> -> memref<96xi32, #tpu.memory_space<vmem>>
    %dma_start3A_292 = tpu.memref_slice %arg4[%multiple_of3A_149] : memref<50000xi32, #tpu.memory_space<hbm>> -> memref<96xi32, #tpu.memory_space<hbm>>
    %dma_start3A_293 = arith.constant 0 : i32
    %dma_start3A_294 = tpu.memref_slice %arg6[%dma_start3A_288, %dma_start3A_293] : memref<17x96xi32, #tpu.memory_space<vmem>> -> memref<1x96xi32, #tpu.memory_space<vmem>>
    %dma_start3A_295 = tpu.memref_squeeze %dma_start3A_294 : memref<1x96xi32, #tpu.memory_space<vmem>> -> memref<96xi32, #tpu.memory_space<vmem>>
    %dma_start3A_296 = tpu.memref_slice %arg4[%multiple_of3A_149] : memref<50000xi32, #tpu.memory_space<hbm>> -> memref<96xi32, #tpu.memory_space<hbm>>
    tpu.enqueue_dma source(%dma_start3A_296 : memref<96xi32, #tpu.memory_space<hbm>>) target(%dma_start3A_295 : memref<96xi32, #tpu.memory_space<vmem>>) target_semaphore(%arg9 : memref<!tpu.dma_semaphore, #tpu.memory_space<semaphore_mem>>)
    %dma_start3A_297 = arith.constant 14 : i32
    %dma_start3A_298 = arith.constant 0 : i32
    %dma_start3A_299 = tpu.memref_slice %arg6[%dma_start3A_297, %dma_start3A_298] : memref<17x96xi32, #tpu.memory_space<vmem>> -> memref<1x96xi32, #tpu.memory_space<vmem>>
    %dma_start3A_300 = tpu.memref_squeeze %dma_start3A_299 : memref<1x96xi32, #tpu.memory_space<vmem>> -> memref<96xi32, #tpu.memory_space<vmem>>
    %dma_start3A_301 = tpu.memref_slice %arg4[%multiple_of3A_160] : memref<50000xi32, #tpu.memory_space<hbm>> -> memref<96xi32, #tpu.memory_space<hbm>>
    %dma_start3A_302 = arith.constant 0 : i32
    %dma_start3A_303 = tpu.memref_slice %arg6[%dma_start3A_297, %dma_start3A_302] : memref<17x96xi32, #tpu.memory_space<vmem>> -> memref<1x96xi32, #tpu.memory_space<vmem>>
    %dma_start3A_304 = tpu.memref_squeeze %dma_start3A_303 : memref<1x96xi32, #tpu.memory_space<vmem>> -> memref<96xi32, #tpu.memory_space<vmem>>
    %dma_start3A_305 = tpu.memref_slice %arg4[%multiple_of3A_160] : memref<50000xi32, #tpu.memory_space<hbm>> -> memref<96xi32, #tpu.memory_space<hbm>>
    tpu.enqueue_dma source(%dma_start3A_305 : memref<96xi32, #tpu.memory_space<hbm>>) target(%dma_start3A_304 : memref<96xi32, #tpu.memory_space<vmem>>) target_semaphore(%arg9 : memref<!tpu.dma_semaphore, #tpu.memory_space<semaphore_mem>>)
    %dma_start3A_306 = arith.constant 15 : i32
    %dma_start3A_307 = arith.constant 0 : i32
    %dma_start3A_308 = tpu.memref_slice %arg6[%dma_start3A_306, %dma_start3A_307] : memref<17x96xi32, #tpu.memory_space<vmem>> -> memref<1x96xi32, #tpu.memory_space<vmem>>
    %dma_start3A_309 = tpu.memref_squeeze %dma_start3A_308 : memref<1x96xi32, #tpu.memory_space<vmem>> -> memref<96xi32, #tpu.memory_space<vmem>>
    %dma_start3A_310 = tpu.memref_slice %arg4[%multiple_of3A_171] : memref<50000xi32, #tpu.memory_space<hbm>> -> memref<96xi32, #tpu.memory_space<hbm>>
    %dma_start3A_311 = arith.constant 0 : i32
    %dma_start3A_312 = tpu.memref_slice %arg6[%dma_start3A_306, %dma_start3A_311] : memref<17x96xi32, #tpu.memory_space<vmem>> -> memref<1x96xi32, #tpu.memory_space<vmem>>
    %dma_start3A_313 = tpu.memref_squeeze %dma_start3A_312 : memref<1x96xi32, #tpu.memory_space<vmem>> -> memref<96xi32, #tpu.memory_space<vmem>>
    %dma_start3A_314 = tpu.memref_slice %arg4[%multiple_of3A_171] : memref<50000xi32, #tpu.memory_space<hbm>> -> memref<96xi32, #tpu.memory_space<hbm>>
    tpu.enqueue_dma source(%dma_start3A_314 : memref<96xi32, #tpu.memory_space<hbm>>) target(%dma_start3A_313 : memref<96xi32, #tpu.memory_space<vmem>>) target_semaphore(%arg9 : memref<!tpu.dma_semaphore, #tpu.memory_space<semaphore_mem>>)
    %dma_wait3A = arith.constant 0 : i32
    %dma_wait3A_315 = arith.constant 0 : i32
    %dma_wait3A_316 = tpu.memref_slice %arg6[%dma_wait3A, %dma_wait3A_315] : memref<17x96xi32, #tpu.memory_space<vmem>> -> memref<1x96xi32, #tpu.memory_space<vmem>>
    %dma_wait3A_317 = tpu.memref_squeeze %dma_wait3A_316 : memref<1x96xi32, #tpu.memory_space<vmem>> -> memref<96xi32, #tpu.memory_space<vmem>>
    %dma_wait3A_318 = tpu.memref_slice %arg4[%multiple_of3A] : memref<50000xi32, #tpu.memory_space<hbm>> -> memref<96xi32, #tpu.memory_space<hbm>>
    %dma_wait3A_319 = arith.constant 0 : i32
    %dma_wait3A_320 = tpu.memref_slice %arg6[%dma_wait3A, %dma_wait3A_319] : memref<17x96xi32, #tpu.memory_space<vmem>> -> memref<1x96xi32, #tpu.memory_space<vmem>>
    %dma_wait3A_321 = tpu.memref_squeeze %dma_wait3A_320 : memref<1x96xi32, #tpu.memory_space<vmem>> -> memref<96xi32, #tpu.memory_space<vmem>>
    %dma_wait3A_322 = tpu.memref_slice %arg4[%multiple_of3A] : memref<50000xi32, #tpu.memory_space<hbm>> -> memref<96xi32, #tpu.memory_space<hbm>>
    tpu.wait_dma2 semaphore(%arg9 : memref<!tpu.dma_semaphore, #tpu.memory_space<semaphore_mem>>) src(%dma_wait3A_322 : memref<96xi32, #tpu.memory_space<hbm>>) dst(%dma_wait3A_321 : memref<96xi32, #tpu.memory_space<vmem>>)
    %dma_wait3A_323 = arith.constant 1 : i32
    %dma_wait3A_324 = arith.constant 0 : i32
    %dma_wait3A_325 = tpu.memref_slice %arg6[%dma_wait3A_323, %dma_wait3A_324] : memref<17x96xi32, #tpu.memory_space<vmem>> -> memref<1x96xi32, #tpu.memory_space<vmem>>
    %dma_wait3A_326 = tpu.memref_squeeze %dma_wait3A_325 : memref<1x96xi32, #tpu.memory_space<vmem>> -> memref<96xi32, #tpu.memory_space<vmem>>
    %dma_wait3A_327 = tpu.memref_slice %arg4[%multiple_of3A_17] : memref<50000xi32, #tpu.memory_space<hbm>> -> memref<96xi32, #tpu.memory_space<hbm>>
    %dma_wait3A_328 = arith.constant 0 : i32
    %dma_wait3A_329 = tpu.memref_slice %arg6[%dma_wait3A_323, %dma_wait3A_328] : memref<17x96xi32, #tpu.memory_space<vmem>> -> memref<1x96xi32, #tpu.memory_space<vmem>>
    %dma_wait3A_330 = tpu.memref_squeeze %dma_wait3A_329 : memref<1x96xi32, #tpu.memory_space<vmem>> -> memref<96xi32, #tpu.memory_space<vmem>>
    %dma_wait3A_331 = tpu.memref_slice %arg4[%multiple_of3A_17] : memref<50000xi32, #tpu.memory_space<hbm>> -> memref<96xi32, #tpu.memory_space<hbm>>
    tpu.wait_dma2 semaphore(%arg9 : memref<!tpu.dma_semaphore, #tpu.memory_space<semaphore_mem>>) src(%dma_wait3A_331 : memref<96xi32, #tpu.memory_space<hbm>>) dst(%dma_wait3A_330 : memref<96xi32, #tpu.memory_space<vmem>>)
    %dma_wait3A_332 = arith.constant 2 : i32
    %dma_wait3A_333 = arith.constant 0 : i32
    %dma_wait3A_334 = tpu.memref_slice %arg6[%dma_wait3A_332, %dma_wait3A_333] : memref<17x96xi32, #tpu.memory_space<vmem>> -> memref<1x96xi32, #tpu.memory_space<vmem>>
    %dma_wait3A_335 = tpu.memref_squeeze %dma_wait3A_334 : memref<1x96xi32, #tpu.memory_space<vmem>> -> memref<96xi32, #tpu.memory_space<vmem>>
    %dma_wait3A_336 = tpu.memref_slice %arg4[%multiple_of3A_28] : memref<50000xi32, #tpu.memory_space<hbm>> -> memref<96xi32, #tpu.memory_space<hbm>>
    %dma_wait3A_337 = arith.constant 0 : i32
    %dma_wait3A_338 = tpu.memref_slice %arg6[%dma_wait3A_332, %dma_wait3A_337] : memref<17x96xi32, #tpu.memory_space<vmem>> -> memref<1x96xi32, #tpu.memory_space<vmem>>
    %dma_wait3A_339 = tpu.memref_squeeze %dma_wait3A_338 : memref<1x96xi32, #tpu.memory_space<vmem>> -> memref<96xi32, #tpu.memory_space<vmem>>
    %dma_wait3A_340 = tpu.memref_slice %arg4[%multiple_of3A_28] : memref<50000xi32, #tpu.memory_space<hbm>> -> memref<96xi32, #tpu.memory_space<hbm>>
    tpu.wait_dma2 semaphore(%arg9 : memref<!tpu.dma_semaphore, #tpu.memory_space<semaphore_mem>>) src(%dma_wait3A_340 : memref<96xi32, #tpu.memory_space<hbm>>) dst(%dma_wait3A_339 : memref<96xi32, #tpu.memory_space<vmem>>)
    %dma_wait3A_341 = arith.constant 3 : i32
    %dma_wait3A_342 = arith.constant 0 : i32
    %dma_wait3A_343 = tpu.memref_slice %arg6[%dma_wait3A_341, %dma_wait3A_342] : memref<17x96xi32, #tpu.memory_space<vmem>> -> memref<1x96xi32, #tpu.memory_space<vmem>>
    %dma_wait3A_344 = tpu.memref_squeeze %dma_wait3A_343 : memref<1x96xi32, #tpu.memory_space<vmem>> -> memref<96xi32, #tpu.memory_space<vmem>>
    %dma_wait3A_345 = tpu.memref_slice %arg4[%multiple_of3A_39] : memref<50000xi32, #tpu.memory_space<hbm>> -> memref<96xi32, #tpu.memory_space<hbm>>
    %dma_wait3A_346 = arith.constant 0 : i32
    %dma_wait3A_347 = tpu.memref_slice %arg6[%dma_wait3A_341, %dma_wait3A_346] : memref<17x96xi32, #tpu.memory_space<vmem>> -> memref<1x96xi32, #tpu.memory_space<vmem>>
    %dma_wait3A_348 = tpu.memref_squeeze %dma_wait3A_347 : memref<1x96xi32, #tpu.memory_space<vmem>> -> memref<96xi32, #tpu.memory_space<vmem>>
    %dma_wait3A_349 = tpu.memref_slice %arg4[%multiple_of3A_39] : memref<50000xi32, #tpu.memory_space<hbm>> -> memref<96xi32, #tpu.memory_space<hbm>>
    tpu.wait_dma2 semaphore(%arg9 : memref<!tpu.dma_semaphore, #tpu.memory_space<semaphore_mem>>) src(%dma_wait3A_349 : memref<96xi32, #tpu.memory_space<hbm>>) dst(%dma_wait3A_348 : memref<96xi32, #tpu.memory_space<vmem>>)
    %dma_wait3A_350 = arith.constant 4 : i32
    %dma_wait3A_351 = arith.constant 0 : i32
    %dma_wait3A_352 = tpu.memref_slice %arg6[%dma_wait3A_350, %dma_wait3A_351] : memref<17x96xi32, #tpu.memory_space<vmem>> -> memref<1x96xi32, #tpu.memory_space<vmem>>
    %dma_wait3A_353 = tpu.memref_squeeze %dma_wait3A_352 : memref<1x96xi32, #tpu.memory_space<vmem>> -> memref<96xi32, #tpu.memory_space<vmem>>
    %dma_wait3A_354 = tpu.memref_slice %arg4[%multiple_of3A_50] : memref<50000xi32, #tpu.memory_space<hbm>> -> memref<96xi32, #tpu.memory_space<hbm>>
    %dma_wait3A_355 = arith.constant 0 : i32
    %dma_wait3A_356 = tpu.memref_slice %arg6[%dma_wait3A_350, %dma_wait3A_355] : memref<17x96xi32, #tpu.memory_space<vmem>> -> memref<1x96xi32, #tpu.memory_space<vmem>>
    %dma_wait3A_357 = tpu.memref_squeeze %dma_wait3A_356 : memref<1x96xi32, #tpu.memory_space<vmem>> -> memref<96xi32, #tpu.memory_space<vmem>>
    %dma_wait3A_358 = tpu.memref_slice %arg4[%multiple_of3A_50] : memref<50000xi32, #tpu.memory_space<hbm>> -> memref<96xi32, #tpu.memory_space<hbm>>
    tpu.wait_dma2 semaphore(%arg9 : memref<!tpu.dma_semaphore, #tpu.memory_space<semaphore_mem>>) src(%dma_wait3A_358 : memref<96xi32, #tpu.memory_space<hbm>>) dst(%dma_wait3A_357 : memref<96xi32, #tpu.memory_space<vmem>>)
    %dma_wait3A_359 = arith.constant 5 : i32
    %dma_wait3A_360 = arith.constant 0 : i32
    %dma_wait3A_361 = tpu.memref_slice %arg6[%dma_wait3A_359, %dma_wait3A_360] : memref<17x96xi32, #tpu.memory_space<vmem>> -> memref<1x96xi32, #tpu.memory_space<vmem>>
    %dma_wait3A_362 = tpu.memref_squeeze %dma_wait3A_361 : memref<1x96xi32, #tpu.memory_space<vmem>> -> memref<96xi32, #tpu.memory_space<vmem>>
    %dma_wait3A_363 = tpu.memref_slice %arg4[%multiple_of3A_61] : memref<50000xi32, #tpu.memory_space<hbm>> -> memref<96xi32, #tpu.memory_space<hbm>>
    %dma_wait3A_364 = arith.constant 0 : i32
    %dma_wait3A_365 = tpu.memref_slice %arg6[%dma_wait3A_359, %dma_wait3A_364] : memref<17x96xi32, #tpu.memory_space<vmem>> -> memref<1x96xi32, #tpu.memory_space<vmem>>
    %dma_wait3A_366 = tpu.memref_squeeze %dma_wait3A_365 : memref<1x96xi32, #tpu.memory_space<vmem>> -> memref<96xi32, #tpu.memory_space<vmem>>
    %dma_wait3A_367 = tpu.memref_slice %arg4[%multiple_of3A_61] : memref<50000xi32, #tpu.memory_space<hbm>> -> memref<96xi32, #tpu.memory_space<hbm>>
    tpu.wait_dma2 semaphore(%arg9 : memref<!tpu.dma_semaphore, #tpu.memory_space<semaphore_mem>>) src(%dma_wait3A_367 : memref<96xi32, #tpu.memory_space<hbm>>) dst(%dma_wait3A_366 : memref<96xi32, #tpu.memory_space<vmem>>)
    %dma_wait3A_368 = arith.constant 6 : i32
    %dma_wait3A_369 = arith.constant 0 : i32
    %dma_wait3A_370 = tpu.memref_slice %arg6[%dma_wait3A_368, %dma_wait3A_369] : memref<17x96xi32, #tpu.memory_space<vmem>> -> memref<1x96xi32, #tpu.memory_space<vmem>>
    %dma_wait3A_371 = tpu.memref_squeeze %dma_wait3A_370 : memref<1x96xi32, #tpu.memory_space<vmem>> -> memref<96xi32, #tpu.memory_space<vmem>>
    %dma_wait3A_372 = tpu.memref_slice %arg4[%multiple_of3A_72] : memref<50000xi32, #tpu.memory_space<hbm>> -> memref<96xi32, #tpu.memory_space<hbm>>
    %dma_wait3A_373 = arith.constant 0 : i32
    %dma_wait3A_374 = tpu.memref_slice %arg6[%dma_wait3A_368, %dma_wait3A_373] : memref<17x96xi32, #tpu.memory_space<vmem>> -> memref<1x96xi32, #tpu.memory_space<vmem>>
    %dma_wait3A_375 = tpu.memref_squeeze %dma_wait3A_374 : memref<1x96xi32, #tpu.memory_space<vmem>> -> memref<96xi32, #tpu.memory_space<vmem>>
    %dma_wait3A_376 = tpu.memref_slice %arg4[%multiple_of3A_72] : memref<50000xi32, #tpu.memory_space<hbm>> -> memref<96xi32, #tpu.memory_space<hbm>>
    tpu.wait_dma2 semaphore(%arg9 : memref<!tpu.dma_semaphore, #tpu.memory_space<semaphore_mem>>) src(%dma_wait3A_376 : memref<96xi32, #tpu.memory_space<hbm>>) dst(%dma_wait3A_375 : memref<96xi32, #tpu.memory_space<vmem>>)
    %dma_wait3A_377 = arith.constant 7 : i32
    %dma_wait3A_378 = arith.constant 0 : i32
    %dma_wait3A_379 = tpu.memref_slice %arg6[%dma_wait3A_377, %dma_wait3A_378] : memref<17x96xi32, #tpu.memory_space<vmem>> -> memref<1x96xi32, #tpu.memory_space<vmem>>
    %dma_wait3A_380 = tpu.memref_squeeze %dma_wait3A_379 : memref<1x96xi32, #tpu.memory_space<vmem>> -> memref<96xi32, #tpu.memory_space<vmem>>
    %dma_wait3A_381 = tpu.memref_slice %arg4[%multiple_of3A_83] : memref<50000xi32, #tpu.memory_space<hbm>> -> memref<96xi32, #tpu.memory_space<hbm>>
    %dma_wait3A_382 = arith.constant 0 : i32
    %dma_wait3A_383 = tpu.memref_slice %arg6[%dma_wait3A_377, %dma_wait3A_382] : memref<17x96xi32, #tpu.memory_space<vmem>> -> memref<1x96xi32, #tpu.memory_space<vmem>>
    %dma_wait3A_384 = tpu.memref_squeeze %dma_wait3A_383 : memref<1x96xi32, #tpu.memory_space<vmem>> -> memref<96xi32, #tpu.memory_space<vmem>>
    %dma_wait3A_385 = tpu.memref_slice %arg4[%multiple_of3A_83] : memref<50000xi32, #tpu.memory_space<hbm>> -> memref<96xi32, #tpu.memory_space<hbm>>
    tpu.wait_dma2 semaphore(%arg9 : memref<!tpu.dma_semaphore, #tpu.memory_space<semaphore_mem>>) src(%dma_wait3A_385 : memref<96xi32, #tpu.memory_space<hbm>>) dst(%dma_wait3A_384 : memref<96xi32, #tpu.memory_space<vmem>>)
    %dma_wait3A_386 = arith.constant 8 : i32
    %dma_wait3A_387 = arith.constant 0 : i32
    %dma_wait3A_388 = tpu.memref_slice %arg6[%dma_wait3A_386, %dma_wait3A_387] : memref<17x96xi32, #tpu.memory_space<vmem>> -> memref<1x96xi32, #tpu.memory_space<vmem>>
    %dma_wait3A_389 = tpu.memref_squeeze %dma_wait3A_388 : memref<1x96xi32, #tpu.memory_space<vmem>> -> memref<96xi32, #tpu.memory_space<vmem>>
    %dma_wait3A_390 = tpu.memref_slice %arg4[%multiple_of3A_94] : memref<50000xi32, #tpu.memory_space<hbm>> -> memref<96xi32, #tpu.memory_space<hbm>>
    %dma_wait3A_391 = arith.constant 0 : i32
    %dma_wait3A_392 = tpu.memref_slice %arg6[%dma_wait3A_386, %dma_wait3A_391] : memref<17x96xi32, #tpu.memory_space<vmem>> -> memref<1x96xi32, #tpu.memory_space<vmem>>
    %dma_wait3A_393 = tpu.memref_squeeze %dma_wait3A_392 : memref<1x96xi32, #tpu.memory_space<vmem>> -> memref<96xi32, #tpu.memory_space<vmem>>
    %dma_wait3A_394 = tpu.memref_slice %arg4[%multiple_of3A_94] : memref<50000xi32, #tpu.memory_space<hbm>> -> memref<96xi32, #tpu.memory_space<hbm>>
    tpu.wait_dma2 semaphore(%arg9 : memref<!tpu.dma_semaphore, #tpu.memory_space<semaphore_mem>>) src(%dma_wait3A_394 : memref<96xi32, #tpu.memory_space<hbm>>) dst(%dma_wait3A_393 : memref<96xi32, #tpu.memory_space<vmem>>)
    %dma_wait3A_395 = arith.constant 9 : i32
    %dma_wait3A_396 = arith.constant 0 : i32
    %dma_wait3A_397 = tpu.memref_slice %arg6[%dma_wait3A_395, %dma_wait3A_396] : memref<17x96xi32, #tpu.memory_space<vmem>> -> memref<1x96xi32, #tpu.memory_space<vmem>>
    %dma_wait3A_398 = tpu.memref_squeeze %dma_wait3A_397 : memref<1x96xi32, #tpu.memory_space<vmem>> -> memref<96xi32, #tpu.memory_space<vmem>>
    %dma_wait3A_399 = tpu.memref_slice %arg4[%multiple_of3A_105] : memref<50000xi32, #tpu.memory_space<hbm>> -> memref<96xi32, #tpu.memory_space<hbm>>
    %dma_wait3A_400 = arith.constant 0 : i32
    %dma_wait3A_401 = tpu.memref_slice %arg6[%dma_wait3A_395, %dma_wait3A_400] : memref<17x96xi32, #tpu.memory_space<vmem>> -> memref<1x96xi32, #tpu.memory_space<vmem>>
    %dma_wait3A_402 = tpu.memref_squeeze %dma_wait3A_401 : memref<1x96xi32, #tpu.memory_space<vmem>> -> memref<96xi32, #tpu.memory_space<vmem>>
    %dma_wait3A_403 = tpu.memref_slice %arg4[%multiple_of3A_105] : memref<50000xi32, #tpu.memory_space<hbm>> -> memref<96xi32, #tpu.memory_space<hbm>>
    tpu.wait_dma2 semaphore(%arg9 : memref<!tpu.dma_semaphore, #tpu.memory_space<semaphore_mem>>) src(%dma_wait3A_403 : memref<96xi32, #tpu.memory_space<hbm>>) dst(%dma_wait3A_402 : memref<96xi32, #tpu.memory_space<vmem>>)
    %dma_wait3A_404 = arith.constant 10 : i32
    %dma_wait3A_405 = arith.constant 0 : i32
    %dma_wait3A_406 = tpu.memref_slice %arg6[%dma_wait3A_404, %dma_wait3A_405] : memref<17x96xi32, #tpu.memory_space<vmem>> -> memref<1x96xi32, #tpu.memory_space<vmem>>
    %dma_wait3A_407 = tpu.memref_squeeze %dma_wait3A_406 : memref<1x96xi32, #tpu.memory_space<vmem>> -> memref<96xi32, #tpu.memory_space<vmem>>
    %dma_wait3A_408 = tpu.memref_slice %arg4[%multiple_of3A_116] : memref<50000xi32, #tpu.memory_space<hbm>> -> memref<96xi32, #tpu.memory_space<hbm>>
    %dma_wait3A_409 = arith.constant 0 : i32
    %dma_wait3A_410 = tpu.memref_slice %arg6[%dma_wait3A_404, %dma_wait3A_409] : memref<17x96xi32, #tpu.memory_space<vmem>> -> memref<1x96xi32, #tpu.memory_space<vmem>>
    %dma_wait3A_411 = tpu.memref_squeeze %dma_wait3A_410 : memref<1x96xi32, #tpu.memory_space<vmem>> -> memref<96xi32, #tpu.memory_space<vmem>>
    %dma_wait3A_412 = tpu.memref_slice %arg4[%multiple_of3A_116] : memref<50000xi32, #tpu.memory_space<hbm>> -> memref<96xi32, #tpu.memory_space<hbm>>
    tpu.wait_dma2 semaphore(%arg9 : memref<!tpu.dma_semaphore, #tpu.memory_space<semaphore_mem>>) src(%dma_wait3A_412 : memref<96xi32, #tpu.memory_space<hbm>>) dst(%dma_wait3A_411 : memref<96xi32, #tpu.memory_space<vmem>>)
    %dma_wait3A_413 = arith.constant 11 : i32
    %dma_wait3A_414 = arith.constant 0 : i32
    %dma_wait3A_415 = tpu.memref_slice %arg6[%dma_wait3A_413, %dma_wait3A_414] : memref<17x96xi32, #tpu.memory_space<vmem>> -> memref<1x96xi32, #tpu.memory_space<vmem>>
    %dma_wait3A_416 = tpu.memref_squeeze %dma_wait3A_415 : memref<1x96xi32, #tpu.memory_space<vmem>> -> memref<96xi32, #tpu.memory_space<vmem>>
    %dma_wait3A_417 = tpu.memref_slice %arg4[%multiple_of3A_127] : memref<50000xi32, #tpu.memory_space<hbm>> -> memref<96xi32, #tpu.memory_space<hbm>>
    %dma_wait3A_418 = arith.constant 0 : i32
    %dma_wait3A_419 = tpu.memref_slice %arg6[%dma_wait3A_413, %dma_wait3A_418] : memref<17x96xi32, #tpu.memory_space<vmem>> -> memref<1x96xi32, #tpu.memory_space<vmem>>
    %dma_wait3A_420 = tpu.memref_squeeze %dma_wait3A_419 : memref<1x96xi32, #tpu.memory_space<vmem>> -> memref<96xi32, #tpu.memory_space<vmem>>
    %dma_wait3A_421 = tpu.memref_slice %arg4[%multiple_of3A_127] : memref<50000xi32, #tpu.memory_space<hbm>> -> memref<96xi32, #tpu.memory_space<hbm>>
    tpu.wait_dma2 semaphore(%arg9 : memref<!tpu.dma_semaphore, #tpu.memory_space<semaphore_mem>>) src(%dma_wait3A_421 : memref<96xi32, #tpu.memory_space<hbm>>) dst(%dma_wait3A_420 : memref<96xi32, #tpu.memory_space<vmem>>)
    %dma_wait3A_422 = arith.constant 12 : i32
    %dma_wait3A_423 = arith.constant 0 : i32
    %dma_wait3A_424 = tpu.memref_slice %arg6[%dma_wait3A_422, %dma_wait3A_423] : memref<17x96xi32, #tpu.memory_space<vmem>> -> memref<1x96xi32, #tpu.memory_space<vmem>>
    %dma_wait3A_425 = tpu.memref_squeeze %dma_wait3A_424 : memref<1x96xi32, #tpu.memory_space<vmem>> -> memref<96xi32, #tpu.memory_space<vmem>>
    %dma_wait3A_426 = tpu.memref_slice %arg4[%multiple_of3A_138] : memref<50000xi32, #tpu.memory_space<hbm>> -> memref<96xi32, #tpu.memory_space<hbm>>
    %dma_wait3A_427 = arith.constant 0 : i32
    %dma_wait3A_428 = tpu.memref_slice %arg6[%dma_wait3A_422, %dma_wait3A_427] : memref<17x96xi32, #tpu.memory_space<vmem>> -> memref<1x96xi32, #tpu.memory_space<vmem>>
    %dma_wait3A_429 = tpu.memref_squeeze %dma_wait3A_428 : memref<1x96xi32, #tpu.memory_space<vmem>> -> memref<96xi32, #tpu.memory_space<vmem>>
    %dma_wait3A_430 = tpu.memref_slice %arg4[%multiple_of3A_138] : memref<50000xi32, #tpu.memory_space<hbm>> -> memref<96xi32, #tpu.memory_space<hbm>>
    tpu.wait_dma2 semaphore(%arg9 : memref<!tpu.dma_semaphore, #tpu.memory_space<semaphore_mem>>) src(%dma_wait3A_430 : memref<96xi32, #tpu.memory_space<hbm>>) dst(%dma_wait3A_429 : memref<96xi32, #tpu.memory_space<vmem>>)
    %dma_wait3A_431 = arith.constant 13 : i32
    %dma_wait3A_432 = arith.constant 0 : i32
    %dma_wait3A_433 = tpu.memref_slice %arg6[%dma_wait3A_431, %dma_wait3A_432] : memref<17x96xi32, #tpu.memory_space<vmem>> -> memref<1x96xi32, #tpu.memory_space<vmem>>
    %dma_wait3A_434 = tpu.memref_squeeze %dma_wait3A_433 : memref<1x96xi32, #tpu.memory_space<vmem>> -> memref<96xi32, #tpu.memory_space<vmem>>
    %dma_wait3A_435 = tpu.memref_slice %arg4[%multiple_of3A_149] : memref<50000xi32, #tpu.memory_space<hbm>> -> memref<96xi32, #tpu.memory_space<hbm>>
    %dma_wait3A_436 = arith.constant 0 : i32
    %dma_wait3A_437 = tpu.memref_slice %arg6[%dma_wait3A_431, %dma_wait3A_436] : memref<17x96xi32, #tpu.memory_space<vmem>> -> memref<1x96xi32, #tpu.memory_space<vmem>>
    %dma_wait3A_438 = tpu.memref_squeeze %dma_wait3A_437 : memref<1x96xi32, #tpu.memory_space<vmem>> -> memref<96xi32, #tpu.memory_space<vmem>>
    %dma_wait3A_439 = tpu.memref_slice %arg4[%multiple_of3A_149] : memref<50000xi32, #tpu.memory_space<hbm>> -> memref<96xi32, #tpu.memory_space<hbm>>
    tpu.wait_dma2 semaphore(%arg9 : memref<!tpu.dma_semaphore, #tpu.memory_space<semaphore_mem>>) src(%dma_wait3A_439 : memref<96xi32, #tpu.memory_space<hbm>>) dst(%dma_wait3A_438 : memref<96xi32, #tpu.memory_space<vmem>>)
    %dma_wait3A_440 = arith.constant 14 : i32
    %dma_wait3A_441 = arith.constant 0 : i32
    %dma_wait3A_442 = tpu.memref_slice %arg6[%dma_wait3A_440, %dma_wait3A_441] : memref<17x96xi32, #tpu.memory_space<vmem>> -> memref<1x96xi32, #tpu.memory_space<vmem>>
    %dma_wait3A_443 = tpu.memref_squeeze %dma_wait3A_442 : memref<1x96xi32, #tpu.memory_space<vmem>> -> memref<96xi32, #tpu.memory_space<vmem>>
    %dma_wait3A_444 = tpu.memref_slice %arg4[%multiple_of3A_160] : memref<50000xi32, #tpu.memory_space<hbm>> -> memref<96xi32, #tpu.memory_space<hbm>>
    %dma_wait3A_445 = arith.constant 0 : i32
    %dma_wait3A_446 = tpu.memref_slice %arg6[%dma_wait3A_440, %dma_wait3A_445] : memref<17x96xi32, #tpu.memory_space<vmem>> -> memref<1x96xi32, #tpu.memory_space<vmem>>
    %dma_wait3A_447 = tpu.memref_squeeze %dma_wait3A_446 : memref<1x96xi32, #tpu.memory_space<vmem>> -> memref<96xi32, #tpu.memory_space<vmem>>
    %dma_wait3A_448 = tpu.memref_slice %arg4[%multiple_of3A_160] : memref<50000xi32, #tpu.memory_space<hbm>> -> memref<96xi32, #tpu.memory_space<hbm>>
    tpu.wait_dma2 semaphore(%arg9 : memref<!tpu.dma_semaphore, #tpu.memory_space<semaphore_mem>>) src(%dma_wait3A_448 : memref<96xi32, #tpu.memory_space<hbm>>) dst(%dma_wait3A_447 : memref<96xi32, #tpu.memory_space<vmem>>)
    %dma_wait3A_449 = arith.constant 15 : i32
    %dma_wait3A_450 = arith.constant 0 : i32
    %dma_wait3A_451 = tpu.memref_slice %arg6[%dma_wait3A_449, %dma_wait3A_450] : memref<17x96xi32, #tpu.memory_space<vmem>> -> memref<1x96xi32, #tpu.memory_space<vmem>>
    %dma_wait3A_452 = tpu.memref_squeeze %dma_wait3A_451 : memref<1x96xi32, #tpu.memory_space<vmem>> -> memref<96xi32, #tpu.memory_space<vmem>>
    %dma_wait3A_453 = tpu.memref_slice %arg4[%multiple_of3A_171] : memref<50000xi32, #tpu.memory_space<hbm>> -> memref<96xi32, #tpu.memory_space<hbm>>
    %dma_wait3A_454 = arith.constant 0 : i32
    %dma_wait3A_455 = tpu.memref_slice %arg6[%dma_wait3A_449, %dma_wait3A_454] : memref<17x96xi32, #tpu.memory_space<vmem>> -> memref<1x96xi32, #tpu.memory_space<vmem>>
    %dma_wait3A_456 = tpu.memref_squeeze %dma_wait3A_455 : memref<1x96xi32, #tpu.memory_space<vmem>> -> memref<96xi32, #tpu.memory_space<vmem>>
    %dma_wait3A_457 = tpu.memref_slice %arg4[%multiple_of3A_171] : memref<50000xi32, #tpu.memory_space<hbm>> -> memref<96xi32, #tpu.memory_space<hbm>>
    tpu.wait_dma2 semaphore(%arg9 : memref<!tpu.dma_semaphore, #tpu.memory_space<semaphore_mem>>) src(%dma_wait3A_457 : memref<96xi32, #tpu.memory_space<hbm>>) dst(%dma_wait3A_456 : memref<96xi32, #tpu.memory_space<vmem>>)
    %dma_start3A_458 = arith.constant 0 : i32
    %dma_start3A_459 = arith.constant 0 : i32
    %dma_start3A_460 = arith.constant 0 : i32
    %dma_start3A_461 = arith.constant 0 : i32
    %dma_start3A_462 = tpu.memref_slice %arg7[%dma_start3A_459, %dma_start3A_460, %dma_start3A_461] : memref<3x96x128xf32, #tpu.memory_space<vmem>> -> memref<1x96x128xf32, #tpu.memory_space<vmem>>
    %dma_start3A_463 = tpu.memref_squeeze %dma_start3A_462 : memref<1x96x128xf32, #tpu.memory_space<vmem>> -> memref<96x128xf32, #tpu.memory_space<vmem>>
    %dma_start3A_464 = arith.constant 0 : i32
    %dma_start3A_465 = tpu.memref_slice %arg6[%dma_start3A_458, %dma_start3A_464] : memref<17x96xi32, #tpu.memory_space<vmem>> -> memref<1x96xi32, #tpu.memory_space<vmem>>
    %dma_start3A_466 = tpu.memref_squeeze %dma_start3A_465 : memref<1x96xi32, #tpu.memory_space<vmem>> -> memref<96xi32, #tpu.memory_space<vmem>>
    %dma_start3A_467 = arith.constant 0 : i32
    %dma_start3A_468 = arith.constant 0 : i32
    %dma_start3A_469 = tpu.memref_slice %arg3[%dma_start3A_467, %dma_start3A_468] : memref<50000x128xf32, #tpu.memory_space<hbm>> -> memref<50000x128xf32, #tpu.memory_space<hbm>>
    tpu.enqueue_indirect_dma source(%dma_start3A_469 : memref<50000x128xf32, #tpu.memory_space<hbm>>) target(%dma_start3A_463 : memref<96x128xf32, #tpu.memory_space<vmem>>) offsets(%dma_start3A_466 : memref<96xi32, #tpu.memory_space<vmem>>) semaphore(%arg10 : memref<!tpu.dma_semaphore, #tpu.memory_space<semaphore_mem>>)
    %dma_start3A_470 = arith.constant 0 : i32
    %dma_start3A_471 = arith.constant 0 : i32
    %dma_start3A_472 = arith.constant 0 : i32
    %dma_start3A_473 = tpu.memref_slice %arg8[%arg1, %dma_start3A_470, %dma_start3A_471, %dma_start3A_472] : memref<16x3x96x256xf32, #tpu.memory_space<vmem_shared>> -> memref<1x1x96x256xf32, #tpu.memory_space<vmem_shared>>
    %dma_start3A_474 = tpu.memref_squeeze %dma_start3A_473 : memref<1x1x96x256xf32, #tpu.memory_space<vmem_shared>> -> memref<96x256xf32, #tpu.memory_space<vmem_shared>>
    %dma_start3A_475 = arith.constant 0 : i32
    %dma_start3A_476 = tpu.memref_slice %arg2[%multiple_of3A, %dma_start3A_475] : memref<50000x256xf32, #tpu.memory_space<hbm>> -> memref<96x256xf32, #tpu.memory_space<hbm>>
    tpu.enqueue_dma source(%dma_start3A_476 : memref<96x256xf32, #tpu.memory_space<hbm>>) target(%dma_start3A_474 : memref<96x256xf32, #tpu.memory_space<vmem_shared>>) target_semaphore(%arg16 : memref<!tpu.dma_semaphore, #tpu.memory_space<semaphore_mem>>)
    %dma_start3A_477 = arith.constant 1 : i32
    %dma_start3A_478 = arith.constant 1 : i32
    %dma_start3A_479 = arith.constant 0 : i32
    %dma_start3A_480 = arith.constant 0 : i32
    %dma_start3A_481 = tpu.memref_slice %arg7[%dma_start3A_478, %dma_start3A_479, %dma_start3A_480] : memref<3x96x128xf32, #tpu.memory_space<vmem>> -> memref<1x96x128xf32, #tpu.memory_space<vmem>>
    %dma_start3A_482 = tpu.memref_squeeze %dma_start3A_481 : memref<1x96x128xf32, #tpu.memory_space<vmem>> -> memref<96x128xf32, #tpu.memory_space<vmem>>
    %dma_start3A_483 = arith.constant 0 : i32
    %dma_start3A_484 = tpu.memref_slice %arg6[%dma_start3A_477, %dma_start3A_483] : memref<17x96xi32, #tpu.memory_space<vmem>> -> memref<1x96xi32, #tpu.memory_space<vmem>>
    %dma_start3A_485 = tpu.memref_squeeze %dma_start3A_484 : memref<1x96xi32, #tpu.memory_space<vmem>> -> memref<96xi32, #tpu.memory_space<vmem>>
    %dma_start3A_486 = arith.constant 0 : i32
    %dma_start3A_487 = arith.constant 0 : i32
    %dma_start3A_488 = tpu.memref_slice %arg3[%dma_start3A_486, %dma_start3A_487] : memref<50000x128xf32, #tpu.memory_space<hbm>> -> memref<50000x128xf32, #tpu.memory_space<hbm>>
    tpu.enqueue_indirect_dma source(%dma_start3A_488 : memref<50000x128xf32, #tpu.memory_space<hbm>>) target(%dma_start3A_482 : memref<96x128xf32, #tpu.memory_space<vmem>>) offsets(%dma_start3A_485 : memref<96xi32, #tpu.memory_space<vmem>>) semaphore(%arg11 : memref<!tpu.dma_semaphore, #tpu.memory_space<semaphore_mem>>)
    %dma_start3A_489 = arith.constant 1 : i32
    %dma_start3A_490 = arith.constant 0 : i32
    %dma_start3A_491 = arith.constant 0 : i32
    %dma_start3A_492 = tpu.memref_slice %arg8[%arg1, %dma_start3A_489, %dma_start3A_490, %dma_start3A_491] : memref<16x3x96x256xf32, #tpu.memory_space<vmem_shared>> -> memref<1x1x96x256xf32, #tpu.memory_space<vmem_shared>>
    %dma_start3A_493 = tpu.memref_squeeze %dma_start3A_492 : memref<1x1x96x256xf32, #tpu.memory_space<vmem_shared>> -> memref<96x256xf32, #tpu.memory_space<vmem_shared>>
    %dma_start3A_494 = arith.constant 0 : i32
    %dma_start3A_495 = tpu.memref_slice %arg2[%multiple_of3A_17, %dma_start3A_494] : memref<50000x256xf32, #tpu.memory_space<hbm>> -> memref<96x256xf32, #tpu.memory_space<hbm>>
    tpu.enqueue_dma source(%dma_start3A_495 : memref<96x256xf32, #tpu.memory_space<hbm>>) target(%dma_start3A_493 : memref<96x256xf32, #tpu.memory_space<vmem_shared>>) target_semaphore(%arg17 : memref<!tpu.dma_semaphore, #tpu.memory_space<semaphore_mem>>)
    %dma_wait3A_496 = arith.constant 0 : i32
    %dma_wait3A_497 = arith.constant 0 : i32
    %dma_wait3A_498 = arith.constant 0 : i32
    %dma_wait3A_499 = arith.constant 0 : i32
    %dma_wait3A_500 = tpu.memref_slice %arg7[%dma_wait3A_497, %dma_wait3A_498, %dma_wait3A_499] : memref<3x96x128xf32, #tpu.memory_space<vmem>> -> memref<1x96x128xf32, #tpu.memory_space<vmem>>
    %dma_wait3A_501 = tpu.memref_squeeze %dma_wait3A_500 : memref<1x96x128xf32, #tpu.memory_space<vmem>> -> memref<96x128xf32, #tpu.memory_space<vmem>>
    %dma_wait3A_502 = arith.constant 0 : i32
    %dma_wait3A_503 = tpu.memref_slice %arg6[%dma_wait3A_496, %dma_wait3A_502] : memref<17x96xi32, #tpu.memory_space<vmem>> -> memref<1x96xi32, #tpu.memory_space<vmem>>
    %dma_wait3A_504 = tpu.memref_squeeze %dma_wait3A_503 : memref<1x96xi32, #tpu.memory_space<vmem>> -> memref<96xi32, #tpu.memory_space<vmem>>
    %dma_wait3A_505 = arith.constant 0 : i32
    %dma_wait3A_506 = arith.constant 0 : i32
    %dma_wait3A_507 = tpu.memref_slice %arg3[%dma_wait3A_505, %dma_wait3A_506] : memref<50000x128xf32, #tpu.memory_space<hbm>> -> memref<50000x128xf32, #tpu.memory_space<hbm>>
    tpu.wait_indirect_dma semaphore(%arg10 : memref<!tpu.dma_semaphore, #tpu.memory_space<semaphore_mem>>) src(%dma_wait3A_507 : memref<50000x128xf32, #tpu.memory_space<hbm>>) dst(%dma_wait3A_501 : memref<96x128xf32, #tpu.memory_space<vmem>>)
    %dma_start3A_508 = arith.constant 0 : i32
    %dma_start3A_509 = arith.constant 0 : i32
    %dma_start3A_510 = arith.constant 0 : i32
    %dma_start3A_511 = tpu.memref_slice %arg7[%dma_start3A_508, %dma_start3A_509, %dma_start3A_510] : memref<3x96x128xf32, #tpu.memory_space<vmem>> -> memref<1x96x128xf32, #tpu.memory_space<vmem>>
    %dma_start3A_512 = tpu.memref_squeeze %dma_start3A_511 : memref<1x96x128xf32, #tpu.memory_space<vmem>> -> memref<96x128xf32, #tpu.memory_space<vmem>>
    %dma_start3A_513 = arith.constant 0 : i32
    %dma_start3A_514 = tpu.memref_slice %arg5[%multiple_of3A, %dma_start3A_513] : memref<50000x384xf32, #tpu.memory_space<hbm>> -> memref<96x128xf32, #tpu.memory_space<hbm>>
    %dma_start3A_515 = arith.constant 0 : i32
    %dma_start3A_516 = tpu.memref_slice %arg5[%multiple_of3A, %dma_start3A_515] : memref<50000x384xf32, #tpu.memory_space<hbm>> -> memref<96x128xf32, #tpu.memory_space<hbm>>
    %dma_start3A_517 = arith.constant 0 : i32
    %dma_start3A_518 = arith.constant 0 : i32
    %dma_start3A_519 = tpu.memref_slice %arg7[%dma_start3A_508, %dma_start3A_517, %dma_start3A_518] : memref<3x96x128xf32, #tpu.memory_space<vmem>> -> memref<1x96x128xf32, #tpu.memory_space<vmem>>
    %dma_start3A_520 = tpu.memref_squeeze %dma_start3A_519 : memref<1x96x128xf32, #tpu.memory_space<vmem>> -> memref<96x128xf32, #tpu.memory_space<vmem>>
    tpu.enqueue_dma source(%dma_start3A_520 : memref<96x128xf32, #tpu.memory_space<vmem>>) target(%dma_start3A_516 : memref<96x128xf32, #tpu.memory_space<hbm>>) target_semaphore(%arg13 : memref<!tpu.dma_semaphore, #tpu.memory_space<semaphore_mem>>)
    %dma_wait3A_521 = arith.constant 0 : i32
    %dma_wait3A_522 = arith.constant 0 : i32
    %dma_wait3A_523 = arith.constant 0 : i32
    %dma_wait3A_524 = tpu.memref_slice %arg8[%arg1, %dma_wait3A_521, %dma_wait3A_522, %dma_wait3A_523] : memref<16x3x96x256xf32, #tpu.memory_space<vmem_shared>> -> memref<1x1x96x256xf32, #tpu.memory_space<vmem_shared>>
    %dma_wait3A_525 = tpu.memref_squeeze %dma_wait3A_524 : memref<1x1x96x256xf32, #tpu.memory_space<vmem_shared>> -> memref<96x256xf32, #tpu.memory_space<vmem_shared>>
    %dma_wait3A_526 = arith.constant 0 : i32
    %dma_wait3A_527 = tpu.memref_slice %arg2[%multiple_of3A, %dma_wait3A_526] : memref<50000x256xf32, #tpu.memory_space<hbm>> -> memref<96x256xf32, #tpu.memory_space<hbm>>
    tpu.wait_dma2 semaphore(%arg16 : memref<!tpu.dma_semaphore, #tpu.memory_space<semaphore_mem>>) src(%dma_wait3A_527 : memref<96x256xf32, #tpu.memory_space<hbm>>) dst(%dma_wait3A_525 : memref<96x256xf32, #tpu.memory_space<vmem_shared>>)
    %dma_start3A_528 = arith.constant 0 : i32
    %dma_start3A_529 = arith.constant 128 : i32
    %dma_start3A_530 = tpu.memref_slice %arg5[%multiple_of3A, %dma_start3A_529] : memref<50000x384xf32, #tpu.memory_space<hbm>> -> memref<96x256xf32, #tpu.memory_space<hbm>>
    %dma_start3A_531 = arith.constant 0 : i32
    %dma_start3A_532 = arith.constant 0 : i32
    %dma_start3A_533 = tpu.memref_slice %arg8[%arg1, %dma_start3A_528, %dma_start3A_531, %dma_start3A_532] : memref<16x3x96x256xf32, #tpu.memory_space<vmem_shared>> -> memref<1x1x96x256xf32, #tpu.memory_space<vmem_shared>>
    %dma_start3A_534 = tpu.memref_squeeze %dma_start3A_533 : memref<1x1x96x256xf32, #tpu.memory_space<vmem_shared>> -> memref<96x256xf32, #tpu.memory_space<vmem_shared>>
    tpu.enqueue_dma source(%dma_start3A_534 : memref<96x256xf32, #tpu.memory_space<vmem_shared>>) target(%dma_start3A_530 : memref<96x256xf32, #tpu.memory_space<hbm>>) target_semaphore(%arg19 : memref<!tpu.dma_semaphore, #tpu.memory_space<semaphore_mem>>)
    %dma_start3A_535 = arith.constant 2 : i32
    %dma_start3A_536 = arith.constant 2 : i32
    %dma_start3A_537 = arith.constant 0 : i32
    %dma_start3A_538 = arith.constant 0 : i32
    %dma_start3A_539 = tpu.memref_slice %arg7[%dma_start3A_536, %dma_start3A_537, %dma_start3A_538] : memref<3x96x128xf32, #tpu.memory_space<vmem>> -> memref<1x96x128xf32, #tpu.memory_space<vmem>>
    %dma_start3A_540 = tpu.memref_squeeze %dma_start3A_539 : memref<1x96x128xf32, #tpu.memory_space<vmem>> -> memref<96x128xf32, #tpu.memory_space<vmem>>
    %dma_start3A_541 = arith.constant 0 : i32
    %dma_start3A_542 = tpu.memref_slice %arg6[%dma_start3A_535, %dma_start3A_541] : memref<17x96xi32, #tpu.memory_space<vmem>> -> memref<1x96xi32, #tpu.memory_space<vmem>>
    %dma_start3A_543 = tpu.memref_squeeze %dma_start3A_542 : memref<1x96xi32, #tpu.memory_space<vmem>> -> memref<96xi32, #tpu.memory_space<vmem>>
    %dma_start3A_544 = arith.constant 0 : i32
    %dma_start3A_545 = arith.constant 0 : i32
    %dma_start3A_546 = tpu.memref_slice %arg3[%dma_start3A_544, %dma_start3A_545] : memref<50000x128xf32, #tpu.memory_space<hbm>> -> memref<50000x128xf32, #tpu.memory_space<hbm>>
    tpu.enqueue_indirect_dma source(%dma_start3A_546 : memref<50000x128xf32, #tpu.memory_space<hbm>>) target(%dma_start3A_540 : memref<96x128xf32, #tpu.memory_space<vmem>>) offsets(%dma_start3A_543 : memref<96xi32, #tpu.memory_space<vmem>>) semaphore(%arg12 : memref<!tpu.dma_semaphore, #tpu.memory_space<semaphore_mem>>)
    %dma_start3A_547 = arith.constant 2 : i32
    %dma_start3A_548 = arith.constant 0 : i32
    %dma_start3A_549 = arith.constant 0 : i32
    %dma_start3A_550 = tpu.memref_slice %arg8[%arg1, %dma_start3A_547, %dma_start3A_548, %dma_start3A_549] : memref<16x3x96x256xf32, #tpu.memory_space<vmem_shared>> -> memref<1x1x96x256xf32, #tpu.memory_space<vmem_shared>>
    %dma_start3A_551 = tpu.memref_squeeze %dma_start3A_550 : memref<1x1x96x256xf32, #tpu.memory_space<vmem_shared>> -> memref<96x256xf32, #tpu.memory_space<vmem_shared>>
    %dma_start3A_552 = arith.constant 0 : i32
    %dma_start3A_553 = tpu.memref_slice %arg2[%multiple_of3A_28, %dma_start3A_552] : memref<50000x256xf32, #tpu.memory_space<hbm>> -> memref<96x256xf32, #tpu.memory_space<hbm>>
    tpu.enqueue_dma source(%dma_start3A_553 : memref<96x256xf32, #tpu.memory_space<hbm>>) target(%dma_start3A_551 : memref<96x256xf32, #tpu.memory_space<vmem_shared>>) target_semaphore(%arg18 : memref<!tpu.dma_semaphore, #tpu.memory_space<semaphore_mem>>)
    %dma_wait3A_554 = arith.constant 1 : i32
    %dma_wait3A_555 = arith.constant 1 : i32
    %dma_wait3A_556 = arith.constant 0 : i32
    %dma_wait3A_557 = arith.constant 0 : i32
    %dma_wait3A_558 = tpu.memref_slice %arg7[%dma_wait3A_555, %dma_wait3A_556, %dma_wait3A_557] : memref<3x96x128xf32, #tpu.memory_space<vmem>> -> memref<1x96x128xf32, #tpu.memory_space<vmem>>
    %dma_wait3A_559 = tpu.memref_squeeze %dma_wait3A_558 : memref<1x96x128xf32, #tpu.memory_space<vmem>> -> memref<96x128xf32, #tpu.memory_space<vmem>>
    %dma_wait3A_560 = arith.constant 0 : i32
    %dma_wait3A_561 = tpu.memref_slice %arg6[%dma_wait3A_554, %dma_wait3A_560] : memref<17x96xi32, #tpu.memory_space<vmem>> -> memref<1x96xi32, #tpu.memory_space<vmem>>
    %dma_wait3A_562 = tpu.memref_squeeze %dma_wait3A_561 : memref<1x96xi32, #tpu.memory_space<vmem>> -> memref<96xi32, #tpu.memory_space<vmem>>
    %dma_wait3A_563 = arith.constant 0 : i32
    %dma_wait3A_564 = arith.constant 0 : i32
    %dma_wait3A_565 = tpu.memref_slice %arg3[%dma_wait3A_563, %dma_wait3A_564] : memref<50000x128xf32, #tpu.memory_space<hbm>> -> memref<50000x128xf32, #tpu.memory_space<hbm>>
    tpu.wait_indirect_dma semaphore(%arg11 : memref<!tpu.dma_semaphore, #tpu.memory_space<semaphore_mem>>) src(%dma_wait3A_565 : memref<50000x128xf32, #tpu.memory_space<hbm>>) dst(%dma_wait3A_559 : memref<96x128xf32, #tpu.memory_space<vmem>>)
    %dma_start3A_566 = arith.constant 1 : i32
    %dma_start3A_567 = arith.constant 0 : i32
    %dma_start3A_568 = arith.constant 0 : i32
    %dma_start3A_569 = tpu.memref_slice %arg7[%dma_start3A_566, %dma_start3A_567, %dma_start3A_568] : memref<3x96x128xf32, #tpu.memory_space<vmem>> -> memref<1x96x128xf32, #tpu.memory_space<vmem>>
    %dma_start3A_570 = tpu.memref_squeeze %dma_start3A_569 : memref<1x96x128xf32, #tpu.memory_space<vmem>> -> memref<96x128xf32, #tpu.memory_space<vmem>>
    %dma_start3A_571 = arith.constant 0 : i32
    %dma_start3A_572 = tpu.memref_slice %arg5[%multiple_of3A_17, %dma_start3A_571] : memref<50000x384xf32, #tpu.memory_space<hbm>> -> memref<96x128xf32, #tpu.memory_space<hbm>>
    %dma_start3A_573 = arith.constant 0 : i32
    %dma_start3A_574 = tpu.memref_slice %arg5[%multiple_of3A_17, %dma_start3A_573] : memref<50000x384xf32, #tpu.memory_space<hbm>> -> memref<96x128xf32, #tpu.memory_space<hbm>>
    %dma_start3A_575 = arith.constant 0 : i32
    %dma_start3A_576 = arith.constant 0 : i32
    %dma_start3A_577 = tpu.memref_slice %arg7[%dma_start3A_566, %dma_start3A_575, %dma_start3A_576] : memref<3x96x128xf32, #tpu.memory_space<vmem>> -> memref<1x96x128xf32, #tpu.memory_space<vmem>>
    %dma_start3A_578 = tpu.memref_squeeze %dma_start3A_577 : memref<1x96x128xf32, #tpu.memory_space<vmem>> -> memref<96x128xf32, #tpu.memory_space<vmem>>
    tpu.enqueue_dma source(%dma_start3A_578 : memref<96x128xf32, #tpu.memory_space<vmem>>) target(%dma_start3A_574 : memref<96x128xf32, #tpu.memory_space<hbm>>) target_semaphore(%arg14 : memref<!tpu.dma_semaphore, #tpu.memory_space<semaphore_mem>>)
    %dma_wait3A_579 = arith.constant 1 : i32
    %dma_wait3A_580 = arith.constant 0 : i32
    %dma_wait3A_581 = arith.constant 0 : i32
    %dma_wait3A_582 = tpu.memref_slice %arg8[%arg1, %dma_wait3A_579, %dma_wait3A_580, %dma_wait3A_581] : memref<16x3x96x256xf32, #tpu.memory_space<vmem_shared>> -> memref<1x1x96x256xf32, #tpu.memory_space<vmem_shared>>
    %dma_wait3A_583 = tpu.memref_squeeze %dma_wait3A_582 : memref<1x1x96x256xf32, #tpu.memory_space<vmem_shared>> -> memref<96x256xf32, #tpu.memory_space<vmem_shared>>
    %dma_wait3A_584 = arith.constant 0 : i32
    %dma_wait3A_585 = tpu.memref_slice %arg2[%multiple_of3A_17, %dma_wait3A_584] : memref<50000x256xf32, #tpu.memory_space<hbm>> -> memref<96x256xf32, #tpu.memory_space<hbm>>
    tpu.wait_dma2 semaphore(%arg17 : memref<!tpu.dma_semaphore, #tpu.memory_space<semaphore_mem>>) src(%dma_wait3A_585 : memref<96x256xf32, #tpu.memory_space<hbm>>) dst(%dma_wait3A_583 : memref<96x256xf32, #tpu.memory_space<vmem_shared>>)
    %dma_start3A_586 = arith.constant 1 : i32
    %dma_start3A_587 = arith.constant 128 : i32
    %dma_start3A_588 = tpu.memref_slice %arg5[%multiple_of3A_17, %dma_start3A_587] : memref<50000x384xf32, #tpu.memory_space<hbm>> -> memref<96x256xf32, #tpu.memory_space<hbm>>
    %dma_start3A_589 = arith.constant 0 : i32
    %dma_start3A_590 = arith.constant 0 : i32
    %dma_start3A_591 = tpu.memref_slice %arg8[%arg1, %dma_start3A_586, %dma_start3A_589, %dma_start3A_590] : memref<16x3x96x256xf32, #tpu.memory_space<vmem_shared>> -> memref<1x1x96x256xf32, #tpu.memory_space<vmem_shared>>
    %dma_start3A_592 = tpu.memref_squeeze %dma_start3A_591 : memref<1x1x96x256xf32, #tpu.memory_space<vmem_shared>> -> memref<96x256xf32, #tpu.memory_space<vmem_shared>>
    tpu.enqueue_dma source(%dma_start3A_592 : memref<96x256xf32, #tpu.memory_space<vmem_shared>>) target(%dma_start3A_588 : memref<96x256xf32, #tpu.memory_space<hbm>>) target_semaphore(%arg20 : memref<!tpu.dma_semaphore, #tpu.memory_space<semaphore_mem>>)
    %dma_wait3A_593 = arith.constant 0 : i32
    %dma_wait3A_594 = arith.constant 0 : i32
    %dma_wait3A_595 = arith.constant 0 : i32
    %dma_wait3A_596 = tpu.memref_slice %arg7[%dma_wait3A_593, %dma_wait3A_594, %dma_wait3A_595] : memref<3x96x128xf32, #tpu.memory_space<vmem>> -> memref<1x96x128xf32, #tpu.memory_space<vmem>>
    %dma_wait3A_597 = tpu.memref_squeeze %dma_wait3A_596 : memref<1x96x128xf32, #tpu.memory_space<vmem>> -> memref<96x128xf32, #tpu.memory_space<vmem>>
    %dma_wait3A_598 = arith.constant 0 : i32
    %dma_wait3A_599 = tpu.memref_slice %arg5[%multiple_of3A, %dma_wait3A_598] : memref<50000x384xf32, #tpu.memory_space<hbm>> -> memref<96x128xf32, #tpu.memory_space<hbm>>
    %dma_wait3A_600 = arith.constant 0 : i32
    %dma_wait3A_601 = tpu.memref_slice %arg5[%multiple_of3A, %dma_wait3A_600] : memref<50000x384xf32, #tpu.memory_space<hbm>> -> memref<96x128xf32, #tpu.memory_space<hbm>>
    %dma_wait3A_602 = arith.constant 0 : i32
    %dma_wait3A_603 = arith.constant 0 : i32
    %dma_wait3A_604 = tpu.memref_slice %arg7[%dma_wait3A_593, %dma_wait3A_602, %dma_wait3A_603] : memref<3x96x128xf32, #tpu.memory_space<vmem>> -> memref<1x96x128xf32, #tpu.memory_space<vmem>>
    %dma_wait3A_605 = tpu.memref_squeeze %dma_wait3A_604 : memref<1x96x128xf32, #tpu.memory_space<vmem>> -> memref<96x128xf32, #tpu.memory_space<vmem>>
    tpu.wait_dma2 semaphore(%arg13 : memref<!tpu.dma_semaphore, #tpu.memory_space<semaphore_mem>>) src(%dma_wait3A_605 : memref<96x128xf32, #tpu.memory_space<vmem>>) dst(%dma_wait3A_601 : memref<96x128xf32, #tpu.memory_space<hbm>>)
    %dma_wait3A_606 = arith.constant 0 : i32
    %dma_wait3A_607 = arith.constant 128 : i32
    %dma_wait3A_608 = tpu.memref_slice %arg5[%multiple_of3A, %dma_wait3A_607] : memref<50000x384xf32, #tpu.memory_space<hbm>> -> memref<96x256xf32, #tpu.memory_space<hbm>>
    %dma_wait3A_609 = arith.constant 0 : i32
    %dma_wait3A_610 = arith.constant 0 : i32
    %dma_wait3A_611 = tpu.memref_slice %arg8[%arg1, %dma_wait3A_606, %dma_wait3A_609, %dma_wait3A_610] : memref<16x3x96x256xf32, #tpu.memory_space<vmem_shared>> -> memref<1x1x96x256xf32, #tpu.memory_space<vmem_shared>>
    %dma_wait3A_612 = tpu.memref_squeeze %dma_wait3A_611 : memref<1x1x96x256xf32, #tpu.memory_space<vmem_shared>> -> memref<96x256xf32, #tpu.memory_space<vmem_shared>>
    tpu.wait_dma2 semaphore(%arg19 : memref<!tpu.dma_semaphore, #tpu.memory_space<semaphore_mem>>) src(%dma_wait3A_612 : memref<96x256xf32, #tpu.memory_space<vmem_shared>>) dst(%dma_wait3A_608 : memref<96x256xf32, #tpu.memory_space<hbm>>)
    %dma_start3A_613 = arith.constant 3 : i32
    %dma_start3A_614 = arith.constant 0 : i32
    %dma_start3A_615 = arith.constant 0 : i32
    %dma_start3A_616 = arith.constant 0 : i32
    %dma_start3A_617 = tpu.memref_slice %arg7[%dma_start3A_614, %dma_start3A_615, %dma_start3A_616] : memref<3x96x128xf32, #tpu.memory_space<vmem>> -> memref<1x96x128xf32, #tpu.memory_space<vmem>>
    %dma_start3A_618 = tpu.memref_squeeze %dma_start3A_617 : memref<1x96x128xf32, #tpu.memory_space<vmem>> -> memref<96x128xf32, #tpu.memory_space<vmem>>
    %dma_start3A_619 = arith.constant 0 : i32
    %dma_start3A_620 = tpu.memref_slice %arg6[%dma_start3A_613, %dma_start3A_619] : memref<17x96xi32, #tpu.memory_space<vmem>> -> memref<1x96xi32, #tpu.memory_space<vmem>>
    %dma_start3A_621 = tpu.memref_squeeze %dma_start3A_620 : memref<1x96xi32, #tpu.memory_space<vmem>> -> memref<96xi32, #tpu.memory_space<vmem>>
    %dma_start3A_622 = arith.constant 0 : i32
    %dma_start3A_623 = arith.constant 0 : i32
    %dma_start3A_624 = tpu.memref_slice %arg3[%dma_start3A_622, %dma_start3A_623] : memref<50000x128xf32, #tpu.memory_space<hbm>> -> memref<50000x128xf32, #tpu.memory_space<hbm>>
    tpu.enqueue_indirect_dma source(%dma_start3A_624 : memref<50000x128xf32, #tpu.memory_space<hbm>>) target(%dma_start3A_618 : memref<96x128xf32, #tpu.memory_space<vmem>>) offsets(%dma_start3A_621 : memref<96xi32, #tpu.memory_space<vmem>>) semaphore(%arg10 : memref<!tpu.dma_semaphore, #tpu.memory_space<semaphore_mem>>)
    %dma_start3A_625 = arith.constant 0 : i32
    %dma_start3A_626 = arith.constant 0 : i32
    %dma_start3A_627 = arith.constant 0 : i32
    %dma_start3A_628 = tpu.memref_slice %arg8[%arg1, %dma_start3A_625, %dma_start3A_626, %dma_start3A_627] : memref<16x3x96x256xf32, #tpu.memory_space<vmem_shared>> -> memref<1x1x96x256xf32, #tpu.memory_space<vmem_shared>>
    %dma_start3A_629 = tpu.memref_squeeze %dma_start3A_628 : memref<1x1x96x256xf32, #tpu.memory_space<vmem_shared>> -> memref<96x256xf32, #tpu.memory_space<vmem_shared>>
    %dma_start3A_630 = arith.constant 0 : i32
    %dma_start3A_631 = tpu.memref_slice %arg2[%multiple_of3A_39, %dma_start3A_630] : memref<50000x256xf32, #tpu.memory_space<hbm>> -> memref<96x256xf32, #tpu.memory_space<hbm>>
    tpu.enqueue_dma source(%dma_start3A_631 : memref<96x256xf32, #tpu.memory_space<hbm>>) target(%dma_start3A_629 : memref<96x256xf32, #tpu.memory_space<vmem_shared>>) target_semaphore(%arg16 : memref<!tpu.dma_semaphore, #tpu.memory_space<semaphore_mem>>)
    %dma_wait3A_632 = arith.constant 2 : i32
    %dma_wait3A_633 = arith.constant 2 : i32
    %dma_wait3A_634 = arith.constant 0 : i32
    %dma_wait3A_635 = arith.constant 0 : i32
    %dma_wait3A_636 = tpu.memref_slice %arg7[%dma_wait3A_633, %dma_wait3A_634, %dma_wait3A_635] : memref<3x96x128xf32, #tpu.memory_space<vmem>> -> memref<1x96x128xf32, #tpu.memory_space<vmem>>
    %dma_wait3A_637 = tpu.memref_squeeze %dma_wait3A_636 : memref<1x96x128xf32, #tpu.memory_space<vmem>> -> memref<96x128xf32, #tpu.memory_space<vmem>>
    %dma_wait3A_638 = arith.constant 0 : i32
    %dma_wait3A_639 = tpu.memref_slice %arg6[%dma_wait3A_632, %dma_wait3A_638] : memref<17x96xi32, #tpu.memory_space<vmem>> -> memref<1x96xi32, #tpu.memory_space<vmem>>
    %dma_wait3A_640 = tpu.memref_squeeze %dma_wait3A_639 : memref<1x96xi32, #tpu.memory_space<vmem>> -> memref<96xi32, #tpu.memory_space<vmem>>
    %dma_wait3A_641 = arith.constant 0 : i32
    %dma_wait3A_642 = arith.constant 0 : i32
    %dma_wait3A_643 = tpu.memref_slice %arg3[%dma_wait3A_641, %dma_wait3A_642] : memref<50000x128xf32, #tpu.memory_space<hbm>> -> memref<50000x128xf32, #tpu.memory_space<hbm>>
    tpu.wait_indirect_dma semaphore(%arg12 : memref<!tpu.dma_semaphore, #tpu.memory_space<semaphore_mem>>) src(%dma_wait3A_643 : memref<50000x128xf32, #tpu.memory_space<hbm>>) dst(%dma_wait3A_637 : memref<96x128xf32, #tpu.memory_space<vmem>>)
    %dma_start3A_644 = arith.constant 2 : i32
    %dma_start3A_645 = arith.constant 0 : i32
    %dma_start3A_646 = arith.constant 0 : i32
    %dma_start3A_647 = tpu.memref_slice %arg7[%dma_start3A_644, %dma_start3A_645, %dma_start3A_646] : memref<3x96x128xf32, #tpu.memory_space<vmem>> -> memref<1x96x128xf32, #tpu.memory_space<vmem>>
    %dma_start3A_648 = tpu.memref_squeeze %dma_start3A_647 : memref<1x96x128xf32, #tpu.memory_space<vmem>> -> memref<96x128xf32, #tpu.memory_space<vmem>>
    %dma_start3A_649 = arith.constant 0 : i32
    %dma_start3A_650 = tpu.memref_slice %arg5[%multiple_of3A_28, %dma_start3A_649] : memref<50000x384xf32, #tpu.memory_space<hbm>> -> memref<96x128xf32, #tpu.memory_space<hbm>>
    %dma_start3A_651 = arith.constant 0 : i32
    %dma_start3A_652 = tpu.memref_slice %arg5[%multiple_of3A_28, %dma_start3A_651] : memref<50000x384xf32, #tpu.memory_space<hbm>> -> memref<96x128xf32, #tpu.memory_space<hbm>>
    %dma_start3A_653 = arith.constant 0 : i32
    %dma_start3A_654 = arith.constant 0 : i32
    %dma_start3A_655 = tpu.memref_slice %arg7[%dma_start3A_644, %dma_start3A_653, %dma_start3A_654] : memref<3x96x128xf32, #tpu.memory_space<vmem>> -> memref<1x96x128xf32, #tpu.memory_space<vmem>>
    %dma_start3A_656 = tpu.memref_squeeze %dma_start3A_655 : memref<1x96x128xf32, #tpu.memory_space<vmem>> -> memref<96x128xf32, #tpu.memory_space<vmem>>
    tpu.enqueue_dma source(%dma_start3A_656 : memref<96x128xf32, #tpu.memory_space<vmem>>) target(%dma_start3A_652 : memref<96x128xf32, #tpu.memory_space<hbm>>) target_semaphore(%arg15 : memref<!tpu.dma_semaphore, #tpu.memory_space<semaphore_mem>>)
    %dma_wait3A_657 = arith.constant 2 : i32
    %dma_wait3A_658 = arith.constant 0 : i32
    %dma_wait3A_659 = arith.constant 0 : i32
    %dma_wait3A_660 = tpu.memref_slice %arg8[%arg1, %dma_wait3A_657, %dma_wait3A_658, %dma_wait3A_659] : memref<16x3x96x256xf32, #tpu.memory_space<vmem_shared>> -> memref<1x1x96x256xf32, #tpu.memory_space<vmem_shared>>
    %dma_wait3A_661 = tpu.memref_squeeze %dma_wait3A_660 : memref<1x1x96x256xf32, #tpu.memory_space<vmem_shared>> -> memref<96x256xf32, #tpu.memory_space<vmem_shared>>
    %dma_wait3A_662 = arith.constant 0 : i32
    %dma_wait3A_663 = tpu.memref_slice %arg2[%multiple_of3A_28, %dma_wait3A_662] : memref<50000x256xf32, #tpu.memory_space<hbm>> -> memref<96x256xf32, #tpu.memory_space<hbm>>
    tpu.wait_dma2 semaphore(%arg18 : memref<!tpu.dma_semaphore, #tpu.memory_space<semaphore_mem>>) src(%dma_wait3A_663 : memref<96x256xf32, #tpu.memory_space<hbm>>) dst(%dma_wait3A_661 : memref<96x256xf32, #tpu.memory_space<vmem_shared>>)
    %dma_start3A_664 = arith.constant 2 : i32
    %dma_start3A_665 = arith.constant 128 : i32
    %dma_start3A_666 = tpu.memref_slice %arg5[%multiple_of3A_28, %dma_start3A_665] : memref<50000x384xf32, #tpu.memory_space<hbm>> -> memref<96x256xf32, #tpu.memory_space<hbm>>
    %dma_start3A_667 = arith.constant 0 : i32
    %dma_start3A_668 = arith.constant 0 : i32
    %dma_start3A_669 = tpu.memref_slice %arg8[%arg1, %dma_start3A_664, %dma_start3A_667, %dma_start3A_668] : memref<16x3x96x256xf32, #tpu.memory_space<vmem_shared>> -> memref<1x1x96x256xf32, #tpu.memory_space<vmem_shared>>
    %dma_start3A_670 = tpu.memref_squeeze %dma_start3A_669 : memref<1x1x96x256xf32, #tpu.memory_space<vmem_shared>> -> memref<96x256xf32, #tpu.memory_space<vmem_shared>>
    tpu.enqueue_dma source(%dma_start3A_670 : memref<96x256xf32, #tpu.memory_space<vmem_shared>>) target(%dma_start3A_666 : memref<96x256xf32, #tpu.memory_space<hbm>>) target_semaphore(%arg21 : memref<!tpu.dma_semaphore, #tpu.memory_space<semaphore_mem>>)
    %dma_wait3A_671 = arith.constant 1 : i32
    %dma_wait3A_672 = arith.constant 0 : i32
    %dma_wait3A_673 = arith.constant 0 : i32
    %dma_wait3A_674 = tpu.memref_slice %arg7[%dma_wait3A_671, %dma_wait3A_672, %dma_wait3A_673] : memref<3x96x128xf32, #tpu.memory_space<vmem>> -> memref<1x96x128xf32, #tpu.memory_space<vmem>>
    %dma_wait3A_675 = tpu.memref_squeeze %dma_wait3A_674 : memref<1x96x128xf32, #tpu.memory_space<vmem>> -> memref<96x128xf32, #tpu.memory_space<vmem>>
    %dma_wait3A_676 = arith.constant 0 : i32
    %dma_wait3A_677 = tpu.memref_slice %arg5[%multiple_of3A_17, %dma_wait3A_676] : memref<50000x384xf32, #tpu.memory_space<hbm>> -> memref<96x128xf32, #tpu.memory_space<hbm>>
    %dma_wait3A_678 = arith.constant 0 : i32
    %dma_wait3A_679 = tpu.memref_slice %arg5[%multiple_of3A_17, %dma_wait3A_678] : memref<50000x384xf32, #tpu.memory_space<hbm>> -> memref<96x128xf32, #tpu.memory_space<hbm>>
    %dma_wait3A_680 = arith.constant 0 : i32
    %dma_wait3A_681 = arith.constant 0 : i32
    %dma_wait3A_682 = tpu.memref_slice %arg7[%dma_wait3A_671, %dma_wait3A_680, %dma_wait3A_681] : memref<3x96x128xf32, #tpu.memory_space<vmem>> -> memref<1x96x128xf32, #tpu.memory_space<vmem>>
    %dma_wait3A_683 = tpu.memref_squeeze %dma_wait3A_682 : memref<1x96x128xf32, #tpu.memory_space<vmem>> -> memref<96x128xf32, #tpu.memory_space<vmem>>
    tpu.wait_dma2 semaphore(%arg14 : memref<!tpu.dma_semaphore, #tpu.memory_space<semaphore_mem>>) src(%dma_wait3A_683 : memref<96x128xf32, #tpu.memory_space<vmem>>) dst(%dma_wait3A_679 : memref<96x128xf32, #tpu.memory_space<hbm>>)
    %dma_wait3A_684 = arith.constant 1 : i32
    %dma_wait3A_685 = arith.constant 128 : i32
    %dma_wait3A_686 = tpu.memref_slice %arg5[%multiple_of3A_17, %dma_wait3A_685] : memref<50000x384xf32, #tpu.memory_space<hbm>> -> memref<96x256xf32, #tpu.memory_space<hbm>>
    %dma_wait3A_687 = arith.constant 0 : i32
    %dma_wait3A_688 = arith.constant 0 : i32
    %dma_wait3A_689 = tpu.memref_slice %arg8[%arg1, %dma_wait3A_684, %dma_wait3A_687, %dma_wait3A_688] : memref<16x3x96x256xf32, #tpu.memory_space<vmem_shared>> -> memref<1x1x96x256xf32, #tpu.memory_space<vmem_shared>>
    %dma_wait3A_690 = tpu.memref_squeeze %dma_wait3A_689 : memref<1x1x96x256xf32, #tpu.memory_space<vmem_shared>> -> memref<96x256xf32, #tpu.memory_space<vmem_shared>>
    tpu.wait_dma2 semaphore(%arg20 : memref<!tpu.dma_semaphore, #tpu.memory_space<semaphore_mem>>) src(%dma_wait3A_690 : memref<96x256xf32, #tpu.memory_space<vmem_shared>>) dst(%dma_wait3A_686 : memref<96x256xf32, #tpu.memory_space<hbm>>)
    %dma_start3A_691 = arith.constant 4 : i32
    %dma_start3A_692 = arith.constant 1 : i32
    %dma_start3A_693 = arith.constant 0 : i32
    %dma_start3A_694 = arith.constant 0 : i32
    %dma_start3A_695 = tpu.memref_slice %arg7[%dma_start3A_692, %dma_start3A_693, %dma_start3A_694] : memref<3x96x128xf32, #tpu.memory_space<vmem>> -> memref<1x96x128xf32, #tpu.memory_space<vmem>>
    %dma_start3A_696 = tpu.memref_squeeze %dma_start3A_695 : memref<1x96x128xf32, #tpu.memory_space<vmem>> -> memref<96x128xf32, #tpu.memory_space<vmem>>
    %dma_start3A_697 = arith.constant 0 : i32
    %dma_start3A_698 = tpu.memref_slice %arg6[%dma_start3A_691, %dma_start3A_697] : memref<17x96xi32, #tpu.memory_space<vmem>> -> memref<1x96xi32, #tpu.memory_space<vmem>>
    %dma_start3A_699 = tpu.memref_squeeze %dma_start3A_698 : memref<1x96xi32, #tpu.memory_space<vmem>> -> memref<96xi32, #tpu.memory_space<vmem>>
    %dma_start3A_700 = arith.constant 0 : i32
    %dma_start3A_701 = arith.constant 0 : i32
    %dma_start3A_702 = tpu.memref_slice %arg3[%dma_start3A_700, %dma_start3A_701] : memref<50000x128xf32, #tpu.memory_space<hbm>> -> memref<50000x128xf32, #tpu.memory_space<hbm>>
    tpu.enqueue_indirect_dma source(%dma_start3A_702 : memref<50000x128xf32, #tpu.memory_space<hbm>>) target(%dma_start3A_696 : memref<96x128xf32, #tpu.memory_space<vmem>>) offsets(%dma_start3A_699 : memref<96xi32, #tpu.memory_space<vmem>>) semaphore(%arg11 : memref<!tpu.dma_semaphore, #tpu.memory_space<semaphore_mem>>)
    %dma_start3A_703 = arith.constant 1 : i32
    %dma_start3A_704 = arith.constant 0 : i32
    %dma_start3A_705 = arith.constant 0 : i32
    %dma_start3A_706 = tpu.memref_slice %arg8[%arg1, %dma_start3A_703, %dma_start3A_704, %dma_start3A_705] : memref<16x3x96x256xf32, #tpu.memory_space<vmem_shared>> -> memref<1x1x96x256xf32, #tpu.memory_space<vmem_shared>>
    %dma_start3A_707 = tpu.memref_squeeze %dma_start3A_706 : memref<1x1x96x256xf32, #tpu.memory_space<vmem_shared>> -> memref<96x256xf32, #tpu.memory_space<vmem_shared>>
    %dma_start3A_708 = arith.constant 0 : i32
    %dma_start3A_709 = tpu.memref_slice %arg2[%multiple_of3A_50, %dma_start3A_708] : memref<50000x256xf32, #tpu.memory_space<hbm>> -> memref<96x256xf32, #tpu.memory_space<hbm>>
    tpu.enqueue_dma source(%dma_start3A_709 : memref<96x256xf32, #tpu.memory_space<hbm>>) target(%dma_start3A_707 : memref<96x256xf32, #tpu.memory_space<vmem_shared>>) target_semaphore(%arg17 : memref<!tpu.dma_semaphore, #tpu.memory_space<semaphore_mem>>)
    %dma_wait3A_710 = arith.constant 3 : i32
    %dma_wait3A_711 = arith.constant 0 : i32
    %dma_wait3A_712 = arith.constant 0 : i32
    %dma_wait3A_713 = arith.constant 0 : i32
    %dma_wait3A_714 = tpu.memref_slice %arg7[%dma_wait3A_711, %dma_wait3A_712, %dma_wait3A_713] : memref<3x96x128xf32, #tpu.memory_space<vmem>> -> memref<1x96x128xf32, #tpu.memory_space<vmem>>
    %dma_wait3A_715 = tpu.memref_squeeze %dma_wait3A_714 : memref<1x96x128xf32, #tpu.memory_space<vmem>> -> memref<96x128xf32, #tpu.memory_space<vmem>>
    %dma_wait3A_716 = arith.constant 0 : i32
    %dma_wait3A_717 = tpu.memref_slice %arg6[%dma_wait3A_710, %dma_wait3A_716] : memref<17x96xi32, #tpu.memory_space<vmem>> -> memref<1x96xi32, #tpu.memory_space<vmem>>
    %dma_wait3A_718 = tpu.memref_squeeze %dma_wait3A_717 : memref<1x96xi32, #tpu.memory_space<vmem>> -> memref<96xi32, #tpu.memory_space<vmem>>
    %dma_wait3A_719 = arith.constant 0 : i32
    %dma_wait3A_720 = arith.constant 0 : i32
    %dma_wait3A_721 = tpu.memref_slice %arg3[%dma_wait3A_719, %dma_wait3A_720] : memref<50000x128xf32, #tpu.memory_space<hbm>> -> memref<50000x128xf32, #tpu.memory_space<hbm>>
    tpu.wait_indirect_dma semaphore(%arg10 : memref<!tpu.dma_semaphore, #tpu.memory_space<semaphore_mem>>) src(%dma_wait3A_721 : memref<50000x128xf32, #tpu.memory_space<hbm>>) dst(%dma_wait3A_715 : memref<96x128xf32, #tpu.memory_space<vmem>>)
    %dma_start3A_722 = arith.constant 0 : i32
    %dma_start3A_723 = arith.constant 0 : i32
    %dma_start3A_724 = arith.constant 0 : i32
    %dma_start3A_725 = tpu.memref_slice %arg7[%dma_start3A_722, %dma_start3A_723, %dma_start3A_724] : memref<3x96x128xf32, #tpu.memory_space<vmem>> -> memref<1x96x128xf32, #tpu.memory_space<vmem>>
    %dma_start3A_726 = tpu.memref_squeeze %dma_start3A_725 : memref<1x96x128xf32, #tpu.memory_space<vmem>> -> memref<96x128xf32, #tpu.memory_space<vmem>>
    %dma_start3A_727 = arith.constant 0 : i32
    %dma_start3A_728 = tpu.memref_slice %arg5[%multiple_of3A_39, %dma_start3A_727] : memref<50000x384xf32, #tpu.memory_space<hbm>> -> memref<96x128xf32, #tpu.memory_space<hbm>>
    %dma_start3A_729 = arith.constant 0 : i32
    %dma_start3A_730 = tpu.memref_slice %arg5[%multiple_of3A_39, %dma_start3A_729] : memref<50000x384xf32, #tpu.memory_space<hbm>> -> memref<96x128xf32, #tpu.memory_space<hbm>>
    %dma_start3A_731 = arith.constant 0 : i32
    %dma_start3A_732 = arith.constant 0 : i32
    %dma_start3A_733 = tpu.memref_slice %arg7[%dma_start3A_722, %dma_start3A_731, %dma_start3A_732] : memref<3x96x128xf32, #tpu.memory_space<vmem>> -> memref<1x96x128xf32, #tpu.memory_space<vmem>>
    %dma_start3A_734 = tpu.memref_squeeze %dma_start3A_733 : memref<1x96x128xf32, #tpu.memory_space<vmem>> -> memref<96x128xf32, #tpu.memory_space<vmem>>
    tpu.enqueue_dma source(%dma_start3A_734 : memref<96x128xf32, #tpu.memory_space<vmem>>) target(%dma_start3A_730 : memref<96x128xf32, #tpu.memory_space<hbm>>) target_semaphore(%arg13 : memref<!tpu.dma_semaphore, #tpu.memory_space<semaphore_mem>>)
    %dma_wait3A_735 = arith.constant 0 : i32
    %dma_wait3A_736 = arith.constant 0 : i32
    %dma_wait3A_737 = arith.constant 0 : i32
    %dma_wait3A_738 = tpu.memref_slice %arg8[%arg1, %dma_wait3A_735, %dma_wait3A_736, %dma_wait3A_737] : memref<16x3x96x256xf32, #tpu.memory_space<vmem_shared>> -> memref<1x1x96x256xf32, #tpu.memory_space<vmem_shared>>
    %dma_wait3A_739 = tpu.memref_squeeze %dma_wait3A_738 : memref<1x1x96x256xf32, #tpu.memory_space<vmem_shared>> -> memref<96x256xf32, #tpu.memory_space<vmem_shared>>
    %dma_wait3A_740 = arith.constant 0 : i32
    %dma_wait3A_741 = tpu.memref_slice %arg2[%multiple_of3A_39, %dma_wait3A_740] : memref<50000x256xf32, #tpu.memory_space<hbm>> -> memref<96x256xf32, #tpu.memory_space<hbm>>
    tpu.wait_dma2 semaphore(%arg16 : memref<!tpu.dma_semaphore, #tpu.memory_space<semaphore_mem>>) src(%dma_wait3A_741 : memref<96x256xf32, #tpu.memory_space<hbm>>) dst(%dma_wait3A_739 : memref<96x256xf32, #tpu.memory_space<vmem_shared>>)
    %dma_start3A_742 = arith.constant 0 : i32
    %dma_start3A_743 = arith.constant 128 : i32
    %dma_start3A_744 = tpu.memref_slice %arg5[%multiple_of3A_39, %dma_start3A_743] : memref<50000x384xf32, #tpu.memory_space<hbm>> -> memref<96x256xf32, #tpu.memory_space<hbm>>
    %dma_start3A_745 = arith.constant 0 : i32
    %dma_start3A_746 = arith.constant 0 : i32
    %dma_start3A_747 = tpu.memref_slice %arg8[%arg1, %dma_start3A_742, %dma_start3A_745, %dma_start3A_746] : memref<16x3x96x256xf32, #tpu.memory_space<vmem_shared>> -> memref<1x1x96x256xf32, #tpu.memory_space<vmem_shared>>
    %dma_start3A_748 = tpu.memref_squeeze %dma_start3A_747 : memref<1x1x96x256xf32, #tpu.memory_space<vmem_shared>> -> memref<96x256xf32, #tpu.memory_space<vmem_shared>>
    tpu.enqueue_dma source(%dma_start3A_748 : memref<96x256xf32, #tpu.memory_space<vmem_shared>>) target(%dma_start3A_744 : memref<96x256xf32, #tpu.memory_space<hbm>>) target_semaphore(%arg19 : memref<!tpu.dma_semaphore, #tpu.memory_space<semaphore_mem>>)
    %dma_wait3A_749 = arith.constant 2 : i32
    %dma_wait3A_750 = arith.constant 0 : i32
    %dma_wait3A_751 = arith.constant 0 : i32
    %dma_wait3A_752 = tpu.memref_slice %arg7[%dma_wait3A_749, %dma_wait3A_750, %dma_wait3A_751] : memref<3x96x128xf32, #tpu.memory_space<vmem>> -> memref<1x96x128xf32, #tpu.memory_space<vmem>>
    %dma_wait3A_753 = tpu.memref_squeeze %dma_wait3A_752 : memref<1x96x128xf32, #tpu.memory_space<vmem>> -> memref<96x128xf32, #tpu.memory_space<vmem>>
    %dma_wait3A_754 = arith.constant 0 : i32
    %dma_wait3A_755 = tpu.memref_slice %arg5[%multiple_of3A_28, %dma_wait3A_754] : memref<50000x384xf32, #tpu.memory_space<hbm>> -> memref<96x128xf32, #tpu.memory_space<hbm>>
    %dma_wait3A_756 = arith.constant 0 : i32
    %dma_wait3A_757 = tpu.memref_slice %arg5[%multiple_of3A_28, %dma_wait3A_756] : memref<50000x384xf32, #tpu.memory_space<hbm>> -> memref<96x128xf32, #tpu.memory_space<hbm>>
    %dma_wait3A_758 = arith.constant 0 : i32
    %dma_wait3A_759 = arith.constant 0 : i32
    %dma_wait3A_760 = tpu.memref_slice %arg7[%dma_wait3A_749, %dma_wait3A_758, %dma_wait3A_759] : memref<3x96x128xf32, #tpu.memory_space<vmem>> -> memref<1x96x128xf32, #tpu.memory_space<vmem>>
    %dma_wait3A_761 = tpu.memref_squeeze %dma_wait3A_760 : memref<1x96x128xf32, #tpu.memory_space<vmem>> -> memref<96x128xf32, #tpu.memory_space<vmem>>
    tpu.wait_dma2 semaphore(%arg15 : memref<!tpu.dma_semaphore, #tpu.memory_space<semaphore_mem>>) src(%dma_wait3A_761 : memref<96x128xf32, #tpu.memory_space<vmem>>) dst(%dma_wait3A_757 : memref<96x128xf32, #tpu.memory_space<hbm>>)
    %dma_wait3A_762 = arith.constant 2 : i32
    %dma_wait3A_763 = arith.constant 128 : i32
    %dma_wait3A_764 = tpu.memref_slice %arg5[%multiple_of3A_28, %dma_wait3A_763] : memref<50000x384xf32, #tpu.memory_space<hbm>> -> memref<96x256xf32, #tpu.memory_space<hbm>>
    %dma_wait3A_765 = arith.constant 0 : i32
    %dma_wait3A_766 = arith.constant 0 : i32
    %dma_wait3A_767 = tpu.memref_slice %arg8[%arg1, %dma_wait3A_762, %dma_wait3A_765, %dma_wait3A_766] : memref<16x3x96x256xf32, #tpu.memory_space<vmem_shared>> -> memref<1x1x96x256xf32, #tpu.memory_space<vmem_shared>>
    %dma_wait3A_768 = tpu.memref_squeeze %dma_wait3A_767 : memref<1x1x96x256xf32, #tpu.memory_space<vmem_shared>> -> memref<96x256xf32, #tpu.memory_space<vmem_shared>>
    tpu.wait_dma2 semaphore(%arg21 : memref<!tpu.dma_semaphore, #tpu.memory_space<semaphore_mem>>) src(%dma_wait3A_768 : memref<96x256xf32, #tpu.memory_space<vmem_shared>>) dst(%dma_wait3A_764 : memref<96x256xf32, #tpu.memory_space<hbm>>)
    %dma_start3A_769 = arith.constant 5 : i32
    %dma_start3A_770 = arith.constant 2 : i32
    %dma_start3A_771 = arith.constant 0 : i32
    %dma_start3A_772 = arith.constant 0 : i32
    %dma_start3A_773 = tpu.memref_slice %arg7[%dma_start3A_770, %dma_start3A_771, %dma_start3A_772] : memref<3x96x128xf32, #tpu.memory_space<vmem>> -> memref<1x96x128xf32, #tpu.memory_space<vmem>>
    %dma_start3A_774 = tpu.memref_squeeze %dma_start3A_773 : memref<1x96x128xf32, #tpu.memory_space<vmem>> -> memref<96x128xf32, #tpu.memory_space<vmem>>
    %dma_start3A_775 = arith.constant 0 : i32
    %dma_start3A_776 = tpu.memref_slice %arg6[%dma_start3A_769, %dma_start3A_775] : memref<17x96xi32, #tpu.memory_space<vmem>> -> memref<1x96xi32, #tpu.memory_space<vmem>>
    %dma_start3A_777 = tpu.memref_squeeze %dma_start3A_776 : memref<1x96xi32, #tpu.memory_space<vmem>> -> memref<96xi32, #tpu.memory_space<vmem>>
    %dma_start3A_778 = arith.constant 0 : i32
    %dma_start3A_779 = arith.constant 0 : i32
    %dma_start3A_780 = tpu.memref_slice %arg3[%dma_start3A_778, %dma_start3A_779] : memref<50000x128xf32, #tpu.memory_space<hbm>> -> memref<50000x128xf32, #tpu.memory_space<hbm>>
    tpu.enqueue_indirect_dma source(%dma_start3A_780 : memref<50000x128xf32, #tpu.memory_space<hbm>>) target(%dma_start3A_774 : memref<96x128xf32, #tpu.memory_space<vmem>>) offsets(%dma_start3A_777 : memref<96xi32, #tpu.memory_space<vmem>>) semaphore(%arg12 : memref<!tpu.dma_semaphore, #tpu.memory_space<semaphore_mem>>)
    %dma_start3A_781 = arith.constant 2 : i32
    %dma_start3A_782 = arith.constant 0 : i32
    %dma_start3A_783 = arith.constant 0 : i32
    %dma_start3A_784 = tpu.memref_slice %arg8[%arg1, %dma_start3A_781, %dma_start3A_782, %dma_start3A_783] : memref<16x3x96x256xf32, #tpu.memory_space<vmem_shared>> -> memref<1x1x96x256xf32, #tpu.memory_space<vmem_shared>>
    %dma_start3A_785 = tpu.memref_squeeze %dma_start3A_784 : memref<1x1x96x256xf32, #tpu.memory_space<vmem_shared>> -> memref<96x256xf32, #tpu.memory_space<vmem_shared>>
    %dma_start3A_786 = arith.constant 0 : i32
    %dma_start3A_787 = tpu.memref_slice %arg2[%multiple_of3A_61, %dma_start3A_786] : memref<50000x256xf32, #tpu.memory_space<hbm>> -> memref<96x256xf32, #tpu.memory_space<hbm>>
    tpu.enqueue_dma source(%dma_start3A_787 : memref<96x256xf32, #tpu.memory_space<hbm>>) target(%dma_start3A_785 : memref<96x256xf32, #tpu.memory_space<vmem_shared>>) target_semaphore(%arg18 : memref<!tpu.dma_semaphore, #tpu.memory_space<semaphore_mem>>)
    %dma_wait3A_788 = arith.constant 4 : i32
    %dma_wait3A_789 = arith.constant 1 : i32
    %dma_wait3A_790 = arith.constant 0 : i32
    %dma_wait3A_791 = arith.constant 0 : i32
    %dma_wait3A_792 = tpu.memref_slice %arg7[%dma_wait3A_789, %dma_wait3A_790, %dma_wait3A_791] : memref<3x96x128xf32, #tpu.memory_space<vmem>> -> memref<1x96x128xf32, #tpu.memory_space<vmem>>
    %dma_wait3A_793 = tpu.memref_squeeze %dma_wait3A_792 : memref<1x96x128xf32, #tpu.memory_space<vmem>> -> memref<96x128xf32, #tpu.memory_space<vmem>>
    %dma_wait3A_794 = arith.constant 0 : i32
    %dma_wait3A_795 = tpu.memref_slice %arg6[%dma_wait3A_788, %dma_wait3A_794] : memref<17x96xi32, #tpu.memory_space<vmem>> -> memref<1x96xi32, #tpu.memory_space<vmem>>
    %dma_wait3A_796 = tpu.memref_squeeze %dma_wait3A_795 : memref<1x96xi32, #tpu.memory_space<vmem>> -> memref<96xi32, #tpu.memory_space<vmem>>
    %dma_wait3A_797 = arith.constant 0 : i32
    %dma_wait3A_798 = arith.constant 0 : i32
    %dma_wait3A_799 = tpu.memref_slice %arg3[%dma_wait3A_797, %dma_wait3A_798] : memref<50000x128xf32, #tpu.memory_space<hbm>> -> memref<50000x128xf32, #tpu.memory_space<hbm>>
    tpu.wait_indirect_dma semaphore(%arg11 : memref<!tpu.dma_semaphore, #tpu.memory_space<semaphore_mem>>) src(%dma_wait3A_799 : memref<50000x128xf32, #tpu.memory_space<hbm>>) dst(%dma_wait3A_793 : memref<96x128xf32, #tpu.memory_space<vmem>>)
    %dma_start3A_800 = arith.constant 1 : i32
    %dma_start3A_801 = arith.constant 0 : i32
    %dma_start3A_802 = arith.constant 0 : i32
    %dma_start3A_803 = tpu.memref_slice %arg7[%dma_start3A_800, %dma_start3A_801, %dma_start3A_802] : memref<3x96x128xf32, #tpu.memory_space<vmem>> -> memref<1x96x128xf32, #tpu.memory_space<vmem>>
    %dma_start3A_804 = tpu.memref_squeeze %dma_start3A_803 : memref<1x96x128xf32, #tpu.memory_space<vmem>> -> memref<96x128xf32, #tpu.memory_space<vmem>>
    %dma_start3A_805 = arith.constant 0 : i32
    %dma_start3A_806 = tpu.memref_slice %arg5[%multiple_of3A_50, %dma_start3A_805] : memref<50000x384xf32, #tpu.memory_space<hbm>> -> memref<96x128xf32, #tpu.memory_space<hbm>>
    %dma_start3A_807 = arith.constant 0 : i32
    %dma_start3A_808 = tpu.memref_slice %arg5[%multiple_of3A_50, %dma_start3A_807] : memref<50000x384xf32, #tpu.memory_space<hbm>> -> memref<96x128xf32, #tpu.memory_space<hbm>>
    %dma_start3A_809 = arith.constant 0 : i32
    %dma_start3A_810 = arith.constant 0 : i32
    %dma_start3A_811 = tpu.memref_slice %arg7[%dma_start3A_800, %dma_start3A_809, %dma_start3A_810] : memref<3x96x128xf32, #tpu.memory_space<vmem>> -> memref<1x96x128xf32, #tpu.memory_space<vmem>>
    %dma_start3A_812 = tpu.memref_squeeze %dma_start3A_811 : memref<1x96x128xf32, #tpu.memory_space<vmem>> -> memref<96x128xf32, #tpu.memory_space<vmem>>
    tpu.enqueue_dma source(%dma_start3A_812 : memref<96x128xf32, #tpu.memory_space<vmem>>) target(%dma_start3A_808 : memref<96x128xf32, #tpu.memory_space<hbm>>) target_semaphore(%arg14 : memref<!tpu.dma_semaphore, #tpu.memory_space<semaphore_mem>>)
    %dma_wait3A_813 = arith.constant 1 : i32
    %dma_wait3A_814 = arith.constant 0 : i32
    %dma_wait3A_815 = arith.constant 0 : i32
    %dma_wait3A_816 = tpu.memref_slice %arg8[%arg1, %dma_wait3A_813, %dma_wait3A_814, %dma_wait3A_815] : memref<16x3x96x256xf32, #tpu.memory_space<vmem_shared>> -> memref<1x1x96x256xf32, #tpu.memory_space<vmem_shared>>
    %dma_wait3A_817 = tpu.memref_squeeze %dma_wait3A_816 : memref<1x1x96x256xf32, #tpu.memory_space<vmem_shared>> -> memref<96x256xf32, #tpu.memory_space<vmem_shared>>
    %dma_wait3A_818 = arith.constant 0 : i32
    %dma_wait3A_819 = tpu.memref_slice %arg2[%multiple_of3A_50, %dma_wait3A_818] : memref<50000x256xf32, #tpu.memory_space<hbm>> -> memref<96x256xf32, #tpu.memory_space<hbm>>
    tpu.wait_dma2 semaphore(%arg17 : memref<!tpu.dma_semaphore, #tpu.memory_space<semaphore_mem>>) src(%dma_wait3A_819 : memref<96x256xf32, #tpu.memory_space<hbm>>) dst(%dma_wait3A_817 : memref<96x256xf32, #tpu.memory_space<vmem_shared>>)
    %dma_start3A_820 = arith.constant 1 : i32
    %dma_start3A_821 = arith.constant 128 : i32
    %dma_start3A_822 = tpu.memref_slice %arg5[%multiple_of3A_50, %dma_start3A_821] : memref<50000x384xf32, #tpu.memory_space<hbm>> -> memref<96x256xf32, #tpu.memory_space<hbm>>
    %dma_start3A_823 = arith.constant 0 : i32
    %dma_start3A_824 = arith.constant 0 : i32
    %dma_start3A_825 = tpu.memref_slice %arg8[%arg1, %dma_start3A_820, %dma_start3A_823, %dma_start3A_824] : memref<16x3x96x256xf32, #tpu.memory_space<vmem_shared>> -> memref<1x1x96x256xf32, #tpu.memory_space<vmem_shared>>
    %dma_start3A_826 = tpu.memref_squeeze %dma_start3A_825 : memref<1x1x96x256xf32, #tpu.memory_space<vmem_shared>> -> memref<96x256xf32, #tpu.memory_space<vmem_shared>>
    tpu.enqueue_dma source(%dma_start3A_826 : memref<96x256xf32, #tpu.memory_space<vmem_shared>>) target(%dma_start3A_822 : memref<96x256xf32, #tpu.memory_space<hbm>>) target_semaphore(%arg20 : memref<!tpu.dma_semaphore, #tpu.memory_space<semaphore_mem>>)
    %dma_wait3A_827 = arith.constant 0 : i32
    %dma_wait3A_828 = arith.constant 0 : i32
    %dma_wait3A_829 = arith.constant 0 : i32
    %dma_wait3A_830 = tpu.memref_slice %arg7[%dma_wait3A_827, %dma_wait3A_828, %dma_wait3A_829] : memref<3x96x128xf32, #tpu.memory_space<vmem>> -> memref<1x96x128xf32, #tpu.memory_space<vmem>>
    %dma_wait3A_831 = tpu.memref_squeeze %dma_wait3A_830 : memref<1x96x128xf32, #tpu.memory_space<vmem>> -> memref<96x128xf32, #tpu.memory_space<vmem>>
    %dma_wait3A_832 = arith.constant 0 : i32
    %dma_wait3A_833 = tpu.memref_slice %arg5[%multiple_of3A_39, %dma_wait3A_832] : memref<50000x384xf32, #tpu.memory_space<hbm>> -> memref<96x128xf32, #tpu.memory_space<hbm>>
    %dma_wait3A_834 = arith.constant 0 : i32
    %dma_wait3A_835 = tpu.memref_slice %arg5[%multiple_of3A_39, %dma_wait3A_834] : memref<50000x384xf32, #tpu.memory_space<hbm>> -> memref<96x128xf32, #tpu.memory_space<hbm>>
    %dma_wait3A_836 = arith.constant 0 : i32
    %dma_wait3A_837 = arith.constant 0 : i32
    %dma_wait3A_838 = tpu.memref_slice %arg7[%dma_wait3A_827, %dma_wait3A_836, %dma_wait3A_837] : memref<3x96x128xf32, #tpu.memory_space<vmem>> -> memref<1x96x128xf32, #tpu.memory_space<vmem>>
    %dma_wait3A_839 = tpu.memref_squeeze %dma_wait3A_838 : memref<1x96x128xf32, #tpu.memory_space<vmem>> -> memref<96x128xf32, #tpu.memory_space<vmem>>
    tpu.wait_dma2 semaphore(%arg13 : memref<!tpu.dma_semaphore, #tpu.memory_space<semaphore_mem>>) src(%dma_wait3A_839 : memref<96x128xf32, #tpu.memory_space<vmem>>) dst(%dma_wait3A_835 : memref<96x128xf32, #tpu.memory_space<hbm>>)
    %dma_wait3A_840 = arith.constant 0 : i32
    %dma_wait3A_841 = arith.constant 128 : i32
    %dma_wait3A_842 = tpu.memref_slice %arg5[%multiple_of3A_39, %dma_wait3A_841] : memref<50000x384xf32, #tpu.memory_space<hbm>> -> memref<96x256xf32, #tpu.memory_space<hbm>>
    %dma_wait3A_843 = arith.constant 0 : i32
    %dma_wait3A_844 = arith.constant 0 : i32
    %dma_wait3A_845 = tpu.memref_slice %arg8[%arg1, %dma_wait3A_840, %dma_wait3A_843, %dma_wait3A_844] : memref<16x3x96x256xf32, #tpu.memory_space<vmem_shared>> -> memref<1x1x96x256xf32, #tpu.memory_space<vmem_shared>>
    %dma_wait3A_846 = tpu.memref_squeeze %dma_wait3A_845 : memref<1x1x96x256xf32, #tpu.memory_space<vmem_shared>> -> memref<96x256xf32, #tpu.memory_space<vmem_shared>>
    tpu.wait_dma2 semaphore(%arg19 : memref<!tpu.dma_semaphore, #tpu.memory_space<semaphore_mem>>) src(%dma_wait3A_846 : memref<96x256xf32, #tpu.memory_space<vmem_shared>>) dst(%dma_wait3A_842 : memref<96x256xf32, #tpu.memory_space<hbm>>)
    %dma_start3A_847 = arith.constant 6 : i32
    %dma_start3A_848 = arith.constant 0 : i32
    %dma_start3A_849 = arith.constant 0 : i32
    %dma_start3A_850 = arith.constant 0 : i32
    %dma_start3A_851 = tpu.memref_slice %arg7[%dma_start3A_848, %dma_start3A_849, %dma_start3A_850] : memref<3x96x128xf32, #tpu.memory_space<vmem>> -> memref<1x96x128xf32, #tpu.memory_space<vmem>>
    %dma_start3A_852 = tpu.memref_squeeze %dma_start3A_851 : memref<1x96x128xf32, #tpu.memory_space<vmem>> -> memref<96x128xf32, #tpu.memory_space<vmem>>
    %dma_start3A_853 = arith.constant 0 : i32
    %dma_start3A_854 = tpu.memref_slice %arg6[%dma_start3A_847, %dma_start3A_853] : memref<17x96xi32, #tpu.memory_space<vmem>> -> memref<1x96xi32, #tpu.memory_space<vmem>>
    %dma_start3A_855 = tpu.memref_squeeze %dma_start3A_854 : memref<1x96xi32, #tpu.memory_space<vmem>> -> memref<96xi32, #tpu.memory_space<vmem>>
    %dma_start3A_856 = arith.constant 0 : i32
    %dma_start3A_857 = arith.constant 0 : i32
    %dma_start3A_858 = tpu.memref_slice %arg3[%dma_start3A_856, %dma_start3A_857] : memref<50000x128xf32, #tpu.memory_space<hbm>> -> memref<50000x128xf32, #tpu.memory_space<hbm>>
    tpu.enqueue_indirect_dma source(%dma_start3A_858 : memref<50000x128xf32, #tpu.memory_space<hbm>>) target(%dma_start3A_852 : memref<96x128xf32, #tpu.memory_space<vmem>>) offsets(%dma_start3A_855 : memref<96xi32, #tpu.memory_space<vmem>>) semaphore(%arg10 : memref<!tpu.dma_semaphore, #tpu.memory_space<semaphore_mem>>)
    %dma_start3A_859 = arith.constant 0 : i32
    %dma_start3A_860 = arith.constant 0 : i32
    %dma_start3A_861 = arith.constant 0 : i32
    %dma_start3A_862 = tpu.memref_slice %arg8[%arg1, %dma_start3A_859, %dma_start3A_860, %dma_start3A_861] : memref<16x3x96x256xf32, #tpu.memory_space<vmem_shared>> -> memref<1x1x96x256xf32, #tpu.memory_space<vmem_shared>>
    %dma_start3A_863 = tpu.memref_squeeze %dma_start3A_862 : memref<1x1x96x256xf32, #tpu.memory_space<vmem_shared>> -> memref<96x256xf32, #tpu.memory_space<vmem_shared>>
    %dma_start3A_864 = arith.constant 0 : i32
    %dma_start3A_865 = tpu.memref_slice %arg2[%multiple_of3A_72, %dma_start3A_864] : memref<50000x256xf32, #tpu.memory_space<hbm>> -> memref<96x256xf32, #tpu.memory_space<hbm>>
    tpu.enqueue_dma source(%dma_start3A_865 : memref<96x256xf32, #tpu.memory_space<hbm>>) target(%dma_start3A_863 : memref<96x256xf32, #tpu.memory_space<vmem_shared>>) target_semaphore(%arg16 : memref<!tpu.dma_semaphore, #tpu.memory_space<semaphore_mem>>)
    %dma_wait3A_866 = arith.constant 5 : i32
    %dma_wait3A_867 = arith.constant 2 : i32
    %dma_wait3A_868 = arith.constant 0 : i32
    %dma_wait3A_869 = arith.constant 0 : i32
    %dma_wait3A_870 = tpu.memref_slice %arg7[%dma_wait3A_867, %dma_wait3A_868, %dma_wait3A_869] : memref<3x96x128xf32, #tpu.memory_space<vmem>> -> memref<1x96x128xf32, #tpu.memory_space<vmem>>
    %dma_wait3A_871 = tpu.memref_squeeze %dma_wait3A_870 : memref<1x96x128xf32, #tpu.memory_space<vmem>> -> memref<96x128xf32, #tpu.memory_space<vmem>>
    %dma_wait3A_872 = arith.constant 0 : i32
    %dma_wait3A_873 = tpu.memref_slice %arg6[%dma_wait3A_866, %dma_wait3A_872] : memref<17x96xi32, #tpu.memory_space<vmem>> -> memref<1x96xi32, #tpu.memory_space<vmem>>
    %dma_wait3A_874 = tpu.memref_squeeze %dma_wait3A_873 : memref<1x96xi32, #tpu.memory_space<vmem>> -> memref<96xi32, #tpu.memory_space<vmem>>
    %dma_wait3A_875 = arith.constant 0 : i32
    %dma_wait3A_876 = arith.constant 0 : i32
    %dma_wait3A_877 = tpu.memref_slice %arg3[%dma_wait3A_875, %dma_wait3A_876] : memref<50000x128xf32, #tpu.memory_space<hbm>> -> memref<50000x128xf32, #tpu.memory_space<hbm>>
    tpu.wait_indirect_dma semaphore(%arg12 : memref<!tpu.dma_semaphore, #tpu.memory_space<semaphore_mem>>) src(%dma_wait3A_877 : memref<50000x128xf32, #tpu.memory_space<hbm>>) dst(%dma_wait3A_871 : memref<96x128xf32, #tpu.memory_space<vmem>>)
    %dma_start3A_878 = arith.constant 2 : i32
    %dma_start3A_879 = arith.constant 0 : i32
    %dma_start3A_880 = arith.constant 0 : i32
    %dma_start3A_881 = tpu.memref_slice %arg7[%dma_start3A_878, %dma_start3A_879, %dma_start3A_880] : memref<3x96x128xf32, #tpu.memory_space<vmem>> -> memref<1x96x128xf32, #tpu.memory_space<vmem>>
    %dma_start3A_882 = tpu.memref_squeeze %dma_start3A_881 : memref<1x96x128xf32, #tpu.memory_space<vmem>> -> memref<96x128xf32, #tpu.memory_space<vmem>>
    %dma_start3A_883 = arith.constant 0 : i32
    %dma_start3A_884 = tpu.memref_slice %arg5[%multiple_of3A_61, %dma_start3A_883] : memref<50000x384xf32, #tpu.memory_space<hbm>> -> memref<96x128xf32, #tpu.memory_space<hbm>>
    %dma_start3A_885 = arith.constant 0 : i32
    %dma_start3A_886 = tpu.memref_slice %arg5[%multiple_of3A_61, %dma_start3A_885] : memref<50000x384xf32, #tpu.memory_space<hbm>> -> memref<96x128xf32, #tpu.memory_space<hbm>>
    %dma_start3A_887 = arith.constant 0 : i32
    %dma_start3A_888 = arith.constant 0 : i32
    %dma_start3A_889 = tpu.memref_slice %arg7[%dma_start3A_878, %dma_start3A_887, %dma_start3A_888] : memref<3x96x128xf32, #tpu.memory_space<vmem>> -> memref<1x96x128xf32, #tpu.memory_space<vmem>>
    %dma_start3A_890 = tpu.memref_squeeze %dma_start3A_889 : memref<1x96x128xf32, #tpu.memory_space<vmem>> -> memref<96x128xf32, #tpu.memory_space<vmem>>
    tpu.enqueue_dma source(%dma_start3A_890 : memref<96x128xf32, #tpu.memory_space<vmem>>) target(%dma_start3A_886 : memref<96x128xf32, #tpu.memory_space<hbm>>) target_semaphore(%arg15 : memref<!tpu.dma_semaphore, #tpu.memory_space<semaphore_mem>>)
    %dma_wait3A_891 = arith.constant 2 : i32
    %dma_wait3A_892 = arith.constant 0 : i32
    %dma_wait3A_893 = arith.constant 0 : i32
    %dma_wait3A_894 = tpu.memref_slice %arg8[%arg1, %dma_wait3A_891, %dma_wait3A_892, %dma_wait3A_893] : memref<16x3x96x256xf32, #tpu.memory_space<vmem_shared>> -> memref<1x1x96x256xf32, #tpu.memory_space<vmem_shared>>
    %dma_wait3A_895 = tpu.memref_squeeze %dma_wait3A_894 : memref<1x1x96x256xf32, #tpu.memory_space<vmem_shared>> -> memref<96x256xf32, #tpu.memory_space<vmem_shared>>
    %dma_wait3A_896 = arith.constant 0 : i32
    %dma_wait3A_897 = tpu.memref_slice %arg2[%multiple_of3A_61, %dma_wait3A_896] : memref<50000x256xf32, #tpu.memory_space<hbm>> -> memref<96x256xf32, #tpu.memory_space<hbm>>
    tpu.wait_dma2 semaphore(%arg18 : memref<!tpu.dma_semaphore, #tpu.memory_space<semaphore_mem>>) src(%dma_wait3A_897 : memref<96x256xf32, #tpu.memory_space<hbm>>) dst(%dma_wait3A_895 : memref<96x256xf32, #tpu.memory_space<vmem_shared>>)
    %dma_start3A_898 = arith.constant 2 : i32
    %dma_start3A_899 = arith.constant 128 : i32
    %dma_start3A_900 = tpu.memref_slice %arg5[%multiple_of3A_61, %dma_start3A_899] : memref<50000x384xf32, #tpu.memory_space<hbm>> -> memref<96x256xf32, #tpu.memory_space<hbm>>
    %dma_start3A_901 = arith.constant 0 : i32
    %dma_start3A_902 = arith.constant 0 : i32
    %dma_start3A_903 = tpu.memref_slice %arg8[%arg1, %dma_start3A_898, %dma_start3A_901, %dma_start3A_902] : memref<16x3x96x256xf32, #tpu.memory_space<vmem_shared>> -> memref<1x1x96x256xf32, #tpu.memory_space<vmem_shared>>
    %dma_start3A_904 = tpu.memref_squeeze %dma_start3A_903 : memref<1x1x96x256xf32, #tpu.memory_space<vmem_shared>> -> memref<96x256xf32, #tpu.memory_space<vmem_shared>>
    tpu.enqueue_dma source(%dma_start3A_904 : memref<96x256xf32, #tpu.memory_space<vmem_shared>>) target(%dma_start3A_900 : memref<96x256xf32, #tpu.memory_space<hbm>>) target_semaphore(%arg21 : memref<!tpu.dma_semaphore, #tpu.memory_space<semaphore_mem>>)
    %dma_wait3A_905 = arith.constant 1 : i32
    %dma_wait3A_906 = arith.constant 0 : i32
    %dma_wait3A_907 = arith.constant 0 : i32
    %dma_wait3A_908 = tpu.memref_slice %arg7[%dma_wait3A_905, %dma_wait3A_906, %dma_wait3A_907] : memref<3x96x128xf32, #tpu.memory_space<vmem>> -> memref<1x96x128xf32, #tpu.memory_space<vmem>>
    %dma_wait3A_909 = tpu.memref_squeeze %dma_wait3A_908 : memref<1x96x128xf32, #tpu.memory_space<vmem>> -> memref<96x128xf32, #tpu.memory_space<vmem>>
    %dma_wait3A_910 = arith.constant 0 : i32
    %dma_wait3A_911 = tpu.memref_slice %arg5[%multiple_of3A_50, %dma_wait3A_910] : memref<50000x384xf32, #tpu.memory_space<hbm>> -> memref<96x128xf32, #tpu.memory_space<hbm>>
    %dma_wait3A_912 = arith.constant 0 : i32
    %dma_wait3A_913 = tpu.memref_slice %arg5[%multiple_of3A_50, %dma_wait3A_912] : memref<50000x384xf32, #tpu.memory_space<hbm>> -> memref<96x128xf32, #tpu.memory_space<hbm>>
    %dma_wait3A_914 = arith.constant 0 : i32
    %dma_wait3A_915 = arith.constant 0 : i32
    %dma_wait3A_916 = tpu.memref_slice %arg7[%dma_wait3A_905, %dma_wait3A_914, %dma_wait3A_915] : memref<3x96x128xf32, #tpu.memory_space<vmem>> -> memref<1x96x128xf32, #tpu.memory_space<vmem>>
    %dma_wait3A_917 = tpu.memref_squeeze %dma_wait3A_916 : memref<1x96x128xf32, #tpu.memory_space<vmem>> -> memref<96x128xf32, #tpu.memory_space<vmem>>
    tpu.wait_dma2 semaphore(%arg14 : memref<!tpu.dma_semaphore, #tpu.memory_space<semaphore_mem>>) src(%dma_wait3A_917 : memref<96x128xf32, #tpu.memory_space<vmem>>) dst(%dma_wait3A_913 : memref<96x128xf32, #tpu.memory_space<hbm>>)
    %dma_wait3A_918 = arith.constant 1 : i32
    %dma_wait3A_919 = arith.constant 128 : i32
    %dma_wait3A_920 = tpu.memref_slice %arg5[%multiple_of3A_50, %dma_wait3A_919] : memref<50000x384xf32, #tpu.memory_space<hbm>> -> memref<96x256xf32, #tpu.memory_space<hbm>>
    %dma_wait3A_921 = arith.constant 0 : i32
    %dma_wait3A_922 = arith.constant 0 : i32
    %dma_wait3A_923 = tpu.memref_slice %arg8[%arg1, %dma_wait3A_918, %dma_wait3A_921, %dma_wait3A_922] : memref<16x3x96x256xf32, #tpu.memory_space<vmem_shared>> -> memref<1x1x96x256xf32, #tpu.memory_space<vmem_shared>>
    %dma_wait3A_924 = tpu.memref_squeeze %dma_wait3A_923 : memref<1x1x96x256xf32, #tpu.memory_space<vmem_shared>> -> memref<96x256xf32, #tpu.memory_space<vmem_shared>>
    tpu.wait_dma2 semaphore(%arg20 : memref<!tpu.dma_semaphore, #tpu.memory_space<semaphore_mem>>) src(%dma_wait3A_924 : memref<96x256xf32, #tpu.memory_space<vmem_shared>>) dst(%dma_wait3A_920 : memref<96x256xf32, #tpu.memory_space<hbm>>)
    %dma_start3A_925 = arith.constant 7 : i32
    %dma_start3A_926 = arith.constant 1 : i32
    %dma_start3A_927 = arith.constant 0 : i32
    %dma_start3A_928 = arith.constant 0 : i32
    %dma_start3A_929 = tpu.memref_slice %arg7[%dma_start3A_926, %dma_start3A_927, %dma_start3A_928] : memref<3x96x128xf32, #tpu.memory_space<vmem>> -> memref<1x96x128xf32, #tpu.memory_space<vmem>>
    %dma_start3A_930 = tpu.memref_squeeze %dma_start3A_929 : memref<1x96x128xf32, #tpu.memory_space<vmem>> -> memref<96x128xf32, #tpu.memory_space<vmem>>
    %dma_start3A_931 = arith.constant 0 : i32
    %dma_start3A_932 = tpu.memref_slice %arg6[%dma_start3A_925, %dma_start3A_931] : memref<17x96xi32, #tpu.memory_space<vmem>> -> memref<1x96xi32, #tpu.memory_space<vmem>>
    %dma_start3A_933 = tpu.memref_squeeze %dma_start3A_932 : memref<1x96xi32, #tpu.memory_space<vmem>> -> memref<96xi32, #tpu.memory_space<vmem>>
    %dma_start3A_934 = arith.constant 0 : i32
    %dma_start3A_935 = arith.constant 0 : i32
    %dma_start3A_936 = tpu.memref_slice %arg3[%dma_start3A_934, %dma_start3A_935] : memref<50000x128xf32, #tpu.memory_space<hbm>> -> memref<50000x128xf32, #tpu.memory_space<hbm>>
    tpu.enqueue_indirect_dma source(%dma_start3A_936 : memref<50000x128xf32, #tpu.memory_space<hbm>>) target(%dma_start3A_930 : memref<96x128xf32, #tpu.memory_space<vmem>>) offsets(%dma_start3A_933 : memref<96xi32, #tpu.memory_space<vmem>>) semaphore(%arg11 : memref<!tpu.dma_semaphore, #tpu.memory_space<semaphore_mem>>)
    %dma_start3A_937 = arith.constant 1 : i32
    %dma_start3A_938 = arith.constant 0 : i32
    %dma_start3A_939 = arith.constant 0 : i32
    %dma_start3A_940 = tpu.memref_slice %arg8[%arg1, %dma_start3A_937, %dma_start3A_938, %dma_start3A_939] : memref<16x3x96x256xf32, #tpu.memory_space<vmem_shared>> -> memref<1x1x96x256xf32, #tpu.memory_space<vmem_shared>>
    %dma_start3A_941 = tpu.memref_squeeze %dma_start3A_940 : memref<1x1x96x256xf32, #tpu.memory_space<vmem_shared>> -> memref<96x256xf32, #tpu.memory_space<vmem_shared>>
    %dma_start3A_942 = arith.constant 0 : i32
    %dma_start3A_943 = tpu.memref_slice %arg2[%multiple_of3A_83, %dma_start3A_942] : memref<50000x256xf32, #tpu.memory_space<hbm>> -> memref<96x256xf32, #tpu.memory_space<hbm>>
    tpu.enqueue_dma source(%dma_start3A_943 : memref<96x256xf32, #tpu.memory_space<hbm>>) target(%dma_start3A_941 : memref<96x256xf32, #tpu.memory_space<vmem_shared>>) target_semaphore(%arg17 : memref<!tpu.dma_semaphore, #tpu.memory_space<semaphore_mem>>)
    %dma_wait3A_944 = arith.constant 6 : i32
    %dma_wait3A_945 = arith.constant 0 : i32
    %dma_wait3A_946 = arith.constant 0 : i32
    %dma_wait3A_947 = arith.constant 0 : i32
    %dma_wait3A_948 = tpu.memref_slice %arg7[%dma_wait3A_945, %dma_wait3A_946, %dma_wait3A_947] : memref<3x96x128xf32, #tpu.memory_space<vmem>> -> memref<1x96x128xf32, #tpu.memory_space<vmem>>
    %dma_wait3A_949 = tpu.memref_squeeze %dma_wait3A_948 : memref<1x96x128xf32, #tpu.memory_space<vmem>> -> memref<96x128xf32, #tpu.memory_space<vmem>>
    %dma_wait3A_950 = arith.constant 0 : i32
    %dma_wait3A_951 = tpu.memref_slice %arg6[%dma_wait3A_944, %dma_wait3A_950] : memref<17x96xi32, #tpu.memory_space<vmem>> -> memref<1x96xi32, #tpu.memory_space<vmem>>
    %dma_wait3A_952 = tpu.memref_squeeze %dma_wait3A_951 : memref<1x96xi32, #tpu.memory_space<vmem>> -> memref<96xi32, #tpu.memory_space<vmem>>
    %dma_wait3A_953 = arith.constant 0 : i32
    %dma_wait3A_954 = arith.constant 0 : i32
    %dma_wait3A_955 = tpu.memref_slice %arg3[%dma_wait3A_953, %dma_wait3A_954] : memref<50000x128xf32, #tpu.memory_space<hbm>> -> memref<50000x128xf32, #tpu.memory_space<hbm>>
    tpu.wait_indirect_dma semaphore(%arg10 : memref<!tpu.dma_semaphore, #tpu.memory_space<semaphore_mem>>) src(%dma_wait3A_955 : memref<50000x128xf32, #tpu.memory_space<hbm>>) dst(%dma_wait3A_949 : memref<96x128xf32, #tpu.memory_space<vmem>>)
    %dma_start3A_956 = arith.constant 0 : i32
    %dma_start3A_957 = arith.constant 0 : i32
    %dma_start3A_958 = arith.constant 0 : i32
    %dma_start3A_959 = tpu.memref_slice %arg7[%dma_start3A_956, %dma_start3A_957, %dma_start3A_958] : memref<3x96x128xf32, #tpu.memory_space<vmem>> -> memref<1x96x128xf32, #tpu.memory_space<vmem>>
    %dma_start3A_960 = tpu.memref_squeeze %dma_start3A_959 : memref<1x96x128xf32, #tpu.memory_space<vmem>> -> memref<96x128xf32, #tpu.memory_space<vmem>>
    %dma_start3A_961 = arith.constant 0 : i32
    %dma_start3A_962 = tpu.memref_slice %arg5[%multiple_of3A_72, %dma_start3A_961] : memref<50000x384xf32, #tpu.memory_space<hbm>> -> memref<96x128xf32, #tpu.memory_space<hbm>>
    %dma_start3A_963 = arith.constant 0 : i32
    %dma_start3A_964 = tpu.memref_slice %arg5[%multiple_of3A_72, %dma_start3A_963] : memref<50000x384xf32, #tpu.memory_space<hbm>> -> memref<96x128xf32, #tpu.memory_space<hbm>>
    %dma_start3A_965 = arith.constant 0 : i32
    %dma_start3A_966 = arith.constant 0 : i32
    %dma_start3A_967 = tpu.memref_slice %arg7[%dma_start3A_956, %dma_start3A_965, %dma_start3A_966] : memref<3x96x128xf32, #tpu.memory_space<vmem>> -> memref<1x96x128xf32, #tpu.memory_space<vmem>>
    %dma_start3A_968 = tpu.memref_squeeze %dma_start3A_967 : memref<1x96x128xf32, #tpu.memory_space<vmem>> -> memref<96x128xf32, #tpu.memory_space<vmem>>
    tpu.enqueue_dma source(%dma_start3A_968 : memref<96x128xf32, #tpu.memory_space<vmem>>) target(%dma_start3A_964 : memref<96x128xf32, #tpu.memory_space<hbm>>) target_semaphore(%arg13 : memref<!tpu.dma_semaphore, #tpu.memory_space<semaphore_mem>>)
    %dma_wait3A_969 = arith.constant 0 : i32
    %dma_wait3A_970 = arith.constant 0 : i32
    %dma_wait3A_971 = arith.constant 0 : i32
    %dma_wait3A_972 = tpu.memref_slice %arg8[%arg1, %dma_wait3A_969, %dma_wait3A_970, %dma_wait3A_971] : memref<16x3x96x256xf32, #tpu.memory_space<vmem_shared>> -> memref<1x1x96x256xf32, #tpu.memory_space<vmem_shared>>
    %dma_wait3A_973 = tpu.memref_squeeze %dma_wait3A_972 : memref<1x1x96x256xf32, #tpu.memory_space<vmem_shared>> -> memref<96x256xf32, #tpu.memory_space<vmem_shared>>
    %dma_wait3A_974 = arith.constant 0 : i32
    %dma_wait3A_975 = tpu.memref_slice %arg2[%multiple_of3A_72, %dma_wait3A_974] : memref<50000x256xf32, #tpu.memory_space<hbm>> -> memref<96x256xf32, #tpu.memory_space<hbm>>
    tpu.wait_dma2 semaphore(%arg16 : memref<!tpu.dma_semaphore, #tpu.memory_space<semaphore_mem>>) src(%dma_wait3A_975 : memref<96x256xf32, #tpu.memory_space<hbm>>) dst(%dma_wait3A_973 : memref<96x256xf32, #tpu.memory_space<vmem_shared>>)
    %dma_start3A_976 = arith.constant 0 : i32
    %dma_start3A_977 = arith.constant 128 : i32
    %dma_start3A_978 = tpu.memref_slice %arg5[%multiple_of3A_72, %dma_start3A_977] : memref<50000x384xf32, #tpu.memory_space<hbm>> -> memref<96x256xf32, #tpu.memory_space<hbm>>
    %dma_start3A_979 = arith.constant 0 : i32
    %dma_start3A_980 = arith.constant 0 : i32
    %dma_start3A_981 = tpu.memref_slice %arg8[%arg1, %dma_start3A_976, %dma_start3A_979, %dma_start3A_980] : memref<16x3x96x256xf32, #tpu.memory_space<vmem_shared>> -> memref<1x1x96x256xf32, #tpu.memory_space<vmem_shared>>
    %dma_start3A_982 = tpu.memref_squeeze %dma_start3A_981 : memref<1x1x96x256xf32, #tpu.memory_space<vmem_shared>> -> memref<96x256xf32, #tpu.memory_space<vmem_shared>>
    tpu.enqueue_dma source(%dma_start3A_982 : memref<96x256xf32, #tpu.memory_space<vmem_shared>>) target(%dma_start3A_978 : memref<96x256xf32, #tpu.memory_space<hbm>>) target_semaphore(%arg19 : memref<!tpu.dma_semaphore, #tpu.memory_space<semaphore_mem>>)
    %dma_wait3A_983 = arith.constant 2 : i32
    %dma_wait3A_984 = arith.constant 0 : i32
    %dma_wait3A_985 = arith.constant 0 : i32
    %dma_wait3A_986 = tpu.memref_slice %arg7[%dma_wait3A_983, %dma_wait3A_984, %dma_wait3A_985] : memref<3x96x128xf32, #tpu.memory_space<vmem>> -> memref<1x96x128xf32, #tpu.memory_space<vmem>>
    %dma_wait3A_987 = tpu.memref_squeeze %dma_wait3A_986 : memref<1x96x128xf32, #tpu.memory_space<vmem>> -> memref<96x128xf32, #tpu.memory_space<vmem>>
    %dma_wait3A_988 = arith.constant 0 : i32
    %dma_wait3A_989 = tpu.memref_slice %arg5[%multiple_of3A_61, %dma_wait3A_988] : memref<50000x384xf32, #tpu.memory_space<hbm>> -> memref<96x128xf32, #tpu.memory_space<hbm>>
    %dma_wait3A_990 = arith.constant 0 : i32
    %dma_wait3A_991 = tpu.memref_slice %arg5[%multiple_of3A_61, %dma_wait3A_990] : memref<50000x384xf32, #tpu.memory_space<hbm>> -> memref<96x128xf32, #tpu.memory_space<hbm>>
    %dma_wait3A_992 = arith.constant 0 : i32
    %dma_wait3A_993 = arith.constant 0 : i32
    %dma_wait3A_994 = tpu.memref_slice %arg7[%dma_wait3A_983, %dma_wait3A_992, %dma_wait3A_993] : memref<3x96x128xf32, #tpu.memory_space<vmem>> -> memref<1x96x128xf32, #tpu.memory_space<vmem>>
    %dma_wait3A_995 = tpu.memref_squeeze %dma_wait3A_994 : memref<1x96x128xf32, #tpu.memory_space<vmem>> -> memref<96x128xf32, #tpu.memory_space<vmem>>
    tpu.wait_dma2 semaphore(%arg15 : memref<!tpu.dma_semaphore, #tpu.memory_space<semaphore_mem>>) src(%dma_wait3A_995 : memref<96x128xf32, #tpu.memory_space<vmem>>) dst(%dma_wait3A_991 : memref<96x128xf32, #tpu.memory_space<hbm>>)
    %dma_wait3A_996 = arith.constant 2 : i32
    %dma_wait3A_997 = arith.constant 128 : i32
    %dma_wait3A_998 = tpu.memref_slice %arg5[%multiple_of3A_61, %dma_wait3A_997] : memref<50000x384xf32, #tpu.memory_space<hbm>> -> memref<96x256xf32, #tpu.memory_space<hbm>>
    %dma_wait3A_999 = arith.constant 0 : i32
    %dma_wait3A_1000 = arith.constant 0 : i32
    %dma_wait3A_1001 = tpu.memref_slice %arg8[%arg1, %dma_wait3A_996, %dma_wait3A_999, %dma_wait3A_1000] : memref<16x3x96x256xf32, #tpu.memory_space<vmem_shared>> -> memref<1x1x96x256xf32, #tpu.memory_space<vmem_shared>>
    %dma_wait3A_1002 = tpu.memref_squeeze %dma_wait3A_1001 : memref<1x1x96x256xf32, #tpu.memory_space<vmem_shared>> -> memref<96x256xf32, #tpu.memory_space<vmem_shared>>
    tpu.wait_dma2 semaphore(%arg21 : memref<!tpu.dma_semaphore, #tpu.memory_space<semaphore_mem>>) src(%dma_wait3A_1002 : memref<96x256xf32, #tpu.memory_space<vmem_shared>>) dst(%dma_wait3A_998 : memref<96x256xf32, #tpu.memory_space<hbm>>)
    %dma_start3A_1003 = arith.constant 8 : i32
    %dma_start3A_1004 = arith.constant 2 : i32
    %dma_start3A_1005 = arith.constant 0 : i32
    %dma_start3A_1006 = arith.constant 0 : i32
    %dma_start3A_1007 = tpu.memref_slice %arg7[%dma_start3A_1004, %dma_start3A_1005, %dma_start3A_1006] : memref<3x96x128xf32, #tpu.memory_space<vmem>> -> memref<1x96x128xf32, #tpu.memory_space<vmem>>
    %dma_start3A_1008 = tpu.memref_squeeze %dma_start3A_1007 : memref<1x96x128xf32, #tpu.memory_space<vmem>> -> memref<96x128xf32, #tpu.memory_space<vmem>>
    %dma_start3A_1009 = arith.constant 0 : i32
    %dma_start3A_1010 = tpu.memref_slice %arg6[%dma_start3A_1003, %dma_start3A_1009] : memref<17x96xi32, #tpu.memory_space<vmem>> -> memref<1x96xi32, #tpu.memory_space<vmem>>
    %dma_start3A_1011 = tpu.memref_squeeze %dma_start3A_1010 : memref<1x96xi32, #tpu.memory_space<vmem>> -> memref<96xi32, #tpu.memory_space<vmem>>
    %dma_start3A_1012 = arith.constant 0 : i32
    %dma_start3A_1013 = arith.constant 0 : i32
    %dma_start3A_1014 = tpu.memref_slice %arg3[%dma_start3A_1012, %dma_start3A_1013] : memref<50000x128xf32, #tpu.memory_space<hbm>> -> memref<50000x128xf32, #tpu.memory_space<hbm>>
    tpu.enqueue_indirect_dma source(%dma_start3A_1014 : memref<50000x128xf32, #tpu.memory_space<hbm>>) target(%dma_start3A_1008 : memref<96x128xf32, #tpu.memory_space<vmem>>) offsets(%dma_start3A_1011 : memref<96xi32, #tpu.memory_space<vmem>>) semaphore(%arg12 : memref<!tpu.dma_semaphore, #tpu.memory_space<semaphore_mem>>)
    %dma_start3A_1015 = arith.constant 2 : i32
    %dma_start3A_1016 = arith.constant 0 : i32
    %dma_start3A_1017 = arith.constant 0 : i32
    %dma_start3A_1018 = tpu.memref_slice %arg8[%arg1, %dma_start3A_1015, %dma_start3A_1016, %dma_start3A_1017] : memref<16x3x96x256xf32, #tpu.memory_space<vmem_shared>> -> memref<1x1x96x256xf32, #tpu.memory_space<vmem_shared>>
    %dma_start3A_1019 = tpu.memref_squeeze %dma_start3A_1018 : memref<1x1x96x256xf32, #tpu.memory_space<vmem_shared>> -> memref<96x256xf32, #tpu.memory_space<vmem_shared>>
    %dma_start3A_1020 = arith.constant 0 : i32
    %dma_start3A_1021 = tpu.memref_slice %arg2[%multiple_of3A_94, %dma_start3A_1020] : memref<50000x256xf32, #tpu.memory_space<hbm>> -> memref<96x256xf32, #tpu.memory_space<hbm>>
    tpu.enqueue_dma source(%dma_start3A_1021 : memref<96x256xf32, #tpu.memory_space<hbm>>) target(%dma_start3A_1019 : memref<96x256xf32, #tpu.memory_space<vmem_shared>>) target_semaphore(%arg18 : memref<!tpu.dma_semaphore, #tpu.memory_space<semaphore_mem>>)
    %dma_wait3A_1022 = arith.constant 7 : i32
    %dma_wait3A_1023 = arith.constant 1 : i32
    %dma_wait3A_1024 = arith.constant 0 : i32
    %dma_wait3A_1025 = arith.constant 0 : i32
    %dma_wait3A_1026 = tpu.memref_slice %arg7[%dma_wait3A_1023, %dma_wait3A_1024, %dma_wait3A_1025] : memref<3x96x128xf32, #tpu.memory_space<vmem>> -> memref<1x96x128xf32, #tpu.memory_space<vmem>>
    %dma_wait3A_1027 = tpu.memref_squeeze %dma_wait3A_1026 : memref<1x96x128xf32, #tpu.memory_space<vmem>> -> memref<96x128xf32, #tpu.memory_space<vmem>>
    %dma_wait3A_1028 = arith.constant 0 : i32
    %dma_wait3A_1029 = tpu.memref_slice %arg6[%dma_wait3A_1022, %dma_wait3A_1028] : memref<17x96xi32, #tpu.memory_space<vmem>> -> memref<1x96xi32, #tpu.memory_space<vmem>>
    %dma_wait3A_1030 = tpu.memref_squeeze %dma_wait3A_1029 : memref<1x96xi32, #tpu.memory_space<vmem>> -> memref<96xi32, #tpu.memory_space<vmem>>
    %dma_wait3A_1031 = arith.constant 0 : i32
    %dma_wait3A_1032 = arith.constant 0 : i32
    %dma_wait3A_1033 = tpu.memref_slice %arg3[%dma_wait3A_1031, %dma_wait3A_1032] : memref<50000x128xf32, #tpu.memory_space<hbm>> -> memref<50000x128xf32, #tpu.memory_space<hbm>>
    tpu.wait_indirect_dma semaphore(%arg11 : memref<!tpu.dma_semaphore, #tpu.memory_space<semaphore_mem>>) src(%dma_wait3A_1033 : memref<50000x128xf32, #tpu.memory_space<hbm>>) dst(%dma_wait3A_1027 : memref<96x128xf32, #tpu.memory_space<vmem>>)
    %dma_start3A_1034 = arith.constant 1 : i32
    %dma_start3A_1035 = arith.constant 0 : i32
    %dma_start3A_1036 = arith.constant 0 : i32
    %dma_start3A_1037 = tpu.memref_slice %arg7[%dma_start3A_1034, %dma_start3A_1035, %dma_start3A_1036] : memref<3x96x128xf32, #tpu.memory_space<vmem>> -> memref<1x96x128xf32, #tpu.memory_space<vmem>>
    %dma_start3A_1038 = tpu.memref_squeeze %dma_start3A_1037 : memref<1x96x128xf32, #tpu.memory_space<vmem>> -> memref<96x128xf32, #tpu.memory_space<vmem>>
    %dma_start3A_1039 = arith.constant 0 : i32
    %dma_start3A_1040 = tpu.memref_slice %arg5[%multiple_of3A_83, %dma_start3A_1039] : memref<50000x384xf32, #tpu.memory_space<hbm>> -> memref<96x128xf32, #tpu.memory_space<hbm>>
    %dma_start3A_1041 = arith.constant 0 : i32
    %dma_start3A_1042 = tpu.memref_slice %arg5[%multiple_of3A_83, %dma_start3A_1041] : memref<50000x384xf32, #tpu.memory_space<hbm>> -> memref<96x128xf32, #tpu.memory_space<hbm>>
    %dma_start3A_1043 = arith.constant 0 : i32
    %dma_start3A_1044 = arith.constant 0 : i32
    %dma_start3A_1045 = tpu.memref_slice %arg7[%dma_start3A_1034, %dma_start3A_1043, %dma_start3A_1044] : memref<3x96x128xf32, #tpu.memory_space<vmem>> -> memref<1x96x128xf32, #tpu.memory_space<vmem>>
    %dma_start3A_1046 = tpu.memref_squeeze %dma_start3A_1045 : memref<1x96x128xf32, #tpu.memory_space<vmem>> -> memref<96x128xf32, #tpu.memory_space<vmem>>
    tpu.enqueue_dma source(%dma_start3A_1046 : memref<96x128xf32, #tpu.memory_space<vmem>>) target(%dma_start3A_1042 : memref<96x128xf32, #tpu.memory_space<hbm>>) target_semaphore(%arg14 : memref<!tpu.dma_semaphore, #tpu.memory_space<semaphore_mem>>)
    %dma_wait3A_1047 = arith.constant 1 : i32
    %dma_wait3A_1048 = arith.constant 0 : i32
    %dma_wait3A_1049 = arith.constant 0 : i32
    %dma_wait3A_1050 = tpu.memref_slice %arg8[%arg1, %dma_wait3A_1047, %dma_wait3A_1048, %dma_wait3A_1049] : memref<16x3x96x256xf32, #tpu.memory_space<vmem_shared>> -> memref<1x1x96x256xf32, #tpu.memory_space<vmem_shared>>
    %dma_wait3A_1051 = tpu.memref_squeeze %dma_wait3A_1050 : memref<1x1x96x256xf32, #tpu.memory_space<vmem_shared>> -> memref<96x256xf32, #tpu.memory_space<vmem_shared>>
    %dma_wait3A_1052 = arith.constant 0 : i32
    %dma_wait3A_1053 = tpu.memref_slice %arg2[%multiple_of3A_83, %dma_wait3A_1052] : memref<50000x256xf32, #tpu.memory_space<hbm>> -> memref<96x256xf32, #tpu.memory_space<hbm>>
    tpu.wait_dma2 semaphore(%arg17 : memref<!tpu.dma_semaphore, #tpu.memory_space<semaphore_mem>>) src(%dma_wait3A_1053 : memref<96x256xf32, #tpu.memory_space<hbm>>) dst(%dma_wait3A_1051 : memref<96x256xf32, #tpu.memory_space<vmem_shared>>)
    %dma_start3A_1054 = arith.constant 1 : i32
    %dma_start3A_1055 = arith.constant 128 : i32
    %dma_start3A_1056 = tpu.memref_slice %arg5[%multiple_of3A_83, %dma_start3A_1055] : memref<50000x384xf32, #tpu.memory_space<hbm>> -> memref<96x256xf32, #tpu.memory_space<hbm>>
    %dma_start3A_1057 = arith.constant 0 : i32
    %dma_start3A_1058 = arith.constant 0 : i32
    %dma_start3A_1059 = tpu.memref_slice %arg8[%arg1, %dma_start3A_1054, %dma_start3A_1057, %dma_start3A_1058] : memref<16x3x96x256xf32, #tpu.memory_space<vmem_shared>> -> memref<1x1x96x256xf32, #tpu.memory_space<vmem_shared>>
    %dma_start3A_1060 = tpu.memref_squeeze %dma_start3A_1059 : memref<1x1x96x256xf32, #tpu.memory_space<vmem_shared>> -> memref<96x256xf32, #tpu.memory_space<vmem_shared>>
    tpu.enqueue_dma source(%dma_start3A_1060 : memref<96x256xf32, #tpu.memory_space<vmem_shared>>) target(%dma_start3A_1056 : memref<96x256xf32, #tpu.memory_space<hbm>>) target_semaphore(%arg20 : memref<!tpu.dma_semaphore, #tpu.memory_space<semaphore_mem>>)
    %dma_wait3A_1061 = arith.constant 0 : i32
    %dma_wait3A_1062 = arith.constant 0 : i32
    %dma_wait3A_1063 = arith.constant 0 : i32
    %dma_wait3A_1064 = tpu.memref_slice %arg7[%dma_wait3A_1061, %dma_wait3A_1062, %dma_wait3A_1063] : memref<3x96x128xf32, #tpu.memory_space<vmem>> -> memref<1x96x128xf32, #tpu.memory_space<vmem>>
    %dma_wait3A_1065 = tpu.memref_squeeze %dma_wait3A_1064 : memref<1x96x128xf32, #tpu.memory_space<vmem>> -> memref<96x128xf32, #tpu.memory_space<vmem>>
    %dma_wait3A_1066 = arith.constant 0 : i32
    %dma_wait3A_1067 = tpu.memref_slice %arg5[%multiple_of3A_72, %dma_wait3A_1066] : memref<50000x384xf32, #tpu.memory_space<hbm>> -> memref<96x128xf32, #tpu.memory_space<hbm>>
    %dma_wait3A_1068 = arith.constant 0 : i32
    %dma_wait3A_1069 = tpu.memref_slice %arg5[%multiple_of3A_72, %dma_wait3A_1068] : memref<50000x384xf32, #tpu.memory_space<hbm>> -> memref<96x128xf32, #tpu.memory_space<hbm>>
    %dma_wait3A_1070 = arith.constant 0 : i32
    %dma_wait3A_1071 = arith.constant 0 : i32
    %dma_wait3A_1072 = tpu.memref_slice %arg7[%dma_wait3A_1061, %dma_wait3A_1070, %dma_wait3A_1071] : memref<3x96x128xf32, #tpu.memory_space<vmem>> -> memref<1x96x128xf32, #tpu.memory_space<vmem>>
    %dma_wait3A_1073 = tpu.memref_squeeze %dma_wait3A_1072 : memref<1x96x128xf32, #tpu.memory_space<vmem>> -> memref<96x128xf32, #tpu.memory_space<vmem>>
    tpu.wait_dma2 semaphore(%arg13 : memref<!tpu.dma_semaphore, #tpu.memory_space<semaphore_mem>>) src(%dma_wait3A_1073 : memref<96x128xf32, #tpu.memory_space<vmem>>) dst(%dma_wait3A_1069 : memref<96x128xf32, #tpu.memory_space<hbm>>)
    %dma_wait3A_1074 = arith.constant 0 : i32
    %dma_wait3A_1075 = arith.constant 128 : i32
    %dma_wait3A_1076 = tpu.memref_slice %arg5[%multiple_of3A_72, %dma_wait3A_1075] : memref<50000x384xf32, #tpu.memory_space<hbm>> -> memref<96x256xf32, #tpu.memory_space<hbm>>
    %dma_wait3A_1077 = arith.constant 0 : i32
    %dma_wait3A_1078 = arith.constant 0 : i32
    %dma_wait3A_1079 = tpu.memref_slice %arg8[%arg1, %dma_wait3A_1074, %dma_wait3A_1077, %dma_wait3A_1078] : memref<16x3x96x256xf32, #tpu.memory_space<vmem_shared>> -> memref<1x1x96x256xf32, #tpu.memory_space<vmem_shared>>
    %dma_wait3A_1080 = tpu.memref_squeeze %dma_wait3A_1079 : memref<1x1x96x256xf32, #tpu.memory_space<vmem_shared>> -> memref<96x256xf32, #tpu.memory_space<vmem_shared>>
    tpu.wait_dma2 semaphore(%arg19 : memref<!tpu.dma_semaphore, #tpu.memory_space<semaphore_mem>>) src(%dma_wait3A_1080 : memref<96x256xf32, #tpu.memory_space<vmem_shared>>) dst(%dma_wait3A_1076 : memref<96x256xf32, #tpu.memory_space<hbm>>)
    %dma_start3A_1081 = arith.constant 9 : i32
    %dma_start3A_1082 = arith.constant 0 : i32
    %dma_start3A_1083 = arith.constant 0 : i32
    %dma_start3A_1084 = arith.constant 0 : i32
    %dma_start3A_1085 = tpu.memref_slice %arg7[%dma_start3A_1082, %dma_start3A_1083, %dma_start3A_1084] : memref<3x96x128xf32, #tpu.memory_space<vmem>> -> memref<1x96x128xf32, #tpu.memory_space<vmem>>
    %dma_start3A_1086 = tpu.memref_squeeze %dma_start3A_1085 : memref<1x96x128xf32, #tpu.memory_space<vmem>> -> memref<96x128xf32, #tpu.memory_space<vmem>>
    %dma_start3A_1087 = arith.constant 0 : i32
    %dma_start3A_1088 = tpu.memref_slice %arg6[%dma_start3A_1081, %dma_start3A_1087] : memref<17x96xi32, #tpu.memory_space<vmem>> -> memref<1x96xi32, #tpu.memory_space<vmem>>
    %dma_start3A_1089 = tpu.memref_squeeze %dma_start3A_1088 : memref<1x96xi32, #tpu.memory_space<vmem>> -> memref<96xi32, #tpu.memory_space<vmem>>
    %dma_start3A_1090 = arith.constant 0 : i32
    %dma_start3A_1091 = arith.constant 0 : i32
    %dma_start3A_1092 = tpu.memref_slice %arg3[%dma_start3A_1090, %dma_start3A_1091] : memref<50000x128xf32, #tpu.memory_space<hbm>> -> memref<50000x128xf32, #tpu.memory_space<hbm>>
    tpu.enqueue_indirect_dma source(%dma_start3A_1092 : memref<50000x128xf32, #tpu.memory_space<hbm>>) target(%dma_start3A_1086 : memref<96x128xf32, #tpu.memory_space<vmem>>) offsets(%dma_start3A_1089 : memref<96xi32, #tpu.memory_space<vmem>>) semaphore(%arg10 : memref<!tpu.dma_semaphore, #tpu.memory_space<semaphore_mem>>)
    %dma_start3A_1093 = arith.constant 0 : i32
    %dma_start3A_1094 = arith.constant 0 : i32
    %dma_start3A_1095 = arith.constant 0 : i32
    %dma_start3A_1096 = tpu.memref_slice %arg8[%arg1, %dma_start3A_1093, %dma_start3A_1094, %dma_start3A_1095] : memref<16x3x96x256xf32, #tpu.memory_space<vmem_shared>> -> memref<1x1x96x256xf32, #tpu.memory_space<vmem_shared>>
    %dma_start3A_1097 = tpu.memref_squeeze %dma_start3A_1096 : memref<1x1x96x256xf32, #tpu.memory_space<vmem_shared>> -> memref<96x256xf32, #tpu.memory_space<vmem_shared>>
    %dma_start3A_1098 = arith.constant 0 : i32
    %dma_start3A_1099 = tpu.memref_slice %arg2[%multiple_of3A_105, %dma_start3A_1098] : memref<50000x256xf32, #tpu.memory_space<hbm>> -> memref<96x256xf32, #tpu.memory_space<hbm>>
    tpu.enqueue_dma source(%dma_start3A_1099 : memref<96x256xf32, #tpu.memory_space<hbm>>) target(%dma_start3A_1097 : memref<96x256xf32, #tpu.memory_space<vmem_shared>>) target_semaphore(%arg16 : memref<!tpu.dma_semaphore, #tpu.memory_space<semaphore_mem>>)
    %dma_wait3A_1100 = arith.constant 8 : i32
    %dma_wait3A_1101 = arith.constant 2 : i32
    %dma_wait3A_1102 = arith.constant 0 : i32
    %dma_wait3A_1103 = arith.constant 0 : i32
    %dma_wait3A_1104 = tpu.memref_slice %arg7[%dma_wait3A_1101, %dma_wait3A_1102, %dma_wait3A_1103] : memref<3x96x128xf32, #tpu.memory_space<vmem>> -> memref<1x96x128xf32, #tpu.memory_space<vmem>>
    %dma_wait3A_1105 = tpu.memref_squeeze %dma_wait3A_1104 : memref<1x96x128xf32, #tpu.memory_space<vmem>> -> memref<96x128xf32, #tpu.memory_space<vmem>>
    %dma_wait3A_1106 = arith.constant 0 : i32
    %dma_wait3A_1107 = tpu.memref_slice %arg6[%dma_wait3A_1100, %dma_wait3A_1106] : memref<17x96xi32, #tpu.memory_space<vmem>> -> memref<1x96xi32, #tpu.memory_space<vmem>>
    %dma_wait3A_1108 = tpu.memref_squeeze %dma_wait3A_1107 : memref<1x96xi32, #tpu.memory_space<vmem>> -> memref<96xi32, #tpu.memory_space<vmem>>
    %dma_wait3A_1109 = arith.constant 0 : i32
    %dma_wait3A_1110 = arith.constant 0 : i32
    %dma_wait3A_1111 = tpu.memref_slice %arg3[%dma_wait3A_1109, %dma_wait3A_1110] : memref<50000x128xf32, #tpu.memory_space<hbm>> -> memref<50000x128xf32, #tpu.memory_space<hbm>>
    tpu.wait_indirect_dma semaphore(%arg12 : memref<!tpu.dma_semaphore, #tpu.memory_space<semaphore_mem>>) src(%dma_wait3A_1111 : memref<50000x128xf32, #tpu.memory_space<hbm>>) dst(%dma_wait3A_1105 : memref<96x128xf32, #tpu.memory_space<vmem>>)
    %dma_start3A_1112 = arith.constant 2 : i32
    %dma_start3A_1113 = arith.constant 0 : i32
    %dma_start3A_1114 = arith.constant 0 : i32
    %dma_start3A_1115 = tpu.memref_slice %arg7[%dma_start3A_1112, %dma_start3A_1113, %dma_start3A_1114] : memref<3x96x128xf32, #tpu.memory_space<vmem>> -> memref<1x96x128xf32, #tpu.memory_space<vmem>>
    %dma_start3A_1116 = tpu.memref_squeeze %dma_start3A_1115 : memref<1x96x128xf32, #tpu.memory_space<vmem>> -> memref<96x128xf32, #tpu.memory_space<vmem>>
    %dma_start3A_1117 = arith.constant 0 : i32
    %dma_start3A_1118 = tpu.memref_slice %arg5[%multiple_of3A_94, %dma_start3A_1117] : memref<50000x384xf32, #tpu.memory_space<hbm>> -> memref<96x128xf32, #tpu.memory_space<hbm>>
    %dma_start3A_1119 = arith.constant 0 : i32
    %dma_start3A_1120 = tpu.memref_slice %arg5[%multiple_of3A_94, %dma_start3A_1119] : memref<50000x384xf32, #tpu.memory_space<hbm>> -> memref<96x128xf32, #tpu.memory_space<hbm>>
    %dma_start3A_1121 = arith.constant 0 : i32
    %dma_start3A_1122 = arith.constant 0 : i32
    %dma_start3A_1123 = tpu.memref_slice %arg7[%dma_start3A_1112, %dma_start3A_1121, %dma_start3A_1122] : memref<3x96x128xf32, #tpu.memory_space<vmem>> -> memref<1x96x128xf32, #tpu.memory_space<vmem>>
    %dma_start3A_1124 = tpu.memref_squeeze %dma_start3A_1123 : memref<1x96x128xf32, #tpu.memory_space<vmem>> -> memref<96x128xf32, #tpu.memory_space<vmem>>
    tpu.enqueue_dma source(%dma_start3A_1124 : memref<96x128xf32, #tpu.memory_space<vmem>>) target(%dma_start3A_1120 : memref<96x128xf32, #tpu.memory_space<hbm>>) target_semaphore(%arg15 : memref<!tpu.dma_semaphore, #tpu.memory_space<semaphore_mem>>)
    %dma_wait3A_1125 = arith.constant 2 : i32
    %dma_wait3A_1126 = arith.constant 0 : i32
    %dma_wait3A_1127 = arith.constant 0 : i32
    %dma_wait3A_1128 = tpu.memref_slice %arg8[%arg1, %dma_wait3A_1125, %dma_wait3A_1126, %dma_wait3A_1127] : memref<16x3x96x256xf32, #tpu.memory_space<vmem_shared>> -> memref<1x1x96x256xf32, #tpu.memory_space<vmem_shared>>
    %dma_wait3A_1129 = tpu.memref_squeeze %dma_wait3A_1128 : memref<1x1x96x256xf32, #tpu.memory_space<vmem_shared>> -> memref<96x256xf32, #tpu.memory_space<vmem_shared>>
    %dma_wait3A_1130 = arith.constant 0 : i32
    %dma_wait3A_1131 = tpu.memref_slice %arg2[%multiple_of3A_94, %dma_wait3A_1130] : memref<50000x256xf32, #tpu.memory_space<hbm>> -> memref<96x256xf32, #tpu.memory_space<hbm>>
    tpu.wait_dma2 semaphore(%arg18 : memref<!tpu.dma_semaphore, #tpu.memory_space<semaphore_mem>>) src(%dma_wait3A_1131 : memref<96x256xf32, #tpu.memory_space<hbm>>) dst(%dma_wait3A_1129 : memref<96x256xf32, #tpu.memory_space<vmem_shared>>)
    %dma_start3A_1132 = arith.constant 2 : i32
    %dma_start3A_1133 = arith.constant 128 : i32
    %dma_start3A_1134 = tpu.memref_slice %arg5[%multiple_of3A_94, %dma_start3A_1133] : memref<50000x384xf32, #tpu.memory_space<hbm>> -> memref<96x256xf32, #tpu.memory_space<hbm>>
    %dma_start3A_1135 = arith.constant 0 : i32
    %dma_start3A_1136 = arith.constant 0 : i32
    %dma_start3A_1137 = tpu.memref_slice %arg8[%arg1, %dma_start3A_1132, %dma_start3A_1135, %dma_start3A_1136] : memref<16x3x96x256xf32, #tpu.memory_space<vmem_shared>> -> memref<1x1x96x256xf32, #tpu.memory_space<vmem_shared>>
    %dma_start3A_1138 = tpu.memref_squeeze %dma_start3A_1137 : memref<1x1x96x256xf32, #tpu.memory_space<vmem_shared>> -> memref<96x256xf32, #tpu.memory_space<vmem_shared>>
    tpu.enqueue_dma source(%dma_start3A_1138 : memref<96x256xf32, #tpu.memory_space<vmem_shared>>) target(%dma_start3A_1134 : memref<96x256xf32, #tpu.memory_space<hbm>>) target_semaphore(%arg21 : memref<!tpu.dma_semaphore, #tpu.memory_space<semaphore_mem>>)
    %dma_wait3A_1139 = arith.constant 1 : i32
    %dma_wait3A_1140 = arith.constant 0 : i32
    %dma_wait3A_1141 = arith.constant 0 : i32
    %dma_wait3A_1142 = tpu.memref_slice %arg7[%dma_wait3A_1139, %dma_wait3A_1140, %dma_wait3A_1141] : memref<3x96x128xf32, #tpu.memory_space<vmem>> -> memref<1x96x128xf32, #tpu.memory_space<vmem>>
    %dma_wait3A_1143 = tpu.memref_squeeze %dma_wait3A_1142 : memref<1x96x128xf32, #tpu.memory_space<vmem>> -> memref<96x128xf32, #tpu.memory_space<vmem>>
    %dma_wait3A_1144 = arith.constant 0 : i32
    %dma_wait3A_1145 = tpu.memref_slice %arg5[%multiple_of3A_83, %dma_wait3A_1144] : memref<50000x384xf32, #tpu.memory_space<hbm>> -> memref<96x128xf32, #tpu.memory_space<hbm>>
    %dma_wait3A_1146 = arith.constant 0 : i32
    %dma_wait3A_1147 = tpu.memref_slice %arg5[%multiple_of3A_83, %dma_wait3A_1146] : memref<50000x384xf32, #tpu.memory_space<hbm>> -> memref<96x128xf32, #tpu.memory_space<hbm>>
    %dma_wait3A_1148 = arith.constant 0 : i32
    %dma_wait3A_1149 = arith.constant 0 : i32
    %dma_wait3A_1150 = tpu.memref_slice %arg7[%dma_wait3A_1139, %dma_wait3A_1148, %dma_wait3A_1149] : memref<3x96x128xf32, #tpu.memory_space<vmem>> -> memref<1x96x128xf32, #tpu.memory_space<vmem>>
    %dma_wait3A_1151 = tpu.memref_squeeze %dma_wait3A_1150 : memref<1x96x128xf32, #tpu.memory_space<vmem>> -> memref<96x128xf32, #tpu.memory_space<vmem>>
    tpu.wait_dma2 semaphore(%arg14 : memref<!tpu.dma_semaphore, #tpu.memory_space<semaphore_mem>>) src(%dma_wait3A_1151 : memref<96x128xf32, #tpu.memory_space<vmem>>) dst(%dma_wait3A_1147 : memref<96x128xf32, #tpu.memory_space<hbm>>)
    %dma_wait3A_1152 = arith.constant 1 : i32
    %dma_wait3A_1153 = arith.constant 128 : i32
    %dma_wait3A_1154 = tpu.memref_slice %arg5[%multiple_of3A_83, %dma_wait3A_1153] : memref<50000x384xf32, #tpu.memory_space<hbm>> -> memref<96x256xf32, #tpu.memory_space<hbm>>
    %dma_wait3A_1155 = arith.constant 0 : i32
    %dma_wait3A_1156 = arith.constant 0 : i32
    %dma_wait3A_1157 = tpu.memref_slice %arg8[%arg1, %dma_wait3A_1152, %dma_wait3A_1155, %dma_wait3A_1156] : memref<16x3x96x256xf32, #tpu.memory_space<vmem_shared>> -> memref<1x1x96x256xf32, #tpu.memory_space<vmem_shared>>
    %dma_wait3A_1158 = tpu.memref_squeeze %dma_wait3A_1157 : memref<1x1x96x256xf32, #tpu.memory_space<vmem_shared>> -> memref<96x256xf32, #tpu.memory_space<vmem_shared>>
    tpu.wait_dma2 semaphore(%arg20 : memref<!tpu.dma_semaphore, #tpu.memory_space<semaphore_mem>>) src(%dma_wait3A_1158 : memref<96x256xf32, #tpu.memory_space<vmem_shared>>) dst(%dma_wait3A_1154 : memref<96x256xf32, #tpu.memory_space<hbm>>)
    %dma_start3A_1159 = arith.constant 10 : i32
    %dma_start3A_1160 = arith.constant 1 : i32
    %dma_start3A_1161 = arith.constant 0 : i32
    %dma_start3A_1162 = arith.constant 0 : i32
    %dma_start3A_1163 = tpu.memref_slice %arg7[%dma_start3A_1160, %dma_start3A_1161, %dma_start3A_1162] : memref<3x96x128xf32, #tpu.memory_space<vmem>> -> memref<1x96x128xf32, #tpu.memory_space<vmem>>
    %dma_start3A_1164 = tpu.memref_squeeze %dma_start3A_1163 : memref<1x96x128xf32, #tpu.memory_space<vmem>> -> memref<96x128xf32, #tpu.memory_space<vmem>>
    %dma_start3A_1165 = arith.constant 0 : i32
    %dma_start3A_1166 = tpu.memref_slice %arg6[%dma_start3A_1159, %dma_start3A_1165] : memref<17x96xi32, #tpu.memory_space<vmem>> -> memref<1x96xi32, #tpu.memory_space<vmem>>
    %dma_start3A_1167 = tpu.memref_squeeze %dma_start3A_1166 : memref<1x96xi32, #tpu.memory_space<vmem>> -> memref<96xi32, #tpu.memory_space<vmem>>
    %dma_start3A_1168 = arith.constant 0 : i32
    %dma_start3A_1169 = arith.constant 0 : i32
    %dma_start3A_1170 = tpu.memref_slice %arg3[%dma_start3A_1168, %dma_start3A_1169] : memref<50000x128xf32, #tpu.memory_space<hbm>> -> memref<50000x128xf32, #tpu.memory_space<hbm>>
    tpu.enqueue_indirect_dma source(%dma_start3A_1170 : memref<50000x128xf32, #tpu.memory_space<hbm>>) target(%dma_start3A_1164 : memref<96x128xf32, #tpu.memory_space<vmem>>) offsets(%dma_start3A_1167 : memref<96xi32, #tpu.memory_space<vmem>>) semaphore(%arg11 : memref<!tpu.dma_semaphore, #tpu.memory_space<semaphore_mem>>)
    %dma_start3A_1171 = arith.constant 1 : i32
    %dma_start3A_1172 = arith.constant 0 : i32
    %dma_start3A_1173 = arith.constant 0 : i32
    %dma_start3A_1174 = tpu.memref_slice %arg8[%arg1, %dma_start3A_1171, %dma_start3A_1172, %dma_start3A_1173] : memref<16x3x96x256xf32, #tpu.memory_space<vmem_shared>> -> memref<1x1x96x256xf32, #tpu.memory_space<vmem_shared>>
    %dma_start3A_1175 = tpu.memref_squeeze %dma_start3A_1174 : memref<1x1x96x256xf32, #tpu.memory_space<vmem_shared>> -> memref<96x256xf32, #tpu.memory_space<vmem_shared>>
    %dma_start3A_1176 = arith.constant 0 : i32
    %dma_start3A_1177 = tpu.memref_slice %arg2[%multiple_of3A_116, %dma_start3A_1176] : memref<50000x256xf32, #tpu.memory_space<hbm>> -> memref<96x256xf32, #tpu.memory_space<hbm>>
    tpu.enqueue_dma source(%dma_start3A_1177 : memref<96x256xf32, #tpu.memory_space<hbm>>) target(%dma_start3A_1175 : memref<96x256xf32, #tpu.memory_space<vmem_shared>>) target_semaphore(%arg17 : memref<!tpu.dma_semaphore, #tpu.memory_space<semaphore_mem>>)
    %dma_wait3A_1178 = arith.constant 9 : i32
    %dma_wait3A_1179 = arith.constant 0 : i32
    %dma_wait3A_1180 = arith.constant 0 : i32
    %dma_wait3A_1181 = arith.constant 0 : i32
    %dma_wait3A_1182 = tpu.memref_slice %arg7[%dma_wait3A_1179, %dma_wait3A_1180, %dma_wait3A_1181] : memref<3x96x128xf32, #tpu.memory_space<vmem>> -> memref<1x96x128xf32, #tpu.memory_space<vmem>>
    %dma_wait3A_1183 = tpu.memref_squeeze %dma_wait3A_1182 : memref<1x96x128xf32, #tpu.memory_space<vmem>> -> memref<96x128xf32, #tpu.memory_space<vmem>>
    %dma_wait3A_1184 = arith.constant 0 : i32
    %dma_wait3A_1185 = tpu.memref_slice %arg6[%dma_wait3A_1178, %dma_wait3A_1184] : memref<17x96xi32, #tpu.memory_space<vmem>> -> memref<1x96xi32, #tpu.memory_space<vmem>>
    %dma_wait3A_1186 = tpu.memref_squeeze %dma_wait3A_1185 : memref<1x96xi32, #tpu.memory_space<vmem>> -> memref<96xi32, #tpu.memory_space<vmem>>
    %dma_wait3A_1187 = arith.constant 0 : i32
    %dma_wait3A_1188 = arith.constant 0 : i32
    %dma_wait3A_1189 = tpu.memref_slice %arg3[%dma_wait3A_1187, %dma_wait3A_1188] : memref<50000x128xf32, #tpu.memory_space<hbm>> -> memref<50000x128xf32, #tpu.memory_space<hbm>>
    tpu.wait_indirect_dma semaphore(%arg10 : memref<!tpu.dma_semaphore, #tpu.memory_space<semaphore_mem>>) src(%dma_wait3A_1189 : memref<50000x128xf32, #tpu.memory_space<hbm>>) dst(%dma_wait3A_1183 : memref<96x128xf32, #tpu.memory_space<vmem>>)
    %dma_start3A_1190 = arith.constant 0 : i32
    %dma_start3A_1191 = arith.constant 0 : i32
    %dma_start3A_1192 = arith.constant 0 : i32
    %dma_start3A_1193 = tpu.memref_slice %arg7[%dma_start3A_1190, %dma_start3A_1191, %dma_start3A_1192] : memref<3x96x128xf32, #tpu.memory_space<vmem>> -> memref<1x96x128xf32, #tpu.memory_space<vmem>>
    %dma_start3A_1194 = tpu.memref_squeeze %dma_start3A_1193 : memref<1x96x128xf32, #tpu.memory_space<vmem>> -> memref<96x128xf32, #tpu.memory_space<vmem>>
    %dma_start3A_1195 = arith.constant 0 : i32
    %dma_start3A_1196 = tpu.memref_slice %arg5[%multiple_of3A_105, %dma_start3A_1195] : memref<50000x384xf32, #tpu.memory_space<hbm>> -> memref<96x128xf32, #tpu.memory_space<hbm>>
    %dma_start3A_1197 = arith.constant 0 : i32
    %dma_start3A_1198 = tpu.memref_slice %arg5[%multiple_of3A_105, %dma_start3A_1197] : memref<50000x384xf32, #tpu.memory_space<hbm>> -> memref<96x128xf32, #tpu.memory_space<hbm>>
    %dma_start3A_1199 = arith.constant 0 : i32
    %dma_start3A_1200 = arith.constant 0 : i32
    %dma_start3A_1201 = tpu.memref_slice %arg7[%dma_start3A_1190, %dma_start3A_1199, %dma_start3A_1200] : memref<3x96x128xf32, #tpu.memory_space<vmem>> -> memref<1x96x128xf32, #tpu.memory_space<vmem>>
    %dma_start3A_1202 = tpu.memref_squeeze %dma_start3A_1201 : memref<1x96x128xf32, #tpu.memory_space<vmem>> -> memref<96x128xf32, #tpu.memory_space<vmem>>
    tpu.enqueue_dma source(%dma_start3A_1202 : memref<96x128xf32, #tpu.memory_space<vmem>>) target(%dma_start3A_1198 : memref<96x128xf32, #tpu.memory_space<hbm>>) target_semaphore(%arg13 : memref<!tpu.dma_semaphore, #tpu.memory_space<semaphore_mem>>)
    %dma_wait3A_1203 = arith.constant 0 : i32
    %dma_wait3A_1204 = arith.constant 0 : i32
    %dma_wait3A_1205 = arith.constant 0 : i32
    %dma_wait3A_1206 = tpu.memref_slice %arg8[%arg1, %dma_wait3A_1203, %dma_wait3A_1204, %dma_wait3A_1205] : memref<16x3x96x256xf32, #tpu.memory_space<vmem_shared>> -> memref<1x1x96x256xf32, #tpu.memory_space<vmem_shared>>
    %dma_wait3A_1207 = tpu.memref_squeeze %dma_wait3A_1206 : memref<1x1x96x256xf32, #tpu.memory_space<vmem_shared>> -> memref<96x256xf32, #tpu.memory_space<vmem_shared>>
    %dma_wait3A_1208 = arith.constant 0 : i32
    %dma_wait3A_1209 = tpu.memref_slice %arg2[%multiple_of3A_105, %dma_wait3A_1208] : memref<50000x256xf32, #tpu.memory_space<hbm>> -> memref<96x256xf32, #tpu.memory_space<hbm>>
    tpu.wait_dma2 semaphore(%arg16 : memref<!tpu.dma_semaphore, #tpu.memory_space<semaphore_mem>>) src(%dma_wait3A_1209 : memref<96x256xf32, #tpu.memory_space<hbm>>) dst(%dma_wait3A_1207 : memref<96x256xf32, #tpu.memory_space<vmem_shared>>)
    %dma_start3A_1210 = arith.constant 0 : i32
    %dma_start3A_1211 = arith.constant 128 : i32
    %dma_start3A_1212 = tpu.memref_slice %arg5[%multiple_of3A_105, %dma_start3A_1211] : memref<50000x384xf32, #tpu.memory_space<hbm>> -> memref<96x256xf32, #tpu.memory_space<hbm>>
    %dma_start3A_1213 = arith.constant 0 : i32
    %dma_start3A_1214 = arith.constant 0 : i32
    %dma_start3A_1215 = tpu.memref_slice %arg8[%arg1, %dma_start3A_1210, %dma_start3A_1213, %dma_start3A_1214] : memref<16x3x96x256xf32, #tpu.memory_space<vmem_shared>> -> memref<1x1x96x256xf32, #tpu.memory_space<vmem_shared>>
    %dma_start3A_1216 = tpu.memref_squeeze %dma_start3A_1215 : memref<1x1x96x256xf32, #tpu.memory_space<vmem_shared>> -> memref<96x256xf32, #tpu.memory_space<vmem_shared>>
    tpu.enqueue_dma source(%dma_start3A_1216 : memref<96x256xf32, #tpu.memory_space<vmem_shared>>) target(%dma_start3A_1212 : memref<96x256xf32, #tpu.memory_space<hbm>>) target_semaphore(%arg19 : memref<!tpu.dma_semaphore, #tpu.memory_space<semaphore_mem>>)
    %dma_wait3A_1217 = arith.constant 2 : i32
    %dma_wait3A_1218 = arith.constant 0 : i32
    %dma_wait3A_1219 = arith.constant 0 : i32
    %dma_wait3A_1220 = tpu.memref_slice %arg7[%dma_wait3A_1217, %dma_wait3A_1218, %dma_wait3A_1219] : memref<3x96x128xf32, #tpu.memory_space<vmem>> -> memref<1x96x128xf32, #tpu.memory_space<vmem>>
    %dma_wait3A_1221 = tpu.memref_squeeze %dma_wait3A_1220 : memref<1x96x128xf32, #tpu.memory_space<vmem>> -> memref<96x128xf32, #tpu.memory_space<vmem>>
    %dma_wait3A_1222 = arith.constant 0 : i32
    %dma_wait3A_1223 = tpu.memref_slice %arg5[%multiple_of3A_94, %dma_wait3A_1222] : memref<50000x384xf32, #tpu.memory_space<hbm>> -> memref<96x128xf32, #tpu.memory_space<hbm>>
    %dma_wait3A_1224 = arith.constant 0 : i32
    %dma_wait3A_1225 = tpu.memref_slice %arg5[%multiple_of3A_94, %dma_wait3A_1224] : memref<50000x384xf32, #tpu.memory_space<hbm>> -> memref<96x128xf32, #tpu.memory_space<hbm>>
    %dma_wait3A_1226 = arith.constant 0 : i32
    %dma_wait3A_1227 = arith.constant 0 : i32
    %dma_wait3A_1228 = tpu.memref_slice %arg7[%dma_wait3A_1217, %dma_wait3A_1226, %dma_wait3A_1227] : memref<3x96x128xf32, #tpu.memory_space<vmem>> -> memref<1x96x128xf32, #tpu.memory_space<vmem>>
    %dma_wait3A_1229 = tpu.memref_squeeze %dma_wait3A_1228 : memref<1x96x128xf32, #tpu.memory_space<vmem>> -> memref<96x128xf32, #tpu.memory_space<vmem>>
    tpu.wait_dma2 semaphore(%arg15 : memref<!tpu.dma_semaphore, #tpu.memory_space<semaphore_mem>>) src(%dma_wait3A_1229 : memref<96x128xf32, #tpu.memory_space<vmem>>) dst(%dma_wait3A_1225 : memref<96x128xf32, #tpu.memory_space<hbm>>)
    %dma_wait3A_1230 = arith.constant 2 : i32
    %dma_wait3A_1231 = arith.constant 128 : i32
    %dma_wait3A_1232 = tpu.memref_slice %arg5[%multiple_of3A_94, %dma_wait3A_1231] : memref<50000x384xf32, #tpu.memory_space<hbm>> -> memref<96x256xf32, #tpu.memory_space<hbm>>
    %dma_wait3A_1233 = arith.constant 0 : i32
    %dma_wait3A_1234 = arith.constant 0 : i32
    %dma_wait3A_1235 = tpu.memref_slice %arg8[%arg1, %dma_wait3A_1230, %dma_wait3A_1233, %dma_wait3A_1234] : memref<16x3x96x256xf32, #tpu.memory_space<vmem_shared>> -> memref<1x1x96x256xf32, #tpu.memory_space<vmem_shared>>
    %dma_wait3A_1236 = tpu.memref_squeeze %dma_wait3A_1235 : memref<1x1x96x256xf32, #tpu.memory_space<vmem_shared>> -> memref<96x256xf32, #tpu.memory_space<vmem_shared>>
    tpu.wait_dma2 semaphore(%arg21 : memref<!tpu.dma_semaphore, #tpu.memory_space<semaphore_mem>>) src(%dma_wait3A_1236 : memref<96x256xf32, #tpu.memory_space<vmem_shared>>) dst(%dma_wait3A_1232 : memref<96x256xf32, #tpu.memory_space<hbm>>)
    %dma_start3A_1237 = arith.constant 11 : i32
    %dma_start3A_1238 = arith.constant 2 : i32
    %dma_start3A_1239 = arith.constant 0 : i32
    %dma_start3A_1240 = arith.constant 0 : i32
    %dma_start3A_1241 = tpu.memref_slice %arg7[%dma_start3A_1238, %dma_start3A_1239, %dma_start3A_1240] : memref<3x96x128xf32, #tpu.memory_space<vmem>> -> memref<1x96x128xf32, #tpu.memory_space<vmem>>
    %dma_start3A_1242 = tpu.memref_squeeze %dma_start3A_1241 : memref<1x96x128xf32, #tpu.memory_space<vmem>> -> memref<96x128xf32, #tpu.memory_space<vmem>>
    %dma_start3A_1243 = arith.constant 0 : i32
    %dma_start3A_1244 = tpu.memref_slice %arg6[%dma_start3A_1237, %dma_start3A_1243] : memref<17x96xi32, #tpu.memory_space<vmem>> -> memref<1x96xi32, #tpu.memory_space<vmem>>
    %dma_start3A_1245 = tpu.memref_squeeze %dma_start3A_1244 : memref<1x96xi32, #tpu.memory_space<vmem>> -> memref<96xi32, #tpu.memory_space<vmem>>
    %dma_start3A_1246 = arith.constant 0 : i32
    %dma_start3A_1247 = arith.constant 0 : i32
    %dma_start3A_1248 = tpu.memref_slice %arg3[%dma_start3A_1246, %dma_start3A_1247] : memref<50000x128xf32, #tpu.memory_space<hbm>> -> memref<50000x128xf32, #tpu.memory_space<hbm>>
    tpu.enqueue_indirect_dma source(%dma_start3A_1248 : memref<50000x128xf32, #tpu.memory_space<hbm>>) target(%dma_start3A_1242 : memref<96x128xf32, #tpu.memory_space<vmem>>) offsets(%dma_start3A_1245 : memref<96xi32, #tpu.memory_space<vmem>>) semaphore(%arg12 : memref<!tpu.dma_semaphore, #tpu.memory_space<semaphore_mem>>)
    %dma_start3A_1249 = arith.constant 2 : i32
    %dma_start3A_1250 = arith.constant 0 : i32
    %dma_start3A_1251 = arith.constant 0 : i32
    %dma_start3A_1252 = tpu.memref_slice %arg8[%arg1, %dma_start3A_1249, %dma_start3A_1250, %dma_start3A_1251] : memref<16x3x96x256xf32, #tpu.memory_space<vmem_shared>> -> memref<1x1x96x256xf32, #tpu.memory_space<vmem_shared>>
    %dma_start3A_1253 = tpu.memref_squeeze %dma_start3A_1252 : memref<1x1x96x256xf32, #tpu.memory_space<vmem_shared>> -> memref<96x256xf32, #tpu.memory_space<vmem_shared>>
    %dma_start3A_1254 = arith.constant 0 : i32
    %dma_start3A_1255 = tpu.memref_slice %arg2[%multiple_of3A_127, %dma_start3A_1254] : memref<50000x256xf32, #tpu.memory_space<hbm>> -> memref<96x256xf32, #tpu.memory_space<hbm>>
    tpu.enqueue_dma source(%dma_start3A_1255 : memref<96x256xf32, #tpu.memory_space<hbm>>) target(%dma_start3A_1253 : memref<96x256xf32, #tpu.memory_space<vmem_shared>>) target_semaphore(%arg18 : memref<!tpu.dma_semaphore, #tpu.memory_space<semaphore_mem>>)
    %dma_wait3A_1256 = arith.constant 10 : i32
    %dma_wait3A_1257 = arith.constant 1 : i32
    %dma_wait3A_1258 = arith.constant 0 : i32
    %dma_wait3A_1259 = arith.constant 0 : i32
    %dma_wait3A_1260 = tpu.memref_slice %arg7[%dma_wait3A_1257, %dma_wait3A_1258, %dma_wait3A_1259] : memref<3x96x128xf32, #tpu.memory_space<vmem>> -> memref<1x96x128xf32, #tpu.memory_space<vmem>>
    %dma_wait3A_1261 = tpu.memref_squeeze %dma_wait3A_1260 : memref<1x96x128xf32, #tpu.memory_space<vmem>> -> memref<96x128xf32, #tpu.memory_space<vmem>>
    %dma_wait3A_1262 = arith.constant 0 : i32
    %dma_wait3A_1263 = tpu.memref_slice %arg6[%dma_wait3A_1256, %dma_wait3A_1262] : memref<17x96xi32, #tpu.memory_space<vmem>> -> memref<1x96xi32, #tpu.memory_space<vmem>>
    %dma_wait3A_1264 = tpu.memref_squeeze %dma_wait3A_1263 : memref<1x96xi32, #tpu.memory_space<vmem>> -> memref<96xi32, #tpu.memory_space<vmem>>
    %dma_wait3A_1265 = arith.constant 0 : i32
    %dma_wait3A_1266 = arith.constant 0 : i32
    %dma_wait3A_1267 = tpu.memref_slice %arg3[%dma_wait3A_1265, %dma_wait3A_1266] : memref<50000x128xf32, #tpu.memory_space<hbm>> -> memref<50000x128xf32, #tpu.memory_space<hbm>>
    tpu.wait_indirect_dma semaphore(%arg11 : memref<!tpu.dma_semaphore, #tpu.memory_space<semaphore_mem>>) src(%dma_wait3A_1267 : memref<50000x128xf32, #tpu.memory_space<hbm>>) dst(%dma_wait3A_1261 : memref<96x128xf32, #tpu.memory_space<vmem>>)
    %dma_start3A_1268 = arith.constant 1 : i32
    %dma_start3A_1269 = arith.constant 0 : i32
    %dma_start3A_1270 = arith.constant 0 : i32
    %dma_start3A_1271 = tpu.memref_slice %arg7[%dma_start3A_1268, %dma_start3A_1269, %dma_start3A_1270] : memref<3x96x128xf32, #tpu.memory_space<vmem>> -> memref<1x96x128xf32, #tpu.memory_space<vmem>>
    %dma_start3A_1272 = tpu.memref_squeeze %dma_start3A_1271 : memref<1x96x128xf32, #tpu.memory_space<vmem>> -> memref<96x128xf32, #tpu.memory_space<vmem>>
    %dma_start3A_1273 = arith.constant 0 : i32
    %dma_start3A_1274 = tpu.memref_slice %arg5[%multiple_of3A_116, %dma_start3A_1273] : memref<50000x384xf32, #tpu.memory_space<hbm>> -> memref<96x128xf32, #tpu.memory_space<hbm>>
    %dma_start3A_1275 = arith.constant 0 : i32
    %dma_start3A_1276 = tpu.memref_slice %arg5[%multiple_of3A_116, %dma_start3A_1275] : memref<50000x384xf32, #tpu.memory_space<hbm>> -> memref<96x128xf32, #tpu.memory_space<hbm>>
    %dma_start3A_1277 = arith.constant 0 : i32
    %dma_start3A_1278 = arith.constant 0 : i32
    %dma_start3A_1279 = tpu.memref_slice %arg7[%dma_start3A_1268, %dma_start3A_1277, %dma_start3A_1278] : memref<3x96x128xf32, #tpu.memory_space<vmem>> -> memref<1x96x128xf32, #tpu.memory_space<vmem>>
    %dma_start3A_1280 = tpu.memref_squeeze %dma_start3A_1279 : memref<1x96x128xf32, #tpu.memory_space<vmem>> -> memref<96x128xf32, #tpu.memory_space<vmem>>
    tpu.enqueue_dma source(%dma_start3A_1280 : memref<96x128xf32, #tpu.memory_space<vmem>>) target(%dma_start3A_1276 : memref<96x128xf32, #tpu.memory_space<hbm>>) target_semaphore(%arg14 : memref<!tpu.dma_semaphore, #tpu.memory_space<semaphore_mem>>)
    %dma_wait3A_1281 = arith.constant 1 : i32
    %dma_wait3A_1282 = arith.constant 0 : i32
    %dma_wait3A_1283 = arith.constant 0 : i32
    %dma_wait3A_1284 = tpu.memref_slice %arg8[%arg1, %dma_wait3A_1281, %dma_wait3A_1282, %dma_wait3A_1283] : memref<16x3x96x256xf32, #tpu.memory_space<vmem_shared>> -> memref<1x1x96x256xf32, #tpu.memory_space<vmem_shared>>
    %dma_wait3A_1285 = tpu.memref_squeeze %dma_wait3A_1284 : memref<1x1x96x256xf32, #tpu.memory_space<vmem_shared>> -> memref<96x256xf32, #tpu.memory_space<vmem_shared>>
    %dma_wait3A_1286 = arith.constant 0 : i32
    %dma_wait3A_1287 = tpu.memref_slice %arg2[%multiple_of3A_116, %dma_wait3A_1286] : memref<50000x256xf32, #tpu.memory_space<hbm>> -> memref<96x256xf32, #tpu.memory_space<hbm>>
    tpu.wait_dma2 semaphore(%arg17 : memref<!tpu.dma_semaphore, #tpu.memory_space<semaphore_mem>>) src(%dma_wait3A_1287 : memref<96x256xf32, #tpu.memory_space<hbm>>) dst(%dma_wait3A_1285 : memref<96x256xf32, #tpu.memory_space<vmem_shared>>)
    %dma_start3A_1288 = arith.constant 1 : i32
    %dma_start3A_1289 = arith.constant 128 : i32
    %dma_start3A_1290 = tpu.memref_slice %arg5[%multiple_of3A_116, %dma_start3A_1289] : memref<50000x384xf32, #tpu.memory_space<hbm>> -> memref<96x256xf32, #tpu.memory_space<hbm>>
    %dma_start3A_1291 = arith.constant 0 : i32
    %dma_start3A_1292 = arith.constant 0 : i32
    %dma_start3A_1293 = tpu.memref_slice %arg8[%arg1, %dma_start3A_1288, %dma_start3A_1291, %dma_start3A_1292] : memref<16x3x96x256xf32, #tpu.memory_space<vmem_shared>> -> memref<1x1x96x256xf32, #tpu.memory_space<vmem_shared>>
    %dma_start3A_1294 = tpu.memref_squeeze %dma_start3A_1293 : memref<1x1x96x256xf32, #tpu.memory_space<vmem_shared>> -> memref<96x256xf32, #tpu.memory_space<vmem_shared>>
    tpu.enqueue_dma source(%dma_start3A_1294 : memref<96x256xf32, #tpu.memory_space<vmem_shared>>) target(%dma_start3A_1290 : memref<96x256xf32, #tpu.memory_space<hbm>>) target_semaphore(%arg20 : memref<!tpu.dma_semaphore, #tpu.memory_space<semaphore_mem>>)
    %dma_wait3A_1295 = arith.constant 0 : i32
    %dma_wait3A_1296 = arith.constant 0 : i32
    %dma_wait3A_1297 = arith.constant 0 : i32
    %dma_wait3A_1298 = tpu.memref_slice %arg7[%dma_wait3A_1295, %dma_wait3A_1296, %dma_wait3A_1297] : memref<3x96x128xf32, #tpu.memory_space<vmem>> -> memref<1x96x128xf32, #tpu.memory_space<vmem>>
    %dma_wait3A_1299 = tpu.memref_squeeze %dma_wait3A_1298 : memref<1x96x128xf32, #tpu.memory_space<vmem>> -> memref<96x128xf32, #tpu.memory_space<vmem>>
    %dma_wait3A_1300 = arith.constant 0 : i32
    %dma_wait3A_1301 = tpu.memref_slice %arg5[%multiple_of3A_105, %dma_wait3A_1300] : memref<50000x384xf32, #tpu.memory_space<hbm>> -> memref<96x128xf32, #tpu.memory_space<hbm>>
    %dma_wait3A_1302 = arith.constant 0 : i32
    %dma_wait3A_1303 = tpu.memref_slice %arg5[%multiple_of3A_105, %dma_wait3A_1302] : memref<50000x384xf32, #tpu.memory_space<hbm>> -> memref<96x128xf32, #tpu.memory_space<hbm>>
    %dma_wait3A_1304 = arith.constant 0 : i32
    %dma_wait3A_1305 = arith.constant 0 : i32
    %dma_wait3A_1306 = tpu.memref_slice %arg7[%dma_wait3A_1295, %dma_wait3A_1304, %dma_wait3A_1305] : memref<3x96x128xf32, #tpu.memory_space<vmem>> -> memref<1x96x128xf32, #tpu.memory_space<vmem>>
    %dma_wait3A_1307 = tpu.memref_squeeze %dma_wait3A_1306 : memref<1x96x128xf32, #tpu.memory_space<vmem>> -> memref<96x128xf32, #tpu.memory_space<vmem>>
    tpu.wait_dma2 semaphore(%arg13 : memref<!tpu.dma_semaphore, #tpu.memory_space<semaphore_mem>>) src(%dma_wait3A_1307 : memref<96x128xf32, #tpu.memory_space<vmem>>) dst(%dma_wait3A_1303 : memref<96x128xf32, #tpu.memory_space<hbm>>)
    %dma_wait3A_1308 = arith.constant 0 : i32
    %dma_wait3A_1309 = arith.constant 128 : i32
    %dma_wait3A_1310 = tpu.memref_slice %arg5[%multiple_of3A_105, %dma_wait3A_1309] : memref<50000x384xf32, #tpu.memory_space<hbm>> -> memref<96x256xf32, #tpu.memory_space<hbm>>
    %dma_wait3A_1311 = arith.constant 0 : i32
    %dma_wait3A_1312 = arith.constant 0 : i32
    %dma_wait3A_1313 = tpu.memref_slice %arg8[%arg1, %dma_wait3A_1308, %dma_wait3A_1311, %dma_wait3A_1312] : memref<16x3x96x256xf32, #tpu.memory_space<vmem_shared>> -> memref<1x1x96x256xf32, #tpu.memory_space<vmem_shared>>
    %dma_wait3A_1314 = tpu.memref_squeeze %dma_wait3A_1313 : memref<1x1x96x256xf32, #tpu.memory_space<vmem_shared>> -> memref<96x256xf32, #tpu.memory_space<vmem_shared>>
    tpu.wait_dma2 semaphore(%arg19 : memref<!tpu.dma_semaphore, #tpu.memory_space<semaphore_mem>>) src(%dma_wait3A_1314 : memref<96x256xf32, #tpu.memory_space<vmem_shared>>) dst(%dma_wait3A_1310 : memref<96x256xf32, #tpu.memory_space<hbm>>)
    %dma_start3A_1315 = arith.constant 12 : i32
    %dma_start3A_1316 = arith.constant 0 : i32
    %dma_start3A_1317 = arith.constant 0 : i32
    %dma_start3A_1318 = arith.constant 0 : i32
    %dma_start3A_1319 = tpu.memref_slice %arg7[%dma_start3A_1316, %dma_start3A_1317, %dma_start3A_1318] : memref<3x96x128xf32, #tpu.memory_space<vmem>> -> memref<1x96x128xf32, #tpu.memory_space<vmem>>
    %dma_start3A_1320 = tpu.memref_squeeze %dma_start3A_1319 : memref<1x96x128xf32, #tpu.memory_space<vmem>> -> memref<96x128xf32, #tpu.memory_space<vmem>>
    %dma_start3A_1321 = arith.constant 0 : i32
    %dma_start3A_1322 = tpu.memref_slice %arg6[%dma_start3A_1315, %dma_start3A_1321] : memref<17x96xi32, #tpu.memory_space<vmem>> -> memref<1x96xi32, #tpu.memory_space<vmem>>
    %dma_start3A_1323 = tpu.memref_squeeze %dma_start3A_1322 : memref<1x96xi32, #tpu.memory_space<vmem>> -> memref<96xi32, #tpu.memory_space<vmem>>
    %dma_start3A_1324 = arith.constant 0 : i32
    %dma_start3A_1325 = arith.constant 0 : i32
    %dma_start3A_1326 = tpu.memref_slice %arg3[%dma_start3A_1324, %dma_start3A_1325] : memref<50000x128xf32, #tpu.memory_space<hbm>> -> memref<50000x128xf32, #tpu.memory_space<hbm>>
    tpu.enqueue_indirect_dma source(%dma_start3A_1326 : memref<50000x128xf32, #tpu.memory_space<hbm>>) target(%dma_start3A_1320 : memref<96x128xf32, #tpu.memory_space<vmem>>) offsets(%dma_start3A_1323 : memref<96xi32, #tpu.memory_space<vmem>>) semaphore(%arg10 : memref<!tpu.dma_semaphore, #tpu.memory_space<semaphore_mem>>)
    %dma_start3A_1327 = arith.constant 0 : i32
    %dma_start3A_1328 = arith.constant 0 : i32
    %dma_start3A_1329 = arith.constant 0 : i32
    %dma_start3A_1330 = tpu.memref_slice %arg8[%arg1, %dma_start3A_1327, %dma_start3A_1328, %dma_start3A_1329] : memref<16x3x96x256xf32, #tpu.memory_space<vmem_shared>> -> memref<1x1x96x256xf32, #tpu.memory_space<vmem_shared>>
    %dma_start3A_1331 = tpu.memref_squeeze %dma_start3A_1330 : memref<1x1x96x256xf32, #tpu.memory_space<vmem_shared>> -> memref<96x256xf32, #tpu.memory_space<vmem_shared>>
    %dma_start3A_1332 = arith.constant 0 : i32
    %dma_start3A_1333 = tpu.memref_slice %arg2[%multiple_of3A_138, %dma_start3A_1332] : memref<50000x256xf32, #tpu.memory_space<hbm>> -> memref<96x256xf32, #tpu.memory_space<hbm>>
    tpu.enqueue_dma source(%dma_start3A_1333 : memref<96x256xf32, #tpu.memory_space<hbm>>) target(%dma_start3A_1331 : memref<96x256xf32, #tpu.memory_space<vmem_shared>>) target_semaphore(%arg16 : memref<!tpu.dma_semaphore, #tpu.memory_space<semaphore_mem>>)
    %dma_wait3A_1334 = arith.constant 11 : i32
    %dma_wait3A_1335 = arith.constant 2 : i32
    %dma_wait3A_1336 = arith.constant 0 : i32
    %dma_wait3A_1337 = arith.constant 0 : i32
    %dma_wait3A_1338 = tpu.memref_slice %arg7[%dma_wait3A_1335, %dma_wait3A_1336, %dma_wait3A_1337] : memref<3x96x128xf32, #tpu.memory_space<vmem>> -> memref<1x96x128xf32, #tpu.memory_space<vmem>>
    %dma_wait3A_1339 = tpu.memref_squeeze %dma_wait3A_1338 : memref<1x96x128xf32, #tpu.memory_space<vmem>> -> memref<96x128xf32, #tpu.memory_space<vmem>>
    %dma_wait3A_1340 = arith.constant 0 : i32
    %dma_wait3A_1341 = tpu.memref_slice %arg6[%dma_wait3A_1334, %dma_wait3A_1340] : memref<17x96xi32, #tpu.memory_space<vmem>> -> memref<1x96xi32, #tpu.memory_space<vmem>>
    %dma_wait3A_1342 = tpu.memref_squeeze %dma_wait3A_1341 : memref<1x96xi32, #tpu.memory_space<vmem>> -> memref<96xi32, #tpu.memory_space<vmem>>
    %dma_wait3A_1343 = arith.constant 0 : i32
    %dma_wait3A_1344 = arith.constant 0 : i32
    %dma_wait3A_1345 = tpu.memref_slice %arg3[%dma_wait3A_1343, %dma_wait3A_1344] : memref<50000x128xf32, #tpu.memory_space<hbm>> -> memref<50000x128xf32, #tpu.memory_space<hbm>>
    tpu.wait_indirect_dma semaphore(%arg12 : memref<!tpu.dma_semaphore, #tpu.memory_space<semaphore_mem>>) src(%dma_wait3A_1345 : memref<50000x128xf32, #tpu.memory_space<hbm>>) dst(%dma_wait3A_1339 : memref<96x128xf32, #tpu.memory_space<vmem>>)
    %dma_start3A_1346 = arith.constant 2 : i32
    %dma_start3A_1347 = arith.constant 0 : i32
    %dma_start3A_1348 = arith.constant 0 : i32
    %dma_start3A_1349 = tpu.memref_slice %arg7[%dma_start3A_1346, %dma_start3A_1347, %dma_start3A_1348] : memref<3x96x128xf32, #tpu.memory_space<vmem>> -> memref<1x96x128xf32, #tpu.memory_space<vmem>>
    %dma_start3A_1350 = tpu.memref_squeeze %dma_start3A_1349 : memref<1x96x128xf32, #tpu.memory_space<vmem>> -> memref<96x128xf32, #tpu.memory_space<vmem>>
    %dma_start3A_1351 = arith.constant 0 : i32
    %dma_start3A_1352 = tpu.memref_slice %arg5[%multiple_of3A_127, %dma_start3A_1351] : memref<50000x384xf32, #tpu.memory_space<hbm>> -> memref<96x128xf32, #tpu.memory_space<hbm>>
    %dma_start3A_1353 = arith.constant 0 : i32
    %dma_start3A_1354 = tpu.memref_slice %arg5[%multiple_of3A_127, %dma_start3A_1353] : memref<50000x384xf32, #tpu.memory_space<hbm>> -> memref<96x128xf32, #tpu.memory_space<hbm>>
    %dma_start3A_1355 = arith.constant 0 : i32
    %dma_start3A_1356 = arith.constant 0 : i32
    %dma_start3A_1357 = tpu.memref_slice %arg7[%dma_start3A_1346, %dma_start3A_1355, %dma_start3A_1356] : memref<3x96x128xf32, #tpu.memory_space<vmem>> -> memref<1x96x128xf32, #tpu.memory_space<vmem>>
    %dma_start3A_1358 = tpu.memref_squeeze %dma_start3A_1357 : memref<1x96x128xf32, #tpu.memory_space<vmem>> -> memref<96x128xf32, #tpu.memory_space<vmem>>
    tpu.enqueue_dma source(%dma_start3A_1358 : memref<96x128xf32, #tpu.memory_space<vmem>>) target(%dma_start3A_1354 : memref<96x128xf32, #tpu.memory_space<hbm>>) target_semaphore(%arg15 : memref<!tpu.dma_semaphore, #tpu.memory_space<semaphore_mem>>)
    %dma_wait3A_1359 = arith.constant 2 : i32
    %dma_wait3A_1360 = arith.constant 0 : i32
    %dma_wait3A_1361 = arith.constant 0 : i32
    %dma_wait3A_1362 = tpu.memref_slice %arg8[%arg1, %dma_wait3A_1359, %dma_wait3A_1360, %dma_wait3A_1361] : memref<16x3x96x256xf32, #tpu.memory_space<vmem_shared>> -> memref<1x1x96x256xf32, #tpu.memory_space<vmem_shared>>
    %dma_wait3A_1363 = tpu.memref_squeeze %dma_wait3A_1362 : memref<1x1x96x256xf32, #tpu.memory_space<vmem_shared>> -> memref<96x256xf32, #tpu.memory_space<vmem_shared>>
    %dma_wait3A_1364 = arith.constant 0 : i32
    %dma_wait3A_1365 = tpu.memref_slice %arg2[%multiple_of3A_127, %dma_wait3A_1364] : memref<50000x256xf32, #tpu.memory_space<hbm>> -> memref<96x256xf32, #tpu.memory_space<hbm>>
    tpu.wait_dma2 semaphore(%arg18 : memref<!tpu.dma_semaphore, #tpu.memory_space<semaphore_mem>>) src(%dma_wait3A_1365 : memref<96x256xf32, #tpu.memory_space<hbm>>) dst(%dma_wait3A_1363 : memref<96x256xf32, #tpu.memory_space<vmem_shared>>)
    %dma_start3A_1366 = arith.constant 2 : i32
    %dma_start3A_1367 = arith.constant 128 : i32
    %dma_start3A_1368 = tpu.memref_slice %arg5[%multiple_of3A_127, %dma_start3A_1367] : memref<50000x384xf32, #tpu.memory_space<hbm>> -> memref<96x256xf32, #tpu.memory_space<hbm>>
    %dma_start3A_1369 = arith.constant 0 : i32
    %dma_start3A_1370 = arith.constant 0 : i32
    %dma_start3A_1371 = tpu.memref_slice %arg8[%arg1, %dma_start3A_1366, %dma_start3A_1369, %dma_start3A_1370] : memref<16x3x96x256xf32, #tpu.memory_space<vmem_shared>> -> memref<1x1x96x256xf32, #tpu.memory_space<vmem_shared>>
    %dma_start3A_1372 = tpu.memref_squeeze %dma_start3A_1371 : memref<1x1x96x256xf32, #tpu.memory_space<vmem_shared>> -> memref<96x256xf32, #tpu.memory_space<vmem_shared>>
    tpu.enqueue_dma source(%dma_start3A_1372 : memref<96x256xf32, #tpu.memory_space<vmem_shared>>) target(%dma_start3A_1368 : memref<96x256xf32, #tpu.memory_space<hbm>>) target_semaphore(%arg21 : memref<!tpu.dma_semaphore, #tpu.memory_space<semaphore_mem>>)
    %dma_wait3A_1373 = arith.constant 1 : i32
    %dma_wait3A_1374 = arith.constant 0 : i32
    %dma_wait3A_1375 = arith.constant 0 : i32
    %dma_wait3A_1376 = tpu.memref_slice %arg7[%dma_wait3A_1373, %dma_wait3A_1374, %dma_wait3A_1375] : memref<3x96x128xf32, #tpu.memory_space<vmem>> -> memref<1x96x128xf32, #tpu.memory_space<vmem>>
    %dma_wait3A_1377 = tpu.memref_squeeze %dma_wait3A_1376 : memref<1x96x128xf32, #tpu.memory_space<vmem>> -> memref<96x128xf32, #tpu.memory_space<vmem>>
    %dma_wait3A_1378 = arith.constant 0 : i32
    %dma_wait3A_1379 = tpu.memref_slice %arg5[%multiple_of3A_116, %dma_wait3A_1378] : memref<50000x384xf32, #tpu.memory_space<hbm>> -> memref<96x128xf32, #tpu.memory_space<hbm>>
    %dma_wait3A_1380 = arith.constant 0 : i32
    %dma_wait3A_1381 = tpu.memref_slice %arg5[%multiple_of3A_116, %dma_wait3A_1380] : memref<50000x384xf32, #tpu.memory_space<hbm>> -> memref<96x128xf32, #tpu.memory_space<hbm>>
    %dma_wait3A_1382 = arith.constant 0 : i32
    %dma_wait3A_1383 = arith.constant 0 : i32
    %dma_wait3A_1384 = tpu.memref_slice %arg7[%dma_wait3A_1373, %dma_wait3A_1382, %dma_wait3A_1383] : memref<3x96x128xf32, #tpu.memory_space<vmem>> -> memref<1x96x128xf32, #tpu.memory_space<vmem>>
    %dma_wait3A_1385 = tpu.memref_squeeze %dma_wait3A_1384 : memref<1x96x128xf32, #tpu.memory_space<vmem>> -> memref<96x128xf32, #tpu.memory_space<vmem>>
    tpu.wait_dma2 semaphore(%arg14 : memref<!tpu.dma_semaphore, #tpu.memory_space<semaphore_mem>>) src(%dma_wait3A_1385 : memref<96x128xf32, #tpu.memory_space<vmem>>) dst(%dma_wait3A_1381 : memref<96x128xf32, #tpu.memory_space<hbm>>)
    %dma_wait3A_1386 = arith.constant 1 : i32
    %dma_wait3A_1387 = arith.constant 128 : i32
    %dma_wait3A_1388 = tpu.memref_slice %arg5[%multiple_of3A_116, %dma_wait3A_1387] : memref<50000x384xf32, #tpu.memory_space<hbm>> -> memref<96x256xf32, #tpu.memory_space<hbm>>
    %dma_wait3A_1389 = arith.constant 0 : i32
    %dma_wait3A_1390 = arith.constant 0 : i32
    %dma_wait3A_1391 = tpu.memref_slice %arg8[%arg1, %dma_wait3A_1386, %dma_wait3A_1389, %dma_wait3A_1390] : memref<16x3x96x256xf32, #tpu.memory_space<vmem_shared>> -> memref<1x1x96x256xf32, #tpu.memory_space<vmem_shared>>
    %dma_wait3A_1392 = tpu.memref_squeeze %dma_wait3A_1391 : memref<1x1x96x256xf32, #tpu.memory_space<vmem_shared>> -> memref<96x256xf32, #tpu.memory_space<vmem_shared>>
    tpu.wait_dma2 semaphore(%arg20 : memref<!tpu.dma_semaphore, #tpu.memory_space<semaphore_mem>>) src(%dma_wait3A_1392 : memref<96x256xf32, #tpu.memory_space<vmem_shared>>) dst(%dma_wait3A_1388 : memref<96x256xf32, #tpu.memory_space<hbm>>)
    %dma_start3A_1393 = arith.constant 13 : i32
    %dma_start3A_1394 = arith.constant 1 : i32
    %dma_start3A_1395 = arith.constant 0 : i32
    %dma_start3A_1396 = arith.constant 0 : i32
    %dma_start3A_1397 = tpu.memref_slice %arg7[%dma_start3A_1394, %dma_start3A_1395, %dma_start3A_1396] : memref<3x96x128xf32, #tpu.memory_space<vmem>> -> memref<1x96x128xf32, #tpu.memory_space<vmem>>
    %dma_start3A_1398 = tpu.memref_squeeze %dma_start3A_1397 : memref<1x96x128xf32, #tpu.memory_space<vmem>> -> memref<96x128xf32, #tpu.memory_space<vmem>>
    %dma_start3A_1399 = arith.constant 0 : i32
    %dma_start3A_1400 = tpu.memref_slice %arg6[%dma_start3A_1393, %dma_start3A_1399] : memref<17x96xi32, #tpu.memory_space<vmem>> -> memref<1x96xi32, #tpu.memory_space<vmem>>
    %dma_start3A_1401 = tpu.memref_squeeze %dma_start3A_1400 : memref<1x96xi32, #tpu.memory_space<vmem>> -> memref<96xi32, #tpu.memory_space<vmem>>
    %dma_start3A_1402 = arith.constant 0 : i32
    %dma_start3A_1403 = arith.constant 0 : i32
    %dma_start3A_1404 = tpu.memref_slice %arg3[%dma_start3A_1402, %dma_start3A_1403] : memref<50000x128xf32, #tpu.memory_space<hbm>> -> memref<50000x128xf32, #tpu.memory_space<hbm>>
    tpu.enqueue_indirect_dma source(%dma_start3A_1404 : memref<50000x128xf32, #tpu.memory_space<hbm>>) target(%dma_start3A_1398 : memref<96x128xf32, #tpu.memory_space<vmem>>) offsets(%dma_start3A_1401 : memref<96xi32, #tpu.memory_space<vmem>>) semaphore(%arg11 : memref<!tpu.dma_semaphore, #tpu.memory_space<semaphore_mem>>)
    %dma_start3A_1405 = arith.constant 1 : i32
    %dma_start3A_1406 = arith.constant 0 : i32
    %dma_start3A_1407 = arith.constant 0 : i32
    %dma_start3A_1408 = tpu.memref_slice %arg8[%arg1, %dma_start3A_1405, %dma_start3A_1406, %dma_start3A_1407] : memref<16x3x96x256xf32, #tpu.memory_space<vmem_shared>> -> memref<1x1x96x256xf32, #tpu.memory_space<vmem_shared>>
    %dma_start3A_1409 = tpu.memref_squeeze %dma_start3A_1408 : memref<1x1x96x256xf32, #tpu.memory_space<vmem_shared>> -> memref<96x256xf32, #tpu.memory_space<vmem_shared>>
    %dma_start3A_1410 = arith.constant 0 : i32
    %dma_start3A_1411 = tpu.memref_slice %arg2[%multiple_of3A_149, %dma_start3A_1410] : memref<50000x256xf32, #tpu.memory_space<hbm>> -> memref<96x256xf32, #tpu.memory_space<hbm>>
    tpu.enqueue_dma source(%dma_start3A_1411 : memref<96x256xf32, #tpu.memory_space<hbm>>) target(%dma_start3A_1409 : memref<96x256xf32, #tpu.memory_space<vmem_shared>>) target_semaphore(%arg17 : memref<!tpu.dma_semaphore, #tpu.memory_space<semaphore_mem>>)
    %dma_wait3A_1412 = arith.constant 12 : i32
    %dma_wait3A_1413 = arith.constant 0 : i32
    %dma_wait3A_1414 = arith.constant 0 : i32
    %dma_wait3A_1415 = arith.constant 0 : i32
    %dma_wait3A_1416 = tpu.memref_slice %arg7[%dma_wait3A_1413, %dma_wait3A_1414, %dma_wait3A_1415] : memref<3x96x128xf32, #tpu.memory_space<vmem>> -> memref<1x96x128xf32, #tpu.memory_space<vmem>>
    %dma_wait3A_1417 = tpu.memref_squeeze %dma_wait3A_1416 : memref<1x96x128xf32, #tpu.memory_space<vmem>> -> memref<96x128xf32, #tpu.memory_space<vmem>>
    %dma_wait3A_1418 = arith.constant 0 : i32
    %dma_wait3A_1419 = tpu.memref_slice %arg6[%dma_wait3A_1412, %dma_wait3A_1418] : memref<17x96xi32, #tpu.memory_space<vmem>> -> memref<1x96xi32, #tpu.memory_space<vmem>>
    %dma_wait3A_1420 = tpu.memref_squeeze %dma_wait3A_1419 : memref<1x96xi32, #tpu.memory_space<vmem>> -> memref<96xi32, #tpu.memory_space<vmem>>
    %dma_wait3A_1421 = arith.constant 0 : i32
    %dma_wait3A_1422 = arith.constant 0 : i32
    %dma_wait3A_1423 = tpu.memref_slice %arg3[%dma_wait3A_1421, %dma_wait3A_1422] : memref<50000x128xf32, #tpu.memory_space<hbm>> -> memref<50000x128xf32, #tpu.memory_space<hbm>>
    tpu.wait_indirect_dma semaphore(%arg10 : memref<!tpu.dma_semaphore, #tpu.memory_space<semaphore_mem>>) src(%dma_wait3A_1423 : memref<50000x128xf32, #tpu.memory_space<hbm>>) dst(%dma_wait3A_1417 : memref<96x128xf32, #tpu.memory_space<vmem>>)
    %dma_start3A_1424 = arith.constant 0 : i32
    %dma_start3A_1425 = arith.constant 0 : i32
    %dma_start3A_1426 = arith.constant 0 : i32
    %dma_start3A_1427 = tpu.memref_slice %arg7[%dma_start3A_1424, %dma_start3A_1425, %dma_start3A_1426] : memref<3x96x128xf32, #tpu.memory_space<vmem>> -> memref<1x96x128xf32, #tpu.memory_space<vmem>>
    %dma_start3A_1428 = tpu.memref_squeeze %dma_start3A_1427 : memref<1x96x128xf32, #tpu.memory_space<vmem>> -> memref<96x128xf32, #tpu.memory_space<vmem>>
    %dma_start3A_1429 = arith.constant 0 : i32
    %dma_start3A_1430 = tpu.memref_slice %arg5[%multiple_of3A_138, %dma_start3A_1429] : memref<50000x384xf32, #tpu.memory_space<hbm>> -> memref<96x128xf32, #tpu.memory_space<hbm>>
    %dma_start3A_1431 = arith.constant 0 : i32
    %dma_start3A_1432 = tpu.memref_slice %arg5[%multiple_of3A_138, %dma_start3A_1431] : memref<50000x384xf32, #tpu.memory_space<hbm>> -> memref<96x128xf32, #tpu.memory_space<hbm>>
    %dma_start3A_1433 = arith.constant 0 : i32
    %dma_start3A_1434 = arith.constant 0 : i32
    %dma_start3A_1435 = tpu.memref_slice %arg7[%dma_start3A_1424, %dma_start3A_1433, %dma_start3A_1434] : memref<3x96x128xf32, #tpu.memory_space<vmem>> -> memref<1x96x128xf32, #tpu.memory_space<vmem>>
    %dma_start3A_1436 = tpu.memref_squeeze %dma_start3A_1435 : memref<1x96x128xf32, #tpu.memory_space<vmem>> -> memref<96x128xf32, #tpu.memory_space<vmem>>
    tpu.enqueue_dma source(%dma_start3A_1436 : memref<96x128xf32, #tpu.memory_space<vmem>>) target(%dma_start3A_1432 : memref<96x128xf32, #tpu.memory_space<hbm>>) target_semaphore(%arg13 : memref<!tpu.dma_semaphore, #tpu.memory_space<semaphore_mem>>)
    %dma_wait3A_1437 = arith.constant 0 : i32
    %dma_wait3A_1438 = arith.constant 0 : i32
    %dma_wait3A_1439 = arith.constant 0 : i32
    %dma_wait3A_1440 = tpu.memref_slice %arg8[%arg1, %dma_wait3A_1437, %dma_wait3A_1438, %dma_wait3A_1439] : memref<16x3x96x256xf32, #tpu.memory_space<vmem_shared>> -> memref<1x1x96x256xf32, #tpu.memory_space<vmem_shared>>
    %dma_wait3A_1441 = tpu.memref_squeeze %dma_wait3A_1440 : memref<1x1x96x256xf32, #tpu.memory_space<vmem_shared>> -> memref<96x256xf32, #tpu.memory_space<vmem_shared>>
    %dma_wait3A_1442 = arith.constant 0 : i32
    %dma_wait3A_1443 = tpu.memref_slice %arg2[%multiple_of3A_138, %dma_wait3A_1442] : memref<50000x256xf32, #tpu.memory_space<hbm>> -> memref<96x256xf32, #tpu.memory_space<hbm>>
    tpu.wait_dma2 semaphore(%arg16 : memref<!tpu.dma_semaphore, #tpu.memory_space<semaphore_mem>>) src(%dma_wait3A_1443 : memref<96x256xf32, #tpu.memory_space<hbm>>) dst(%dma_wait3A_1441 : memref<96x256xf32, #tpu.memory_space<vmem_shared>>)
    %dma_start3A_1444 = arith.constant 0 : i32
    %dma_start3A_1445 = arith.constant 128 : i32
    %dma_start3A_1446 = tpu.memref_slice %arg5[%multiple_of3A_138, %dma_start3A_1445] : memref<50000x384xf32, #tpu.memory_space<hbm>> -> memref<96x256xf32, #tpu.memory_space<hbm>>
    %dma_start3A_1447 = arith.constant 0 : i32
    %dma_start3A_1448 = arith.constant 0 : i32
    %dma_start3A_1449 = tpu.memref_slice %arg8[%arg1, %dma_start3A_1444, %dma_start3A_1447, %dma_start3A_1448] : memref<16x3x96x256xf32, #tpu.memory_space<vmem_shared>> -> memref<1x1x96x256xf32, #tpu.memory_space<vmem_shared>>
    %dma_start3A_1450 = tpu.memref_squeeze %dma_start3A_1449 : memref<1x1x96x256xf32, #tpu.memory_space<vmem_shared>> -> memref<96x256xf32, #tpu.memory_space<vmem_shared>>
    tpu.enqueue_dma source(%dma_start3A_1450 : memref<96x256xf32, #tpu.memory_space<vmem_shared>>) target(%dma_start3A_1446 : memref<96x256xf32, #tpu.memory_space<hbm>>) target_semaphore(%arg19 : memref<!tpu.dma_semaphore, #tpu.memory_space<semaphore_mem>>)
    %dma_wait3A_1451 = arith.constant 2 : i32
    %dma_wait3A_1452 = arith.constant 0 : i32
    %dma_wait3A_1453 = arith.constant 0 : i32
    %dma_wait3A_1454 = tpu.memref_slice %arg7[%dma_wait3A_1451, %dma_wait3A_1452, %dma_wait3A_1453] : memref<3x96x128xf32, #tpu.memory_space<vmem>> -> memref<1x96x128xf32, #tpu.memory_space<vmem>>
    %dma_wait3A_1455 = tpu.memref_squeeze %dma_wait3A_1454 : memref<1x96x128xf32, #tpu.memory_space<vmem>> -> memref<96x128xf32, #tpu.memory_space<vmem>>
    %dma_wait3A_1456 = arith.constant 0 : i32
    %dma_wait3A_1457 = tpu.memref_slice %arg5[%multiple_of3A_127, %dma_wait3A_1456] : memref<50000x384xf32, #tpu.memory_space<hbm>> -> memref<96x128xf32, #tpu.memory_space<hbm>>
    %dma_wait3A_1458 = arith.constant 0 : i32
    %dma_wait3A_1459 = tpu.memref_slice %arg5[%multiple_of3A_127, %dma_wait3A_1458] : memref<50000x384xf32, #tpu.memory_space<hbm>> -> memref<96x128xf32, #tpu.memory_space<hbm>>
    %dma_wait3A_1460 = arith.constant 0 : i32
    %dma_wait3A_1461 = arith.constant 0 : i32
    %dma_wait3A_1462 = tpu.memref_slice %arg7[%dma_wait3A_1451, %dma_wait3A_1460, %dma_wait3A_1461] : memref<3x96x128xf32, #tpu.memory_space<vmem>> -> memref<1x96x128xf32, #tpu.memory_space<vmem>>
    %dma_wait3A_1463 = tpu.memref_squeeze %dma_wait3A_1462 : memref<1x96x128xf32, #tpu.memory_space<vmem>> -> memref<96x128xf32, #tpu.memory_space<vmem>>
    tpu.wait_dma2 semaphore(%arg15 : memref<!tpu.dma_semaphore, #tpu.memory_space<semaphore_mem>>) src(%dma_wait3A_1463 : memref<96x128xf32, #tpu.memory_space<vmem>>) dst(%dma_wait3A_1459 : memref<96x128xf32, #tpu.memory_space<hbm>>)
    %dma_wait3A_1464 = arith.constant 2 : i32
    %dma_wait3A_1465 = arith.constant 128 : i32
    %dma_wait3A_1466 = tpu.memref_slice %arg5[%multiple_of3A_127, %dma_wait3A_1465] : memref<50000x384xf32, #tpu.memory_space<hbm>> -> memref<96x256xf32, #tpu.memory_space<hbm>>
    %dma_wait3A_1467 = arith.constant 0 : i32
    %dma_wait3A_1468 = arith.constant 0 : i32
    %dma_wait3A_1469 = tpu.memref_slice %arg8[%arg1, %dma_wait3A_1464, %dma_wait3A_1467, %dma_wait3A_1468] : memref<16x3x96x256xf32, #tpu.memory_space<vmem_shared>> -> memref<1x1x96x256xf32, #tpu.memory_space<vmem_shared>>
    %dma_wait3A_1470 = tpu.memref_squeeze %dma_wait3A_1469 : memref<1x1x96x256xf32, #tpu.memory_space<vmem_shared>> -> memref<96x256xf32, #tpu.memory_space<vmem_shared>>
    tpu.wait_dma2 semaphore(%arg21 : memref<!tpu.dma_semaphore, #tpu.memory_space<semaphore_mem>>) src(%dma_wait3A_1470 : memref<96x256xf32, #tpu.memory_space<vmem_shared>>) dst(%dma_wait3A_1466 : memref<96x256xf32, #tpu.memory_space<hbm>>)
    %dma_start3A_1471 = arith.constant 14 : i32
    %dma_start3A_1472 = arith.constant 2 : i32
    %dma_start3A_1473 = arith.constant 0 : i32
    %dma_start3A_1474 = arith.constant 0 : i32
    %dma_start3A_1475 = tpu.memref_slice %arg7[%dma_start3A_1472, %dma_start3A_1473, %dma_start3A_1474] : memref<3x96x128xf32, #tpu.memory_space<vmem>> -> memref<1x96x128xf32, #tpu.memory_space<vmem>>
    %dma_start3A_1476 = tpu.memref_squeeze %dma_start3A_1475 : memref<1x96x128xf32, #tpu.memory_space<vmem>> -> memref<96x128xf32, #tpu.memory_space<vmem>>
    %dma_start3A_1477 = arith.constant 0 : i32
    %dma_start3A_1478 = tpu.memref_slice %arg6[%dma_start3A_1471, %dma_start3A_1477] : memref<17x96xi32, #tpu.memory_space<vmem>> -> memref<1x96xi32, #tpu.memory_space<vmem>>
    %dma_start3A_1479 = tpu.memref_squeeze %dma_start3A_1478 : memref<1x96xi32, #tpu.memory_space<vmem>> -> memref<96xi32, #tpu.memory_space<vmem>>
    %dma_start3A_1480 = arith.constant 0 : i32
    %dma_start3A_1481 = arith.constant 0 : i32
    %dma_start3A_1482 = tpu.memref_slice %arg3[%dma_start3A_1480, %dma_start3A_1481] : memref<50000x128xf32, #tpu.memory_space<hbm>> -> memref<50000x128xf32, #tpu.memory_space<hbm>>
    tpu.enqueue_indirect_dma source(%dma_start3A_1482 : memref<50000x128xf32, #tpu.memory_space<hbm>>) target(%dma_start3A_1476 : memref<96x128xf32, #tpu.memory_space<vmem>>) offsets(%dma_start3A_1479 : memref<96xi32, #tpu.memory_space<vmem>>) semaphore(%arg12 : memref<!tpu.dma_semaphore, #tpu.memory_space<semaphore_mem>>)
    %dma_start3A_1483 = arith.constant 2 : i32
    %dma_start3A_1484 = arith.constant 0 : i32
    %dma_start3A_1485 = arith.constant 0 : i32
    %dma_start3A_1486 = tpu.memref_slice %arg8[%arg1, %dma_start3A_1483, %dma_start3A_1484, %dma_start3A_1485] : memref<16x3x96x256xf32, #tpu.memory_space<vmem_shared>> -> memref<1x1x96x256xf32, #tpu.memory_space<vmem_shared>>
    %dma_start3A_1487 = tpu.memref_squeeze %dma_start3A_1486 : memref<1x1x96x256xf32, #tpu.memory_space<vmem_shared>> -> memref<96x256xf32, #tpu.memory_space<vmem_shared>>
    %dma_start3A_1488 = arith.constant 0 : i32
    %dma_start3A_1489 = tpu.memref_slice %arg2[%multiple_of3A_160, %dma_start3A_1488] : memref<50000x256xf32, #tpu.memory_space<hbm>> -> memref<96x256xf32, #tpu.memory_space<hbm>>
    tpu.enqueue_dma source(%dma_start3A_1489 : memref<96x256xf32, #tpu.memory_space<hbm>>) target(%dma_start3A_1487 : memref<96x256xf32, #tpu.memory_space<vmem_shared>>) target_semaphore(%arg18 : memref<!tpu.dma_semaphore, #tpu.memory_space<semaphore_mem>>)
    %dma_wait3A_1490 = arith.constant 13 : i32
    %dma_wait3A_1491 = arith.constant 1 : i32
    %dma_wait3A_1492 = arith.constant 0 : i32
    %dma_wait3A_1493 = arith.constant 0 : i32
    %dma_wait3A_1494 = tpu.memref_slice %arg7[%dma_wait3A_1491, %dma_wait3A_1492, %dma_wait3A_1493] : memref<3x96x128xf32, #tpu.memory_space<vmem>> -> memref<1x96x128xf32, #tpu.memory_space<vmem>>
    %dma_wait3A_1495 = tpu.memref_squeeze %dma_wait3A_1494 : memref<1x96x128xf32, #tpu.memory_space<vmem>> -> memref<96x128xf32, #tpu.memory_space<vmem>>
    %dma_wait3A_1496 = arith.constant 0 : i32
    %dma_wait3A_1497 = tpu.memref_slice %arg6[%dma_wait3A_1490, %dma_wait3A_1496] : memref<17x96xi32, #tpu.memory_space<vmem>> -> memref<1x96xi32, #tpu.memory_space<vmem>>
    %dma_wait3A_1498 = tpu.memref_squeeze %dma_wait3A_1497 : memref<1x96xi32, #tpu.memory_space<vmem>> -> memref<96xi32, #tpu.memory_space<vmem>>
    %dma_wait3A_1499 = arith.constant 0 : i32
    %dma_wait3A_1500 = arith.constant 0 : i32
    %dma_wait3A_1501 = tpu.memref_slice %arg3[%dma_wait3A_1499, %dma_wait3A_1500] : memref<50000x128xf32, #tpu.memory_space<hbm>> -> memref<50000x128xf32, #tpu.memory_space<hbm>>
    tpu.wait_indirect_dma semaphore(%arg11 : memref<!tpu.dma_semaphore, #tpu.memory_space<semaphore_mem>>) src(%dma_wait3A_1501 : memref<50000x128xf32, #tpu.memory_space<hbm>>) dst(%dma_wait3A_1495 : memref<96x128xf32, #tpu.memory_space<vmem>>)
    %dma_start3A_1502 = arith.constant 1 : i32
    %dma_start3A_1503 = arith.constant 0 : i32
    %dma_start3A_1504 = arith.constant 0 : i32
    %dma_start3A_1505 = tpu.memref_slice %arg7[%dma_start3A_1502, %dma_start3A_1503, %dma_start3A_1504] : memref<3x96x128xf32, #tpu.memory_space<vmem>> -> memref<1x96x128xf32, #tpu.memory_space<vmem>>
    %dma_start3A_1506 = tpu.memref_squeeze %dma_start3A_1505 : memref<1x96x128xf32, #tpu.memory_space<vmem>> -> memref<96x128xf32, #tpu.memory_space<vmem>>
    %dma_start3A_1507 = arith.constant 0 : i32
    %dma_start3A_1508 = tpu.memref_slice %arg5[%multiple_of3A_149, %dma_start3A_1507] : memref<50000x384xf32, #tpu.memory_space<hbm>> -> memref<96x128xf32, #tpu.memory_space<hbm>>
    %dma_start3A_1509 = arith.constant 0 : i32
    %dma_start3A_1510 = tpu.memref_slice %arg5[%multiple_of3A_149, %dma_start3A_1509] : memref<50000x384xf32, #tpu.memory_space<hbm>> -> memref<96x128xf32, #tpu.memory_space<hbm>>
    %dma_start3A_1511 = arith.constant 0 : i32
    %dma_start3A_1512 = arith.constant 0 : i32
    %dma_start3A_1513 = tpu.memref_slice %arg7[%dma_start3A_1502, %dma_start3A_1511, %dma_start3A_1512] : memref<3x96x128xf32, #tpu.memory_space<vmem>> -> memref<1x96x128xf32, #tpu.memory_space<vmem>>
    %dma_start3A_1514 = tpu.memref_squeeze %dma_start3A_1513 : memref<1x96x128xf32, #tpu.memory_space<vmem>> -> memref<96x128xf32, #tpu.memory_space<vmem>>
    tpu.enqueue_dma source(%dma_start3A_1514 : memref<96x128xf32, #tpu.memory_space<vmem>>) target(%dma_start3A_1510 : memref<96x128xf32, #tpu.memory_space<hbm>>) target_semaphore(%arg14 : memref<!tpu.dma_semaphore, #tpu.memory_space<semaphore_mem>>)
    %dma_wait3A_1515 = arith.constant 1 : i32
    %dma_wait3A_1516 = arith.constant 0 : i32
    %dma_wait3A_1517 = arith.constant 0 : i32
    %dma_wait3A_1518 = tpu.memref_slice %arg8[%arg1, %dma_wait3A_1515, %dma_wait3A_1516, %dma_wait3A_1517] : memref<16x3x96x256xf32, #tpu.memory_space<vmem_shared>> -> memref<1x1x96x256xf32, #tpu.memory_space<vmem_shared>>
    %dma_wait3A_1519 = tpu.memref_squeeze %dma_wait3A_1518 : memref<1x1x96x256xf32, #tpu.memory_space<vmem_shared>> -> memref<96x256xf32, #tpu.memory_space<vmem_shared>>
    %dma_wait3A_1520 = arith.constant 0 : i32
    %dma_wait3A_1521 = tpu.memref_slice %arg2[%multiple_of3A_149, %dma_wait3A_1520] : memref<50000x256xf32, #tpu.memory_space<hbm>> -> memref<96x256xf32, #tpu.memory_space<hbm>>
    tpu.wait_dma2 semaphore(%arg17 : memref<!tpu.dma_semaphore, #tpu.memory_space<semaphore_mem>>) src(%dma_wait3A_1521 : memref<96x256xf32, #tpu.memory_space<hbm>>) dst(%dma_wait3A_1519 : memref<96x256xf32, #tpu.memory_space<vmem_shared>>)
    %dma_start3A_1522 = arith.constant 1 : i32
    %dma_start3A_1523 = arith.constant 128 : i32
    %dma_start3A_1524 = tpu.memref_slice %arg5[%multiple_of3A_149, %dma_start3A_1523] : memref<50000x384xf32, #tpu.memory_space<hbm>> -> memref<96x256xf32, #tpu.memory_space<hbm>>
    %dma_start3A_1525 = arith.constant 0 : i32
    %dma_start3A_1526 = arith.constant 0 : i32
    %dma_start3A_1527 = tpu.memref_slice %arg8[%arg1, %dma_start3A_1522, %dma_start3A_1525, %dma_start3A_1526] : memref<16x3x96x256xf32, #tpu.memory_space<vmem_shared>> -> memref<1x1x96x256xf32, #tpu.memory_space<vmem_shared>>
    %dma_start3A_1528 = tpu.memref_squeeze %dma_start3A_1527 : memref<1x1x96x256xf32, #tpu.memory_space<vmem_shared>> -> memref<96x256xf32, #tpu.memory_space<vmem_shared>>
    tpu.enqueue_dma source(%dma_start3A_1528 : memref<96x256xf32, #tpu.memory_space<vmem_shared>>) target(%dma_start3A_1524 : memref<96x256xf32, #tpu.memory_space<hbm>>) target_semaphore(%arg20 : memref<!tpu.dma_semaphore, #tpu.memory_space<semaphore_mem>>)
    %dma_wait3A_1529 = arith.constant 0 : i32
    %dma_wait3A_1530 = arith.constant 0 : i32
    %dma_wait3A_1531 = arith.constant 0 : i32
    %dma_wait3A_1532 = tpu.memref_slice %arg7[%dma_wait3A_1529, %dma_wait3A_1530, %dma_wait3A_1531] : memref<3x96x128xf32, #tpu.memory_space<vmem>> -> memref<1x96x128xf32, #tpu.memory_space<vmem>>
    %dma_wait3A_1533 = tpu.memref_squeeze %dma_wait3A_1532 : memref<1x96x128xf32, #tpu.memory_space<vmem>> -> memref<96x128xf32, #tpu.memory_space<vmem>>
    %dma_wait3A_1534 = arith.constant 0 : i32
    %dma_wait3A_1535 = tpu.memref_slice %arg5[%multiple_of3A_138, %dma_wait3A_1534] : memref<50000x384xf32, #tpu.memory_space<hbm>> -> memref<96x128xf32, #tpu.memory_space<hbm>>
    %dma_wait3A_1536 = arith.constant 0 : i32
    %dma_wait3A_1537 = tpu.memref_slice %arg5[%multiple_of3A_138, %dma_wait3A_1536] : memref<50000x384xf32, #tpu.memory_space<hbm>> -> memref<96x128xf32, #tpu.memory_space<hbm>>
    %dma_wait3A_1538 = arith.constant 0 : i32
    %dma_wait3A_1539 = arith.constant 0 : i32
    %dma_wait3A_1540 = tpu.memref_slice %arg7[%dma_wait3A_1529, %dma_wait3A_1538, %dma_wait3A_1539] : memref<3x96x128xf32, #tpu.memory_space<vmem>> -> memref<1x96x128xf32, #tpu.memory_space<vmem>>
    %dma_wait3A_1541 = tpu.memref_squeeze %dma_wait3A_1540 : memref<1x96x128xf32, #tpu.memory_space<vmem>> -> memref<96x128xf32, #tpu.memory_space<vmem>>
    tpu.wait_dma2 semaphore(%arg13 : memref<!tpu.dma_semaphore, #tpu.memory_space<semaphore_mem>>) src(%dma_wait3A_1541 : memref<96x128xf32, #tpu.memory_space<vmem>>) dst(%dma_wait3A_1537 : memref<96x128xf32, #tpu.memory_space<hbm>>)
    %dma_wait3A_1542 = arith.constant 0 : i32
    %dma_wait3A_1543 = arith.constant 128 : i32
    %dma_wait3A_1544 = tpu.memref_slice %arg5[%multiple_of3A_138, %dma_wait3A_1543] : memref<50000x384xf32, #tpu.memory_space<hbm>> -> memref<96x256xf32, #tpu.memory_space<hbm>>
    %dma_wait3A_1545 = arith.constant 0 : i32
    %dma_wait3A_1546 = arith.constant 0 : i32
    %dma_wait3A_1547 = tpu.memref_slice %arg8[%arg1, %dma_wait3A_1542, %dma_wait3A_1545, %dma_wait3A_1546] : memref<16x3x96x256xf32, #tpu.memory_space<vmem_shared>> -> memref<1x1x96x256xf32, #tpu.memory_space<vmem_shared>>
    %dma_wait3A_1548 = tpu.memref_squeeze %dma_wait3A_1547 : memref<1x1x96x256xf32, #tpu.memory_space<vmem_shared>> -> memref<96x256xf32, #tpu.memory_space<vmem_shared>>
    tpu.wait_dma2 semaphore(%arg19 : memref<!tpu.dma_semaphore, #tpu.memory_space<semaphore_mem>>) src(%dma_wait3A_1548 : memref<96x256xf32, #tpu.memory_space<vmem_shared>>) dst(%dma_wait3A_1544 : memref<96x256xf32, #tpu.memory_space<hbm>>)
    %dma_start3A_1549 = arith.constant 15 : i32
    %dma_start3A_1550 = arith.constant 0 : i32
    %dma_start3A_1551 = arith.constant 0 : i32
    %dma_start3A_1552 = arith.constant 0 : i32
    %dma_start3A_1553 = tpu.memref_slice %arg7[%dma_start3A_1550, %dma_start3A_1551, %dma_start3A_1552] : memref<3x96x128xf32, #tpu.memory_space<vmem>> -> memref<1x96x128xf32, #tpu.memory_space<vmem>>
    %dma_start3A_1554 = tpu.memref_squeeze %dma_start3A_1553 : memref<1x96x128xf32, #tpu.memory_space<vmem>> -> memref<96x128xf32, #tpu.memory_space<vmem>>
    %dma_start3A_1555 = arith.constant 0 : i32
    %dma_start3A_1556 = tpu.memref_slice %arg6[%dma_start3A_1549, %dma_start3A_1555] : memref<17x96xi32, #tpu.memory_space<vmem>> -> memref<1x96xi32, #tpu.memory_space<vmem>>
    %dma_start3A_1557 = tpu.memref_squeeze %dma_start3A_1556 : memref<1x96xi32, #tpu.memory_space<vmem>> -> memref<96xi32, #tpu.memory_space<vmem>>
    %dma_start3A_1558 = arith.constant 0 : i32
    %dma_start3A_1559 = arith.constant 0 : i32
    %dma_start3A_1560 = tpu.memref_slice %arg3[%dma_start3A_1558, %dma_start3A_1559] : memref<50000x128xf32, #tpu.memory_space<hbm>> -> memref<50000x128xf32, #tpu.memory_space<hbm>>
    tpu.enqueue_indirect_dma source(%dma_start3A_1560 : memref<50000x128xf32, #tpu.memory_space<hbm>>) target(%dma_start3A_1554 : memref<96x128xf32, #tpu.memory_space<vmem>>) offsets(%dma_start3A_1557 : memref<96xi32, #tpu.memory_space<vmem>>) semaphore(%arg10 : memref<!tpu.dma_semaphore, #tpu.memory_space<semaphore_mem>>)
    %dma_start3A_1561 = arith.constant 0 : i32
    %dma_start3A_1562 = arith.constant 0 : i32
    %dma_start3A_1563 = arith.constant 0 : i32
    %dma_start3A_1564 = tpu.memref_slice %arg8[%arg1, %dma_start3A_1561, %dma_start3A_1562, %dma_start3A_1563] : memref<16x3x96x256xf32, #tpu.memory_space<vmem_shared>> -> memref<1x1x96x256xf32, #tpu.memory_space<vmem_shared>>
    %dma_start3A_1565 = tpu.memref_squeeze %dma_start3A_1564 : memref<1x1x96x256xf32, #tpu.memory_space<vmem_shared>> -> memref<96x256xf32, #tpu.memory_space<vmem_shared>>
    %dma_start3A_1566 = arith.constant 0 : i32
    %dma_start3A_1567 = tpu.memref_slice %arg2[%multiple_of3A_171, %dma_start3A_1566] : memref<50000x256xf32, #tpu.memory_space<hbm>> -> memref<96x256xf32, #tpu.memory_space<hbm>>
    tpu.enqueue_dma source(%dma_start3A_1567 : memref<96x256xf32, #tpu.memory_space<hbm>>) target(%dma_start3A_1565 : memref<96x256xf32, #tpu.memory_space<vmem_shared>>) target_semaphore(%arg16 : memref<!tpu.dma_semaphore, #tpu.memory_space<semaphore_mem>>)
    %dma_wait3A_1568 = arith.constant 14 : i32
    %dma_wait3A_1569 = arith.constant 2 : i32
    %dma_wait3A_1570 = arith.constant 0 : i32
    %dma_wait3A_1571 = arith.constant 0 : i32
    %dma_wait3A_1572 = tpu.memref_slice %arg7[%dma_wait3A_1569, %dma_wait3A_1570, %dma_wait3A_1571] : memref<3x96x128xf32, #tpu.memory_space<vmem>> -> memref<1x96x128xf32, #tpu.memory_space<vmem>>
    %dma_wait3A_1573 = tpu.memref_squeeze %dma_wait3A_1572 : memref<1x96x128xf32, #tpu.memory_space<vmem>> -> memref<96x128xf32, #tpu.memory_space<vmem>>
    %dma_wait3A_1574 = arith.constant 0 : i32
    %dma_wait3A_1575 = tpu.memref_slice %arg6[%dma_wait3A_1568, %dma_wait3A_1574] : memref<17x96xi32, #tpu.memory_space<vmem>> -> memref<1x96xi32, #tpu.memory_space<vmem>>
    %dma_wait3A_1576 = tpu.memref_squeeze %dma_wait3A_1575 : memref<1x96xi32, #tpu.memory_space<vmem>> -> memref<96xi32, #tpu.memory_space<vmem>>
    %dma_wait3A_1577 = arith.constant 0 : i32
    %dma_wait3A_1578 = arith.constant 0 : i32
    %dma_wait3A_1579 = tpu.memref_slice %arg3[%dma_wait3A_1577, %dma_wait3A_1578] : memref<50000x128xf32, #tpu.memory_space<hbm>> -> memref<50000x128xf32, #tpu.memory_space<hbm>>
    tpu.wait_indirect_dma semaphore(%arg12 : memref<!tpu.dma_semaphore, #tpu.memory_space<semaphore_mem>>) src(%dma_wait3A_1579 : memref<50000x128xf32, #tpu.memory_space<hbm>>) dst(%dma_wait3A_1573 : memref<96x128xf32, #tpu.memory_space<vmem>>)
    %dma_start3A_1580 = arith.constant 2 : i32
    %dma_start3A_1581 = arith.constant 0 : i32
    %dma_start3A_1582 = arith.constant 0 : i32
    %dma_start3A_1583 = tpu.memref_slice %arg7[%dma_start3A_1580, %dma_start3A_1581, %dma_start3A_1582] : memref<3x96x128xf32, #tpu.memory_space<vmem>> -> memref<1x96x128xf32, #tpu.memory_space<vmem>>
    %dma_start3A_1584 = tpu.memref_squeeze %dma_start3A_1583 : memref<1x96x128xf32, #tpu.memory_space<vmem>> -> memref<96x128xf32, #tpu.memory_space<vmem>>
    %dma_start3A_1585 = arith.constant 0 : i32
    %dma_start3A_1586 = tpu.memref_slice %arg5[%multiple_of3A_160, %dma_start3A_1585] : memref<50000x384xf32, #tpu.memory_space<hbm>> -> memref<96x128xf32, #tpu.memory_space<hbm>>
    %dma_start3A_1587 = arith.constant 0 : i32
    %dma_start3A_1588 = tpu.memref_slice %arg5[%multiple_of3A_160, %dma_start3A_1587] : memref<50000x384xf32, #tpu.memory_space<hbm>> -> memref<96x128xf32, #tpu.memory_space<hbm>>
    %dma_start3A_1589 = arith.constant 0 : i32
    %dma_start3A_1590 = arith.constant 0 : i32
    %dma_start3A_1591 = tpu.memref_slice %arg7[%dma_start3A_1580, %dma_start3A_1589, %dma_start3A_1590] : memref<3x96x128xf32, #tpu.memory_space<vmem>> -> memref<1x96x128xf32, #tpu.memory_space<vmem>>
    %dma_start3A_1592 = tpu.memref_squeeze %dma_start3A_1591 : memref<1x96x128xf32, #tpu.memory_space<vmem>> -> memref<96x128xf32, #tpu.memory_space<vmem>>
    tpu.enqueue_dma source(%dma_start3A_1592 : memref<96x128xf32, #tpu.memory_space<vmem>>) target(%dma_start3A_1588 : memref<96x128xf32, #tpu.memory_space<hbm>>) target_semaphore(%arg15 : memref<!tpu.dma_semaphore, #tpu.memory_space<semaphore_mem>>)
    %dma_wait3A_1593 = arith.constant 2 : i32
    %dma_wait3A_1594 = arith.constant 0 : i32
    %dma_wait3A_1595 = arith.constant 0 : i32
    %dma_wait3A_1596 = tpu.memref_slice %arg8[%arg1, %dma_wait3A_1593, %dma_wait3A_1594, %dma_wait3A_1595] : memref<16x3x96x256xf32, #tpu.memory_space<vmem_shared>> -> memref<1x1x96x256xf32, #tpu.memory_space<vmem_shared>>
    %dma_wait3A_1597 = tpu.memref_squeeze %dma_wait3A_1596 : memref<1x1x96x256xf32, #tpu.memory_space<vmem_shared>> -> memref<96x256xf32, #tpu.memory_space<vmem_shared>>
    %dma_wait3A_1598 = arith.constant 0 : i32
    %dma_wait3A_1599 = tpu.memref_slice %arg2[%multiple_of3A_160, %dma_wait3A_1598] : memref<50000x256xf32, #tpu.memory_space<hbm>> -> memref<96x256xf32, #tpu.memory_space<hbm>>
    tpu.wait_dma2 semaphore(%arg18 : memref<!tpu.dma_semaphore, #tpu.memory_space<semaphore_mem>>) src(%dma_wait3A_1599 : memref<96x256xf32, #tpu.memory_space<hbm>>) dst(%dma_wait3A_1597 : memref<96x256xf32, #tpu.memory_space<vmem_shared>>)
    %dma_start3A_1600 = arith.constant 2 : i32
    %dma_start3A_1601 = arith.constant 128 : i32
    %dma_start3A_1602 = tpu.memref_slice %arg5[%multiple_of3A_160, %dma_start3A_1601] : memref<50000x384xf32, #tpu.memory_space<hbm>> -> memref<96x256xf32, #tpu.memory_space<hbm>>
    %dma_start3A_1603 = arith.constant 0 : i32
    %dma_start3A_1604 = arith.constant 0 : i32
    %dma_start3A_1605 = tpu.memref_slice %arg8[%arg1, %dma_start3A_1600, %dma_start3A_1603, %dma_start3A_1604] : memref<16x3x96x256xf32, #tpu.memory_space<vmem_shared>> -> memref<1x1x96x256xf32, #tpu.memory_space<vmem_shared>>
    %dma_start3A_1606 = tpu.memref_squeeze %dma_start3A_1605 : memref<1x1x96x256xf32, #tpu.memory_space<vmem_shared>> -> memref<96x256xf32, #tpu.memory_space<vmem_shared>>
    tpu.enqueue_dma source(%dma_start3A_1606 : memref<96x256xf32, #tpu.memory_space<vmem_shared>>) target(%dma_start3A_1602 : memref<96x256xf32, #tpu.memory_space<hbm>>) target_semaphore(%arg21 : memref<!tpu.dma_semaphore, #tpu.memory_space<semaphore_mem>>)
    %dma_wait3A_1607 = arith.constant 15 : i32
    %dma_wait3A_1608 = arith.constant 0 : i32
    %dma_wait3A_1609 = arith.constant 0 : i32
    %dma_wait3A_1610 = arith.constant 0 : i32
    %dma_wait3A_1611 = tpu.memref_slice %arg7[%dma_wait3A_1608, %dma_wait3A_1609, %dma_wait3A_1610] : memref<3x96x128xf32, #tpu.memory_space<vmem>> -> memref<1x96x128xf32, #tpu.memory_space<vmem>>
    %dma_wait3A_1612 = tpu.memref_squeeze %dma_wait3A_1611 : memref<1x96x128xf32, #tpu.memory_space<vmem>> -> memref<96x128xf32, #tpu.memory_space<vmem>>
    %dma_wait3A_1613 = arith.constant 0 : i32
    %dma_wait3A_1614 = tpu.memref_slice %arg6[%dma_wait3A_1607, %dma_wait3A_1613] : memref<17x96xi32, #tpu.memory_space<vmem>> -> memref<1x96xi32, #tpu.memory_space<vmem>>
    %dma_wait3A_1615 = tpu.memref_squeeze %dma_wait3A_1614 : memref<1x96xi32, #tpu.memory_space<vmem>> -> memref<96xi32, #tpu.memory_space<vmem>>
    %dma_wait3A_1616 = arith.constant 0 : i32
    %dma_wait3A_1617 = arith.constant 0 : i32
    %dma_wait3A_1618 = tpu.memref_slice %arg3[%dma_wait3A_1616, %dma_wait3A_1617] : memref<50000x128xf32, #tpu.memory_space<hbm>> -> memref<50000x128xf32, #tpu.memory_space<hbm>>
    tpu.wait_indirect_dma semaphore(%arg10 : memref<!tpu.dma_semaphore, #tpu.memory_space<semaphore_mem>>) src(%dma_wait3A_1618 : memref<50000x128xf32, #tpu.memory_space<hbm>>) dst(%dma_wait3A_1612 : memref<96x128xf32, #tpu.memory_space<vmem>>)
    %dma_start3A_1619 = arith.constant 0 : i32
    %dma_start3A_1620 = arith.constant 0 : i32
    %dma_start3A_1621 = arith.constant 0 : i32
    %dma_start3A_1622 = tpu.memref_slice %arg7[%dma_start3A_1619, %dma_start3A_1620, %dma_start3A_1621] : memref<3x96x128xf32, #tpu.memory_space<vmem>> -> memref<1x96x128xf32, #tpu.memory_space<vmem>>
    %dma_start3A_1623 = tpu.memref_squeeze %dma_start3A_1622 : memref<1x96x128xf32, #tpu.memory_space<vmem>> -> memref<96x128xf32, #tpu.memory_space<vmem>>
    %dma_start3A_1624 = arith.constant 0 : i32
    %dma_start3A_1625 = tpu.memref_slice %arg5[%multiple_of3A_171, %dma_start3A_1624] : memref<50000x384xf32, #tpu.memory_space<hbm>> -> memref<96x128xf32, #tpu.memory_space<hbm>>
    %dma_start3A_1626 = arith.constant 0 : i32
    %dma_start3A_1627 = tpu.memref_slice %arg5[%multiple_of3A_171, %dma_start3A_1626] : memref<50000x384xf32, #tpu.memory_space<hbm>> -> memref<96x128xf32, #tpu.memory_space<hbm>>
    %dma_start3A_1628 = arith.constant 0 : i32
    %dma_start3A_1629 = arith.constant 0 : i32
    %dma_start3A_1630 = tpu.memref_slice %arg7[%dma_start3A_1619, %dma_start3A_1628, %dma_start3A_1629] : memref<3x96x128xf32, #tpu.memory_space<vmem>> -> memref<1x96x128xf32, #tpu.memory_space<vmem>>
    %dma_start3A_1631 = tpu.memref_squeeze %dma_start3A_1630 : memref<1x96x128xf32, #tpu.memory_space<vmem>> -> memref<96x128xf32, #tpu.memory_space<vmem>>
    tpu.enqueue_dma source(%dma_start3A_1631 : memref<96x128xf32, #tpu.memory_space<vmem>>) target(%dma_start3A_1627 : memref<96x128xf32, #tpu.memory_space<hbm>>) target_semaphore(%arg13 : memref<!tpu.dma_semaphore, #tpu.memory_space<semaphore_mem>>)
    %dma_wait3A_1632 = arith.constant 0 : i32
    %dma_wait3A_1633 = arith.constant 0 : i32
    %dma_wait3A_1634 = arith.constant 0 : i32
    %dma_wait3A_1635 = tpu.memref_slice %arg8[%arg1, %dma_wait3A_1632, %dma_wait3A_1633, %dma_wait3A_1634] : memref<16x3x96x256xf32, #tpu.memory_space<vmem_shared>> -> memref<1x1x96x256xf32, #tpu.memory_space<vmem_shared>>
    %dma_wait3A_1636 = tpu.memref_squeeze %dma_wait3A_1635 : memref<1x1x96x256xf32, #tpu.memory_space<vmem_shared>> -> memref<96x256xf32, #tpu.memory_space<vmem_shared>>
    %dma_wait3A_1637 = arith.constant 0 : i32
    %dma_wait3A_1638 = tpu.memref_slice %arg2[%multiple_of3A_171, %dma_wait3A_1637] : memref<50000x256xf32, #tpu.memory_space<hbm>> -> memref<96x256xf32, #tpu.memory_space<hbm>>
    tpu.wait_dma2 semaphore(%arg16 : memref<!tpu.dma_semaphore, #tpu.memory_space<semaphore_mem>>) src(%dma_wait3A_1638 : memref<96x256xf32, #tpu.memory_space<hbm>>) dst(%dma_wait3A_1636 : memref<96x256xf32, #tpu.memory_space<vmem_shared>>)
    %dma_start3A_1639 = arith.constant 0 : i32
    %dma_start3A_1640 = arith.constant 128 : i32
    %dma_start3A_1641 = tpu.memref_slice %arg5[%multiple_of3A_171, %dma_start3A_1640] : memref<50000x384xf32, #tpu.memory_space<hbm>> -> memref<96x256xf32, #tpu.memory_space<hbm>>
    %dma_start3A_1642 = arith.constant 0 : i32
    %dma_start3A_1643 = arith.constant 0 : i32
    %dma_start3A_1644 = tpu.memref_slice %arg8[%arg1, %dma_start3A_1639, %dma_start3A_1642, %dma_start3A_1643] : memref<16x3x96x256xf32, #tpu.memory_space<vmem_shared>> -> memref<1x1x96x256xf32, #tpu.memory_space<vmem_shared>>
    %dma_start3A_1645 = tpu.memref_squeeze %dma_start3A_1644 : memref<1x1x96x256xf32, #tpu.memory_space<vmem_shared>> -> memref<96x256xf32, #tpu.memory_space<vmem_shared>>
    tpu.enqueue_dma source(%dma_start3A_1645 : memref<96x256xf32, #tpu.memory_space<vmem_shared>>) target(%dma_start3A_1641 : memref<96x256xf32, #tpu.memory_space<hbm>>) target_semaphore(%arg19 : memref<!tpu.dma_semaphore, #tpu.memory_space<semaphore_mem>>)
    %dma_wait3A_1646 = arith.constant 0 : i32
    %dma_wait3A_1647 = arith.constant 0 : i32
    %dma_wait3A_1648 = arith.constant 0 : i32
    %dma_wait3A_1649 = tpu.memref_slice %arg7[%dma_wait3A_1646, %dma_wait3A_1647, %dma_wait3A_1648] : memref<3x96x128xf32, #tpu.memory_space<vmem>> -> memref<1x96x128xf32, #tpu.memory_space<vmem>>
    %dma_wait3A_1650 = tpu.memref_squeeze %dma_wait3A_1649 : memref<1x96x128xf32, #tpu.memory_space<vmem>> -> memref<96x128xf32, #tpu.memory_space<vmem>>
    %dma_wait3A_1651 = arith.constant 0 : i32
    %dma_wait3A_1652 = tpu.memref_slice %arg5[%multiple_of3A_171, %dma_wait3A_1651] : memref<50000x384xf32, #tpu.memory_space<hbm>> -> memref<96x128xf32, #tpu.memory_space<hbm>>
    %dma_wait3A_1653 = arith.constant 0 : i32
    %dma_wait3A_1654 = tpu.memref_slice %arg5[%multiple_of3A_171, %dma_wait3A_1653] : memref<50000x384xf32, #tpu.memory_space<hbm>> -> memref<96x128xf32, #tpu.memory_space<hbm>>
    %dma_wait3A_1655 = arith.constant 0 : i32
    %dma_wait3A_1656 = arith.constant 0 : i32
    %dma_wait3A_1657 = tpu.memref_slice %arg7[%dma_wait3A_1646, %dma_wait3A_1655, %dma_wait3A_1656] : memref<3x96x128xf32, #tpu.memory_space<vmem>> -> memref<1x96x128xf32, #tpu.memory_space<vmem>>
    %dma_wait3A_1658 = tpu.memref_squeeze %dma_wait3A_1657 : memref<1x96x128xf32, #tpu.memory_space<vmem>> -> memref<96x128xf32, #tpu.memory_space<vmem>>
    tpu.wait_dma2 semaphore(%arg13 : memref<!tpu.dma_semaphore, #tpu.memory_space<semaphore_mem>>) src(%dma_wait3A_1658 : memref<96x128xf32, #tpu.memory_space<vmem>>) dst(%dma_wait3A_1654 : memref<96x128xf32, #tpu.memory_space<hbm>>)
    %dma_wait3A_1659 = arith.constant 1 : i32
    %dma_wait3A_1660 = arith.constant 0 : i32
    %dma_wait3A_1661 = arith.constant 0 : i32
    %dma_wait3A_1662 = tpu.memref_slice %arg7[%dma_wait3A_1659, %dma_wait3A_1660, %dma_wait3A_1661] : memref<3x96x128xf32, #tpu.memory_space<vmem>> -> memref<1x96x128xf32, #tpu.memory_space<vmem>>
    %dma_wait3A_1663 = tpu.memref_squeeze %dma_wait3A_1662 : memref<1x96x128xf32, #tpu.memory_space<vmem>> -> memref<96x128xf32, #tpu.memory_space<vmem>>
    %dma_wait3A_1664 = arith.constant 0 : i32
    %dma_wait3A_1665 = tpu.memref_slice %arg5[%multiple_of3A_149, %dma_wait3A_1664] : memref<50000x384xf32, #tpu.memory_space<hbm>> -> memref<96x128xf32, #tpu.memory_space<hbm>>
    %dma_wait3A_1666 = arith.constant 0 : i32
    %dma_wait3A_1667 = tpu.memref_slice %arg5[%multiple_of3A_149, %dma_wait3A_1666] : memref<50000x384xf32, #tpu.memory_space<hbm>> -> memref<96x128xf32, #tpu.memory_space<hbm>>
    %dma_wait3A_1668 = arith.constant 0 : i32
    %dma_wait3A_1669 = arith.constant 0 : i32
    %dma_wait3A_1670 = tpu.memref_slice %arg7[%dma_wait3A_1659, %dma_wait3A_1668, %dma_wait3A_1669] : memref<3x96x128xf32, #tpu.memory_space<vmem>> -> memref<1x96x128xf32, #tpu.memory_space<vmem>>
    %dma_wait3A_1671 = tpu.memref_squeeze %dma_wait3A_1670 : memref<1x96x128xf32, #tpu.memory_space<vmem>> -> memref<96x128xf32, #tpu.memory_space<vmem>>
    tpu.wait_dma2 semaphore(%arg14 : memref<!tpu.dma_semaphore, #tpu.memory_space<semaphore_mem>>) src(%dma_wait3A_1671 : memref<96x128xf32, #tpu.memory_space<vmem>>) dst(%dma_wait3A_1667 : memref<96x128xf32, #tpu.memory_space<hbm>>)
    %dma_wait3A_1672 = arith.constant 2 : i32
    %dma_wait3A_1673 = arith.constant 0 : i32
    %dma_wait3A_1674 = arith.constant 0 : i32
    %dma_wait3A_1675 = tpu.memref_slice %arg7[%dma_wait3A_1672, %dma_wait3A_1673, %dma_wait3A_1674] : memref<3x96x128xf32, #tpu.memory_space<vmem>> -> memref<1x96x128xf32, #tpu.memory_space<vmem>>
    %dma_wait3A_1676 = tpu.memref_squeeze %dma_wait3A_1675 : memref<1x96x128xf32, #tpu.memory_space<vmem>> -> memref<96x128xf32, #tpu.memory_space<vmem>>
    %dma_wait3A_1677 = arith.constant 0 : i32
    %dma_wait3A_1678 = tpu.memref_slice %arg5[%multiple_of3A_160, %dma_wait3A_1677] : memref<50000x384xf32, #tpu.memory_space<hbm>> -> memref<96x128xf32, #tpu.memory_space<hbm>>
    %dma_wait3A_1679 = arith.constant 0 : i32
    %dma_wait3A_1680 = tpu.memref_slice %arg5[%multiple_of3A_160, %dma_wait3A_1679] : memref<50000x384xf32, #tpu.memory_space<hbm>> -> memref<96x128xf32, #tpu.memory_space<hbm>>
    %dma_wait3A_1681 = arith.constant 0 : i32
    %dma_wait3A_1682 = arith.constant 0 : i32
    %dma_wait3A_1683 = tpu.memref_slice %arg7[%dma_wait3A_1672, %dma_wait3A_1681, %dma_wait3A_1682] : memref<3x96x128xf32, #tpu.memory_space<vmem>> -> memref<1x96x128xf32, #tpu.memory_space<vmem>>
    %dma_wait3A_1684 = tpu.memref_squeeze %dma_wait3A_1683 : memref<1x96x128xf32, #tpu.memory_space<vmem>> -> memref<96x128xf32, #tpu.memory_space<vmem>>
    tpu.wait_dma2 semaphore(%arg15 : memref<!tpu.dma_semaphore, #tpu.memory_space<semaphore_mem>>) src(%dma_wait3A_1684 : memref<96x128xf32, #tpu.memory_space<vmem>>) dst(%dma_wait3A_1680 : memref<96x128xf32, #tpu.memory_space<hbm>>)
    %dma_wait3A_1685 = arith.constant 0 : i32
    %dma_wait3A_1686 = arith.constant 128 : i32
    %dma_wait3A_1687 = tpu.memref_slice %arg5[%multiple_of3A_171, %dma_wait3A_1686] : memref<50000x384xf32, #tpu.memory_space<hbm>> -> memref<96x256xf32, #tpu.memory_space<hbm>>
    %dma_wait3A_1688 = arith.constant 0 : i32
    %dma_wait3A_1689 = arith.constant 0 : i32
    %dma_wait3A_1690 = tpu.memref_slice %arg8[%arg1, %dma_wait3A_1685, %dma_wait3A_1688, %dma_wait3A_1689] : memref<16x3x96x256xf32, #tpu.memory_space<vmem_shared>> -> memref<1x1x96x256xf32, #tpu.memory_space<vmem_shared>>
    %dma_wait3A_1691 = tpu.memref_squeeze %dma_wait3A_1690 : memref<1x1x96x256xf32, #tpu.memory_space<vmem_shared>> -> memref<96x256xf32, #tpu.memory_space<vmem_shared>>
    tpu.wait_dma2 semaphore(%arg19 : memref<!tpu.dma_semaphore, #tpu.memory_space<semaphore_mem>>) src(%dma_wait3A_1691 : memref<96x256xf32, #tpu.memory_space<vmem_shared>>) dst(%dma_wait3A_1687 : memref<96x256xf32, #tpu.memory_space<hbm>>)
    %dma_wait3A_1692 = arith.constant 1 : i32
    %dma_wait3A_1693 = arith.constant 128 : i32
    %dma_wait3A_1694 = tpu.memref_slice %arg5[%multiple_of3A_149, %dma_wait3A_1693] : memref<50000x384xf32, #tpu.memory_space<hbm>> -> memref<96x256xf32, #tpu.memory_space<hbm>>
    %dma_wait3A_1695 = arith.constant 0 : i32
    %dma_wait3A_1696 = arith.constant 0 : i32
    %dma_wait3A_1697 = tpu.memref_slice %arg8[%arg1, %dma_wait3A_1692, %dma_wait3A_1695, %dma_wait3A_1696] : memref<16x3x96x256xf32, #tpu.memory_space<vmem_shared>> -> memref<1x1x96x256xf32, #tpu.memory_space<vmem_shared>>
    %dma_wait3A_1698 = tpu.memref_squeeze %dma_wait3A_1697 : memref<1x1x96x256xf32, #tpu.memory_space<vmem_shared>> -> memref<96x256xf32, #tpu.memory_space<vmem_shared>>
    tpu.wait_dma2 semaphore(%arg20 : memref<!tpu.dma_semaphore, #tpu.memory_space<semaphore_mem>>) src(%dma_wait3A_1698 : memref<96x256xf32, #tpu.memory_space<vmem_shared>>) dst(%dma_wait3A_1694 : memref<96x256xf32, #tpu.memory_space<hbm>>)
    %dma_wait3A_1699 = arith.constant 2 : i32
    %dma_wait3A_1700 = arith.constant 128 : i32
    %dma_wait3A_1701 = tpu.memref_slice %arg5[%multiple_of3A_160, %dma_wait3A_1700] : memref<50000x384xf32, #tpu.memory_space<hbm>> -> memref<96x256xf32, #tpu.memory_space<hbm>>
    %dma_wait3A_1702 = arith.constant 0 : i32
    %dma_wait3A_1703 = arith.constant 0 : i32
    %dma_wait3A_1704 = tpu.memref_slice %arg8[%arg1, %dma_wait3A_1699, %dma_wait3A_1702, %dma_wait3A_1703] : memref<16x3x96x256xf32, #tpu.memory_space<vmem_shared>> -> memref<1x1x96x256xf32, #tpu.memory_space<vmem_shared>>
    %dma_wait3A_1705 = tpu.memref_squeeze %dma_wait3A_1704 : memref<1x1x96x256xf32, #tpu.memory_space<vmem_shared>> -> memref<96x256xf32, #tpu.memory_space<vmem_shared>>
    tpu.wait_dma2 semaphore(%arg21 : memref<!tpu.dma_semaphore, #tpu.memory_space<semaphore_mem>>) src(%dma_wait3A_1705 : memref<96x256xf32, #tpu.memory_space<vmem_shared>>) dst(%dma_wait3A_1701 : memref<96x256xf32, #tpu.memory_space<hbm>>)
    %lt3A_1706 = arith.constant 9 : i32
    %lt3A_1707 = arith.cmpi slt, %add3A, %lt3A_1706 : i32
    %convert_element_type3A = arith.extui %lt3A_1707 : i1 to i32
    %cond3A = arith.constant 0 : i32
    %cond3A_1708 = arith.cmpi ne, %convert_element_type3A, %cond3A : i32
    scf.if %cond3A_1708 {
      %add3A_1709 = arith.constant 512 : i32
      %add3A_1710 = arith.addi %add3A, %add3A_1709 : i32
      %lt3A_1711 = arith.constant 520 : i32
      %lt3A_1712 = arith.cmpi slt, %add3A_1710, %lt3A_1711 : i32
      %mul3A_1713 = arith.constant 96 : i32
      %mul3A_1714 = arith.muli %add3A_1710, %mul3A_1713 : i32
      %jit3A_1715 = arith.constant 49904 : i32
      %select_n3A_1716 = arith.select %lt3A_1712, %mul3A_1714, %jit3A_1715 : i32
      %multiple_of3A_1717 = tpu.assume_multiple %select_n3A_1716, 8 : i32
      %run_scoped3A = arith.constant 0 : i32
      "tpu.region"() ({
        %run_scoped3A_1745 = tpu.sem_alloc : memref<!tpu.dma_semaphore, #tpu.memory_space<semaphore_mem>>
        %dma_start3A_1746 = arith.constant 0 : i32
        %dma_start3A_1747 = tpu.memref_slice %arg6[%run_scoped3A, %dma_start3A_1746] : memref<17x96xi32, #tpu.memory_space<vmem>> -> memref<1x96xi32, #tpu.memory_space<vmem>>
        %dma_start3A_1748 = tpu.memref_squeeze %dma_start3A_1747 : memref<1x96xi32, #tpu.memory_space<vmem>> -> memref<96xi32, #tpu.memory_space<vmem>>
        %dma_start3A_1749 = tpu.memref_slice %arg4[%multiple_of3A_1717] : memref<50000xi32, #tpu.memory_space<hbm>> -> memref<96xi32, #tpu.memory_space<hbm>>
        %dma_start3A_1750 = arith.constant 0 : i32
        %dma_start3A_1751 = tpu.memref_slice %arg6[%run_scoped3A, %dma_start3A_1750] : memref<17x96xi32, #tpu.memory_space<vmem>> -> memref<1x96xi32, #tpu.memory_space<vmem>>
        %dma_start3A_1752 = tpu.memref_squeeze %dma_start3A_1751 : memref<1x96xi32, #tpu.memory_space<vmem>> -> memref<96xi32, #tpu.memory_space<vmem>>
        %dma_start3A_1753 = tpu.memref_slice %arg4[%multiple_of3A_1717] : memref<50000xi32, #tpu.memory_space<hbm>> -> memref<96xi32, #tpu.memory_space<hbm>>
        tpu.enqueue_dma source(%dma_start3A_1753 : memref<96xi32, #tpu.memory_space<hbm>>) target(%dma_start3A_1752 : memref<96xi32, #tpu.memory_space<vmem>>) target_semaphore(%run_scoped3A_1745 : memref<!tpu.dma_semaphore, #tpu.memory_space<semaphore_mem>>)
        %dma_wait3A_1754 = arith.constant 0 : i32
        %dma_wait3A_1755 = tpu.memref_slice %arg6[%run_scoped3A, %dma_wait3A_1754] : memref<17x96xi32, #tpu.memory_space<vmem>> -> memref<1x96xi32, #tpu.memory_space<vmem>>
        %dma_wait3A_1756 = tpu.memref_squeeze %dma_wait3A_1755 : memref<1x96xi32, #tpu.memory_space<vmem>> -> memref<96xi32, #tpu.memory_space<vmem>>
        %dma_wait3A_1757 = tpu.memref_slice %arg4[%multiple_of3A_1717] : memref<50000xi32, #tpu.memory_space<hbm>> -> memref<96xi32, #tpu.memory_space<hbm>>
        %dma_wait3A_1758 = arith.constant 0 : i32
        %dma_wait3A_1759 = tpu.memref_slice %arg6[%run_scoped3A, %dma_wait3A_1758] : memref<17x96xi32, #tpu.memory_space<vmem>> -> memref<1x96xi32, #tpu.memory_space<vmem>>
        %dma_wait3A_1760 = tpu.memref_squeeze %dma_wait3A_1759 : memref<1x96xi32, #tpu.memory_space<vmem>> -> memref<96xi32, #tpu.memory_space<vmem>>
        %dma_wait3A_1761 = tpu.memref_slice %arg4[%multiple_of3A_1717] : memref<50000xi32, #tpu.memory_space<hbm>> -> memref<96xi32, #tpu.memory_space<hbm>>
        tpu.wait_dma2 semaphore(%run_scoped3A_1745 : memref<!tpu.dma_semaphore, #tpu.memory_space<semaphore_mem>>) src(%dma_wait3A_1761 : memref<96xi32, #tpu.memory_space<hbm>>) dst(%dma_wait3A_1760 : memref<96xi32, #tpu.memory_space<vmem>>)
        tpu.yield
      }) : () -> ()
      %dma_start3A_1718 = arith.constant 0 : i32
      %dma_start3A_1719 = arith.constant 0 : i32
      %dma_start3A_1720 = arith.constant 0 : i32
      %dma_start3A_1721 = arith.constant 0 : i32
      %dma_start3A_1722 = tpu.memref_slice %arg7[%dma_start3A_1719, %dma_start3A_1720, %dma_start3A_1721] : memref<3x96x128xf32, #tpu.memory_space<vmem>> -> memref<1x96x128xf32, #tpu.memory_space<vmem>>
      %dma_start3A_1723 = tpu.memref_squeeze %dma_start3A_1722 : memref<1x96x128xf32, #tpu.memory_space<vmem>> -> memref<96x128xf32, #tpu.memory_space<vmem>>
      %dma_start3A_1724 = arith.constant 0 : i32
      %dma_start3A_1725 = tpu.memref_slice %arg6[%dma_start3A_1718, %dma_start3A_1724] : memref<17x96xi32, #tpu.memory_space<vmem>> -> memref<1x96xi32, #tpu.memory_space<vmem>>
      %dma_start3A_1726 = tpu.memref_squeeze %dma_start3A_1725 : memref<1x96xi32, #tpu.memory_space<vmem>> -> memref<96xi32, #tpu.memory_space<vmem>>
      %dma_start3A_1727 = arith.constant 0 : i32
      %dma_start3A_1728 = arith.constant 0 : i32
      %dma_start3A_1729 = tpu.memref_slice %arg3[%dma_start3A_1727, %dma_start3A_1728] : memref<50000x128xf32, #tpu.memory_space<hbm>> -> memref<50000x128xf32, #tpu.memory_space<hbm>>
      tpu.enqueue_indirect_dma source(%dma_start3A_1729 : memref<50000x128xf32, #tpu.memory_space<hbm>>) target(%dma_start3A_1723 : memref<96x128xf32, #tpu.memory_space<vmem>>) offsets(%dma_start3A_1726 : memref<96xi32, #tpu.memory_space<vmem>>) semaphore(%arg10 : memref<!tpu.dma_semaphore, #tpu.memory_space<semaphore_mem>>)
      %dma_wait3A_1730 = arith.constant 0 : i32
      %dma_wait3A_1731 = arith.constant 0 : i32
      %dma_wait3A_1732 = arith.constant 0 : i32
      %dma_wait3A_1733 = arith.constant 0 : i32
      %dma_wait3A_1734 = tpu.memref_slice %arg7[%dma_wait3A_1731, %dma_wait3A_1732, %dma_wait3A_1733] : memref<3x96x128xf32, #tpu.memory_space<vmem>> -> memref<1x96x128xf32, #tpu.memory_space<vmem>>
      %dma_wait3A_1735 = tpu.memref_squeeze %dma_wait3A_1734 : memref<1x96x128xf32, #tpu.memory_space<vmem>> -> memref<96x128xf32, #tpu.memory_space<vmem>>
      %dma_wait3A_1736 = arith.constant 0 : i32
      %dma_wait3A_1737 = tpu.memref_slice %arg6[%dma_wait3A_1730, %dma_wait3A_1736] : memref<17x96xi32, #tpu.memory_space<vmem>> -> memref<1x96xi32, #tpu.memory_space<vmem>>
      %dma_wait3A_1738 = tpu.memref_squeeze %dma_wait3A_1737 : memref<1x96xi32, #tpu.memory_space<vmem>> -> memref<96xi32, #tpu.memory_space<vmem>>
      %dma_wait3A_1739 = arith.constant 0 : i32
      %dma_wait3A_1740 = arith.constant 0 : i32
      %dma_wait3A_1741 = tpu.memref_slice %arg3[%dma_wait3A_1739, %dma_wait3A_1740] : memref<50000x128xf32, #tpu.memory_space<hbm>> -> memref<50000x128xf32, #tpu.memory_space<hbm>>
      tpu.wait_indirect_dma semaphore(%arg10 : memref<!tpu.dma_semaphore, #tpu.memory_space<semaphore_mem>>) src(%dma_wait3A_1741 : memref<50000x128xf32, #tpu.memory_space<hbm>>) dst(%dma_wait3A_1735 : memref<96x128xf32, #tpu.memory_space<vmem>>)
      %run_scoped3A_1742 = arith.constant 0 : i32
      "tpu.region"() ({
        %run_scoped3A_1745 = tpu.sem_alloc : memref<!tpu.dma_semaphore, #tpu.memory_space<semaphore_mem>>
        %dma_start3A_1746 = arith.constant 0 : i32
        %dma_start3A_1747 = arith.constant 0 : i32
        %dma_start3A_1748 = tpu.memref_slice %arg7[%run_scoped3A_1742, %dma_start3A_1746, %dma_start3A_1747] : memref<3x96x128xf32, #tpu.memory_space<vmem>> -> memref<1x96x128xf32, #tpu.memory_space<vmem>>
        %dma_start3A_1749 = tpu.memref_squeeze %dma_start3A_1748 : memref<1x96x128xf32, #tpu.memory_space<vmem>> -> memref<96x128xf32, #tpu.memory_space<vmem>>
        %dma_start3A_1750 = arith.constant 0 : i32
        %dma_start3A_1751 = tpu.memref_slice %arg5[%multiple_of3A_1717, %dma_start3A_1750] : memref<50000x384xf32, #tpu.memory_space<hbm>> -> memref<96x128xf32, #tpu.memory_space<hbm>>
        %dma_start3A_1752 = arith.constant 0 : i32
        %dma_start3A_1753 = tpu.memref_slice %arg5[%multiple_of3A_1717, %dma_start3A_1752] : memref<50000x384xf32, #tpu.memory_space<hbm>> -> memref<96x128xf32, #tpu.memory_space<hbm>>
        %dma_start3A_1754 = arith.constant 0 : i32
        %dma_start3A_1755 = arith.constant 0 : i32
        %dma_start3A_1756 = tpu.memref_slice %arg7[%run_scoped3A_1742, %dma_start3A_1754, %dma_start3A_1755] : memref<3x96x128xf32, #tpu.memory_space<vmem>> -> memref<1x96x128xf32, #tpu.memory_space<vmem>>
        %dma_start3A_1757 = tpu.memref_squeeze %dma_start3A_1756 : memref<1x96x128xf32, #tpu.memory_space<vmem>> -> memref<96x128xf32, #tpu.memory_space<vmem>>
        tpu.enqueue_dma source(%dma_start3A_1757 : memref<96x128xf32, #tpu.memory_space<vmem>>) target(%dma_start3A_1753 : memref<96x128xf32, #tpu.memory_space<hbm>>) target_semaphore(%run_scoped3A_1745 : memref<!tpu.dma_semaphore, #tpu.memory_space<semaphore_mem>>)
        %dma_wait3A_1758 = arith.constant 0 : i32
        %dma_wait3A_1759 = arith.constant 0 : i32
        %dma_wait3A_1760 = tpu.memref_slice %arg7[%run_scoped3A_1742, %dma_wait3A_1758, %dma_wait3A_1759] : memref<3x96x128xf32, #tpu.memory_space<vmem>> -> memref<1x96x128xf32, #tpu.memory_space<vmem>>
        %dma_wait3A_1761 = tpu.memref_squeeze %dma_wait3A_1760 : memref<1x96x128xf32, #tpu.memory_space<vmem>> -> memref<96x128xf32, #tpu.memory_space<vmem>>
        %dma_wait3A_1762 = arith.constant 0 : i32
        %dma_wait3A_1763 = tpu.memref_slice %arg5[%multiple_of3A_1717, %dma_wait3A_1762] : memref<50000x384xf32, #tpu.memory_space<hbm>> -> memref<96x128xf32, #tpu.memory_space<hbm>>
        %dma_wait3A_1764 = arith.constant 0 : i32
        %dma_wait3A_1765 = tpu.memref_slice %arg5[%multiple_of3A_1717, %dma_wait3A_1764] : memref<50000x384xf32, #tpu.memory_space<hbm>> -> memref<96x128xf32, #tpu.memory_space<hbm>>
        %dma_wait3A_1766 = arith.constant 0 : i32
        %dma_wait3A_1767 = arith.constant 0 : i32
        %dma_wait3A_1768 = tpu.memref_slice %arg7[%run_scoped3A_1742, %dma_wait3A_1766, %dma_wait3A_1767] : memref<3x96x128xf32, #tpu.memory_space<vmem>> -> memref<1x96x128xf32, #tpu.memory_space<vmem>>
        %dma_wait3A_1769 = tpu.memref_squeeze %dma_wait3A_1768 : memref<1x96x128xf32, #tpu.memory_space<vmem>> -> memref<96x128xf32, #tpu.memory_space<vmem>>
        tpu.wait_dma2 semaphore(%run_scoped3A_1745 : memref<!tpu.dma_semaphore, #tpu.memory_space<semaphore_mem>>) src(%dma_wait3A_1769 : memref<96x128xf32, #tpu.memory_space<vmem>>) dst(%dma_wait3A_1765 : memref<96x128xf32, #tpu.memory_space<hbm>>)
        tpu.yield
      }) : () -> ()
      %run_scoped3A_1743 = arith.constant 0 : i32
      "tpu.region"() ({
        %run_scoped3A_1745 = tpu.sem_alloc : memref<!tpu.dma_semaphore, #tpu.memory_space<semaphore_mem>>
        %dma_start3A_1746 = arith.constant 0 : i32
        %dma_start3A_1747 = arith.constant 0 : i32
        %dma_start3A_1748 = tpu.memref_slice %arg8[%arg1, %run_scoped3A_1743, %dma_start3A_1746, %dma_start3A_1747] : memref<16x3x96x256xf32, #tpu.memory_space<vmem_shared>> -> memref<1x1x96x256xf32, #tpu.memory_space<vmem_shared>>
        %dma_start3A_1749 = tpu.memref_squeeze %dma_start3A_1748 : memref<1x1x96x256xf32, #tpu.memory_space<vmem_shared>> -> memref<96x256xf32, #tpu.memory_space<vmem_shared>>
        %dma_start3A_1750 = arith.constant 0 : i32
        %dma_start3A_1751 = tpu.memref_slice %arg2[%multiple_of3A_1717, %dma_start3A_1750] : memref<50000x256xf32, #tpu.memory_space<hbm>> -> memref<96x256xf32, #tpu.memory_space<hbm>>
        tpu.enqueue_dma source(%dma_start3A_1751 : memref<96x256xf32, #tpu.memory_space<hbm>>) target(%dma_start3A_1749 : memref<96x256xf32, #tpu.memory_space<vmem_shared>>) target_semaphore(%run_scoped3A_1745 : memref<!tpu.dma_semaphore, #tpu.memory_space<semaphore_mem>>)
        %dma_wait3A_1752 = arith.constant 0 : i32
        %dma_wait3A_1753 = arith.constant 0 : i32
        %dma_wait3A_1754 = tpu.memref_slice %arg8[%arg1, %run_scoped3A_1743, %dma_wait3A_1752, %dma_wait3A_1753] : memref<16x3x96x256xf32, #tpu.memory_space<vmem_shared>> -> memref<1x1x96x256xf32, #tpu.memory_space<vmem_shared>>
        %dma_wait3A_1755 = tpu.memref_squeeze %dma_wait3A_1754 : memref<1x1x96x256xf32, #tpu.memory_space<vmem_shared>> -> memref<96x256xf32, #tpu.memory_space<vmem_shared>>
        %dma_wait3A_1756 = arith.constant 0 : i32
        %dma_wait3A_1757 = tpu.memref_slice %arg2[%multiple_of3A_1717, %dma_wait3A_1756] : memref<50000x256xf32, #tpu.memory_space<hbm>> -> memref<96x256xf32, #tpu.memory_space<hbm>>
        tpu.wait_dma2 semaphore(%run_scoped3A_1745 : memref<!tpu.dma_semaphore, #tpu.memory_space<semaphore_mem>>) src(%dma_wait3A_1757 : memref<96x256xf32, #tpu.memory_space<hbm>>) dst(%dma_wait3A_1755 : memref<96x256xf32, #tpu.memory_space<vmem_shared>>)
        tpu.yield
      }) : () -> ()
      %run_scoped3A_1744 = arith.constant 0 : i32
      "tpu.region"() ({
        %run_scoped3A_1745 = tpu.sem_alloc : memref<!tpu.dma_semaphore, #tpu.memory_space<semaphore_mem>>
        %dma_start3A_1746 = arith.constant 128 : i32
        %dma_start3A_1747 = tpu.memref_slice %arg5[%multiple_of3A_1717, %dma_start3A_1746] : memref<50000x384xf32, #tpu.memory_space<hbm>> -> memref<96x256xf32, #tpu.memory_space<hbm>>
        %dma_start3A_1748 = arith.constant 0 : i32
        %dma_start3A_1749 = arith.constant 0 : i32
        %dma_start3A_1750 = tpu.memref_slice %arg8[%arg1, %run_scoped3A_1744, %dma_start3A_1748, %dma_start3A_1749] : memref<16x3x96x256xf32, #tpu.memory_space<vmem_shared>> -> memref<1x1x96x256xf32, #tpu.memory_space<vmem_shared>>
        %dma_start3A_1751 = tpu.memref_squeeze %dma_start3A_1750 : memref<1x1x96x256xf32, #tpu.memory_space<vmem_shared>> -> memref<96x256xf32, #tpu.memory_space<vmem_shared>>
        tpu.enqueue_dma source(%dma_start3A_1751 : memref<96x256xf32, #tpu.memory_space<vmem_shared>>) target(%dma_start3A_1747 : memref<96x256xf32, #tpu.memory_space<hbm>>) target_semaphore(%run_scoped3A_1745 : memref<!tpu.dma_semaphore, #tpu.memory_space<semaphore_mem>>)
        %dma_wait3A_1752 = arith.constant 128 : i32
        %dma_wait3A_1753 = tpu.memref_slice %arg5[%multiple_of3A_1717, %dma_wait3A_1752] : memref<50000x384xf32, #tpu.memory_space<hbm>> -> memref<96x256xf32, #tpu.memory_space<hbm>>
        %dma_wait3A_1754 = arith.constant 0 : i32
        %dma_wait3A_1755 = arith.constant 0 : i32
        %dma_wait3A_1756 = tpu.memref_slice %arg8[%arg1, %run_scoped3A_1744, %dma_wait3A_1754, %dma_wait3A_1755] : memref<16x3x96x256xf32, #tpu.memory_space<vmem_shared>> -> memref<1x1x96x256xf32, #tpu.memory_space<vmem_shared>>
        %dma_wait3A_1757 = tpu.memref_squeeze %dma_wait3A_1756 : memref<1x1x96x256xf32, #tpu.memory_space<vmem_shared>> -> memref<96x256xf32, #tpu.memory_space<vmem_shared>>
        tpu.wait_dma2 semaphore(%run_scoped3A_1745 : memref<!tpu.dma_semaphore, #tpu.memory_space<semaphore_mem>>) src(%dma_wait3A_1757 : memref<96x256xf32, #tpu.memory_space<vmem_shared>>) dst(%dma_wait3A_1753 : memref<96x256xf32, #tpu.memory_space<hbm>>)
        tpu.yield
      }) : () -> ()
    } else {
    }
    return
  }
}

</mosaic_0001>

<sc_bundles>
// kernel: kernel.3.cloned.1.call-start
scs
__scs_entry_jumppad:
0x0: {  	(pc) =	sbr.rel $0x88, $3  }
0x1: {  	(tag) =	ssettag $0x0;
	lr =	simm.s32 $0x1  }
0x2: {  	[smem:$0x3F9E] =	sst lr;
	_ =	strace $0xD0000000  }
0x3: {  	_ = 	snop  }
0x4: {  	_ = 	snop  }
0x5: {  	_ = 	snop  }
0x6: {  	_ = 	snop  }
0x7: {  	_ = 	snop  }
__scs_overlays_trampoline_lowered:
0x8: {  	[smem:$0x3FAD] =	sst s0  }
0x9: {  	[smem:$0x3FAE] =	sst s1  }
0xa: {  	[smem:$0x3FAF] =	sst s2  }
0xb: {  	[smem:$0x3FB0] =	sst s3  }
0xc: {  	[smem:$0x3FB1] =	sst s4  }
0xd: {  	[smem:$0x3FB2] =	sst s5  }
0xe: {  	[smem:$0x3FB3] =	sst s6  }
0xf: {  	[smem:$0x3FB4] =	sst s7  }
0x10: {  	[smem:$0x3FB5] =	sst s8  }
0x11: {  	[smem:$0x3FB6] =	sst s9;
	s0 =	simm.s32 @!p0 $0x0  }
0x12: {  	s1 =	sld [smem:$0x3F9C];
	s0 =	simm.s32 @p0 $0x1  }
0x13: {  	[smem:$0x3FB7] =	sst s0;
	s0 =	simm.s32 @!p1 $0x0  }
0x14: {  	s2 =	sld [smem:$0x3F9B];
	s0 =	simm.s32 @p1 $0x1  }
0x15: {  	[smem:$0x3FB8] =	sst s0;
	s0 =	simm.s32 @!p2 $0x0  }
0x16: {  	s3 =	sld [smem:$0x3FDB];
	s0 =	simm.s32 @p2 $0x1  }
0x17: {  	s4 =	simm.s32 $0x1BF5;
	[smem:$0x3FBA] =	sst s0  }
0x18: {  	s0 =	sld [smem:$0x3F9D];
	_ =	swait.ge [sflag:s4], $0x0  }
0x19: {  	s7 =	sld [smem:$0x3F9E]  }
0x1a: {  	s8 =	sadd.s32 $0xFFFFE003, lr  }
0x1b: {  	s9 =	sadd.s32 $0xFFFFFEF7, lr;
	s5 =	simm.s32 $0xFFFFFFFF;
	p2 =	slt.u32 s8, $0xFFFFF086  }
0x1c: {  	p1 =	slt.u32 s9, $0xF7A;
	s5 =	simm.s32 @!p2 $0x0  }
0x1d: {  	s5 =	simm.s32 @p1 $0x1;
	p0 =	seq.s32 s7, s2  }
0x1e: {  	s7 =	smul.u32 @!p0 $0xF7A, s2;
	p2 =	seq.s32 @!p0 s5, $0x0  }
0x1f: {  	s9 =	smul.u32 $0xF7A, s1;
	s8 =	simm.s32 @!p0 $0x1BF5;
	p2 =	por !p2, p0  }
0x20: {  	[sflag:s8] =	ssyncset.s32 @!p0 $0xFFFFF086;
	s6 =	sadd.s32 @!p0 s3, s7;
	s7 =	simm.s32 @!p0 $0x108  }
0x21: {  	s3 =	sadd.s32 s3, s9;
	s6 =	sadd.s32 @!p0 $0x88, s6;
	s7 =	simm.s32 @p2 $0x1082  }
0x22: {  	[simem:s7], [sflag:s8] =	dma.local @!p0 [hbm:s6], $0xF7A  }
0x23: {  	s9 =	sor.u32 $0xD0000000, s2;
	s6 =	simm.s32 $0x108;
	_ =	swait.ge @!p0 [sflag:s8], $0x0  }
0x24: {  	s3 =	sadd.s32 $0x88, s3;
	s6 =	simm.s32 @!p1 $0x1082;
	[sflag:s4] =	ssyncset.s32 $0xFFFFF086  }
0x25: {  	[simem:s6], [sflag:s4] =	dma.local [hbm:s3], $0xF7A  }
0x26: {  	[smem:$0x3F9E] =	sst s1;
	(tag) =	ssettag s2;
	_ =	strace s9  }
0x27: {  	s1 =	sld [smem:$0x3FAE]  }
0x28: {  	s2 =	sld [smem:$0x3FAF]  }
0x29: {  	s4 =	sld [smem:$0x3FB1]  }
0x2a: {  	p0 =	seq.s32 s5, $0x0;
	s5 =	sld [smem:$0x3FB2]  }
0x2b: {  	s6 =	sld [smem:$0x3FB3]  }
0x2c: {  	s7 =	sld [smem:$0x3FB4]  }
0x2d: {  	s3 =	simm.s32 $0x108;
	s8 =	sld [smem:$0x3FB5]  }
0x2e: {  	s3 =	simm.s32 @!p0 $0x1082;
	s9 =	sld [smem:$0x3FB6]  }
0x2f: {  	lr =	sadd.s32 s0, s3;
	s0 =	sld [smem:$0x3FAD]  }
0x30: {  	s3 =	sld [smem:$0x3FB0]  }
0x31: {  	[smem:$0x3FB9] =	sst s10  }
0x32: {  	s10 =	sld [smem:$0x3FB7];
	_ =	sdelay $0x3  }
0x33: {  	p0 =	seq.s32 s10, $0x1;
	s10 =	sld [smem:$0x3FB9];
	_ =	sdelay $0x3  }
0x34: {  	[smem:$0x3FB9] =	sst s10  }
0x35: {  	s10 =	sld [smem:$0x3FB8];
	_ =	sdelay $0x3  }
0x36: {  	p1 =	seq.s32 s10, $0x1;
	s10 =	sld [smem:$0x3FB9];
	_ =	sdelay $0x3  }
0x37: {  	[smem:$0x3FB9] =	sst s10  }
0x38: {  	s10 =	sld [smem:$0x3FBA]  }
0x39: {  	_ = 	snop;
	(pc) =	sbr.ind lr, $3  }
0x3a: {  	_ = 	snop  }
0x3b: {  	_ = 	snop  }
0x3c: {  	p2 =	seq.s32 s10, $0x1;
	s10 =	sld [smem:$0x3FB9]  }
0x3d: {  	_ =	shalt  }
0x3e: {  	_ =	shalt  }
0x3f: {  	_ =	shalt  }
0x40: {  	_ =	shalt  }
0x41: {  	_ =	shalt  }
0x42: {  	_ =	shalt  }
0x43: {  	_ =	shalt  }
0x44: {  	_ =	shalt  }
0x45: {  	_ =	shalt  }
0x46: {  	_ =	shalt  }
0x47: {  	_ =	shalt  }
0x48: {  	_ =	shalt  }
0x49: {  	_ =	shalt  }
0x4a: {  	_ =	shalt  }
0x4b: {  	_ =	shalt  }
0x4c: {  	_ =	shalt  }
0x4d: {  	_ =	shalt  }
0x4e: {  	_ =	shalt  }
0x4f: {  	_ =	shalt  }
0x50: {  	_ =	shalt  }
0x51: {  	_ =	shalt  }
0x52: {  	_ =	shalt  }
0x53: {  	_ =	shalt  }
0x54: {  	_ =	shalt  }
0x55: {  	_ =	shalt  }
0x56: {  	_ =	shalt  }
0x57: {  	_ =	shalt  }
0x58: {  	_ =	shalt  }
0x59: {  	_ =	shalt  }
0x5a: {  	_ =	shalt  }
0x5b: {  	_ =	shalt  }
0x5c: {  	_ =	shalt  }
0x5d: {  	_ =	shalt  }
0x5e: {  	_ =	shalt  }
0x5f: {  	_ =	shalt  }
0x60: {  	_ =	shalt  }
0x61: {  	_ =	shalt  }
0x62: {  	_ =	shalt  }
0x63: {  	_ =	shalt  }
0x64: {  	_ =	shalt  }
0x65: {  	_ =	shalt  }
0x66: {  	_ =	shalt  }
0x67: {  	_ =	shalt  }
0x68: {  	_ =	shalt  }
0x69: {  	_ =	shalt  }
0x6a: {  	_ =	shalt  }
0x6b: {  	_ =	shalt  }
0x6c: {  	_ =	shalt  }
0x6d: {  	_ =	shalt  }
0x6e: {  	_ =	shalt  }
0x6f: {  	_ =	shalt  }
0x70: {  	_ =	shalt  }
0x71: {  	_ =	shalt  }
0x72: {  	_ =	shalt  }
0x73: {  	_ =	shalt  }
0x74: {  	_ =	shalt  }
0x75: {  	_ =	shalt  }
0x76: {  	_ =	shalt  }
0x77: {  	_ =	shalt  }
0x78: {  	_ =	shalt  }
0x79: {  	_ =	shalt  }
0x7a: {  	_ =	shalt  }
0x7b: {  	_ =	shalt  }
0x7c: {  	_ =	shalt  }
0x7d: {  	_ =	shalt  }
0x7e: {  	_ =	shalt  }
0x7f: {  	_ =	shalt  }
0x80: {  	_ =	shalt  }
0x81: {  	_ =	shalt  }
0x82: {  	_ =	shalt  }
0x83: {  	_ =	shalt  }
0x84: {  	_ =	shalt  }
0x85: {  	_ =	shalt  }
0x86: {  	_ =	shalt  }
0x87: {  	_ =	shalt  }
.Lfunc_end0:
.L_simem_size_0:
called_computation_lowered:
.L_overlay_start_0:
0x88: {  	s2 =	sld [smem:$0x3FD9]  }
0x89: {  	s3 =	sld [smem:$0x3FFE];
	_ =	sdelay $0x1  }
0x8a: {  	s1 =	srdreg.scid  }
0x8b: {  	s0 =	sand.u32 $0x1, s1  }
0x8c: {  	s18 =	sshll.u32 s0, $0xA;
	s2 =	sadd.s32 s3, s2  }
0x8d: {  	s2 =	sadd.s32 s2, s18  }
0x8e: {  	[smem:$0x3FC5] =	sst s2  }
0x8f: {  	_ = 	snop  }
0x90: {  	s2 =	sld [smem:$0x3FC9]  }
0x91: {  	s19 =	sld [smem:$0x3FC8]  }
0x92: {  	s4 =	sld [smem:$0x3FC7]  }
0x93: {  	s5 =	sld [smem:$0x3FD0];
	(tm) =	ssettm $0x1  }
0x94: {  	s6 =	sld [smem:$0x3FFB];
	_ =	sdelay $0x3  }
0x95: {  	_ =	strace s6  }
0x96: {  	s6 =	sld [smem:$0x3FFC];
	_ =	sdelay $0x3  }
0x97: {  	_ =	strace s6  }
0x98: {  	s6 =	sld [smem:$0x3FFD];
	_ =	sdelay $0x3  }
0x99: {  	_ =	strace s6  }
0x9a: {  	_ =	strace $0x8FFFFFFF  }
0x9b: {  	s20 =	sld [smem:$0x3FDB];
	_ =	sdelay $0x1  }
0x9c: {  	s7 =	simm.s32 $_scs_section_size  }
0x9d: {  	s8 =	simm.s32 $_size__tile_overlayer_lowered;
	s9 =	simm.s32 $_tile_overlayer_lowered  }
0x9e: {  	s23 =	simm.s32 $0x1BFF;
	s22 =	sshll.u32 s9, $0x1;
	s6 =	sadd.s32 s7, s20  }
0x9f: {  	s10 =	simm.s32 $0x0;
	s21 =	sshll.u32 s8, $0x1;
	s8 =	sadd.s32 s22, s6  }
0xa0: {  	[timem:s10], [sflag:s23] =	dma.local [hbm:s8], s21  }
0xa1: {  	_ =	swait.ge [sflag:s23], s21  }
0xa2: {  	s7 =	ssub.s32 $0x0, s21;
	[sflag:s23] =	ssyncset.done $0x0  }
0xa3: {  	[sflag:s23] =	ssyncadd.s32 s7;
	_ =	sdelay $0x1  }
0xa4: {  	s24 =	simm.s32 $0x1B8B  }
0xa5: {  	_ =	swait.ge [sflag:s24], $0x1  }
0xa6: {  	[sflag:s24] =	ssyncset.done $0x0  }
0xa7: {  	s25 =	simm.s32 $0x1B8E;
	[sflag:s24] =	ssyncadd.s32 $0xFFFFFFFF  }
0xa8: {  	s26 =	simm.s32 $execute0_lowered;
	[smem:$0x3FD2] =	sst s25  }
0xa9: {  	s7 =	sshll.u32 s26, $0x1;
	_ =	strace $0x80000046;
	[dreg:$0x1] =	wrdreg $0xFFFFFFFF  }
0xaa: {  	s28 =	simm.s32 $_size_execute0_lowered;
	s6 =	sadd.s32 s6, s7;
	[dreg:$0x0] =	wrdreg $0x0  }
0xab: {  	s7 =	sshll.u32 s28, $0x1;
	[dreg:$0x2] =	wrdreg s6  }
0xac: {  	[dreg:$0x3] =	wrdreg s7  }
0xad: {  	[dreg:$0x4] =	wrdreg $0xC0  }
0xae: {  	_ =	task [dreg:s10], $0x5FFFF  }
0xaf: {  	[dreg:$0x1] =	wrdreg $0xFFFFFFFF  }
0xb0: {  	[dreg:$0x0] =	wrdreg $0x60  }
0xb1: {  	[dreg:$0x2] =	wrdreg s2  }
0xb2: {  	[dreg:$0x3] =	wrdreg s19  }
0xb3: {  	[dreg:$0x4] =	wrdreg s4  }
0xb4: {  	[dreg:$0x5] =	wrdreg s5  }
0xb5: {  	[dreg:$0x6] =	wrdreg $0x9C000  }
0xb6: {  	[dreg:$0x7] =	wrdreg $0x9  }
0xb7: {  	_ =	task.clear_ibuf [dreg:s10], $0x8FFFF;
	_ =	strace $0x90000046  }
0xb8: {  	s29 =	simm.s32 $0x9;
	_ =	strace $0x80000048  }
0xb9: {  	_ =	swait.ge [sflag:s29], $0x1  }
0xba: {  	[sflag:s29] =	ssyncadd.s32 $0xFFFFFFFF  }
0xbb: {  	_ =	strace $0x90000048  }
0xbc: {  	_ =	sfence  }
0xbd: {  	s30 =	sld [smem:$0x0];
	_ =	sdelay $0x2  }
0xbe: {  	s31 =	sshll.u32 s1, $0xD;
	s1 =	sshrl.u32 s1, $0x2  }
0xbf: {  	s3 =	sand.u32 $0x4000, s31;
	s1 =	sadd.s32 s1, s30  }
0xc0: {  	s0 =	sor.u32 s3, s0;
	s1 =	sshll.u32 s1, $0x11  }
0xc1: {  	s0 =	sor.u32 s1, s0  }
0xc2: {  	s0 =	sadd.s32 $0x8F2B, s0  }
0xc3: {  	[sflag:s0] =	ssyncadd.remote.s32 $0x1  }
0xc4: {  	_ =	sfence.sel $0xFFFF  }
0xc5: {  	[dreg:$0x0] =	wrdreg $0xFFFFFFFF;
	(pc) =	sbr.abs _section_cstart, $3  }
0xc6: {  	[dreg:$0x1] =	wrdreg $0xFFFFFFFF  }
0xc7: {  	_ =	task.clear_ibuf [dreg:s10], $0x2FFFF;
	_ =	strace $0x9FFFFFFF  }
0xc8: {  	(tm) =	ssettm $0x7FFFFFFF  }
0xc9: {  	_ =	shalt  }
tec
execute0_lowered:
.L_overlay_start_1:
0x0: {  	(tag) =	ssettag $0x1  }
0x1: {  	s3 =	rddreg [dreg:$0x0]  }
0x2: {  	s5 =	rddreg [dreg:$0x2]  }
0x3: {  	s4 =	rddreg [dreg:$0x3]  }
0x4: {  	s1 =	srdreg.scid;
	s0 =	stileid.u32  }
0x5: {  	s31 =	simm.s32 $0x0;
	s2 =	sand.u32 $0x1, s1;
	s25 =	sshll.u32 s0, $0x1  }
0x6: {  	[smem:$0x7FF] =	sst s31;
	s8 =	sor.u32 s2, s25  }
0x7: {  	[smem:$0x7EB] =	sst s2;
	s6 =	smul.u32 $0x60, s8  }
0x8: {  	[smem:$0x7F2] =	sst s8  }
0x9: {  	_ =	strace $0x80000047;
	s11 =	sadd.s32 $0xC00, s6;
	s16 =	sadd.s32 $0x1800, s6  }
0xa: {  	s17 =	sadd.s32 $0x2400, s6;
	s18 =	sor.u32 $0x3000, s6;
	s9 =	sshrl.u32 s6, $0x3  }
0xb: {  	s22 =	sadd.s32 $0x4800, s6;
	s30 =	sadd.s32 $0x5400, s6;
	s23 =	sadd.s32 $0x6C00, s6  }
0xc: {  	s21 =	sadd.s32 $0x7800, s6;
	s7 =	sadd.s32 s5, s9;
	s14 =	sshrl.u32 s11, $0x3  }
0xd: {  	s29 =	sshrl.u32 s22, $0x3;
	[dreg:$0x6] =	wrdreg s7;
	s10 =	sadd.s32 s5, s14  }
0xe: {  	s20 =	sshrl.u32 s23, $0x3;
	s28 =	sadd.s32 s5, s29;
	[dreg:$0x7] =	wrdreg s10  }
0xf: {  	s7 =	sshrl.u32 s16, $0x3;
	s2 =	sadd.s32 s5, s20;
	[dreg:$0xc] =	wrdreg s28  }
0x10: {  	s19 =	sshrl.u32 s21, $0x3;
	s12 =	sadd.s32 s5, s7;
	[dreg:$0xf] =	wrdreg s2  }
0x11: {  	s10 =	sshrl.u32 s17, $0x3;
	s2 =	sadd.s32 s5, s19;
	[dreg:$0x8] =	wrdreg s12  }
0x12: {  	s28 =	sshrl.u32 s30, $0x3;
	s13 =	sadd.s32 s5, s10;
	[dreg:$0x10] =	wrdreg s2  }
0x13: {  	s25 =	sadd.s32 $0x3C00, s6;
	s0 =	sadd.s32 s5, s28;
	[dreg:$0x9] =	wrdreg s13  }
0x14: {  	s12 =	sshrl.u32 s18, $0x3;
	s2 =	sadd.s32 $0x9C00, s6;
	[dreg:$0xd] =	wrdreg s0  }
0x15: {  	s15 =	sadd.s32 s5, s12;
	s13 =	sshrl.u32 s25, $0x3;
	[smem:$0x7E2] =	sst s2  }
0x16: {  	[dreg:$0xa] =	wrdreg s15;
	s26 =	sadd.s32 s5, s13  }
0x17: {  	s15 =	sadd.s32 $0x8400, s6;
	[dreg:$0xb] =	wrdreg s26  }
0x18: {  	[smem:$0x7D9] =	sst s15;
	s0 =	sshrl.u32 s15, $0x3  }
0x19: {  	s15 =	sshrl.u32 s2, $0x3;
	[smem:$0x7DE] =	sst s0  }
0x1a: {  	s26 =	sor.u32 $0x6000, s6;
	s2 =	sadd.s32 $0xB400, s6;
	[smem:$0x7E8] =	sst s15  }
0x1b: {  	s24 =	sshrl.u32 s26, $0x3;
	s0 =	sadd.s32 s5, s0;
	[smem:$0x7ED] =	sst s2  }
0x1c: {  	s1 =	sadd.s32 s5, s24;
	[dreg:$0x11] =	wrdreg s0  }
0x1d: {  	s0 =	sadd.s32 s5, s15;
	[dreg:$0xe] =	wrdreg s1  }
0x1e: {  	s1 =	sor.u32 $0x9000, s6;
	[dreg:$0x13] =	wrdreg s0  }
0x1f: {  	[smem:$0x7DD] =	sst s1;
	s1 =	sshrl.u32 s1, $0x3  }
0x20: {  	[smem:$0x7E3] =	sst s1;
	s1 =	sadd.s32 s5, s1  }
0x21: {  	[dreg:$0x12] =	wrdreg s1;
	s1 =	sadd.s32 $0xA800, s6  }
0x22: {  	[smem:$0x7E7] =	sst s1;
	s1 =	sshrl.u32 s1, $0x3  }
0x23: {  	[smem:$0x7EE] =	sst s1;
	s0 =	sadd.s32 s5, s1;
	s1 =	sshrl.u32 s2, $0x3  }
0x24: {  	s8 =	smul.u32 $0xC00, s8;
	s15 =	sshll.u32 s16, $0x5;
	[smem:$0x7F1] =	sst s1  }
0x25: {  	s16 =	smul.u32 $0x180, s14;
	[dreg:$0x14] =	wrdreg s0;
	s2 =	sadd.s32 s5, s1  }
0x26: {  	s0 =	sadd.s32 s3, s8;
	s1 =	sshll.u32 s11, $0x5;
	[dreg:$0x15] =	wrdreg s2  }
0x27: {  	s14 =	sshll.u32 s17, $0x5;
	[dreg:$0x16] =	wrdreg s0;
	s8 =	sadd.s32 s3, s1  }
0x28: {  	s2 =	smul.u32 $0x180, s9;
	s1 =	sadd.s32 s3, s15;
	[dreg:$0x17] =	wrdreg s8  }
0x29: {  	s15 =	sadd.s32 s3, s14;
	[dreg:$0x1a] =	wrdreg s1  }
0x2a: {  	s8 =	sadd.s32 $0x80, s4;
	[dreg:$0x1d] =	wrdreg s15;
	s9 =	sadd.s32 s4, s2  }
0x2b: {  	s7 =	smul.u32 $0x180, s7;
	s11 =	sadd.s32 s2, s8;
	[dreg:$0x18] =	wrdreg s9  }
0x2c: {  	s2 =	sadd.s32 s4, s16;
	[dreg:$0x19] =	wrdreg s11  }
0x2d: {  	s18 =	sshll.u32 s18, $0x5;
	s17 =	sadd.s32 s7, s8;
	[dreg:$0x1b] =	wrdreg s2  }
0x2e: {  	s14 =	sshll.u32 s25, $0x5;
	s11 =	sadd.s32 s16, s8;
	[dreg:$0x1f] =	wrdreg s17  }
0x2f: {  	s15 =	smul.u32 $0x180, s12;
	s16 =	sadd.s32 s4, s7;
	[dreg:$0x1c] =	wrdreg s11  }
0x30: {  	s25 =	smul.u32 $0x180, s13;
	s9 =	sadd.s32 s3, s18;
	[dreg:$0x1e] =	wrdreg s16  }
0x31: {  	s13 =	smul.u32 $0x180, s29;
	s17 =	sadd.s32 s4, s15;
	[smem:$0x7C5] =	sst s9  }
0x32: {  	s18 =	sadd.s32 s15, s8;
	[smem:$0x7C9] =	sst s17  }
0x33: {  	s15 =	sadd.s32 s4, s13;
	[smem:$0x7CA] =	sst s18  }
0x34: {  	s16 =	sadd.s32 s3, s14;
	[smem:$0x7CF] =	sst s15  }
0x35: {  	s12 =	sshll.u32 s30, $0x5;
	s9 =	sadd.s32 s4, s25;
	[smem:$0x7C8] =	sst s16  }
0x36: {  	s2 =	smul.u32 $0x180, s10;
	s14 =	sadd.s32 s3, s12;
	[smem:$0x7CC] =	sst s9  }
0x37: {  	s18 =	smul.u32 $0x180, s28;
	s28 =	sshll.u32 s23, $0x5;
	[smem:$0x7CE] =	sst s14  }
0x38: {  	s10 =	sadd.s32 s4, s2;
	s1 =	sadd.s32 s3, s28;
	s28 =	sld [smem:$0x7E2]  }
0x39: {  	s22 =	sshll.u32 s22, $0x5;
	s11 =	sadd.s32 s2, s8;
	[smem:$0x7C6] =	sst s10  }
0x3a: {  	s2 =	sadd.s32 s3, s22;
	[smem:$0x7C7] =	sst s11  }
0x3b: {  	s17 =	sshll.u32 s26, $0x5;
	s16 =	sadd.s32 s13, s8;
	[smem:$0x7CB] =	sst s2  }
0x3c: {  	s29 =	smul.u32 $0x180, s24;
	s22 =	sadd.s32 s3, s17;
	[smem:$0x7D0] =	sst s16  }
0x3d: {  	[smem:$0x7D1] =	sst s22  }
0x3e: {  	s9 =	sadd.s32 s29, s8;
	[smem:$0x7D4] =	sst s1  }
0x3f: {  	[smem:$0x7D6] =	sst s9  }
0x40: {  	s16 =	sld [smem:$0x7D9]  }
0x41: {  	s22 =	sld [smem:$0x7DE]  }
0x42: {  	s10 =	sadd.s32 s25, s8;
	s2 =	sadd.s32 s4, s29;
	s29 =	sld [smem:$0x7E3]  }
0x43: {  	s25 =	sadd.s32 s4, s18;
	[smem:$0x7CD] =	sst s10  }
0x44: {  	s12 =	smul.u32 $0x180, s20;
	s26 =	sadd.s32 s18, s8;
	[smem:$0x7D2] =	sst s25  }
0x45: {  	[smem:$0x7D3] =	sst s26  }
0x46: {  	s14 =	sadd.s32 s4, s12;
	[smem:$0x7D5] =	sst s2  }
0x47: {  	s15 =	sadd.s32 s12, s8;
	[smem:$0x7D8] =	sst s14  }
0x48: {  	s17 =	smul.u32 $0x180, s19;
	[smem:$0x7DA] =	sst s15  }
0x49: {  	s10 =	sshll.u32 s21, $0x5;
	s21 =	sld [smem:$0x7DD]  }
0x4a: {  	s19 =	sadd.s32 s4, s17;
	s14 =	sld [smem:$0x7E8]  }
0x4b: {  	s20 =	sadd.s32 s17, s8;
	[smem:$0x7DC] =	sst s19  }
0x4c: {  	[smem:$0x7DF] =	sst s20  }
0x4d: {  	s13 =	sadd.s32 s3, s10;
	s20 =	sld [smem:$0x7ED]  }
0x4e: {  	[smem:$0x7D7] =	sst s13  }
0x4f: {  	s13 =	sld [smem:$0x7E7]  }
0x50: {  	s1 =	sshll.u32 s16, $0x5;
	s23 =	smul.u32 $0x180, s22;
	s22 =	sld [smem:$0x7EE]  }
0x51: {  	s2 =	smul.u32 $0x180, s29;
	s29 =	sld [smem:$0x7F2];
	s18 =	sadd.s32 s3, s1  }
0x52: {  	[smem:$0x7DB] =	sst s18  }
0x53: {  	s1 =	sshll.u32 s21, $0x5;
	s18 =	sld [smem:$0x7EB]  }
0x54: {  	s24 =	sadd.s32 s3, s1;
	s1 =	sshll.u32 s28, $0x5;
	s28 =	sld [smem:$0x7F1]  }
0x55: {  	s25 =	sadd.s32 s4, s23;
	[smem:$0x7E0] =	sst s24  }
0x56: {  	p1 =	por $0x0, $0x0;
	s26 =	sadd.s32 s23, s8;
	[smem:$0x7E1] =	sst s25  }
0x57: {  	s6 =	sor.u32 $0xC000, s6;
	s10 =	sadd.s32 s4, s2;
	[smem:$0x7E4] =	sst s26  }
0x58: {  	s11 =	stileid.u32;
	s12 =	sadd.s32 s2, s8;
	[smem:$0x7E6] =	sst s10  }
0x59: {  	s30 =	simm.s32 $0x100;
	s15 =	smul.u32 $0x180, s14;
	[smem:$0x7E9] =	sst s12  }
0x5a: {  	s9 =	sadd.s32 s3, s1;
	s23 =	smul.u32 $0x180, s22;
	s22 =	rddreg [dreg:$0x4]  }
0x5b: {  	s21 =	sshll.u32 s20, $0x5;
	s17 =	sadd.s32 s4, s15;
	[smem:$0x7E5] =	sst s9  }
0x5c: {  	s2 =	simm.s32 $0x280;
	s19 =	sadd.s32 s15, s8;
	[smem:$0x7EC] =	sst s17  }
0x5d: {  	s1 =	sshll.u32 s13, $0x5;
	s25 =	sadd.s32 s3, s21;
	[smem:$0x7EF] =	sst s19  }
0x5e: {  	p0 =	seq.s32 s29, $0x8;
	s16 =	sadd.s32 s3, s1;
	[smem:$0x7F0] =	sst s25  }
0x5f: {  	s6 =	simm.s32 @p0 $0xC2F0;
	p0 =	sgt.u32 s29, $0x8;
	s9 =	simm.s32 $0xB  }
0x60: {  	[smem:$0x7EA] =	sst s16;
	s1 =	ssub.s32 $0x2, s18;
	s26 =	sadd.s32 s4, s23  }
0x61: {  	s7 =	smul.u32 $0x180, s28;
	s10 =	sadd.s32 s23, s8;
	s13 =	sshrl.u32 s6, $0x3  }
0x62: {  	s16 =	smul.u32 $0x48000, s11;
	s19 =	sshll.u32 s6, $0x5;
	[smem:$0x7F3] =	sst s26  }
0x63: {  	s11 =	simm.s32 $0x3C00;
	s24 =	sshrl.u32 s1, $0x1;
	[smem:$0x7F4] =	sst s10  }
0x64: {  	s15 =	smul.u32 $0x180, s13;
	s17 =	sadd.s32 s5, s13;
	s21 =	sadd.s32 s3, s19  }
0x65: {  	s13 =	simm.s32 $0x680;
	s19 =	simm.s32 $0x1;
	s1 =	ssub.s32 s1, s24  }
0x66: {  	s12 =	sadd.s32 s4, s7;
	s14 =	sadd.s32 s7, s8;
	[smem:$0x7F7] =	sst s17  }
0x67: {  	s20 =	sshrl.u32 s16, $0x2;
	[smem:$0x7F9] =	sst s21;
	s21 =	simm.s32 $0x780  }
0x68: {  	s7 =	simm.s32 $0x6;
	[smem:$0x7F5] =	sst s12;
	s28 =	smax.u32 s1, $0x1  }
0x69: {  	[smem:$0x7F6] =	sst s14;
	s18 =	sadd.s32 s4, s15;
	s26 =	sadd.s32 $0xFFFFFFFF, s28  }
0x6a: {  	s23 =	sadd.s32 s20, s22;
	s1 =	stileid.u32;
	p2 =	sne.s32 s26, $0x0  }
.Ltmp0:
0x6b: {  	s24 =	sadd.s32 s15, s8;
	[smem:$0x7F8] =	sst s18;
	(pc) =	sbr.rel @!p2 .LBB2_5-.Ltmp0, $4  }
0x6c: {  	s3 =	sadd.s32 $0x6000, s23;
	[smem:$0x7FA] =	sst s24;
	s0 =	sshll.u32 @!p0 s1, $0x6  }
0x6d: {  	s29 =	sshrl.u32 s3, $0x3;
	s3 =	smov.u32 s23;
	[smem:$0x7FC] =	sst s0  }
0x6e: {  	s25 =	sadd.s32 $0xC000, s23;
	[smem:$0x7FB] =	sst s29;
	s0 =	sshrl.u32 @!p0 s3, $0x3  }
0x6f: {  	s18 =	simm.s32 $0x700;
	s25 =	sshrl.u32 s25, $0x3;
	[smem:$0x7FD] =	sst s0  }
0x70: {  	s0 =	rddreg [dreg:$0x6]  }
0x71: {  	[smem:$0x7C4] =	sst s26  }
0x72: {  	[tilespmem:s31], [sflag:$0x1] =	stream.linear.gather [hbm4b:s0+s31], $0x60, $0x38;
	[tilespmem:$0x1BC00] =	vst v63  }
0x73: {  	s23 =	rddreg [dreg:$0x7];
	s9 =	simm.s32 $0x80  }
0x74: {  	[tilespmem:s9], [sflag:$0x1] =	stream.linear.gather [hbm4b:s23+s31], $0x60, $0x38;
	[tilespmem:$0x1BC00] =	vst v63  }
0x75: {  	s24 =	rddreg [dreg:$0x8]  }
0x76: {  	[tilespmem:s30], [sflag:$0x1] =	stream.linear.gather [hbm4b:s24+s31], $0x60, $0x38;
	[tilespmem:$0x1BC00] =	vst v63  }
0x77: {  	s28 =	rddreg [dreg:$0x9];
	s10 =	simm.s32 $0x180  }
0x78: {  	[tilespmem:s10], [sflag:$0x1] =	stream.linear.gather [hbm4b:s28+s31], $0x60, $0x38;
	[tilespmem:$0x1BC00] =	vst v63  }
0x79: {  	s29 =	rddreg [dreg:$0xa];
	s4 =	simm.s32 $0x200  }
0x7a: {  	[tilespmem:s4], [sflag:$0x1] =	stream.linear.gather [hbm4b:s29+s31], $0x60, $0x38;
	[tilespmem:$0x1BC00] =	vst v63  }
0x7b: {  	s5 =	rddreg [dreg:$0xb]  }
0x7c: {  	[tilespmem:s2], [sflag:$0x1] =	stream.linear.gather [hbm4b:s5+s31], $0x60, $0x38;
	[tilespmem:$0x1BC00] =	vst v63  }
0x7d: {  	s6 =	rddreg [dreg:$0xc];
	s12 =	simm.s32 $0x300  }
0x7e: {  	[tilespmem:s12], [sflag:$0x1] =	stream.linear.gather [hbm4b:s6+s31], $0x60, $0x38;
	[tilespmem:$0x1BC00] =	vst v63  }
0x7f: {  	s8 =	rddreg [dreg:$0xd];
	s15 =	simm.s32 $0x380  }
0x80: {  	[tilespmem:s15], [sflag:$0x1] =	stream.linear.gather [hbm4b:s8+s31], $0x60, $0x38;
	[tilespmem:$0x1BC00] =	vst v63  }
0x81: {  	s14 =	rddreg [dreg:$0xe];
	s6 =	simm.s32 $0x400  }
0x82: {  	[tilespmem:s6], [sflag:$0x1] =	stream.linear.gather [hbm4b:s14+s31], $0x60, $0x38;
	[tilespmem:$0x1BC00] =	vst v63  }
0x83: {  	s16 =	rddreg [dreg:$0xf];
	s20 =	simm.s32 $0x480  }
0x84: {  	[tilespmem:s20], [sflag:$0x1] =	stream.linear.gather [hbm4b:s16+s31], $0x60, $0x38;
	[tilespmem:$0x1BC00] =	vst v63  }
0x85: {  	s17 =	rddreg [dreg:$0x10];
	s23 =	simm.s32 $0x500  }
0x86: {  	[tilespmem:s23], [sflag:$0x1] =	stream.linear.gather [hbm4b:s17+s31], $0x60, $0x38;
	[tilespmem:$0x1BC00] =	vst v63  }
0x87: {  	s22 =	rddreg [dreg:$0x11];
	s28 =	simm.s32 $0x580  }
0x88: {  	[tilespmem:s28], [sflag:$0x1] =	stream.linear.gather [hbm4b:s22+s31], $0x60, $0x38;
	[tilespmem:$0x1BC00] =	vst v63  }
0x89: {  	s24 =	rddreg [dreg:$0x12];
	s4 =	simm.s32 $0x600  }
0x8a: {  	[tilespmem:s4], [sflag:$0x1] =	stream.linear.gather [hbm4b:s24+s31], $0x60, $0x38;
	[tilespmem:$0x1BC00] =	vst v63  }
0x8b: {  	s29 =	rddreg [dreg:$0x13]  }
0x8c: {  	[tilespmem:s13], [sflag:$0x1] =	stream.linear.gather [hbm4b:s29+s31], $0x60, $0x38;
	[tilespmem:$0x1BC00] =	vst v63  }
0x8d: {  	s5 =	rddreg [dreg:$0x14]  }
0x8e: {  	[tilespmem:s18], [sflag:$0x1] =	stream.linear.gather [hbm4b:s5+s31], $0x60, $0x38;
	[tilespmem:$0x1BC00] =	vst v63  }
0x8f: {  	s8 =	rddreg [dreg:$0x15]  }
0x90: {  	[tilespmem:s21], [sflag:$0x1] =	stream.linear.gather [hbm4b:s8+s31], $0x60, $0x38;
	[tilespmem:$0x1BC00] =	vst v63  }
0x91: {  	_ =	swait.ge [sflag:s19], $0x60  }
0x92: {  	[sflag:s19] =	ssyncset.done $0x0  }
0x93: {  	[sflag:s19] =	ssyncadd.s32 $0xFFFFFFA0  }
0x94: {  	_ =	swait.ge [sflag:s19], $0x60  }
0x95: {  	[sflag:s19] =	ssyncset.done $0x0  }
0x96: {  	[sflag:s19] =	ssyncadd.s32 $0xFFFFFFA0  }
0x97: {  	_ =	swait.ge [sflag:s19], $0x60  }
0x98: {  	[sflag:s19] =	ssyncset.done $0x0  }
0x99: {  	[sflag:s19] =	ssyncadd.s32 $0xFFFFFFA0  }
0x9a: {  	_ =	swait.ge [sflag:s19], $0x60  }
0x9b: {  	[sflag:s19] =	ssyncset.done $0x0  }
0x9c: {  	[sflag:s19] =	ssyncadd.s32 $0xFFFFFFA0  }
0x9d: {  	_ =	swait.ge [sflag:s19], $0x60  }
0x9e: {  	[sflag:s19] =	ssyncset.done $0x0  }
0x9f: {  	[sflag:s19] =	ssyncadd.s32 $0xFFFFFFA0  }
0xa0: {  	_ =	swait.ge [sflag:s19], $0x60  }
0xa1: {  	[sflag:s19] =	ssyncset.done $0x0  }
0xa2: {  	[sflag:s19] =	ssyncadd.s32 $0xFFFFFFA0  }
0xa3: {  	_ =	swait.ge [sflag:s19], $0x60  }
0xa4: {  	[sflag:s19] =	ssyncset.done $0x0  }
0xa5: {  	[sflag:s19] =	ssyncadd.s32 $0xFFFFFFA0  }
0xa6: {  	_ =	swait.ge [sflag:s19], $0x60  }
0xa7: {  	[sflag:s19] =	ssyncset.done $0x0  }
0xa8: {  	[sflag:s19] =	ssyncadd.s32 $0xFFFFFFA0  }
0xa9: {  	_ =	swait.ge [sflag:s19], $0x60  }
0xaa: {  	[sflag:s19] =	ssyncset.done $0x0  }
0xab: {  	[sflag:s19] =	ssyncadd.s32 $0xFFFFFFA0  }
0xac: {  	_ =	swait.ge [sflag:s19], $0x60  }
0xad: {  	[sflag:s19] =	ssyncset.done $0x0  }
0xae: {  	[sflag:s19] =	ssyncadd.s32 $0xFFFFFFA0  }
0xaf: {  	_ =	swait.ge [sflag:s19], $0x60  }
0xb0: {  	[sflag:s19] =	ssyncset.done $0x0  }
0xb1: {  	[sflag:s19] =	ssyncadd.s32 $0xFFFFFFA0  }
0xb2: {  	_ =	swait.ge [sflag:s19], $0x60  }
0xb3: {  	[sflag:s19] =	ssyncset.done $0x0  }
0xb4: {  	[sflag:s19] =	ssyncadd.s32 $0xFFFFFFA0  }
0xb5: {  	_ =	swait.ge [sflag:s19], $0x60  }
0xb6: {  	[sflag:s19] =	ssyncset.done $0x0  }
0xb7: {  	[sflag:s19] =	ssyncadd.s32 $0xFFFFFFA0  }
0xb8: {  	_ =	swait.ge [sflag:s19], $0x60  }
0xb9: {  	[sflag:s19] =	ssyncset.done $0x0  }
0xba: {  	[sflag:s19] =	ssyncadd.s32 $0xFFFFFFA0  }
0xbb: {  	_ =	swait.ge [sflag:s19], $0x60  }
0xbc: {  	[sflag:s19] =	ssyncset.done $0x0  }
0xbd: {  	s26 =	smov.u32 s3;
	[sflag:s19] =	ssyncadd.s32 $0xFFFFFFA0  }
0xbe: {  	s16 =	sshrl.u32 s26, $0x3;
	_ =	swait.ge [sflag:s19], $0x60  }
0xbf: {  	s20 =	simm.s32 $0x60;
	[sflag:s19] =	ssyncset.done $0x0;
	s12 =	rddreg [dreg:$0x16]  }
0xc0: {  	s21 =	sshll.u32 s1, $0x6;
	[smem:$0x7BA] =	sst s26;
	[sflag:s19] =	ssyncadd.s32 $0xFFFFFFA0  }
0xc1: {  	s23 =	simm.s32 $0xC00;
	s4 =	sor.u32 $0x1C08, s21;
	s1 =	rddreg [dreg:$0x1]  }
0xc2: {  	[tilespmem:s23], [sflag:$0x2] =	stream.indirect.gather [hbm4b:s1+s20], $0x80, s31, s20, $0xb8;
	[tilespmem:$0x1BC00] =	vst v63  }
0xc3: {  	[spmem:s16], [sflag:s4] =	dma.local [hbm:s12], $0xC00  }
0xc4: {  	[tilespmem:s11], [sflag:$0x3] =	stream.indirect.gather [hbm4b:s1+s20], $0x80, s9, s20, $0xb8;
	[tilespmem:$0x1BC00] =	vst v63  }
0xc5: {  	s11 =	sld [smem:$0x7FB];
	_ =	sdelay $0x1  }
0xc6: {  	s13 =	simm.s32 $0x2;
	s5 =	sor.u32 $0x1C09, s21;
	s0 =	rddreg [dreg:$0x17]  }
0xc7: {  	[spmem:s11], [sflag:s5] =	dma.local [hbm:s0], $0xC00  }
0xc8: {  	_ =	swait.ge [sflag:s13], $0x3000  }
0xc9: {  	[sflag:s13] =	ssyncset.done $0x0  }
0xca: {  	s15 =	simm.s32 $0x8;
	s14 =	rddreg [dreg:$0x18];
	[sflag:s13] =	ssyncadd.s32 $0xFFFFD000  }
0xcb: {  	[hbm4b:s14+s6] =	stream.strided.scatter [tilespmem:s23], [sflag:$0x5], $0x3000, s23, s6, $0x38;
	[tilespmem:$0x1BC00] =	vst v63  }
0xcc: {  	_ =	swait.ge [sflag:s15], $0xC00  }
0xcd: {  	s24 =	simm.s32 $0x10;
	[sflag:s15] =	ssyncset.done $0x0  }
0xce: {  	s18 =	sor.u32 $0x1C0B, s21;
	s17 =	rddreg [dreg:$0x19];
	[sflag:s15] =	ssyncadd.s32 $0xFFFFF400  }
0xcf: {  	[hbm:s17@s10], [sflag:s18] =	dma.strided [spmem:s16@s30], $0xC00, s24, $0x10   }
0xd0: {  	[smem:$0x7BC] =	sst s18  }
0xd1: {  	[smem:$0x7BB] =	sst s25  }
0xd2: {  	s3 =	rddreg [dreg:$0x1a]  }
0xd3: {  	s26 =	simm.s32 $0x6C00;
	s25 =	sor.u32 $0x1C0A, s21;
	s28 =	sld [smem:$0x7BB]  }
0xd4: {  	s30 =	simm.s32 $0x100;
	s10 =	simm.s32 $0x3;
	[smem:$0x7BE] =	sst s25  }
0xd5: {  	[tilespmem:s26], [sflag:$0x4] =	stream.indirect.gather [hbm4b:s1+s20], $0x80, s30, s20, $0xb8;
	[tilespmem:$0x1BC00] =	vst v63  }
0xd6: {  	[spmem:s28], [sflag:s25] =	dma.local [hbm:s3], $0xC00  }
0xd7: {  	_ =	swait.ge [sflag:s10], $0x3000  }
0xd8: {  	s29 =	simm.s32 $0x400;
	s8 =	simm.s32 $0x3C00;
	[sflag:s10] =	ssyncset.done $0x0  }
0xd9: {  	s28 =	simm.s32 $0x9;
	s6 =	rddreg [dreg:$0x1b];
	[sflag:s10] =	ssyncadd.s32 $0xFFFFD000  }
0xda: {  	[hbm4b:s6+s29] =	stream.strided.scatter [tilespmem:s8], [sflag:$0x6], $0x3000, s23, s29, $0x38;
	[tilespmem:$0x1BC00] =	vst v63  }
0xdb: {  	s9 =	sor.u32 $0x1C0C, s21;
	s13 =	simm.s32 $0x180;
	_ =	swait.ge [sflag:s28], $0xC00  }
0xdc: {  	s14 =	simm.s32 $0x10;
	s8 =	rddreg [dreg:$0x1c];
	[sflag:s28] =	ssyncset.done $0x0  }
0xdd: {  	s17 =	simm.s32 $0x5;
	[smem:$0x7BF] =	sst s9;
	[sflag:s28] =	ssyncadd.s32 $0xFFFFF400  }
0xde: {  	[hbm:s8@s13], [sflag:s9] =	dma.strided [spmem:s11@s30], $0xC00, s14, $0x10   }
0xdf: {  	_ =	swait.ge [sflag:s17], $0x3000  }
0xe0: {  	[sflag:s17] =	ssyncset.done $0x0  }
0xe1: {  	s12 =	simm.s32 $0xB;
	[sflag:s17] =	ssyncadd.s32 $0xFFFFD000  }
0xe2: {  	_ =	swait.ge [sflag:s12], $0xC00  }
0xe3: {  	[sflag:s12] =	ssyncset.done $0x0  }
0xe4: {  	s25 =	simm.s32 $0x180;
	s15 =	rddreg [dreg:$0x1d];
	[sflag:s12] =	ssyncadd.s32 $0xFFFFF400  }
0xe5: {  	[tilespmem:s23], [sflag:$0x2] =	stream.indirect.gather [hbm4b:s1+s20], $0x80, s25, s20, $0xb8;
	[tilespmem:$0x1BC00] =	vst v63  }
0xe6: {  	[spmem:s16], [sflag:s4] =	dma.local [hbm:s15], $0xC00  }
0xe7: {  	s15 =	simm.s32 $0x4  }
0xe8: {  	_ =	swait.ge [sflag:s15], $0x3000  }
0xe9: {  	[sflag:s15] =	ssyncset.done $0x0  }
0xea: {  	s24 =	simm.s32 $0x6C00;
	s2 =	rddreg [dreg:$0x1e];
	[sflag:s15] =	ssyncadd.s32 $0xFFFFD000  }
0xeb: {  	[hbm4b:s2+s29] =	stream.strided.scatter [tilespmem:s24], [sflag:$0x7], $0x3000, s23, s29, $0x38;
	[tilespmem:$0x1BC00] =	vst v63  }
0xec: {  	s24 =	simm.s32 $0xA  }
0xed: {  	_ =	swait.ge [sflag:s24], $0xC00  }
0xee: {  	s9 =	sld [smem:$0x7BB]  }
0xef: {  	s21 =	sor.u32 $0x1C0D, s21;
	[sflag:s24] =	ssyncset.done $0x0  }
0xf0: {  	s13 =	simm.s32 $0x180;
	s6 =	rddreg [dreg:$0x1f];
	[sflag:s24] =	ssyncadd.s32 $0xFFFFF400  }
0xf1: {  	[hbm:s6@s13], [sflag:s21] =	dma.strided [spmem:s9@s30], $0xC00, s14, $0x10   }
0xf2: {  	_ =	swait.ge [sflag:s7], $0x3000  }
0xf3: {  	[sflag:s7] =	ssyncset.done $0x0  }
0xf4: {  	s22 =	simm.s32 $0xC;
	[sflag:s7] =	ssyncadd.s32 $0xFFFFD000  }
0xf5: {  	s0 =	smov.u32 s18;
	_ =	swait.ge [sflag:s22], $0xC00  }
0xf6: {  	s18 =	simm.s32 $0x2;
	[sflag:s22] =	ssyncset.done $0x0;
	s14 =	sld [smem:$0x7C5]  }
0xf7: {  	s3 =	simm.s32 $0x3C00;
	s25 =	simm.s32 $0x200;
	[sflag:s22] =	ssyncadd.s32 $0xFFFFF400  }
0xf8: {  	[tilespmem:s3], [sflag:$0x3] =	stream.indirect.gather [hbm4b:s1+s20], $0x80, s25, s20, $0xb8;
	[tilespmem:$0x1BC00] =	vst v63  }
0xf9: {  	[spmem:s11], [sflag:s5] =	dma.local [hbm:s14], $0xC00  }
0xfa: {  	_ =	swait.ge [sflag:s18], $0x3000  }
0xfb: {  	s2 =	sld [smem:$0x7C6]  }
0xfc: {  	[sflag:s18] =	ssyncset.done $0x0  }
0xfd: {  	s3 =	simm.s32 $0x8;
	[sflag:s18] =	ssyncadd.s32 $0xFFFFD000  }
0xfe: {  	[hbm4b:s2+s29] =	stream.strided.scatter [tilespmem:s23], [sflag:$0x5], $0x3000, s23, s29, $0x38;
	[tilespmem:$0x1BC00] =	vst v63  }
0xff: {  	_ =	swait.ge [sflag:s3], $0xC00  }
0x100: {  	s9 =	simm.s32 $0x8;
	s25 =	smov.u32 s5;
	s5 =	sld [smem:$0x7C7]  }
0x101: {  	s6 =	simm.s32 $0x10;
	s13 =	simm.s32 $0x8;
	[sflag:s9] =	ssyncset.done $0x0  }
0x102: {  	s22 =	simm.s32 $0x7;
	s14 =	simm.s32 $0x180;
	[sflag:s13] =	ssyncadd.s32 $0xFFFFF400  }
0x103: {  	[hbm:s5@s14], [sflag:s0] =	dma.strided [spmem:s16@s30], $0xC00, s6, $0x10   }
0x104: {  	_ =	swait.ge [sflag:s22], $0x3000  }
0x105: {  	[sflag:s22] =	ssyncset.done $0x0  }
0x106: {  	s13 =	simm.s32 $0xD;
	[sflag:s22] =	ssyncadd.s32 $0xFFFFD000  }
0x107: {  	_ =	swait.ge [sflag:s13], $0xC00  }
0x108: {  	s3 =	sld [smem:$0x7C8]  }
0x109: {  	s2 =	sld [smem:$0x7BB]  }
0x10a: {  	[sflag:s13] =	ssyncset.done $0x0;
	s6 =	sld [smem:$0x7BE]  }
0x10b: {  	s5 =	simm.s32 $0x6C00;
	s14 =	simm.s32 $0x280;
	[sflag:s13] =	ssyncadd.s32 $0xFFFFF400  }
0x10c: {  	[tilespmem:s5], [sflag:$0x4] =	stream.indirect.gather [hbm4b:s1+s20], $0x80, s14, s20, $0xb8;
	[tilespmem:$0x1BC00] =	vst v63  }
0x10d: {  	[spmem:s2], [sflag:s6] =	dma.local [hbm:s3], $0xC00  }
0x10e: {  	_ =	swait.ge [sflag:s10], $0x3000  }
0x10f: {  	s0 =	smov.u32 s1;
	s1 =	sld [smem:$0x7C9]  }
0x110: {  	[sflag:s10] =	ssyncset.done $0x0  }
0x111: {  	s8 =	simm.s32 $0x3C00;
	[sflag:s10] =	ssyncadd.s32 $0xFFFFD000  }
0x112: {  	[hbm4b:s1+s29] =	stream.strided.scatter [tilespmem:s8], [sflag:$0x6], $0x3000, s23, s29, $0x38;
	[tilespmem:$0x1BC00] =	vst v63  }
0x113: {  	_ =	swait.ge [sflag:s28], $0xC00  }
0x114: {  	s2 =	sld [smem:$0x7CA]  }
0x115: {  	s1 =	sld [smem:$0x7BF]  }
0x116: {  	[sflag:s28] =	ssyncset.done $0x0  }
0x117: {  	s9 =	simm.s32 $0x10;
	s3 =	simm.s32 $0x180;
	[sflag:s28] =	ssyncadd.s32 $0xFFFFF400  }
0x118: {  	[hbm:s2@s3], [sflag:s1] =	dma.strided [spmem:s11@s30], $0xC00, s9, $0x10   }
0x119: {  	_ =	swait.ge [sflag:s17], $0x3000  }
0x11a: {  	[sflag:s17] =	ssyncset.done $0x0  }
0x11b: {  	[sflag:s17] =	ssyncadd.s32 $0xFFFFD000  }
0x11c: {  	_ =	swait.ge [sflag:s12], $0xC00  }
0x11d: {  	[sflag:s12] =	ssyncset.done $0x0;
	s26 =	sld [smem:$0x7CB]  }
0x11e: {  	s8 =	simm.s32 $0x300;
	[sflag:s12] =	ssyncadd.s32 $0xFFFFF400  }
0x11f: {  	[tilespmem:s23], [sflag:$0x2] =	stream.indirect.gather [hbm4b:s0+s20], $0x80, s8, s20, $0xb8;
	[tilespmem:$0x1BC00] =	vst v63  }
0x120: {  	[spmem:s16], [sflag:s4] =	dma.local [hbm:s26], $0xC00  }
0x121: {  	_ =	swait.ge [sflag:s15], $0x3000  }
0x122: {  	s2 =	smov.u32 s0;
	s0 =	sld [smem:$0x7CC]  }
0x123: {  	[sflag:s15] =	ssyncset.done $0x0  }
0x124: {  	[sflag:s15] =	ssyncadd.s32 $0xFFFFD000  }
0x125: {  	[hbm4b:s0+s29] =	stream.strided.scatter [tilespmem:s5], [sflag:$0x7], $0x3000, s23, s29, $0x38;
	[tilespmem:$0x1BC00] =	vst v63  }
0x126: {  	_ =	swait.ge [sflag:s24], $0xC00  }
0x127: {  	s3 =	sld [smem:$0x7CD]  }
0x128: {  	s5 =	sld [smem:$0x7BB]  }
0x129: {  	[sflag:s24] =	ssyncset.done $0x0  }
0x12a: {  	s9 =	simm.s32 $0x10;
	s8 =	simm.s32 $0x180;
	[sflag:s24] =	ssyncadd.s32 $0xFFFFF400  }
0x12b: {  	[hbm:s3@s8], [sflag:s21] =	dma.strided [spmem:s5@s30], $0xC00, s9, $0x10   }
0x12c: {  	_ =	swait.ge [sflag:s7], $0x3000  }
0x12d: {  	[sflag:s7] =	ssyncset.done $0x0  }
0x12e: {  	s14 =	simm.s32 $0xC;
	[sflag:s7] =	ssyncadd.s32 $0xFFFFD000  }
0x12f: {  	_ =	swait.ge [sflag:s14], $0xC00  }
0x130: {  	[sflag:s14] =	ssyncset.done $0x0;
	s3 =	sld [smem:$0x7CE]  }
0x131: {  	s5 =	simm.s32 $0x380;
	s9 =	simm.s32 $0x3C00;
	[sflag:s14] =	ssyncadd.s32 $0xFFFFF400  }
0x132: {  	[tilespmem:s9], [sflag:$0x3] =	stream.indirect.gather [hbm4b:s2+s20], $0x80, s5, s20, $0xb8;
	[tilespmem:$0x1BC00] =	vst v63  }
0x133: {  	[spmem:s11], [sflag:s25] =	dma.local [hbm:s3], $0xC00  }
0x134: {  	_ =	swait.ge [sflag:s18], $0x3000  }
0x135: {  	s5 =	smov.u32 s25;
	s25 =	sld [smem:$0x7CF]  }
0x136: {  	[sflag:s18] =	ssyncset.done $0x0  }
0x137: {  	s26 =	simm.s32 $0x8;
	[sflag:s18] =	ssyncadd.s32 $0xFFFFD000  }
0x138: {  	[hbm4b:s25+s29] =	stream.strided.scatter [tilespmem:s23], [sflag:$0x5], $0x3000, s23, s29, $0x38;
	[tilespmem:$0x1BC00] =	vst v63  }
0x139: {  	s3 =	sld [smem:$0x7BB];
	s18 =	simm.s32 $0x8;
	_ =	swait.ge [sflag:s26], $0xC00  }
0x13a: {  	s25 =	simm.s32 $0x8;
	s26 =	sld [smem:$0x7D0];
	[sflag:s18] =	ssyncset.done $0x0  }
0x13b: {  	[sflag:s25] =	ssyncadd.s32 $0xFFFFF400;
	s25 =	sld [smem:$0x7BC];
	_ =	sdelay $0x1  }
0x13c: {  	s8 =	simm.s32 $0x10;
	s18 =	simm.s32 $0x180  }
0x13d: {  	[hbm:s26@s18], [sflag:s25] =	dma.strided [spmem:s16@s30], $0xC00, s8, $0x10   }
0x13e: {  	_ =	swait.ge [sflag:s22], $0x3000  }
0x13f: {  	[sflag:s22] =	ssyncset.done $0x0  }
0x140: {  	[sflag:s22] =	ssyncadd.s32 $0xFFFFD000  }
0x141: {  	_ =	swait.ge [sflag:s13], $0xC00  }
0x142: {  	[sflag:s13] =	ssyncset.done $0x0;
	s26 =	sld [smem:$0x7D1]  }
0x143: {  	s8 =	simm.s32 $0x6C00;
	[sflag:s13] =	ssyncadd.s32 $0xFFFFF400  }
0x144: {  	[tilespmem:s8], [sflag:$0x4] =	stream.indirect.gather [hbm4b:s2+s20], $0x80, s29, s20, $0xb8;
	[tilespmem:$0x1BC00] =	vst v63  }
0x145: {  	[spmem:s3], [sflag:s6] =	dma.local [hbm:s26], $0xC00  }
0x146: {  	_ =	swait.ge [sflag:s10], $0x3000  }
0x147: {  	s8 =	smov.u32 s2;
	s2 =	sld [smem:$0x7D2]  }
0x148: {  	[sflag:s10] =	ssyncset.done $0x0  }
0x149: {  	[sflag:s10] =	ssyncadd.s32 $0xFFFFD000  }
0x14a: {  	[hbm4b:s2+s29] =	stream.strided.scatter [tilespmem:s9], [sflag:$0x6], $0x3000, s23, s29, $0x38;
	[tilespmem:$0x1BC00] =	vst v63  }
0x14b: {  	_ =	swait.ge [sflag:s28], $0xC00  }
0x14c: {  	s0 =	sld [smem:$0x7D3]  }
0x14d: {  	[sflag:s28] =	ssyncset.done $0x0  }
0x14e: {  	s18 =	simm.s32 $0x10;
	s2 =	simm.s32 $0x180;
	[sflag:s28] =	ssyncadd.s32 $0xFFFFF400  }
0x14f: {  	[hbm:s0@s2], [sflag:s1] =	dma.strided [spmem:s11@s30], $0xC00, s18, $0x10   }
0x150: {  	_ =	swait.ge [sflag:s17], $0x3000  }
0x151: {  	[sflag:s17] =	ssyncset.done $0x0  }
0x152: {  	[sflag:s17] =	ssyncadd.s32 $0xFFFFD000  }
0x153: {  	_ =	swait.ge [sflag:s12], $0xC00  }
0x154: {  	[sflag:s12] =	ssyncset.done $0x0;
	s9 =	sld [smem:$0x7D4]  }
0x155: {  	s2 =	smov.u32 s1;
	s1 =	simm.s32 $0x480;
	[sflag:s12] =	ssyncadd.s32 $0xFFFFF400  }
0x156: {  	[tilespmem:s23], [sflag:$0x2] =	stream.indirect.gather [hbm4b:s8+s20], $0x80, s1, s20, $0xb8;
	[tilespmem:$0x1BC00] =	vst v63  }
0x157: {  	[spmem:s16], [sflag:s4] =	dma.local [hbm:s9], $0xC00  }
0x158: {  	_ =	swait.ge [sflag:s15], $0x3000  }
0x159: {  	s9 =	smov.u32 s4;
	s4 =	sld [smem:$0x7D5]  }
0x15a: {  	[sflag:s15] =	ssyncset.done $0x0  }
0x15b: {  	s1 =	smov.u32 s8;
	s8 =	simm.s32 $0x6C00;
	[sflag:s15] =	ssyncadd.s32 $0xFFFFD000  }
0x15c: {  	[hbm4b:s4+s29] =	stream.strided.scatter [tilespmem:s8], [sflag:$0x7], $0x3000, s23, s29, $0x38;
	[tilespmem:$0x1BC00] =	vst v63  }
0x15d: {  	_ =	swait.ge [sflag:s24], $0xC00  }
0x15e: {  	s4 =	sld [smem:$0x7D6]  }
0x15f: {  	[sflag:s24] =	ssyncset.done $0x0  }
0x160: {  	s18 =	simm.s32 $0x10;
	s8 =	simm.s32 $0x180;
	[sflag:s24] =	ssyncadd.s32 $0xFFFFF400  }
0x161: {  	[hbm:s4@s8], [sflag:s21] =	dma.strided [spmem:s3@s30], $0xC00, s18, $0x10   }
0x162: {  	_ =	swait.ge [sflag:s7], $0x3000  }
0x163: {  	[sflag:s7] =	ssyncset.done $0x0  }
0x164: {  	[sflag:s7] =	ssyncadd.s32 $0xFFFFD000  }
0x165: {  	_ =	swait.ge [sflag:s14], $0xC00  }
0x166: {  	s0 =	simm.s32 $0x3C00;
	[sflag:s14] =	ssyncset.done $0x0;
	s4 =	sld [smem:$0x7D7]  }
0x167: {  	s17 =	simm.s32 $0x2;
	[sflag:s14] =	ssyncadd.s32 $0xFFFFF400;
	s14 =	simm.s32 $0x500  }
0x168: {  	[tilespmem:s0], [sflag:$0x3] =	stream.indirect.gather [hbm4b:s1+s20], $0x80, s14, s20, $0xb8;
	[tilespmem:$0x1BC00] =	vst v63  }
0x169: {  	[spmem:s11], [sflag:s5] =	dma.local [hbm:s4], $0xC00  }
0x16a: {  	_ =	swait.ge [sflag:s17], $0x3000  }
0x16b: {  	s4 =	sld [smem:$0x7D8]  }
0x16c: {  	[sflag:s17] =	ssyncset.done $0x0  }
0x16d: {  	s14 =	simm.s32 $0x8;
	[sflag:s17] =	ssyncadd.s32 $0xFFFFD000  }
0x16e: {  	[hbm4b:s4+s29] =	stream.strided.scatter [tilespmem:s23], [sflag:$0x5], $0x3000, s23, s29, $0x38;
	[tilespmem:$0x1BC00] =	vst v63  }
0x16f: {  	_ =	swait.ge [sflag:s14], $0xC00  }
0x170: {  	s18 =	simm.s32 $0x8;
	s26 =	sld [smem:$0x7DA]  }
0x171: {  	s14 =	simm.s32 $0x8;
	[sflag:s18] =	ssyncset.done $0x0  }
0x172: {  	s8 =	simm.s32 $0x10;
	s18 =	simm.s32 $0x180;
	[sflag:s14] =	ssyncadd.s32 $0xFFFFF400  }
0x173: {  	[hbm:s26@s18], [sflag:s25] =	dma.strided [spmem:s16@s30], $0xC00, s8, $0x10   }
0x174: {  	_ =	swait.ge [sflag:s22], $0x3000  }
0x175: {  	[sflag:s22] =	ssyncset.done $0x0  }
0x176: {  	[sflag:s22] =	ssyncadd.s32 $0xFFFFD000  }
0x177: {  	_ =	swait.ge [sflag:s13], $0xC00  }
0x178: {  	[sflag:s13] =	ssyncset.done $0x0;
	s26 =	sld [smem:$0x7DB]  }
0x179: {  	s4 =	simm.s32 $0x6C00;
	s8 =	simm.s32 $0x580;
	[sflag:s13] =	ssyncadd.s32 $0xFFFFF400  }
0x17a: {  	[tilespmem:s4], [sflag:$0x4] =	stream.indirect.gather [hbm4b:s1+s20], $0x80, s8, s20, $0xb8;
	[tilespmem:$0x1BC00] =	vst v63  }
0x17b: {  	[spmem:s3], [sflag:s6] =	dma.local [hbm:s26], $0xC00  }
0x17c: {  	_ =	swait.ge [sflag:s10], $0x3000  }
0x17d: {  	s18 =	sld [smem:$0x7DC]  }
0x17e: {  	[sflag:s10] =	ssyncset.done $0x0  }
0x17f: {  	[sflag:s10] =	ssyncadd.s32 $0xFFFFD000  }
0x180: {  	[hbm4b:s18+s29] =	stream.strided.scatter [tilespmem:s0], [sflag:$0x6], $0x3000, s23, s29, $0x38;
	[tilespmem:$0x1BC00] =	vst v63  }
0x181: {  	_ =	swait.ge [sflag:s28], $0xC00  }
0x182: {  	s0 =	sld [smem:$0x7DF]  }
0x183: {  	s14 =	simm.s32 $0x5;
	[sflag:s28] =	ssyncset.done $0x0  }
0x184: {  	s6 =	simm.s32 $0x10;
	s18 =	simm.s32 $0x180;
	[sflag:s28] =	ssyncadd.s32 $0xFFFFF400  }
0x185: {  	[hbm:s0@s18], [sflag:s2] =	dma.strided [spmem:s11@s30], $0xC00, s6, $0x10   }
0x186: {  	_ =	swait.ge [sflag:s14], $0x3000  }
0x187: {  	[sflag:s14] =	ssyncset.done $0x0  }
0x188: {  	[sflag:s14] =	ssyncadd.s32 $0xFFFFD000  }
0x189: {  	_ =	swait.ge [sflag:s12], $0xC00  }
0x18a: {  	[sflag:s12] =	ssyncset.done $0x0;
	s0 =	sld [smem:$0x7E0]  }
0x18b: {  	s2 =	simm.s32 $0x600;
	[sflag:s12] =	ssyncadd.s32 $0xFFFFF400  }
0x18c: {  	[tilespmem:s23], [sflag:$0x2] =	stream.indirect.gather [hbm4b:s1+s20], $0x80, s2, s20, $0xb8;
	[tilespmem:$0x1BC00] =	vst v63  }
0x18d: {  	[spmem:s16], [sflag:s9] =	dma.local [hbm:s0], $0xC00  }
0x18e: {  	_ =	swait.ge [sflag:s15], $0x3000  }
0x18f: {  	s0 =	sld [smem:$0x7E1]  }
0x190: {  	[sflag:s15] =	ssyncset.done $0x0  }
0x191: {  	[sflag:s15] =	ssyncadd.s32 $0xFFFFD000  }
0x192: {  	[hbm4b:s0+s29] =	stream.strided.scatter [tilespmem:s4], [sflag:$0x7], $0x3000, s23, s29, $0x38;
	[tilespmem:$0x1BC00] =	vst v63  }
0x193: {  	_ =	swait.ge [sflag:s24], $0xC00  }
0x194: {  	s2 =	sld [smem:$0x7E4]  }
0x195: {  	[sflag:s24] =	ssyncset.done $0x0  }
0x196: {  	s4 =	simm.s32 $0x180;
	[sflag:s24] =	ssyncadd.s32 $0xFFFFF400  }
0x197: {  	[hbm:s2@s4], [sflag:s21] =	dma.strided [spmem:s3@s30], $0xC00, s6, $0x10   }
0x198: {  	_ =	swait.ge [sflag:s7], $0x3000  }
0x199: {  	[sflag:s7] =	ssyncset.done $0x0  }
0x19a: {  	s6 =	simm.s32 $0xC;
	[sflag:s7] =	ssyncadd.s32 $0xFFFFD000  }
0x19b: {  	s8 =	smov.u32 s1;
	s1 =	smov.u32 s9;
	_ =	swait.ge [sflag:s6], $0xC00  }
0x19c: {  	s2 =	simm.s32 $0x680;
	[sflag:s6] =	ssyncset.done $0x0;
	s9 =	sld [smem:$0x7E5]  }
0x19d: {  	[smem:$0x7BD] =	sst s5;
	[sflag:s6] =	ssyncadd.s32 $0xFFFFF400;
	s6 =	simm.s32 $0x3C00  }
0x19e: {  	[tilespmem:s6], [sflag:$0x3] =	stream.indirect.gather [hbm4b:s8+s20], $0x80, s2, s20, $0xb8;
	[tilespmem:$0x1BC00] =	vst v63  }
0x19f: {  	[spmem:s11], [sflag:s5] =	dma.local [hbm:s9], $0xC00  }
0x1a0: {  	_ =	swait.ge [sflag:s17], $0x3000  }
0x1a1: {  	s9 =	sld [smem:$0x7E6]  }
0x1a2: {  	[sflag:s17] =	ssyncset.done $0x0  }
0x1a3: {  	s12 =	simm.s32 $0x8;
	[sflag:s17] =	ssyncadd.s32 $0xFFFFD000  }
0x1a4: {  	[hbm4b:s9+s29] =	stream.strided.scatter [tilespmem:s23], [sflag:$0x5], $0x3000, s23, s29, $0x38;
	[tilespmem:$0x1BC00] =	vst v63  }
0x1a5: {  	_ =	swait.ge [sflag:s12], $0xC00  }
0x1a6: {  	s18 =	sld [smem:$0x7E9]  }
0x1a7: {  	[sflag:s12] =	ssyncset.done $0x0  }
0x1a8: {  	s4 =	simm.s32 $0x10;
	s29 =	simm.s32 $0x180;
	[sflag:s12] =	ssyncadd.s32 $0xFFFFF400  }
0x1a9: {  	[hbm:s18@s29], [sflag:s25] =	dma.strided [spmem:s16@s30], $0xC00, s4, $0x10   }
0x1aa: {  	_ =	swait.ge [sflag:s22], $0x3000  }
0x1ab: {  	[sflag:s22] =	ssyncset.done $0x0  }
0x1ac: {  	[sflag:s22] =	ssyncadd.s32 $0xFFFFD000  }
0x1ad: {  	_ =	swait.ge [sflag:s13], $0xC00  }
0x1ae: {  	s0 =	smov.u32 s8;
	s2 =	smov.u32 s25;
	s26 =	sld [smem:$0x7EA]  }
0x1af: {  	s5 =	simm.s32 $0x700;
	[sflag:s13] =	ssyncset.done $0x0;
	s25 =	sld [smem:$0x7BE]  }
0x1b0: {  	s4 =	smov.u32 s0;
	s0 =	simm.s32 $0x6C00;
	[sflag:s13] =	ssyncadd.s32 $0xFFFFF400  }
0x1b1: {  	[tilespmem:s0], [sflag:$0x4] =	stream.indirect.gather [hbm4b:s4+s20], $0x80, s5, s20, $0xb8;
	[tilespmem:$0x1BC00] =	vst v63  }
0x1b2: {  	[spmem:s3], [sflag:s25] =	dma.local [hbm:s26], $0xC00  }
0x1b3: {  	_ =	swait.ge [sflag:s10], $0x3000  }
0x1b4: {  	s6 =	sld [smem:$0x7EC]  }
0x1b5: {  	[sflag:s10] =	ssyncset.done $0x0  }
0x1b6: {  	s8 =	simm.s32 $0x3C00;
	s18 =	simm.s32 $0x400;
	[sflag:s10] =	ssyncadd.s32 $0xFFFFD000  }
0x1b7: {  	[hbm4b:s6+s18] =	stream.strided.scatter [tilespmem:s8], [sflag:$0x6], $0x3000, s23, s18, $0x38;
	[tilespmem:$0x1BC00] =	vst v63  }
0x1b8: {  	_ =	swait.ge [sflag:s28], $0xC00  }
0x1b9: {  	s10 =	sld [smem:$0x7EF]  }
0x1ba: {  	s25 =	sld [smem:$0x7BF]  }
0x1bb: {  	s29 =	simm.s32 $0x180;
	[sflag:s28] =	ssyncset.done $0x0  }
0x1bc: {  	s30 =	simm.s32 $0x100;
	s6 =	simm.s32 $0x10;
	[sflag:s28] =	ssyncadd.s32 $0xFFFFF400  }
0x1bd: {  	[hbm:s10@s29], [sflag:s25] =	dma.strided [spmem:s11@s30], $0xC00, s6, $0x10   }
0x1be: {  	_ =	swait.ge [sflag:s14], $0x3000  }
0x1bf: {  	[sflag:s14] =	ssyncset.done $0x0  }
0x1c0: {  	s9 =	simm.s32 $0xB;
	[sflag:s14] =	ssyncadd.s32 $0xFFFFD000  }
0x1c1: {  	_ =	swait.ge [sflag:s9], $0xC00  }
0x1c2: {  	[sflag:s9] =	ssyncset.done $0x0;
	s28 =	sld [smem:$0x7F0]  }
0x1c3: {  	s8 =	simm.s32 $0x780;
	[smem:$0x7C0] =	sst s1;
	[sflag:s9] =	ssyncadd.s32 $0xFFFFF400  }
0x1c4: {  	[tilespmem:s23], [sflag:$0x2] =	stream.indirect.gather [hbm4b:s4+s20], $0x80, s8, s20, $0xb8;
	[tilespmem:$0x1BC00] =	vst v63  }
0x1c5: {  	[spmem:s16], [sflag:s1] =	dma.local [hbm:s28], $0xC00  }
0x1c6: {  	_ =	swait.ge [sflag:s15], $0x3000  }
0x1c7: {  	s10 =	sld [smem:$0x7F3]  }
0x1c8: {  	[sflag:s15] =	ssyncset.done $0x0  }
0x1c9: {  	[sflag:s15] =	ssyncadd.s32 $0xFFFFD000  }
0x1ca: {  	[hbm4b:s10+s18] =	stream.strided.scatter [tilespmem:s0], [sflag:$0x7], $0x3000, s23, s18, $0x38;
	[tilespmem:$0x1BC00] =	vst v63  }
0x1cb: {  	_ =	swait.ge [sflag:s24], $0xC00  }
0x1cc: {  	s20 =	sld [smem:$0x7F4]  }
0x1cd: {  	[sflag:s24] =	ssyncset.done $0x0  }
0x1ce: {  	[smem:$0x7C1] =	sst s21;
	[sflag:s24] =	ssyncadd.s32 $0xFFFFF400  }
0x1cf: {  	[hbm:s20@s29], [sflag:s21] =	dma.strided [spmem:s3@s30], $0xC00, s6, $0x10   }
0x1d0: {  	_ =	swait.ge [sflag:s17], $0x3000  }
0x1d1: {  	s24 =	sld [smem:$0x7F5]  }
0x1d2: {  	[sflag:s17] =	ssyncset.done $0x0  }
0x1d3: {  	[sflag:s17] =	ssyncadd.s32 $0xFFFFD000  }
0x1d4: {  	[hbm4b:s24+s18] =	stream.strided.scatter [tilespmem:s23], [sflag:$0x5], $0x3000, s23, s18, $0x38;
	[tilespmem:$0x1BC00] =	vst v63  }
0x1d5: {  	_ =	swait.ge [sflag:s12], $0xC00  }
0x1d6: {  	s28 =	sld [smem:$0x7F6]  }
0x1d7: {  	[sflag:s12] =	ssyncset.done $0x0  }
0x1d8: {  	s21 =	simm.s32 $0x10;
	[smem:$0x7C2] =	sst s16;
	[sflag:s12] =	ssyncadd.s32 $0xFFFFF400  }
0x1d9: {  	[hbm:s28@s29], [sflag:s2] =	dma.strided [spmem:s16@s30], $0xC00, s21, $0x10   }
0x1da: {  	_ =	swait.ge [sflag:s14], $0x3000  }
0x1db: {  	[sflag:s14] =	ssyncset.done $0x0  }
0x1dc: {  	[sflag:s14] =	ssyncadd.s32 $0xFFFFD000  }
0x1dd: {  	_ =	swait.ge [sflag:s7], $0x3000  }
0x1de: {  	[sflag:s7] =	ssyncset.done $0x0  }
0x1df: {  	[sflag:s7] =	ssyncadd.s32 $0xFFFFD000  }
0x1e0: {  	_ =	swait.ge [sflag:s22], $0x3000  }
0x1e1: {  	[sflag:s22] =	ssyncset.done $0x0  }
0x1e2: {  	[sflag:s22] =	ssyncadd.s32 $0xFFFFD000  }
0x1e3: {  	_ =	swait.ge [sflag:s9], $0xC00  }
0x1e4: {  	[sflag:s9] =	ssyncset.done $0x0  }
0x1e5: {  	s29 =	simm.s32 $0xC;
	[sflag:s9] =	ssyncadd.s32 $0xFFFFF400  }
0x1e6: {  	_ =	swait.ge [sflag:s29], $0xC00  }
0x1e7: {  	[sflag:s29] =	ssyncset.done $0x0  }
0x1e8: {  	[sflag:s29] =	ssyncadd.s32 $0xFFFFF400  }
0x1e9: {  	_ =	swait.ge [sflag:s13], $0xC00  }
0x1ea: {  	s1 =	sld [smem:$0x7F7]  }
0x1eb: {  	[sflag:s13] =	ssyncset.done $0x0  }
0x1ec: {  	s5 =	simm.s32 @!p0 $0xE;
	s0 =	simm.s32 @!p0 $0x0;
	[sflag:s13] =	ssyncadd.s32 $0xFFFFF400  }
0x1ed: {  	[tilespmem:s0], [sflag:$0xE] =	stream.linear.gather @!p0 [hbm4b:s1+s0], $0x60, $0x38;
	[tilespmem:$0x1BC00] =	vst v63  }
0x1ee: {  	_ =	swait.ge @!p0 [sflag:s5], $0x60  }
0x1ef: {  	s25 =	smov.u32 s3;
	s3 =	simm.s32 @!p0 $0x2;
	[sflag:s5] =	ssyncset.done @!p0 $0x0  }
0x1f0: {  	s2 =	simm.s32 @!p0 $0xC00;
	s1 =	simm.s32 @!p0 $0x60;
	[sflag:s5] =	ssyncadd.s32 @!p0 $0xFFFFFFA0  }
0x1f1: {  	[tilespmem:s2], [sflag:$0x2] =	stream.indirect.gather @!p0 [hbm4b:s4+s1], $0x80, s0, s1, $0xb8;
	[tilespmem:$0x1BC00] =	vst v63  }
0x1f2: {  	_ =	swait.ge @!p0 [sflag:s3], $0x3000  }
0x1f3: {  	s1 =	sld [smem:$0x7F8]  }
0x1f4: {  	[sflag:s3] =	ssyncset.done @!p0 $0x0  }
0x1f5: {  	s0 =	simm.s32 @!p0 $0x400;
	[sflag:s3] =	ssyncadd.s32 @!p0 $0xFFFFD000  }
0x1f6: {  	[hbm4b:s1+s0] =	stream.strided.scatter @!p0 [tilespmem:s2], [sflag:$0xE], $0x3000, s2, s0, $0x38;
	[tilespmem:$0x1BC00] =	vst v63  }
0x1f7: {  	_ =	swait.ge @!p0 [sflag:s5], $0x3000  }
0x1f8: {  	s0 =	sld [smem:$0x7FC];
	_ =	sdelay $0x1  }
0x1f9: {  	s1 =	sld [smem:$0x7F9]  }
0x1fa: {  	s2 =	sor.u32 @!p0 $0x1C0E, s0;
	s0 =	sld [smem:$0x7FD]  }
0x1fb: {  	[sflag:s5] =	ssyncset.done @!p0 $0x0  }
0x1fc: {  	[sflag:s5] =	ssyncadd.s32 @!p0 $0xFFFFD000  }
0x1fd: {  	[spmem:s0], [sflag:s2] =	dma.local @!p0 [hbm:s1], $0xC00  }
0x1fe: {  	_ =	swait.ge @!p0 [sflag:s5], $0xC00  }
0x1ff: {  	s1 =	sld [smem:$0x7FA]  }
0x200: {  	s21 =	simm.s32 @!p0 $0x180;
	s4 =	simm.s32 @!p0 $0x10;
	[sflag:s5] =	ssyncset.done @!p0 $0x0  }
0x201: {  	s3 =	simm.s32 @!p0 $0x100;
	[smem:$0x7C3] =	sst s2;
	[sflag:s5] =	ssyncadd.s32 @!p0 $0xFFFFF400  }
0x202: {  	[hbm:s1@s21], [sflag:s2] =	dma.strided @!p0 [spmem:s0@s3], $0xC00, s4, $0x10   }
0x203: {  	s0 =	sld [smem:$0x7C4];
	_ =	sdelay $0x2  }
0x204: {  	s1 =	sadd.s32 $0xFFFFFFFF, s0  }
0x205: {  	p2 =	sne.s32 s1, $0x0  }
.Ltmp1:
0x206: {  	_ = 	snop;
	(pc) =	sbr.rel @!p2 .LBB2_2-.Ltmp1, $2  }
0x207: {  	_ =	sdelay $0x2  }
0x208: {  	p1 =	por $0x1, $0x1;
	s11 =	simm.s32 $0x60;
	_ =	swait.ge @!p0 [sflag:s5], $0xC00  }
.LBB2_3:
0x209: {  	s0 =	rddreg [dreg:$0x6];
	[sflag:s5] =	ssyncset.done @!p0 $0x0  }
0x20a: {  	s3 =	rddreg [dreg:$0x7];
	[sflag:s5] =	ssyncadd.s32 @!p0 $0xFFFFF400  }
0x20b: {  	[tilespmem:s31], [sflag:$0x1] =	stream.linear.gather [hbm4b:s0+s31], $0x60, $0x38;
	[tilespmem:$0x1BC00] =	vst v63  }
0x20c: {  	s29 =	rddreg [dreg:$0x8];
	s5 =	simm.s32 $0x80;
	s1 =	sadd.s32 $0xFFFFFFFF, s1  }
0x20d: {  	[tilespmem:s5], [sflag:$0x1] =	stream.linear.gather [hbm4b:s3+s31], $0x60, $0x38;
	[tilespmem:$0x1BC00] =	vst v63  }
0x20e: {  	[smem:$0x7B9] =	sst s1  }
0x20f: {  	[tilespmem:s30], [sflag:$0x1] =	stream.linear.gather [hbm4b:s29+s31], $0x60, $0x38;
	[tilespmem:$0x1BC00] =	vst v63  }
0x210: {  	s9 =	simm.s32 $0x180;
	p2 =	sne.s32 s1, $0x0;
	s1 =	rddreg [dreg:$0x9]  }
0x211: {  	[tilespmem:s9], [sflag:$0x1] =	stream.linear.gather [hbm4b:s1+s31], $0x60, $0x38;
	[tilespmem:$0x1BC00] =	vst v63  }
0x212: {  	s2 =	rddreg [dreg:$0xa];
	s6 =	simm.s32 $0x200  }
0x213: {  	[tilespmem:s6], [sflag:$0x1] =	stream.linear.gather [hbm4b:s2+s31], $0x60, $0x38;
	[tilespmem:$0x1BC00] =	vst v63  }
0x214: {  	s4 =	rddreg [dreg:$0xb];
	s8 =	simm.s32 $0x280  }
0x215: {  	[tilespmem:s8], [sflag:$0x1] =	stream.linear.gather [hbm4b:s4+s31], $0x60, $0x38;
	[tilespmem:$0x1BC00] =	vst v63  }
0x216: {  	s7 =	rddreg [dreg:$0xc];
	s12 =	simm.s32 $0x300  }
0x217: {  	[tilespmem:s12], [sflag:$0x1] =	stream.linear.gather [hbm4b:s7+s31], $0x60, $0x38;
	[tilespmem:$0x1BC00] =	vst v63  }
0x218: {  	s10 =	rddreg [dreg:$0xd];
	s14 =	simm.s32 $0x380  }
0x219: {  	[tilespmem:s14], [sflag:$0x1] =	stream.linear.gather [hbm4b:s10+s31], $0x60, $0x38;
	[tilespmem:$0x1BC00] =	vst v63  }
0x21a: {  	s13 =	rddreg [dreg:$0xe];
	s4 =	simm.s32 $0x400  }
0x21b: {  	[tilespmem:s4], [sflag:$0x1] =	stream.linear.gather [hbm4b:s13+s31], $0x60, $0x38;
	[tilespmem:$0x1BC00] =	vst v63  }
0x21c: {  	s15 =	rddreg [dreg:$0xf];
	s17 =	simm.s32 $0x480  }
0x21d: {  	[tilespmem:s17], [sflag:$0x1] =	stream.linear.gather [hbm4b:s15+s31], $0x60, $0x38;
	[tilespmem:$0x1BC00] =	vst v63  }
0x21e: {  	s16 =	rddreg [dreg:$0x10];
	s20 =	simm.s32 $0x500  }
0x21f: {  	[tilespmem:s20], [sflag:$0x1] =	stream.linear.gather [hbm4b:s16+s31], $0x60, $0x38;
	[tilespmem:$0x1BC00] =	vst v63  }
0x220: {  	s18 =	rddreg [dreg:$0x11];
	s22 =	simm.s32 $0x580  }
0x221: {  	[tilespmem:s22], [sflag:$0x1] =	stream.linear.gather [hbm4b:s18+s31], $0x60, $0x38;
	[tilespmem:$0x1BC00] =	vst v63  }
0x222: {  	s21 =	rddreg [dreg:$0x12];
	s24 =	simm.s32 $0x600  }
0x223: {  	[tilespmem:s24], [sflag:$0x1] =	stream.linear.gather [hbm4b:s21+s31], $0x60, $0x38;
	[tilespmem:$0x1BC00] =	vst v63  }
0x224: {  	s23 =	rddreg [dreg:$0x13];
	s26 =	simm.s32 $0x680  }
0x225: {  	[tilespmem:s26], [sflag:$0x1] =	stream.linear.gather [hbm4b:s23+s31], $0x60, $0x38;
	[tilespmem:$0x1BC00] =	vst v63  }
0x226: {  	s25 =	rddreg [dreg:$0x14];
	s29 =	simm.s32 $0x700  }
0x227: {  	[tilespmem:s29], [sflag:$0x1] =	stream.linear.gather [hbm4b:s25+s31], $0x60, $0x38;
	[tilespmem:$0x1BC00] =	vst v63  }
0x228: {  	s28 =	rddreg [dreg:$0x15];
	s2 =	simm.s32 $0x780  }
0x229: {  	[tilespmem:s2], [sflag:$0x1] =	stream.linear.gather [hbm4b:s28+s31], $0x60, $0x38;
	[tilespmem:$0x1BC00] =	vst v63  }
0x22a: {  	_ =	swait.ge [sflag:s19], $0x60  }
0x22b: {  	[sflag:s19] =	ssyncset.done $0x0  }
0x22c: {  	[sflag:s19] =	ssyncadd.s32 $0xFFFFFFA0  }
0x22d: {  	_ =	swait.ge [sflag:s19], $0x60  }
0x22e: {  	[sflag:s19] =	ssyncset.done $0x0  }
0x22f: {  	[sflag:s19] =	ssyncadd.s32 $0xFFFFFFA0  }
0x230: {  	_ =	swait.ge [sflag:s19], $0x60  }
0x231: {  	[sflag:s19] =	ssyncset.done $0x0  }
0x232: {  	[sflag:s19] =	ssyncadd.s32 $0xFFFFFFA0  }
0x233: {  	_ =	swait.ge [sflag:s19], $0x60  }
0x234: {  	[sflag:s19] =	ssyncset.done $0x0  }
0x235: {  	[sflag:s19] =	ssyncadd.s32 $0xFFFFFFA0  }
0x236: {  	_ =	swait.ge [sflag:s19], $0x60  }
0x237: {  	[sflag:s19] =	ssyncset.done $0x0  }
0x238: {  	[sflag:s19] =	ssyncadd.s32 $0xFFFFFFA0  }
0x239: {  	_ =	swait.ge [sflag:s19], $0x60  }
0x23a: {  	[sflag:s19] =	ssyncset.done $0x0  }
0x23b: {  	[sflag:s19] =	ssyncadd.s32 $0xFFFFFFA0  }
0x23c: {  	_ =	swait.ge [sflag:s19], $0x60  }
0x23d: {  	[sflag:s19] =	ssyncset.done $0x0  }
0x23e: {  	[sflag:s19] =	ssyncadd.s32 $0xFFFFFFA0  }
0x23f: {  	_ =	swait.ge [sflag:s19], $0x60  }
0x240: {  	[sflag:s19] =	ssyncset.done $0x0  }
0x241: {  	[sflag:s19] =	ssyncadd.s32 $0xFFFFFFA0  }
0x242: {  	_ =	swait.ge [sflag:s19], $0x60  }
0x243: {  	[sflag:s19] =	ssyncset.done $0x0  }
0x244: {  	[sflag:s19] =	ssyncadd.s32 $0xFFFFFFA0  }
0x245: {  	_ =	swait.ge [sflag:s19], $0x60  }
0x246: {  	[sflag:s19] =	ssyncset.done $0x0  }
0x247: {  	[sflag:s19] =	ssyncadd.s32 $0xFFFFFFA0  }
0x248: {  	_ =	swait.ge [sflag:s19], $0x60  }
0x249: {  	[sflag:s19] =	ssyncset.done $0x0  }
0x24a: {  	[sflag:s19] =	ssyncadd.s32 $0xFFFFFFA0  }
0x24b: {  	_ =	swait.ge [sflag:s19], $0x60  }
0x24c: {  	[sflag:s19] =	ssyncset.done $0x0  }
0x24d: {  	[sflag:s19] =	ssyncadd.s32 $0xFFFFFFA0  }
0x24e: {  	_ =	swait.ge [sflag:s19], $0x60  }
0x24f: {  	[sflag:s19] =	ssyncset.done $0x0  }
0x250: {  	[sflag:s19] =	ssyncadd.s32 $0xFFFFFFA0  }
0x251: {  	_ =	swait.ge [sflag:s19], $0x60  }
0x252: {  	[sflag:s19] =	ssyncset.done $0x0  }
0x253: {  	[sflag:s19] =	ssyncadd.s32 $0xFFFFFFA0  }
0x254: {  	_ =	swait.ge [sflag:s19], $0x60  }
0x255: {  	[sflag:s19] =	ssyncset.done $0x0  }
0x256: {  	[sflag:s19] =	ssyncadd.s32 $0xFFFFFFA0  }
0x257: {  	_ =	swait.ge [sflag:s19], $0x60  }
0x258: {  	s3 =	rddreg [dreg:$0x16]  }
0x259: {  	[sflag:s19] =	ssyncset.done $0x0;
	s22 =	sld [smem:$0x7C0]  }
0x25a: {  	s26 =	sld [smem:$0x7C2];
	[sflag:s19] =	ssyncadd.s32 $0xFFFFFFA0  }
0x25b: {  	s23 =	simm.s32 $0xC00;
	s20 =	rddreg [dreg:$0x1]  }
0x25c: {  	[tilespmem:s23], [sflag:$0x2] =	stream.indirect.gather [hbm4b:s20+s11], $0x80, s31, s11, $0xb8;
	[tilespmem:$0x1BC00] =	vst v63  }
0x25d: {  	[spmem:s26], [sflag:s22] =	dma.local [hbm:s3], $0xC00  }
0x25e: {  	s2 =	sld [smem:$0x7BD]  }
0x25f: {  	s7 =	simm.s32 $0x3C00;
	s11 =	sld [smem:$0x7FB]  }
0x260: {  	s15 =	simm.s32 $0x2;
	s25 =	simm.s32 $0x60;
	s0 =	rddreg [dreg:$0x17]  }
0x261: {  	[tilespmem:s7], [sflag:$0x3] =	stream.indirect.gather [hbm4b:s20+s25], $0x80, s5, s25, $0xb8;
	[tilespmem:$0x1BC00] =	vst v63  }
0x262: {  	[spmem:s11], [sflag:s2] =	dma.local [hbm:s0], $0xC00  }
0x263: {  	_ =	swait.ge [sflag:s15], $0x3000  }
0x264: {  	[sflag:s15] =	ssyncset.done $0x0  }
0x265: {  	s17 =	simm.s32 $0x8;
	s16 =	rddreg [dreg:$0x18];
	[sflag:s15] =	ssyncadd.s32 $0xFFFFD000  }
0x266: {  	[hbm4b:s16+s4] =	stream.strided.scatter [tilespmem:s23], [sflag:$0x5], $0x3000, s23, s4, $0x38;
	[tilespmem:$0x1BC00] =	vst v63  }
0x267: {  	_ =	swait.ge [sflag:s17], $0xC00  }
0x268: {  	s14 =	sld [smem:$0x7BC]  }
0x269: {  	s24 =	simm.s32 $0x10;
	[sflag:s17] =	ssyncset.done $0x0  }
0x26a: {  	s21 =	simm.s32 $0x6C00;
	s18 =	rddreg [dreg:$0x19];
	[sflag:s17] =	ssyncadd.s32 $0xFFFFF400  }
0x26b: {  	[hbm:s18@s9], [sflag:s14] =	dma.strided [spmem:s26@s30], $0xC00, s24, $0x10   }
0x26c: {  	[tilespmem:s21], [sflag:$0x4] =	stream.indirect.gather [hbm4b:s20+s25], $0x80, s30, s25, $0xb8;
	[tilespmem:$0x1BC00] =	vst v63  }
0x26d: {  	s30 =	sld [smem:$0x7BE]  }
0x26e: {  	s10 =	sld [smem:$0x7BB];
	_ =	sdelay $0x1  }
0x26f: {  	s13 =	simm.s32 $0x3;
	s0 =	rddreg [dreg:$0x1a]  }
0x270: {  	[spmem:s10], [sflag:s30] =	dma.local [hbm:s0], $0xC00  }
0x271: {  	_ =	swait.ge [sflag:s13], $0x3000  }
0x272: {  	s8 =	simm.s32 $0x3C00;
	s29 =	simm.s32 $0x9;
	[sflag:s13] =	ssyncset.done $0x0  }
0x273: {  	s9 =	simm.s32 $0x400;
	s5 =	rddreg [dreg:$0x1b];
	[sflag:s13] =	ssyncadd.s32 $0xFFFFD000  }
0x274: {  	[hbm4b:s5+s9] =	stream.strided.scatter [tilespmem:s8], [sflag:$0x6], $0x3000, s23, s9, $0x38;
	[tilespmem:$0x1BC00] =	vst v63  }
0x275: {  	_ =	swait.ge [sflag:s29], $0xC00  }
0x276: {  	s5 =	sld [smem:$0x7BF]  }
0x277: {  	s17 =	simm.s32 $0x5;
	s21 =	simm.s32 $0x180;
	[sflag:s29] =	ssyncset.done $0x0  }
0x278: {  	s10 =	simm.s32 $0x100;
	s8 =	rddreg [dreg:$0x1c];
	[sflag:s29] =	ssyncadd.s32 $0xFFFFF400  }
0x279: {  	[hbm:s8@s21], [sflag:s5] =	dma.strided [spmem:s11@s10], $0xC00, s24, $0x10   }
0x27a: {  	_ =	swait.ge [sflag:s17], $0x3000  }
0x27b: {  	[sflag:s17] =	ssyncset.done $0x0  }
0x27c: {  	s12 =	simm.s32 $0xB;
	[sflag:s17] =	ssyncadd.s32 $0xFFFFD000  }
0x27d: {  	_ =	swait.ge [sflag:s12], $0xC00  }
0x27e: {  	[sflag:s12] =	ssyncset.done $0x0  }
0x27f: {  	s28 =	simm.s32 $0x4;
	s15 =	rddreg [dreg:$0x1d];
	[sflag:s12] =	ssyncadd.s32 $0xFFFFF400  }
0x280: {  	[tilespmem:s23], [sflag:$0x2] =	stream.indirect.gather [hbm4b:s20+s25], $0x80, s21, s25, $0xb8;
	[tilespmem:$0x1BC00] =	vst v63  }
0x281: {  	[spmem:s26], [sflag:s22] =	dma.local [hbm:s15], $0xC00  }
0x282: {  	_ =	swait.ge [sflag:s28], $0x3000  }
0x283: {  	s1 =	simm.s32 $0x6C00;
	[sflag:s28] =	ssyncset.done $0x0  }
0x284: {  	s31 =	simm.s32 $0xA;
	s16 =	rddreg [dreg:$0x1e];
	[sflag:s28] =	ssyncadd.s32 $0xFFFFD000  }
0x285: {  	[hbm4b:s16+s9] =	stream.strided.scatter [tilespmem:s1], [sflag:$0x7], $0x3000, s23, s9, $0x38;
	[tilespmem:$0x1BC00] =	vst v63  }
0x286: {  	_ =	swait.ge [sflag:s31], $0xC00  }
0x287: {  	s3 =	sld [smem:$0x7BB]  }
0x288: {  	s8 =	sld [smem:$0x7C1]  }
0x289: {  	s4 =	simm.s32 $0x100;
	[sflag:s31] =	ssyncset.done $0x0  }
0x28a: {  	s10 =	simm.s32 $0x6;
	s1 =	rddreg [dreg:$0x1f];
	[sflag:s31] =	ssyncadd.s32 $0xFFFFF400  }
0x28b: {  	[hbm:s1@s21], [sflag:s8] =	dma.strided [spmem:s3@s4], $0xC00, s24, $0x10   }
0x28c: {  	s16 =	simm.s32 $0x6;
	_ =	swait.ge [sflag:s10], $0x3000  }
0x28d: {  	s1 =	simm.s32 $0x6;
	[sflag:s16] =	ssyncset.done $0x0  }
0x28e: {  	s6 =	simm.s32 $0xC;
	[sflag:s1] =	ssyncadd.s32 $0xFFFFD000  }
0x28f: {  	_ =	swait.ge [sflag:s6], $0xC00  }
0x290: {  	s18 =	simm.s32 $0x2;
	[sflag:s6] =	ssyncset.done $0x0;
	s3 =	sld [smem:$0x7C5]  }
0x291: {  	s10 =	simm.s32 $0x3C00;
	s16 =	simm.s32 $0x200;
	[sflag:s6] =	ssyncadd.s32 $0xFFFFF400  }
0x292: {  	[tilespmem:s10], [sflag:$0x3] =	stream.indirect.gather [hbm4b:s20+s25], $0x80, s16, s25, $0xb8;
	[tilespmem:$0x1BC00] =	vst v63  }
0x293: {  	[spmem:s11], [sflag:s2] =	dma.local [hbm:s3], $0xC00  }
0x294: {  	_ =	swait.ge [sflag:s18], $0x3000  }
0x295: {  	s3 =	sld [smem:$0x7C6]  }
0x296: {  	[sflag:s18] =	ssyncset.done $0x0  }
0x297: {  	s7 =	simm.s32 $0x8;
	[sflag:s18] =	ssyncadd.s32 $0xFFFFD000  }
0x298: {  	[hbm4b:s3+s9] =	stream.strided.scatter [tilespmem:s23], [sflag:$0x5], $0x3000, s23, s9, $0x38;
	[tilespmem:$0x1BC00] =	vst v63  }
0x299: {  	_ =	swait.ge [sflag:s7], $0xC00  }
0x29a: {  	s6 =	sld [smem:$0x7C7]  }
0x29b: {  	[sflag:s7] =	ssyncset.done $0x0  }
0x29c: {  	s4 =	simm.s32 $0x7;
	s16 =	simm.s32 $0x100;
	[sflag:s7] =	ssyncadd.s32 $0xFFFFF400  }
0x29d: {  	[hbm:s6@s21], [sflag:s14] =	dma.strided [spmem:s26@s16], $0xC00, s24, $0x10   }
0x29e: {  	_ =	swait.ge [sflag:s4], $0x3000  }
0x29f: {  	[sflag:s4] =	ssyncset.done $0x0  }
0x2a0: {  	s3 =	simm.s32 $0xD;
	[sflag:s4] =	ssyncadd.s32 $0xFFFFD000  }
0x2a1: {  	_ =	swait.ge [sflag:s3], $0xC00  }
0x2a2: {  	s23 =	sld [smem:$0x7C8]  }
0x2a3: {  	[sflag:s3] =	ssyncset.done $0x0;
	s16 =	sld [smem:$0x7BB]  }
0x2a4: {  	s15 =	simm.s32 $0x6C00;
	s6 =	simm.s32 $0x280;
	[sflag:s3] =	ssyncadd.s32 $0xFFFFF400  }
0x2a5: {  	[tilespmem:s15], [sflag:$0x4] =	stream.indirect.gather [hbm4b:s20+s25], $0x80, s6, s25, $0xb8;
	[tilespmem:$0x1BC00] =	vst v63  }
0x2a6: {  	[spmem:s16], [sflag:s30] =	dma.local [hbm:s23], $0xC00  }
0x2a7: {  	_ =	swait.ge [sflag:s13], $0x3000  }
0x2a8: {  	s6 =	sld [smem:$0x7C9]  }
0x2a9: {  	[sflag:s13] =	ssyncset.done $0x0  }
0x2aa: {  	s1 =	simm.s32 $0xC00;
	[sflag:s13] =	ssyncadd.s32 $0xFFFFD000  }
0x2ab: {  	[hbm4b:s6+s9] =	stream.strided.scatter [tilespmem:s10], [sflag:$0x6], $0x3000, s1, s9, $0x38;
	[tilespmem:$0x1BC00] =	vst v63  }
0x2ac: {  	_ =	swait.ge [sflag:s29], $0xC00  }
0x2ad: {  	s10 =	sld [smem:$0x7CA]  }
0x2ae: {  	[sflag:s29] =	ssyncset.done $0x0  }
0x2af: {  	s23 =	simm.s32 $0x100;
	[sflag:s29] =	ssyncadd.s32 $0xFFFFF400  }
0x2b0: {  	[hbm:s10@s21], [sflag:s5] =	dma.strided [spmem:s11@s23], $0xC00, s24, $0x10   }
0x2b1: {  	_ =	swait.ge [sflag:s17], $0x3000  }
0x2b2: {  	[sflag:s17] =	ssyncset.done $0x0  }
0x2b3: {  	[sflag:s17] =	ssyncadd.s32 $0xFFFFD000  }
0x2b4: {  	_ =	swait.ge [sflag:s12], $0xC00  }
0x2b5: {  	[sflag:s12] =	ssyncset.done $0x0;
	s10 =	sld [smem:$0x7CB]  }
0x2b6: {  	s23 =	simm.s32 $0x300;
	[sflag:s12] =	ssyncadd.s32 $0xFFFFF400  }
0x2b7: {  	[tilespmem:s1], [sflag:$0x2] =	stream.indirect.gather [hbm4b:s20+s25], $0x80, s23, s25, $0xb8;
	[tilespmem:$0x1BC00] =	vst v63  }
0x2b8: {  	[spmem:s26], [sflag:s22] =	dma.local [hbm:s10], $0xC00  }
0x2b9: {  	_ =	swait.ge [sflag:s28], $0x3000  }
0x2ba: {  	s10 =	sld [smem:$0x7CC]  }
0x2bb: {  	[sflag:s28] =	ssyncset.done $0x0  }
0x2bc: {  	[sflag:s28] =	ssyncadd.s32 $0xFFFFD000  }
0x2bd: {  	[hbm4b:s10+s9] =	stream.strided.scatter [tilespmem:s15], [sflag:$0x7], $0x3000, s1, s9, $0x38;
	[tilespmem:$0x1BC00] =	vst v63  }
0x2be: {  	_ =	swait.ge [sflag:s31], $0xC00  }
0x2bf: {  	s23 =	sld [smem:$0x7CD]  }
0x2c0: {  	s1 =	sld [smem:$0x7BB]  }
0x2c1: {  	s6 =	smov.u32 s5;
	[sflag:s31] =	ssyncset.done $0x0  }
0x2c2: {  	s5 =	simm.s32 $0x100;
	s10 =	simm.s32 $0x6;
	[sflag:s31] =	ssyncadd.s32 $0xFFFFF400  }
0x2c3: {  	[hbm:s23@s21], [sflag:s8] =	dma.strided [spmem:s1@s5], $0xC00, s24, $0x10   }
0x2c4: {  	s23 =	simm.s32 $0x6;
	_ =	swait.ge [sflag:s10], $0x3000  }
0x2c5: {  	s1 =	simm.s32 $0x6;
	[sflag:s23] =	ssyncset.done $0x0  }
0x2c6: {  	s5 =	simm.s32 $0xC;
	[sflag:s1] =	ssyncadd.s32 $0xFFFFD000  }
0x2c7: {  	_ =	swait.ge [sflag:s5], $0xC00  }
0x2c8: {  	[sflag:s5] =	ssyncset.done $0x0;
	s10 =	sld [smem:$0x7CE]  }
0x2c9: {  	s16 =	simm.s32 $0x3C00;
	s23 =	simm.s32 $0x380;
	[sflag:s5] =	ssyncadd.s32 $0xFFFFF400  }
0x2ca: {  	[tilespmem:s16], [sflag:$0x3] =	stream.indirect.gather [hbm4b:s20+s25], $0x80, s23, s25, $0xb8;
	[tilespmem:$0x1BC00] =	vst v63  }
0x2cb: {  	[spmem:s11], [sflag:s2] =	dma.local [hbm:s10], $0xC00  }
0x2cc: {  	_ =	swait.ge [sflag:s18], $0x3000  }
0x2cd: {  	s1 =	sld [smem:$0x7CF]  }
0x2ce: {  	[sflag:s18] =	ssyncset.done $0x0  }
0x2cf: {  	s15 =	simm.s32 $0xC00;
	[sflag:s18] =	ssyncadd.s32 $0xFFFFD000  }
0x2d0: {  	[hbm4b:s1+s9] =	stream.strided.scatter [tilespmem:s15], [sflag:$0x5], $0x3000, s15, s9, $0x38;
	[tilespmem:$0x1BC00] =	vst v63  }
0x2d1: {  	s18 =	sld [smem:$0x7BB];
	_ =	swait.ge [sflag:s7], $0xC00  }
0x2d2: {  	s5 =	sld [smem:$0x7D0]  }
0x2d3: {  	[sflag:s7] =	ssyncset.done $0x0  }
0x2d4: {  	s23 =	simm.s32 $0x100;
	[sflag:s7] =	ssyncadd.s32 $0xFFFFF400  }
0x2d5: {  	[hbm:s5@s21], [sflag:s14] =	dma.strided [spmem:s26@s23], $0xC00, s24, $0x10   }
0x2d6: {  	_ =	swait.ge [sflag:s4], $0x3000  }
0x2d7: {  	[sflag:s4] =	ssyncset.done $0x0  }
0x2d8: {  	[sflag:s4] =	ssyncadd.s32 $0xFFFFD000  }
0x2d9: {  	_ =	swait.ge [sflag:s3], $0xC00  }
0x2da: {  	[sflag:s3] =	ssyncset.done $0x0;
	s5 =	sld [smem:$0x7D1]  }
0x2db: {  	s1 =	simm.s32 $0x6C00;
	[sflag:s3] =	ssyncadd.s32 $0xFFFFF400  }
0x2dc: {  	[tilespmem:s1], [sflag:$0x4] =	stream.indirect.gather [hbm4b:s20+s25], $0x80, s9, s25, $0xb8;
	[tilespmem:$0x1BC00] =	vst v63  }
0x2dd: {  	[spmem:s18], [sflag:s30] =	dma.local [hbm:s5], $0xC00  }
0x2de: {  	_ =	swait.ge [sflag:s13], $0x3000  }
0x2df: {  	s23 =	sld [smem:$0x7D2]  }
0x2e0: {  	[sflag:s13] =	ssyncset.done $0x0  }
0x2e1: {  	[sflag:s13] =	ssyncadd.s32 $0xFFFFD000  }
0x2e2: {  	[hbm4b:s23+s9] =	stream.strided.scatter [tilespmem:s16], [sflag:$0x6], $0x3000, s15, s9, $0x38;
	[tilespmem:$0x1BC00] =	vst v63  }
0x2e3: {  	_ =	swait.ge [sflag:s29], $0xC00  }
0x2e4: {  	s5 =	sld [smem:$0x7D3]  }
0x2e5: {  	[sflag:s29] =	ssyncset.done $0x0  }
0x2e6: {  	s16 =	simm.s32 $0x100;
	[sflag:s29] =	ssyncadd.s32 $0xFFFFF400  }
0x2e7: {  	[hbm:s5@s21], [sflag:s6] =	dma.strided [spmem:s11@s16], $0xC00, s24, $0x10   }
0x2e8: {  	_ =	swait.ge [sflag:s17], $0x3000  }
0x2e9: {  	[sflag:s17] =	ssyncset.done $0x0  }
0x2ea: {  	[sflag:s17] =	ssyncadd.s32 $0xFFFFD000  }
0x2eb: {  	_ =	swait.ge [sflag:s12], $0xC00  }
0x2ec: {  	[sflag:s12] =	ssyncset.done $0x0;
	s0 =	sld [smem:$0x7D4]  }
0x2ed: {  	s23 =	simm.s32 $0x480;
	[sflag:s12] =	ssyncadd.s32 $0xFFFFF400  }
0x2ee: {  	[tilespmem:s15], [sflag:$0x2] =	stream.indirect.gather [hbm4b:s20+s25], $0x80, s23, s25, $0xb8;
	[tilespmem:$0x1BC00] =	vst v63  }
0x2ef: {  	[spmem:s26], [sflag:s22] =	dma.local [hbm:s0], $0xC00  }
0x2f0: {  	_ =	swait.ge [sflag:s28], $0x3000  }
0x2f1: {  	s23 =	sld [smem:$0x7D5]  }
0x2f2: {  	[sflag:s28] =	ssyncset.done $0x0  }
0x2f3: {  	[sflag:s28] =	ssyncadd.s32 $0xFFFFD000  }
0x2f4: {  	[hbm4b:s23+s9] =	stream.strided.scatter [tilespmem:s1], [sflag:$0x7], $0x3000, s15, s9, $0x38;
	[tilespmem:$0x1BC00] =	vst v63  }
0x2f5: {  	_ =	swait.ge [sflag:s31], $0xC00  }
0x2f6: {  	s17 =	sld [smem:$0x7D6]  }
0x2f7: {  	[sflag:s31] =	ssyncset.done $0x0  }
0x2f8: {  	s23 =	simm.s32 $0x100;
	[sflag:s31] =	ssyncadd.s32 $0xFFFFF400  }
0x2f9: {  	[hbm:s17@s21], [sflag:s8] =	dma.strided [spmem:s18@s23], $0xC00, s24, $0x10   }
0x2fa: {  	s17 =	simm.s32 $0x6  }
0x2fb: {  	s23 =	simm.s32 $0x6;
	_ =	swait.ge [sflag:s17], $0x3000  }
0x2fc: {  	s1 =	simm.s32 $0x6;
	[sflag:s23] =	ssyncset.done $0x0  }
0x2fd: {  	s17 =	simm.s32 $0xC;
	[sflag:s1] =	ssyncadd.s32 $0xFFFFD000  }
0x2fe: {  	_ =	swait.ge [sflag:s17], $0xC00  }
0x2ff: {  	s16 =	simm.s32 $0x2;
	[sflag:s17] =	ssyncset.done $0x0;
	s0 =	sld [smem:$0x7D7]  }
0x300: {  	s23 =	simm.s32 $0x500;
	[sflag:s17] =	ssyncadd.s32 $0xFFFFF400;
	s17 =	simm.s32 $0x3C00  }
0x301: {  	[tilespmem:s17], [sflag:$0x3] =	stream.indirect.gather [hbm4b:s20+s25], $0x80, s23, s25, $0xb8;
	[tilespmem:$0x1BC00] =	vst v63  }
0x302: {  	[spmem:s11], [sflag:s2] =	dma.local [hbm:s0], $0xC00  }
0x303: {  	_ =	swait.ge [sflag:s16], $0x3000  }
0x304: {  	s1 =	sld [smem:$0x7D8]  }
0x305: {  	[sflag:s16] =	ssyncset.done $0x0  }
0x306: {  	[sflag:s16] =	ssyncadd.s32 $0xFFFFD000  }
0x307: {  	[hbm4b:s1+s9] =	stream.strided.scatter [tilespmem:s15], [sflag:$0x5], $0x3000, s15, s9, $0x38;
	[tilespmem:$0x1BC00] =	vst v63  }
0x308: {  	_ =	swait.ge [sflag:s7], $0xC00  }
0x309: {  	s5 =	smov.u32 s20;
	s20 =	smov.u32 s2;
	s2 =	sld [smem:$0x7DA]  }
0x30a: {  	[sflag:s7] =	ssyncset.done $0x0  }
0x30b: {  	[sflag:s7] =	ssyncadd.s32 $0xFFFFF400;
	s7 =	simm.s32 $0x100  }
0x30c: {  	[hbm:s2@s21], [sflag:s14] =	dma.strided [spmem:s26@s7], $0xC00, s24, $0x10   }
0x30d: {  	_ =	swait.ge [sflag:s4], $0x3000  }
0x30e: {  	[sflag:s4] =	ssyncset.done $0x0  }
0x30f: {  	[sflag:s4] =	ssyncadd.s32 $0xFFFFD000  }
0x310: {  	s10 =	smov.u32 s14;
	_ =	swait.ge [sflag:s3], $0xC00  }
0x311: {  	s25 =	simm.s32 $0x60;
	[sflag:s3] =	ssyncset.done $0x0;
	s14 =	sld [smem:$0x7DB]  }
0x312: {  	s24 =	simm.s32 $0x580;
	s2 =	simm.s32 $0x6C00;
	[sflag:s3] =	ssyncadd.s32 $0xFFFFF400  }
0x313: {  	[tilespmem:s2], [sflag:$0x4] =	stream.indirect.gather [hbm4b:s5+s25], $0x80, s24, s25, $0xb8;
	[tilespmem:$0x1BC00] =	vst v63  }
0x314: {  	[spmem:s18], [sflag:s30] =	dma.local [hbm:s14], $0xC00  }
0x315: {  	_ =	swait.ge [sflag:s13], $0x3000  }
0x316: {  	s7 =	sld [smem:$0x7DC]  }
0x317: {  	[sflag:s13] =	ssyncset.done $0x0  }
0x318: {  	[sflag:s13] =	ssyncadd.s32 $0xFFFFD000  }
0x319: {  	[hbm4b:s7+s9] =	stream.strided.scatter [tilespmem:s17], [sflag:$0x6], $0x3000, s15, s9, $0x38;
	[tilespmem:$0x1BC00] =	vst v63  }
0x31a: {  	_ =	swait.ge [sflag:s29], $0xC00  }
0x31b: {  	s14 =	sld [smem:$0x7DF]  }
0x31c: {  	s23 =	simm.s32 $0x5;
	[sflag:s29] =	ssyncset.done $0x0  }
0x31d: {  	s24 =	simm.s32 $0x10;
	[sflag:s29] =	ssyncadd.s32 $0xFFFFF400;
	s29 =	simm.s32 $0x100  }
0x31e: {  	[hbm:s14@s21], [sflag:s6] =	dma.strided [spmem:s11@s29], $0xC00, s24, $0x10   }
0x31f: {  	_ =	swait.ge [sflag:s23], $0x3000  }
0x320: {  	[sflag:s23] =	ssyncset.done $0x0  }
0x321: {  	[sflag:s23] =	ssyncadd.s32 $0xFFFFD000  }
0x322: {  	_ =	swait.ge [sflag:s12], $0xC00  }
0x323: {  	[sflag:s12] =	ssyncset.done $0x0;
	s13 =	sld [smem:$0x7E0]  }
0x324: {  	s29 =	simm.s32 $0x600;
	[sflag:s12] =	ssyncadd.s32 $0xFFFFF400  }
0x325: {  	[tilespmem:s15], [sflag:$0x2] =	stream.indirect.gather [hbm4b:s5+s25], $0x80, s29, s25, $0xb8;
	[tilespmem:$0x1BC00] =	vst v63  }
0x326: {  	[spmem:s26], [sflag:s22] =	dma.local [hbm:s13], $0xC00  }
0x327: {  	_ =	swait.ge [sflag:s28], $0x3000  }
0x328: {  	s17 =	smov.u32 s6;
	s6 =	smov.u32 s5;
	s5 =	sld [smem:$0x7E1]  }
0x329: {  	[sflag:s28] =	ssyncset.done $0x0  }
0x32a: {  	[sflag:s28] =	ssyncadd.s32 $0xFFFFD000  }
0x32b: {  	[hbm4b:s5+s9] =	stream.strided.scatter [tilespmem:s2], [sflag:$0x7], $0x3000, s15, s9, $0x38;
	[tilespmem:$0x1BC00] =	vst v63  }
0x32c: {  	_ =	swait.ge [sflag:s31], $0xC00  }
0x32d: {  	s13 =	sld [smem:$0x7E4]  }
0x32e: {  	[sflag:s31] =	ssyncset.done $0x0  }
0x32f: {  	s29 =	simm.s32 $0x100;
	s2 =	simm.s32 $0x6;
	[sflag:s31] =	ssyncadd.s32 $0xFFFFF400  }
0x330: {  	[hbm:s13@s21], [sflag:s8] =	dma.strided [spmem:s18@s29], $0xC00, s24, $0x10   }
0x331: {  	s5 =	simm.s32 $0x6;
	_ =	swait.ge [sflag:s2], $0x3000  }
0x332: {  	s13 =	simm.s32 $0x6;
	[sflag:s5] =	ssyncset.done $0x0  }
0x333: {  	s29 =	simm.s32 $0xC;
	[sflag:s13] =	ssyncadd.s32 $0xFFFFD000  }
0x334: {  	_ =	swait.ge [sflag:s29], $0xC00  }
0x335: {  	[sflag:s29] =	ssyncset.done $0x0;
	s0 =	sld [smem:$0x7E5]  }
0x336: {  	s5 =	simm.s32 $0x680;
	[sflag:s29] =	ssyncadd.s32 $0xFFFFF400;
	s29 =	simm.s32 $0x3C00  }
0x337: {  	[tilespmem:s29], [sflag:$0x3] =	stream.indirect.gather [hbm4b:s6+s25], $0x80, s5, s25, $0xb8;
	[tilespmem:$0x1BC00] =	vst v63  }
0x338: {  	[spmem:s11], [sflag:s20] =	dma.local [hbm:s0], $0xC00  }
0x339: {  	_ =	swait.ge [sflag:s16], $0x3000  }
0x33a: {  	s29 =	sld [smem:$0x7E6]  }
0x33b: {  	[sflag:s16] =	ssyncset.done $0x0  }
0x33c: {  	s14 =	simm.s32 $0x8;
	[sflag:s16] =	ssyncadd.s32 $0xFFFFD000  }
0x33d: {  	[hbm4b:s29+s9] =	stream.strided.scatter [tilespmem:s15], [sflag:$0x5], $0x3000, s15, s9, $0x38;
	[tilespmem:$0x1BC00] =	vst v63  }
0x33e: {  	_ =	swait.ge [sflag:s14], $0xC00  }
0x33f: {  	s1 =	sld [smem:$0x7E9]  }
0x340: {  	[sflag:s14] =	ssyncset.done $0x0  }
0x341: {  	s20 =	simm.s32 $0x100;
	[sflag:s14] =	ssyncadd.s32 $0xFFFFF400  }
0x342: {  	[hbm:s1@s21], [sflag:s10] =	dma.strided [spmem:s26@s20], $0xC00, s24, $0x10   }
0x343: {  	_ =	swait.ge [sflag:s4], $0x3000  }
0x344: {  	[sflag:s4] =	ssyncset.done $0x0  }
0x345: {  	[sflag:s4] =	ssyncadd.s32 $0xFFFFD000  }
0x346: {  	_ =	swait.ge [sflag:s3], $0xC00  }
0x347: {  	s7 =	simm.s32 $0x3;
	[sflag:s3] =	ssyncset.done $0x0;
	s0 =	sld [smem:$0x7EA]  }
0x348: {  	s28 =	simm.s32 $0x6C00;
	s21 =	simm.s32 $0x700;
	[sflag:s3] =	ssyncadd.s32 $0xFFFFF400  }
0x349: {  	[tilespmem:s28], [sflag:$0x4] =	stream.indirect.gather [hbm4b:s6+s25], $0x80, s21, s25, $0xb8;
	[tilespmem:$0x1BC00] =	vst v63  }
0x34a: {  	[spmem:s18], [sflag:s30] =	dma.local [hbm:s0], $0xC00  }
0x34b: {  	_ =	swait.ge [sflag:s7], $0x3000  }
0x34c: {  	s1 =	sld [smem:$0x7EC]  }
0x34d: {  	s12 =	simm.s32 $0x9;
	[sflag:s7] =	ssyncset.done $0x0  }
0x34e: {  	s5 =	simm.s32 $0x3C00;
	s20 =	simm.s32 $0x400;
	[sflag:s7] =	ssyncadd.s32 $0xFFFFD000  }
0x34f: {  	[hbm4b:s1+s20] =	stream.strided.scatter [tilespmem:s5], [sflag:$0x6], $0x3000, s15, s20, $0x38;
	[tilespmem:$0x1BC00] =	vst v63  }
0x350: {  	_ =	swait.ge [sflag:s12], $0xC00  }
0x351: {  	s5 =	sld [smem:$0x7EF]  }
0x352: {  	[sflag:s12] =	ssyncset.done $0x0  }
0x353: {  	s29 =	simm.s32 $0x180;
	s30 =	simm.s32 $0x100;
	[sflag:s12] =	ssyncadd.s32 $0xFFFFF400  }
0x354: {  	[hbm:s5@s29], [sflag:s17] =	dma.strided [spmem:s11@s30], $0xC00, s24, $0x10   }
0x355: {  	_ =	swait.ge [sflag:s23], $0x3000  }
0x356: {  	[sflag:s23] =	ssyncset.done $0x0  }
0x357: {  	s9 =	simm.s32 $0xB;
	[sflag:s23] =	ssyncadd.s32 $0xFFFFD000  }
0x358: {  	_ =	swait.ge [sflag:s9], $0xC00  }
0x359: {  	[sflag:s9] =	ssyncset.done $0x0;
	s12 =	sld [smem:$0x7F0]  }
0x35a: {  	s31 =	simm.s32 $0x4;
	s17 =	simm.s32 $0x780;
	[sflag:s9] =	ssyncadd.s32 $0xFFFFF400  }
0x35b: {  	[tilespmem:s15], [sflag:$0x2] =	stream.indirect.gather [hbm4b:s6+s25], $0x80, s17, s25, $0xb8;
	[tilespmem:$0x1BC00] =	vst v63  }
0x35c: {  	[spmem:s26], [sflag:s22] =	dma.local [hbm:s12], $0xC00  }
0x35d: {  	_ =	swait.ge [sflag:s31], $0x3000  }
0x35e: {  	s21 =	sld [smem:$0x7F3]  }
0x35f: {  	[sflag:s31] =	ssyncset.done $0x0  }
0x360: {  	s2 =	simm.s32 $0xA;
	[sflag:s31] =	ssyncadd.s32 $0xFFFFD000  }
0x361: {  	[hbm4b:s21+s20] =	stream.strided.scatter [tilespmem:s28], [sflag:$0x7], $0x3000, s15, s20, $0x38;
	[tilespmem:$0x1BC00] =	vst v63  }
0x362: {  	_ =	swait.ge [sflag:s2], $0xC00  }
0x363: {  	s22 =	sld [smem:$0x7F4]  }
0x364: {  	[sflag:s2] =	ssyncset.done $0x0  }
0x365: {  	[sflag:s2] =	ssyncadd.s32 $0xFFFFF400  }
0x366: {  	[hbm:s22@s29], [sflag:s8] =	dma.strided [spmem:s18@s30], $0xC00, s24, $0x10   }
0x367: {  	_ =	swait.ge [sflag:s16], $0x3000  }
0x368: {  	s25 =	sld [smem:$0x7F5]  }
0x369: {  	[sflag:s16] =	ssyncset.done $0x0  }
0x36a: {  	[sflag:s16] =	ssyncadd.s32 $0xFFFFD000  }
0x36b: {  	[hbm4b:s25+s20] =	stream.strided.scatter [tilespmem:s15], [sflag:$0x5], $0x3000, s15, s20, $0x38;
	[tilespmem:$0x1BC00] =	vst v63  }
0x36c: {  	_ =	swait.ge [sflag:s14], $0xC00  }
0x36d: {  	s28 =	sld [smem:$0x7F6]  }
0x36e: {  	[sflag:s14] =	ssyncset.done $0x0  }
0x36f: {  	[sflag:s14] =	ssyncadd.s32 $0xFFFFF400  }
0x370: {  	[hbm:s28@s29], [sflag:s10] =	dma.strided [spmem:s26@s30], $0xC00, s24, $0x10   }
0x371: {  	_ =	swait.ge [sflag:s23], $0x3000  }
0x372: {  	[sflag:s23] =	ssyncset.done $0x0  }
0x373: {  	s7 =	simm.s32 $0x6;
	[sflag:s23] =	ssyncadd.s32 $0xFFFFD000  }
0x374: {  	_ =	swait.ge [sflag:s7], $0x3000  }
0x375: {  	[sflag:s7] =	ssyncset.done $0x0  }
0x376: {  	[sflag:s7] =	ssyncadd.s32 $0xFFFFD000  }
0x377: {  	_ =	swait.ge [sflag:s4], $0x3000  }
0x378: {  	[sflag:s4] =	ssyncset.done $0x0  }
0x379: {  	[sflag:s4] =	ssyncadd.s32 $0xFFFFD000  }
0x37a: {  	_ =	swait.ge [sflag:s9], $0xC00  }
0x37b: {  	[sflag:s9] =	ssyncset.done $0x0  }
0x37c: {  	s13 =	simm.s32 $0xC;
	[sflag:s9] =	ssyncadd.s32 $0xFFFFF400  }
0x37d: {  	_ =	swait.ge [sflag:s13], $0xC00  }
0x37e: {  	[sflag:s13] =	ssyncset.done $0x0  }
0x37f: {  	[sflag:s13] =	ssyncadd.s32 $0xFFFFF400  }
0x380: {  	_ =	swait.ge [sflag:s3], $0xC00  }
0x381: {  	s0 =	sld [smem:$0x7F7]  }
0x382: {  	[sflag:s3] =	ssyncset.done $0x0  }
0x383: {  	s1 =	simm.s32 @!p0 $0x0;
	s5 =	simm.s32 @!p0 $0xE;
	[sflag:s3] =	ssyncadd.s32 $0xFFFFF400  }
0x384: {  	[tilespmem:s1], [sflag:$0xE] =	stream.linear.gather @!p0 [hbm4b:s0+s1], $0x60, $0x38;
	[tilespmem:$0x1BC00] =	vst v63  }
0x385: {  	_ =	swait.ge @!p0 [sflag:s5], $0x60  }
0x386: {  	[sflag:s5] =	ssyncset.done @!p0 $0x0  }
0x387: {  	s2 =	simm.s32 @!p0 $0xC00;
	s0 =	simm.s32 @!p0 $0x60;
	[sflag:s5] =	ssyncadd.s32 @!p0 $0xFFFFFFA0  }
0x388: {  	[tilespmem:s2], [sflag:$0x2] =	stream.indirect.gather @!p0 [hbm4b:s6+s0], $0x80, s1, s0, $0xb8;
	[tilespmem:$0x1BC00] =	vst v63  }
0x389: {  	s1 =	simm.s32 @!p0 $0x2  }
0x38a: {  	_ =	swait.ge @!p0 [sflag:s1], $0x3000  }
0x38b: {  	s0 =	sld [smem:$0x7F8]  }
0x38c: {  	[sflag:s1] =	ssyncset.done @!p0 $0x0  }
0x38d: {  	[sflag:s1] =	ssyncadd.s32 @!p0 $0xFFFFD000;
	s1 =	simm.s32 @!p0 $0x400  }
0x38e: {  	[hbm4b:s0+s1] =	stream.strided.scatter @!p0 [tilespmem:s2], [sflag:$0xE], $0x3000, s2, s1, $0x38;
	[tilespmem:$0x1BC00] =	vst v63  }
0x38f: {  	_ =	swait.ge @!p0 [sflag:s5], $0x3000  }
0x390: {  	s0 =	sld [smem:$0x7F9]  }
0x391: {  	s3 =	sld [smem:$0x7FD]  }
0x392: {  	s1 =	sld [smem:$0x7C3]  }
0x393: {  	[sflag:s5] =	ssyncset.done @!p0 $0x0  }
0x394: {  	[sflag:s5] =	ssyncadd.s32 @!p0 $0xFFFFD000  }
0x395: {  	[spmem:s3], [sflag:s1] =	dma.local @!p0 [hbm:s0], $0xC00  }
0x396: {  	_ =	swait.ge @!p0 [sflag:s5], $0xC00  }
.Ltmp2:
0x397: {  	s0 =	sld [smem:$0x7FA];
	(pc) =	sbr.rel @p2 .LBB2_3-.Ltmp2, $4  }
0x398: {  	s11 =	simm.s32 $0x60;
	s21 =	simm.s32 @!p0 $0x180;
	[sflag:s5] =	ssyncset.done @!p0 $0x0  }
0x399: {  	s4 =	simm.s32 @!p0 $0x10;
	s2 =	simm.s32 @!p0 $0x100;
	[sflag:s5] =	ssyncadd.s32 @!p0 $0xFFFFF400  }
0x39a: {  	[hbm:s0@s21], [sflag:s1] =	dma.strided @!p0 [spmem:s3@s2], $0xC00, s4, $0x10   }
0x39b: {  	s31 =	simm.s32 $0x0;
	s1 =	sld [smem:$0x7B9];
	_ =	swait.ge @!p0 [sflag:s5], $0xC00  }
0x39c: {  	s25 =	smov.u32 s18  }
0x39d: {  	s21 =	simm.s32 $0x780;
	s18 =	simm.s32 $0x700;
	s11 =	simm.s32 $0x3C00  }
0x39e: {  	s13 =	simm.s32 $0x680;
	s2 =	simm.s32 $0x280;
	s3 =	sld [smem:$0x7BA]  }
.LBB2_5:
0x39f: {  	p1 =	por p0, !p1  }
0x3a0: {  	[sflag:s5] =	ssyncset.done @!p1 $0x0  }
0x3a1: {  	s0 =	rddreg [dreg:$0x6];
	[sflag:s5] =	ssyncadd.s32 @!p1 $0xFFFFF400  }
0x3a2: {  	[tilespmem:s31], [sflag:$0x1] =	stream.linear.gather [hbm4b:s0+s31], $0x60, $0x38;
	[tilespmem:$0x1BC00] =	vst v63  }
0x3a3: {  	s1 =	rddreg [dreg:$0x7];
	s16 =	simm.s32 $0x80  }
0x3a4: {  	[tilespmem:s16], [sflag:$0x1] =	stream.linear.gather [hbm4b:s1+s31], $0x60, $0x38;
	[tilespmem:$0x1BC00] =	vst v63  }
0x3a5: {  	s29 =	rddreg [dreg:$0x8]  }
0x3a6: {  	[tilespmem:s30], [sflag:$0x1] =	stream.linear.gather [hbm4b:s29+s31], $0x60, $0x38;
	[tilespmem:$0x1BC00] =	vst v63  }
0x3a7: {  	s8 =	simm.s32 $0x180;
	s5 =	rddreg [dreg:$0x9]  }
0x3a8: {  	[tilespmem:s8], [sflag:$0x1] =	stream.linear.gather [hbm4b:s5+s31], $0x60, $0x38;
	[tilespmem:$0x1BC00] =	vst v63  }
0x3a9: {  	s6 =	rddreg [dreg:$0xa];
	s22 =	simm.s32 $0x200  }
0x3aa: {  	[tilespmem:s22], [sflag:$0x1] =	stream.linear.gather [hbm4b:s6+s31], $0x60, $0x38;
	[tilespmem:$0x1BC00] =	vst v63  }
0x3ab: {  	s10 =	rddreg [dreg:$0xb]  }
0x3ac: {  	[tilespmem:s2], [sflag:$0x1] =	stream.linear.gather [hbm4b:s10+s31], $0x60, $0x38;
	[tilespmem:$0x1BC00] =	vst v63  }
0x3ad: {  	s12 =	rddreg [dreg:$0xc];
	s15 =	simm.s32 $0x300  }
0x3ae: {  	[tilespmem:s15], [sflag:$0x1] =	stream.linear.gather [hbm4b:s12+s31], $0x60, $0x38;
	[tilespmem:$0x1BC00] =	vst v63  }
0x3af: {  	s14 =	rddreg [dreg:$0xd];
	s20 =	simm.s32 $0x380  }
0x3b0: {  	[tilespmem:s20], [sflag:$0x1] =	stream.linear.gather [hbm4b:s14+s31], $0x60, $0x38;
	[tilespmem:$0x1BC00] =	vst v63  }
0x3b1: {  	s17 =	rddreg [dreg:$0xe];
	s24 =	simm.s32 $0x400  }
0x3b2: {  	[tilespmem:s24], [sflag:$0x1] =	stream.linear.gather [hbm4b:s17+s31], $0x60, $0x38;
	[tilespmem:$0x1BC00] =	vst v63  }
0x3b3: {  	s23 =	rddreg [dreg:$0xf];
	s28 =	simm.s32 $0x480  }
0x3b4: {  	[tilespmem:s28], [sflag:$0x1] =	stream.linear.gather [hbm4b:s23+s31], $0x60, $0x38;
	[tilespmem:$0x1BC00] =	vst v63  }
0x3b5: {  	s26 =	rddreg [dreg:$0x10];
	s5 =	simm.s32 $0x500  }
0x3b6: {  	[tilespmem:s5], [sflag:$0x1] =	stream.linear.gather [hbm4b:s26+s31], $0x60, $0x38;
	[tilespmem:$0x1BC00] =	vst v63  }
0x3b7: {  	s29 =	rddreg [dreg:$0x11];
	s10 =	simm.s32 $0x580  }
0x3b8: {  	[tilespmem:s10], [sflag:$0x1] =	stream.linear.gather [hbm4b:s29+s31], $0x60, $0x38;
	[tilespmem:$0x1BC00] =	vst v63  }
0x3b9: {  	s6 =	rddreg [dreg:$0x12];
	s14 =	simm.s32 $0x600  }
0x3ba: {  	[tilespmem:s14], [sflag:$0x1] =	stream.linear.gather [hbm4b:s6+s31], $0x60, $0x38;
	[tilespmem:$0x1BC00] =	vst v63  }
0x3bb: {  	s12 =	rddreg [dreg:$0x13]  }
0x3bc: {  	[tilespmem:s13], [sflag:$0x1] =	stream.linear.gather [hbm4b:s12+s31], $0x60, $0x38;
	[tilespmem:$0x1BC00] =	vst v63  }
0x3bd: {  	s15 =	rddreg [dreg:$0x14]  }
0x3be: {  	[tilespmem:s18], [sflag:$0x1] =	stream.linear.gather [hbm4b:s15+s31], $0x60, $0x38;
	[tilespmem:$0x1BC00] =	vst v63  }
0x3bf: {  	s17 =	rddreg [dreg:$0x15]  }
0x3c0: {  	[tilespmem:s21], [sflag:$0x1] =	stream.linear.gather [hbm4b:s17+s31], $0x60, $0x38;
	[tilespmem:$0x1BC00] =	vst v63  }
0x3c1: {  	_ =	swait.ge [sflag:s19], $0x60  }
0x3c2: {  	[sflag:s19] =	ssyncset.done $0x0  }
0x3c3: {  	[sflag:s19] =	ssyncadd.s32 $0xFFFFFFA0  }
0x3c4: {  	_ =	swait.ge [sflag:s19], $0x60  }
0x3c5: {  	[sflag:s19] =	ssyncset.done $0x0  }
0x3c6: {  	[sflag:s19] =	ssyncadd.s32 $0xFFFFFFA0  }
0x3c7: {  	_ =	swait.ge [sflag:s19], $0x60  }
0x3c8: {  	[sflag:s19] =	ssyncset.done $0x0  }
0x3c9: {  	[sflag:s19] =	ssyncadd.s32 $0xFFFFFFA0  }
0x3ca: {  	_ =	swait.ge [sflag:s19], $0x60  }
0x3cb: {  	[sflag:s19] =	ssyncset.done $0x0  }
0x3cc: {  	[sflag:s19] =	ssyncadd.s32 $0xFFFFFFA0  }
0x3cd: {  	_ =	swait.ge [sflag:s19], $0x60  }
0x3ce: {  	[sflag:s19] =	ssyncset.done $0x0  }
0x3cf: {  	[sflag:s19] =	ssyncadd.s32 $0xFFFFFFA0  }
0x3d0: {  	_ =	swait.ge [sflag:s19], $0x60  }
0x3d1: {  	[sflag:s19] =	ssyncset.done $0x0  }
0x3d2: {  	[sflag:s19] =	ssyncadd.s32 $0xFFFFFFA0  }
0x3d3: {  	_ =	swait.ge [sflag:s19], $0x60  }
0x3d4: {  	[sflag:s19] =	ssyncset.done $0x0  }
0x3d5: {  	[sflag:s19] =	ssyncadd.s32 $0xFFFFFFA0  }
0x3d6: {  	_ =	swait.ge [sflag:s19], $0x60  }
0x3d7: {  	[sflag:s19] =	ssyncset.done $0x0  }
0x3d8: {  	[sflag:s19] =	ssyncadd.s32 $0xFFFFFFA0  }
0x3d9: {  	_ =	swait.ge [sflag:s19], $0x60  }
0x3da: {  	[sflag:s19] =	ssyncset.done $0x0  }
0x3db: {  	[sflag:s19] =	ssyncadd.s32 $0xFFFFFFA0  }
0x3dc: {  	_ =	swait.ge [sflag:s19], $0x60  }
0x3dd: {  	[sflag:s19] =	ssyncset.done $0x0  }
0x3de: {  	[sflag:s19] =	ssyncadd.s32 $0xFFFFFFA0  }
0x3df: {  	_ =	swait.ge [sflag:s19], $0x60  }
0x3e0: {  	[sflag:s19] =	ssyncset.done $0x0  }
0x3e1: {  	[sflag:s19] =	ssyncadd.s32 $0xFFFFFFA0  }
0x3e2: {  	_ =	swait.ge [sflag:s19], $0x60  }
0x3e3: {  	[sflag:s19] =	ssyncset.done $0x0  }
0x3e4: {  	[sflag:s19] =	ssyncadd.s32 $0xFFFFFFA0  }
0x3e5: {  	_ =	swait.ge [sflag:s19], $0x60  }
0x3e6: {  	[sflag:s19] =	ssyncset.done $0x0  }
0x3e7: {  	[sflag:s19] =	ssyncadd.s32 $0xFFFFFFA0  }
0x3e8: {  	_ =	swait.ge [sflag:s19], $0x60  }
0x3e9: {  	[sflag:s19] =	ssyncset.done $0x0  }
0x3ea: {  	[sflag:s19] =	ssyncadd.s32 $0xFFFFFFA0  }
0x3eb: {  	_ =	swait.ge [sflag:s19], $0x60  }
0x3ec: {  	[sflag:s19] =	ssyncset.done $0x0  }
0x3ed: {  	[sflag:s19] =	ssyncadd.s32 $0xFFFFFFA0  }
0x3ee: {  	s4 =	stileid.u32;
	_ =	swait.ge [sflag:s19], $0x60  }
0x3ef: {  	s0 =	sshrl.u32 s3, $0x3;
	s20 =	simm.s32 $0x60;
	[sflag:s19] =	ssyncset.done $0x0  }
0x3f0: {  	s21 =	sshll.u32 s4, $0x6;
	s18 =	rddreg [dreg:$0x16];
	[sflag:s19] =	ssyncadd.s32 $0xFFFFFFA0  }
0x3f1: {  	s15 =	simm.s32 $0xC00;
	s3 =	sor.u32 $0x1C08, s21;
	s10 =	rddreg [dreg:$0x1]  }
0x3f2: {  	[tilespmem:s15], [sflag:$0x2] =	stream.indirect.gather [hbm4b:s10+s20], $0x80, s31, s20, $0xb8;
	[tilespmem:$0x1BC00] =	vst v63  }
0x3f3: {  	[spmem:s0], [sflag:s3] =	dma.local [hbm:s18], $0xC00  }
0x3f4: {  	[tilespmem:s11], [sflag:$0x3] =	stream.indirect.gather [hbm4b:s10+s20], $0x80, s16, s20, $0xb8;
	[tilespmem:$0x1BC00] =	vst v63  }
0x3f5: {  	s11 =	sld [smem:$0x7FB];
	_ =	sdelay $0x1  }
0x3f6: {  	s31 =	sor.u32 $0x1C09, s21;
	s1 =	rddreg [dreg:$0x17]  }
0x3f7: {  	[spmem:s11], [sflag:s31] =	dma.local [hbm:s1], $0xC00  }
0x3f8: {  	s17 =	simm.s32 $0x2;
	[smem:$0x7B5] =	sst s31  }
0x3f9: {  	_ =	swait.ge [sflag:s17], $0x3000  }
0x3fa: {  	s23 =	simm.s32 $0x400;
	[sflag:s17] =	ssyncset.done $0x0  }
0x3fb: {  	s12 =	simm.s32 $0x8;
	s19 =	rddreg [dreg:$0x18];
	[sflag:s17] =	ssyncadd.s32 $0xFFFFD000  }
0x3fc: {  	[hbm4b:s19+s23] =	stream.strided.scatter [tilespmem:s15], [sflag:$0x5], $0x3000, s15, s23, $0x38;
	[tilespmem:$0x1BC00] =	vst v63  }
0x3fd: {  	_ =	swait.ge [sflag:s12], $0xC00  }
0x3fe: {  	s8 =	simm.s32 $0x180;
	s13 =	simm.s32 $0x10;
	[sflag:s12] =	ssyncset.done $0x0  }
0x3ff: {  	s1 =	sor.u32 $0x1C0B, s21;
	s26 =	rddreg [dreg:$0x19];
	[sflag:s12] =	ssyncadd.s32 $0xFFFFF400  }
0x400: {  	[hbm:s26@s8], [sflag:s1] =	dma.strided [spmem:s0@s30], $0xC00, s13, $0x10   }
0x401: {  	s29 =	simm.s32 $0x6C00;
	[smem:$0x7B6] =	sst s1  }
0x402: {  	[tilespmem:s29], [sflag:$0x4] =	stream.indirect.gather [hbm4b:s10+s20], $0x80, s30, s20, $0xb8;
	[tilespmem:$0x1BC00] =	vst v63  }
0x403: {  	s8 =	sor.u32 $0x1C0A, s21;
	s28 =	rddreg [dreg:$0x1a];
	s29 =	simm.s32 $0x3  }
0x404: {  	[spmem:s25], [sflag:s8] =	dma.local [hbm:s28], $0xC00  }
0x405: {  	_ =	swait.ge [sflag:s29], $0x3000  }
0x406: {  	s24 =	simm.s32 $0x3C00;
	[sflag:s29] =	ssyncset.done $0x0  }
0x407: {  	s28 =	simm.s32 $0x9;
	s4 =	rddreg [dreg:$0x1b];
	[sflag:s29] =	ssyncadd.s32 $0xFFFFD000  }
0x408: {  	[hbm4b:s4+s23] =	stream.strided.scatter [tilespmem:s24], [sflag:$0x6], $0x3000, s15, s23, $0x38;
	[tilespmem:$0x1BC00] =	vst v63  }
0x409: {  	_ =	swait.ge [sflag:s28], $0xC00  }
0x40a: {  	s5 =	simm.s32 $0x180;
	s14 =	simm.s32 $0x5;
	[sflag:s28] =	ssyncset.done $0x0  }
0x40b: {  	s19 =	sor.u32 $0x1C0C, s21;
	s26 =	rddreg [dreg:$0x1c];
	[sflag:s28] =	ssyncadd.s32 $0xFFFFF400  }
0x40c: {  	[hbm:s26@s5], [sflag:s19] =	dma.strided [spmem:s11@s30], $0xC00, s13, $0x10   }
0x40d: {  	_ =	swait.ge [sflag:s14], $0x3000  }
0x40e: {  	[sflag:s14] =	ssyncset.done $0x0  }
0x40f: {  	[sflag:s14] =	ssyncadd.s32 $0xFFFFD000  }
0x410: {  	_ =	swait.ge [sflag:s9], $0xC00  }
0x411: {  	[sflag:s9] =	ssyncset.done $0x0  }
0x412: {  	s23 =	rddreg [dreg:$0x1d];
	[sflag:s9] =	ssyncadd.s32 $0xFFFFF400  }
0x413: {  	[tilespmem:s15], [sflag:$0x2] =	stream.indirect.gather [hbm4b:s10+s20], $0x80, s5, s20, $0xb8;
	[tilespmem:$0x1BC00] =	vst v63  }
0x414: {  	[spmem:s0], [sflag:s3] =	dma.local [hbm:s23], $0xC00  }
0x415: {  	s23 =	simm.s32 $0x4  }
0x416: {  	_ =	swait.ge [sflag:s23], $0x3000  }
0x417: {  	s6 =	simm.s32 $0x400;
	[sflag:s23] =	ssyncset.done $0x0  }
0x418: {  	s16 =	simm.s32 $0x6C00;
	s24 =	rddreg [dreg:$0x1e];
	[sflag:s23] =	ssyncadd.s32 $0xFFFFD000  }
0x419: {  	[hbm4b:s24+s6] =	stream.strided.scatter [tilespmem:s16], [sflag:$0x7], $0x3000, s15, s6, $0x38;
	[tilespmem:$0x1BC00] =	vst v63  }
0x41a: {  	s24 =	simm.s32 $0xA  }
0x41b: {  	_ =	swait.ge [sflag:s24], $0xC00  }
0x41c: {  	s2 =	simm.s32 $0x180;
	[sflag:s24] =	ssyncset.done $0x0  }
0x41d: {  	s21 =	sor.u32 $0x1C0D, s21;
	s5 =	rddreg [dreg:$0x1f];
	[sflag:s24] =	ssyncadd.s32 $0xFFFFF400  }
0x41e: {  	[hbm:s5@s2], [sflag:s21] =	dma.strided [spmem:s25@s30], $0xC00, s13, $0x10   }
0x41f: {  	_ =	swait.ge [sflag:s7], $0x3000  }
0x420: {  	[sflag:s7] =	ssyncset.done $0x0  }
0x421: {  	s5 =	simm.s32 $0xC;
	[sflag:s7] =	ssyncadd.s32 $0xFFFFD000  }
0x422: {  	_ =	swait.ge [sflag:s5], $0xC00  }
0x423: {  	[sflag:s5] =	ssyncset.done $0x0;
	s16 =	sld [smem:$0x7C5]  }
0x424: {  	s18 =	smov.u32 s25;
	s25 =	simm.s32 $0x3C00;
	[sflag:s5] =	ssyncadd.s32 $0xFFFFF400  }
0x425: {  	[tilespmem:s25], [sflag:$0x3] =	stream.indirect.gather [hbm4b:s10+s20], $0x80, s22, s20, $0xb8;
	[tilespmem:$0x1BC00] =	vst v63  }
0x426: {  	[spmem:s11], [sflag:s31] =	dma.local [hbm:s16], $0xC00  }
0x427: {  	_ =	swait.ge [sflag:s17], $0x3000  }
0x428: {  	s22 =	sld [smem:$0x7C6]  }
0x429: {  	[sflag:s17] =	ssyncset.done $0x0  }
0x42a: {  	[sflag:s17] =	ssyncadd.s32 $0xFFFFD000  }
0x42b: {  	[hbm4b:s22+s6] =	stream.strided.scatter [tilespmem:s15], [sflag:$0x5], $0x3000, s15, s6, $0x38;
	[tilespmem:$0x1BC00] =	vst v63  }
0x42c: {  	_ =	swait.ge [sflag:s12], $0xC00  }
0x42d: {  	s31 =	sld [smem:$0x7C7]  }
0x42e: {  	[sflag:s12] =	ssyncset.done $0x0  }
0x42f: {  	s22 =	simm.s32 $0x7;
	[sflag:s12] =	ssyncadd.s32 $0xFFFFF400  }
0x430: {  	[hbm:s31@s2], [sflag:s1] =	dma.strided [spmem:s0@s30], $0xC00, s13, $0x10   }
0x431: {  	_ =	swait.ge [sflag:s22], $0x3000  }
0x432: {  	[sflag:s22] =	ssyncset.done $0x0  }
0x433: {  	s16 =	simm.s32 $0xD;
	[sflag:s22] =	ssyncadd.s32 $0xFFFFD000  }
0x434: {  	_ =	swait.ge [sflag:s16], $0xC00  }
0x435: {  	s31 =	simm.s32 $0x280;
	[sflag:s16] =	ssyncset.done $0x0;
	s26 =	sld [smem:$0x7C8]  }
0x436: {  	s1 =	simm.s32 $0x6C00;
	[smem:$0x7B7] =	sst s8;
	[sflag:s16] =	ssyncadd.s32 $0xFFFFF400  }
0x437: {  	[tilespmem:s1], [sflag:$0x4] =	stream.indirect.gather [hbm4b:s10+s20], $0x80, s31, s20, $0xb8;
	[tilespmem:$0x1BC00] =	vst v63  }
0x438: {  	[spmem:s18], [sflag:s8] =	dma.local [hbm:s26], $0xC00  }
0x439: {  	_ =	swait.ge [sflag:s29], $0x3000  }
0x43a: {  	s1 =	sld [smem:$0x7C9]  }
0x43b: {  	[sflag:s29] =	ssyncset.done $0x0  }
0x43c: {  	[sflag:s29] =	ssyncadd.s32 $0xFFFFD000  }
0x43d: {  	[hbm4b:s1+s6] =	stream.strided.scatter [tilespmem:s25], [sflag:$0x6], $0x3000, s15, s6, $0x38;
	[tilespmem:$0x1BC00] =	vst v63  }
0x43e: {  	_ =	swait.ge [sflag:s28], $0xC00  }
0x43f: {  	s25 =	sld [smem:$0x7CA]  }
0x440: {  	[sflag:s28] =	ssyncset.done $0x0  }
0x441: {  	[sflag:s28] =	ssyncadd.s32 $0xFFFFF400  }
0x442: {  	[hbm:s25@s2], [sflag:s19] =	dma.strided [spmem:s11@s30], $0xC00, s13, $0x10   }
0x443: {  	_ =	swait.ge [sflag:s14], $0x3000  }
0x444: {  	[sflag:s14] =	ssyncset.done $0x0  }
0x445: {  	[sflag:s14] =	ssyncadd.s32 $0xFFFFD000  }
0x446: {  	_ =	swait.ge [sflag:s9], $0xC00  }
0x447: {  	[sflag:s9] =	ssyncset.done $0x0;
	s26 =	sld [smem:$0x7CB]  }
0x448: {  	s31 =	simm.s32 $0x300;
	[sflag:s9] =	ssyncadd.s32 $0xFFFFF400  }
0x449: {  	[tilespmem:s15], [sflag:$0x2] =	stream.indirect.gather [hbm4b:s10+s20], $0x80, s31, s20, $0xb8;
	[tilespmem:$0x1BC00] =	vst v63  }
0x44a: {  	[spmem:s0], [sflag:s3] =	dma.local [hbm:s26], $0xC00  }
0x44b: {  	_ =	swait.ge [sflag:s23], $0x3000  }
0x44c: {  	s4 =	smov.u32 s3;
	s3 =	sld [smem:$0x7CC]  }
0x44d: {  	[sflag:s23] =	ssyncset.done $0x0  }
0x44e: {  	s31 =	simm.s32 $0x6C00;
	[sflag:s23] =	ssyncadd.s32 $0xFFFFD000  }
0x44f: {  	[hbm4b:s3+s6] =	stream.strided.scatter [tilespmem:s31], [sflag:$0x7], $0x3000, s15, s6, $0x38;
	[tilespmem:$0x1BC00] =	vst v63  }
0x450: {  	_ =	swait.ge [sflag:s24], $0xC00  }
0x451: {  	s25 =	sld [smem:$0x7CD]  }
0x452: {  	[sflag:s24] =	ssyncset.done $0x0  }
0x453: {  	[sflag:s24] =	ssyncadd.s32 $0xFFFFF400  }
0x454: {  	[hbm:s25@s2], [sflag:s21] =	dma.strided [spmem:s18@s30], $0xC00, s13, $0x10   }
0x455: {  	_ =	swait.ge [sflag:s7], $0x3000  }
0x456: {  	[sflag:s7] =	ssyncset.done $0x0  }
0x457: {  	[sflag:s7] =	ssyncadd.s32 $0xFFFFD000  }
0x458: {  	_ =	swait.ge [sflag:s5], $0xC00  }
0x459: {  	s1 =	simm.s32 $0x3C00;
	[sflag:s5] =	ssyncset.done $0x0  }
0x45a: {  	s3 =	simm.s32 $0x380;
	s26 =	sld [smem:$0x7CE];
	[sflag:s5] =	ssyncadd.s32 $0xFFFFF400  }
0x45b: {  	[tilespmem:s1], [sflag:$0x3] =	stream.indirect.gather [hbm4b:s10+s20], $0x80, s3, s20, $0xb8;
	[tilespmem:$0x1BC00] =	vst v63  }
0x45c: {  	s3 =	smov.u32 s10;
	s10 =	sld [smem:$0x7B5];
	_ =	sdelay $0x2  }
0x45d: {  	[spmem:s11], [sflag:s10] =	dma.local [hbm:s26], $0xC00  }
0x45e: {  	_ =	swait.ge [sflag:s17], $0x3000  }
0x45f: {  	s1 =	sld [smem:$0x7CF]  }
0x460: {  	[sflag:s17] =	ssyncset.done $0x0  }
0x461: {  	[sflag:s17] =	ssyncadd.s32 $0xFFFFD000  }
0x462: {  	[hbm4b:s1+s6] =	stream.strided.scatter [tilespmem:s15], [sflag:$0x5], $0x3000, s15, s6, $0x38;
	[tilespmem:$0x1BC00] =	vst v63  }
0x463: {  	_ =	swait.ge [sflag:s12], $0xC00  }
0x464: {  	s26 =	sld [smem:$0x7D0]  }
0x465: {  	s1 =	sld [smem:$0x7B6]  }
0x466: {  	[sflag:s12] =	ssyncset.done $0x0  }
0x467: {  	[sflag:s12] =	ssyncadd.s32 $0xFFFFF400  }
0x468: {  	[hbm:s26@s2], [sflag:s1] =	dma.strided [spmem:s0@s30], $0xC00, s13, $0x10   }
0x469: {  	_ =	swait.ge [sflag:s22], $0x3000  }
0x46a: {  	[sflag:s22] =	ssyncset.done $0x0  }
0x46b: {  	[sflag:s22] =	ssyncadd.s32 $0xFFFFD000  }
0x46c: {  	_ =	swait.ge [sflag:s16], $0xC00  }
0x46d: {  	[sflag:s16] =	ssyncset.done $0x0;
	s26 =	sld [smem:$0x7D1]  }
0x46e: {  	[sflag:s16] =	ssyncadd.s32 $0xFFFFF400  }
0x46f: {  	[tilespmem:s31], [sflag:$0x4] =	stream.indirect.gather [hbm4b:s3+s20], $0x80, s6, s20, $0xb8;
	[tilespmem:$0x1BC00] =	vst v63  }
0x470: {  	[spmem:s18], [sflag:s8] =	dma.local [hbm:s26], $0xC00  }
0x471: {  	_ =	swait.ge [sflag:s29], $0x3000  }
0x472: {  	s8 =	sld [smem:$0x7D2]  }
0x473: {  	[sflag:s29] =	ssyncset.done $0x0  }
0x474: {  	s25 =	simm.s32 $0x3C00;
	[sflag:s29] =	ssyncadd.s32 $0xFFFFD000  }
0x475: {  	[hbm4b:s8+s6] =	stream.strided.scatter [tilespmem:s25], [sflag:$0x6], $0x3000, s15, s6, $0x38;
	[tilespmem:$0x1BC00] =	vst v63  }
0x476: {  	_ =	swait.ge [sflag:s28], $0xC00  }
0x477: {  	s25 =	sld [smem:$0x7D3]  }
0x478: {  	[sflag:s28] =	ssyncset.done $0x0  }
0x479: {  	[sflag:s28] =	ssyncadd.s32 $0xFFFFF400  }
0x47a: {  	[hbm:s25@s2], [sflag:s19] =	dma.strided [spmem:s11@s30], $0xC00, s13, $0x10   }
0x47b: {  	[smem:$0x7B8] =	sst s19  }
0x47c: {  	_ =	swait.ge [sflag:s14], $0x3000  }
0x47d: {  	[sflag:s14] =	ssyncset.done $0x0  }
0x47e: {  	[sflag:s14] =	ssyncadd.s32 $0xFFFFD000  }
0x47f: {  	_ =	swait.ge [sflag:s9], $0xC00  }
0x480: {  	[sflag:s9] =	ssyncset.done $0x0;
	s26 =	sld [smem:$0x7D4]  }
0x481: {  	s25 =	simm.s32 $0x480;
	[sflag:s9] =	ssyncadd.s32 $0xFFFFF400  }
0x482: {  	[tilespmem:s15], [sflag:$0x2] =	stream.indirect.gather [hbm4b:s3+s20], $0x80, s25, s20, $0xb8;
	[tilespmem:$0x1BC00] =	vst v63  }
0x483: {  	[spmem:s0], [sflag:s4] =	dma.local [hbm:s26], $0xC00  }
0x484: {  	_ =	swait.ge [sflag:s23], $0x3000  }
0x485: {  	s25 =	sld [smem:$0x7D5]  }
0x486: {  	[sflag:s23] =	ssyncset.done $0x0  }
0x487: {  	s31 =	simm.s32 $0x6C00;
	[sflag:s23] =	ssyncadd.s32 $0xFFFFD000  }
0x488: {  	[hbm4b:s25+s6] =	stream.strided.scatter [tilespmem:s31], [sflag:$0x7], $0x3000, s15, s6, $0x38;
	[tilespmem:$0x1BC00] =	vst v63  }
0x489: {  	_ =	swait.ge [sflag:s24], $0xC00  }
0x48a: {  	s25 =	sld [smem:$0x7D6]  }
0x48b: {  	[sflag:s24] =	ssyncset.done $0x0  }
0x48c: {  	[sflag:s24] =	ssyncadd.s32 $0xFFFFF400  }
0x48d: {  	[hbm:s25@s2], [sflag:s21] =	dma.strided [spmem:s18@s30], $0xC00, s13, $0x10   }
0x48e: {  	_ =	swait.ge [sflag:s7], $0x3000  }
0x48f: {  	[sflag:s7] =	ssyncset.done $0x0  }
0x490: {  	[sflag:s7] =	ssyncadd.s32 $0xFFFFD000  }
0x491: {  	_ =	swait.ge [sflag:s5], $0xC00  }
0x492: {  	[sflag:s5] =	ssyncset.done $0x0;
	s26 =	sld [smem:$0x7D7]  }
0x493: {  	s8 =	simm.s32 $0x3C00;
	s31 =	simm.s32 $0x500;
	[sflag:s5] =	ssyncadd.s32 $0xFFFFF400  }
0x494: {  	[tilespmem:s8], [sflag:$0x3] =	stream.indirect.gather [hbm4b:s3+s20], $0x80, s31, s20, $0xb8;
	[tilespmem:$0x1BC00] =	vst v63  }
0x495: {  	[spmem:s11], [sflag:s10] =	dma.local [hbm:s26], $0xC00  }
0x496: {  	_ =	swait.ge [sflag:s17], $0x3000  }
0x497: {  	s25 =	sld [smem:$0x7D8]  }
0x498: {  	[sflag:s17] =	ssyncset.done $0x0  }
0x499: {  	[sflag:s17] =	ssyncadd.s32 $0xFFFFD000  }
0x49a: {  	[hbm4b:s25+s6] =	stream.strided.scatter [tilespmem:s15], [sflag:$0x5], $0x3000, s15, s6, $0x38;
	[tilespmem:$0x1BC00] =	vst v63  }
0x49b: {  	_ =	swait.ge [sflag:s12], $0xC00  }
0x49c: {  	s31 =	sld [smem:$0x7DA]  }
0x49d: {  	[sflag:s12] =	ssyncset.done $0x0  }
0x49e: {  	[sflag:s12] =	ssyncadd.s32 $0xFFFFF400  }
0x49f: {  	[hbm:s31@s2], [sflag:s1] =	dma.strided [spmem:s0@s30], $0xC00, s13, $0x10   }
0x4a0: {  	_ =	swait.ge [sflag:s22], $0x3000  }
0x4a1: {  	[sflag:s22] =	ssyncset.done $0x0  }
0x4a2: {  	[sflag:s22] =	ssyncadd.s32 $0xFFFFD000  }
0x4a3: {  	_ =	swait.ge [sflag:s16], $0xC00  }
0x4a4: {  	s8 =	smov.u32 s1;
	s25 =	simm.s32 $0x580;
	[sflag:s16] =	ssyncset.done $0x0  }
0x4a5: {  	s1 =	simm.s32 $0x6C00;
	s26 =	sld [smem:$0x7DB];
	[sflag:s16] =	ssyncadd.s32 $0xFFFFF400  }
0x4a6: {  	[tilespmem:s1], [sflag:$0x4] =	stream.indirect.gather [hbm4b:s3+s20], $0x80, s25, s20, $0xb8;
	[tilespmem:$0x1BC00] =	vst v63  }
0x4a7: {  	s1 =	sld [smem:$0x7B7];
	_ =	sdelay $0x2  }
0x4a8: {  	[spmem:s18], [sflag:s1] =	dma.local [hbm:s26], $0xC00  }
0x4a9: {  	_ =	swait.ge [sflag:s29], $0x3000  }
0x4aa: {  	s26 =	sld [smem:$0x7DC]  }
0x4ab: {  	[sflag:s29] =	ssyncset.done $0x0  }
0x4ac: {  	s25 =	simm.s32 $0x3C00;
	[sflag:s29] =	ssyncadd.s32 $0xFFFFD000  }
0x4ad: {  	[hbm4b:s26+s6] =	stream.strided.scatter [tilespmem:s25], [sflag:$0x6], $0x3000, s15, s6, $0x38;
	[tilespmem:$0x1BC00] =	vst v63  }
0x4ae: {  	_ =	swait.ge [sflag:s28], $0xC00  }
0x4af: {  	s25 =	sld [smem:$0x7DF]  }
0x4b0: {  	[sflag:s28] =	ssyncset.done $0x0  }
0x4b1: {  	[sflag:s28] =	ssyncadd.s32 $0xFFFFF400  }
0x4b2: {  	[hbm:s25@s2], [sflag:s19] =	dma.strided [spmem:s11@s30], $0xC00, s13, $0x10   }
0x4b3: {  	_ =	swait.ge [sflag:s14], $0x3000  }
0x4b4: {  	[sflag:s14] =	ssyncset.done $0x0  }
0x4b5: {  	[sflag:s14] =	ssyncadd.s32 $0xFFFFD000  }
0x4b6: {  	_ =	swait.ge [sflag:s9], $0xC00  }
0x4b7: {  	[sflag:s9] =	ssyncset.done $0x0;
	s26 =	sld [smem:$0x7E0]  }
0x4b8: {  	s19 =	simm.s32 $0x600;
	[sflag:s9] =	ssyncadd.s32 $0xFFFFF400  }
0x4b9: {  	[tilespmem:s15], [sflag:$0x2] =	stream.indirect.gather [hbm4b:s3+s20], $0x80, s19, s20, $0xb8;
	[tilespmem:$0x1BC00] =	vst v63  }
0x4ba: {  	[spmem:s0], [sflag:s4] =	dma.local [hbm:s26], $0xC00  }
0x4bb: {  	_ =	swait.ge [sflag:s23], $0x3000  }
0x4bc: {  	s25 =	sld [smem:$0x7E1]  }
0x4bd: {  	[sflag:s23] =	ssyncset.done $0x0  }
0x4be: {  	s31 =	simm.s32 $0x6C00;
	[sflag:s23] =	ssyncadd.s32 $0xFFFFD000  }
0x4bf: {  	[hbm4b:s25+s6] =	stream.strided.scatter [tilespmem:s31], [sflag:$0x7], $0x3000, s15, s6, $0x38;
	[tilespmem:$0x1BC00] =	vst v63  }
0x4c0: {  	_ =	swait.ge [sflag:s24], $0xC00  }
0x4c1: {  	s31 =	sld [smem:$0x7E4]  }
0x4c2: {  	[sflag:s24] =	ssyncset.done $0x0  }
0x4c3: {  	[sflag:s24] =	ssyncadd.s32 $0xFFFFF400  }
0x4c4: {  	[hbm:s31@s2], [sflag:s21] =	dma.strided [spmem:s18@s30], $0xC00, s13, $0x10   }
0x4c5: {  	_ =	swait.ge [sflag:s7], $0x3000  }
0x4c6: {  	[sflag:s7] =	ssyncset.done $0x0  }
0x4c7: {  	[sflag:s7] =	ssyncadd.s32 $0xFFFFD000  }
0x4c8: {  	_ =	swait.ge [sflag:s5], $0xC00  }
0x4c9: {  	s19 =	smov.u32 s4;
	[sflag:s5] =	ssyncset.done $0x0;
	s26 =	sld [smem:$0x7E5]  }
0x4ca: {  	s4 =	simm.s32 $0x3C00;
	s25 =	simm.s32 $0x680;
	[sflag:s5] =	ssyncadd.s32 $0xFFFFF400  }
0x4cb: {  	[tilespmem:s4], [sflag:$0x3] =	stream.indirect.gather [hbm4b:s3+s20], $0x80, s25, s20, $0xb8;
	[tilespmem:$0x1BC00] =	vst v63  }
0x4cc: {  	[spmem:s11], [sflag:s10] =	dma.local [hbm:s26], $0xC00  }
0x4cd: {  	_ =	swait.ge [sflag:s17], $0x3000  }
0x4ce: {  	s10 =	sld [smem:$0x7E6]  }
0x4cf: {  	[sflag:s17] =	ssyncset.done $0x0  }
0x4d0: {  	[sflag:s17] =	ssyncadd.s32 $0xFFFFD000  }
0x4d1: {  	[hbm4b:s10+s6] =	stream.strided.scatter [tilespmem:s15], [sflag:$0x5], $0x3000, s15, s6, $0x38;
	[tilespmem:$0x1BC00] =	vst v63  }
0x4d2: {  	_ =	swait.ge [sflag:s12], $0xC00  }
0x4d3: {  	s26 =	sld [smem:$0x7E9]  }
0x4d4: {  	[sflag:s12] =	ssyncset.done $0x0  }
0x4d5: {  	[sflag:s12] =	ssyncadd.s32 $0xFFFFF400  }
0x4d6: {  	[hbm:s26@s2], [sflag:s8] =	dma.strided [spmem:s0@s30], $0xC00, s13, $0x10   }
0x4d7: {  	_ =	swait.ge [sflag:s22], $0x3000  }
0x4d8: {  	[sflag:s22] =	ssyncset.done $0x0  }
0x4d9: {  	[sflag:s22] =	ssyncadd.s32 $0xFFFFD000  }
0x4da: {  	_ =	swait.ge [sflag:s16], $0xC00  }
0x4db: {  	[sflag:s16] =	ssyncset.done $0x0;
	s25 =	sld [smem:$0x7EA]  }
0x4dc: {  	s4 =	simm.s32 $0x700;
	s26 =	simm.s32 $0x6C00;
	[sflag:s16] =	ssyncadd.s32 $0xFFFFF400  }
0x4dd: {  	[tilespmem:s26], [sflag:$0x4] =	stream.indirect.gather [hbm4b:s3+s20], $0x80, s4, s20, $0xb8;
	[tilespmem:$0x1BC00] =	vst v63  }
0x4de: {  	[spmem:s18], [sflag:s1] =	dma.local [hbm:s25], $0xC00  }
0x4df: {  	_ =	swait.ge [sflag:s29], $0x3000  }
0x4e0: {  	s25 =	sld [smem:$0x7EC]  }
0x4e1: {  	[sflag:s29] =	ssyncset.done $0x0  }
0x4e2: {  	s31 =	simm.s32 $0x3C00;
	[sflag:s29] =	ssyncadd.s32 $0xFFFFD000  }
0x4e3: {  	[hbm4b:s25+s6] =	stream.strided.scatter [tilespmem:s31], [sflag:$0x6], $0x3000, s15, s6, $0x38;
	[tilespmem:$0x1BC00] =	vst v63  }
0x4e4: {  	_ =	swait.ge [sflag:s28], $0xC00  }
0x4e5: {  	s29 =	sld [smem:$0x7EF]  }
0x4e6: {  	s31 =	sld [smem:$0x7B8]  }
0x4e7: {  	[sflag:s28] =	ssyncset.done $0x0  }
0x4e8: {  	[sflag:s28] =	ssyncadd.s32 $0xFFFFF400  }
0x4e9: {  	[hbm:s29@s2], [sflag:s31] =	dma.strided [spmem:s11@s30], $0xC00, s13, $0x10   }
0x4ea: {  	_ =	swait.ge [sflag:s14], $0x3000  }
0x4eb: {  	[sflag:s14] =	ssyncset.done $0x0  }
0x4ec: {  	[sflag:s14] =	ssyncadd.s32 $0xFFFFD000  }
0x4ed: {  	_ =	swait.ge [sflag:s9], $0xC00  }
0x4ee: {  	[sflag:s9] =	ssyncset.done $0x0;
	s1 =	sld [smem:$0x7F0]  }
0x4ef: {  	s11 =	simm.s32 $0x780;
	[sflag:s9] =	ssyncadd.s32 $0xFFFFF400  }
0x4f0: {  	[tilespmem:s15], [sflag:$0x2] =	stream.indirect.gather [hbm4b:s3+s20], $0x80, s11, s20, $0xb8;
	[tilespmem:$0x1BC00] =	vst v63  }
0x4f1: {  	[spmem:s0], [sflag:s19] =	dma.local [hbm:s1], $0xC00  }
0x4f2: {  	_ =	swait.ge [sflag:s23], $0x3000  }
0x4f3: {  	s25 =	sld [smem:$0x7F3]  }
0x4f4: {  	[sflag:s23] =	ssyncset.done $0x0  }
0x4f5: {  	[sflag:s23] =	ssyncadd.s32 $0xFFFFD000  }
0x4f6: {  	[hbm4b:s25+s6] =	stream.strided.scatter [tilespmem:s26], [sflag:$0x7], $0x3000, s15, s6, $0x38;
	[tilespmem:$0x1BC00] =	vst v63  }
0x4f7: {  	_ =	swait.ge [sflag:s24], $0xC00  }
0x4f8: {  	s26 =	sld [smem:$0x7F4]  }
0x4f9: {  	[sflag:s24] =	ssyncset.done $0x0  }
0x4fa: {  	[sflag:s24] =	ssyncadd.s32 $0xFFFFF400  }
0x4fb: {  	[hbm:s26@s2], [sflag:s21] =	dma.strided [spmem:s18@s30], $0xC00, s13, $0x10   }
0x4fc: {  	_ =	swait.ge [sflag:s17], $0x3000  }
0x4fd: {  	s28 =	sld [smem:$0x7F5]  }
0x4fe: {  	[sflag:s17] =	ssyncset.done $0x0  }
0x4ff: {  	[sflag:s17] =	ssyncadd.s32 $0xFFFFD000  }
0x500: {  	[hbm4b:s28+s6] =	stream.strided.scatter [tilespmem:s15], [sflag:$0x5], $0x3000, s15, s6, $0x38;
	[tilespmem:$0x1BC00] =	vst v63  }
0x501: {  	_ =	swait.ge [sflag:s12], $0xC00  }
0x502: {  	s29 =	sld [smem:$0x7F6]  }
0x503: {  	[sflag:s12] =	ssyncset.done $0x0  }
0x504: {  	s10 =	smov.u32 s8;
	[sflag:s12] =	ssyncadd.s32 $0xFFFFF400  }
0x505: {  	[hbm:s29@s2], [sflag:s10] =	dma.strided [spmem:s0@s30], $0xC00, s13, $0x10   }
0x506: {  	_ =	swait.ge [sflag:s14], $0x3000  }
0x507: {  	[sflag:s14] =	ssyncset.done $0x0  }
0x508: {  	[sflag:s14] =	ssyncadd.s32 $0xFFFFD000  }
0x509: {  	_ =	swait.ge [sflag:s7], $0x3000  }
0x50a: {  	[sflag:s7] =	ssyncset.done $0x0  }
0x50b: {  	[sflag:s7] =	ssyncadd.s32 $0xFFFFD000  }
0x50c: {  	_ =	swait.ge [sflag:s22], $0x3000  }
0x50d: {  	[sflag:s22] =	ssyncset.done $0x0  }
0x50e: {  	[sflag:s22] =	ssyncadd.s32 $0xFFFFD000  }
0x50f: {  	_ =	swait.ge [sflag:s9], $0xC00  }
0x510: {  	[sflag:s9] =	ssyncset.done $0x0  }
0x511: {  	[sflag:s9] =	ssyncadd.s32 $0xFFFFF400  }
0x512: {  	_ =	swait.ge [sflag:s5], $0xC00  }
0x513: {  	[sflag:s5] =	ssyncset.done $0x0  }
0x514: {  	[sflag:s5] =	ssyncadd.s32 $0xFFFFF400  }
0x515: {  	_ =	swait.ge [sflag:s16], $0xC00  }
0x516: {  	s0 =	sld [smem:$0x7F7]  }
0x517: {  	s8 =	smov.u32 s3;
	[sflag:s16] =	ssyncset.done $0x0  }
0x518: {  	s3 =	simm.s32 @!p0 $0xE;
	s1 =	simm.s32 @!p0 $0x0;
	[sflag:s16] =	ssyncadd.s32 $0xFFFFF400  }
0x519: {  	[tilespmem:s1], [sflag:$0xE] =	stream.linear.gather @!p0 [hbm4b:s0+s1], $0x60, $0x38;
	[tilespmem:$0x1BC00] =	vst v63  }
0x51a: {  	_ =	swait.ge @!p0 [sflag:s3], $0x60  }
0x51b: {  	[sflag:s3] =	ssyncset.done @!p0 $0x0  }
0x51c: {  	s4 =	simm.s32 @!p0 $0xC00;
	s0 =	simm.s32 @!p0 $0x60;
	[sflag:s3] =	ssyncadd.s32 @!p0 $0xFFFFFFA0  }
0x51d: {  	[tilespmem:s4], [sflag:$0x2] =	stream.indirect.gather @!p0 [hbm4b:s8+s0], $0x80, s1, s0, $0xb8;
	[tilespmem:$0x1BC00] =	vst v63  }
0x51e: {  	s0 =	simm.s32 @!p0 $0x2  }
0x51f: {  	_ =	swait.ge @!p0 [sflag:s0], $0x3000  }
0x520: {  	s1 =	sld [smem:$0x7F8]  }
0x521: {  	[sflag:s0] =	ssyncset.done @!p0 $0x0  }
0x522: {  	[sflag:s0] =	ssyncadd.s32 @!p0 $0xFFFFD000;
	s0 =	simm.s32 @!p0 $0x400  }
0x523: {  	[hbm4b:s1+s0] =	stream.strided.scatter @!p0 [tilespmem:s4], [sflag:$0xE], $0x3000, s4, s0, $0x38;
	[tilespmem:$0x1BC00] =	vst v63  }
0x524: {  	_ =	swait.ge @!p0 [sflag:s3], $0x3000  }
0x525: {  	s0 =	sld [smem:$0x7F9]  }
0x526: {  	s1 =	sld [smem:$0x7FC]  }
0x527: {  	s6 =	sld [smem:$0x7FD]  }
0x528: {  	[sflag:s3] =	ssyncset.done @!p0 $0x0  }
0x529: {  	[sflag:s3] =	ssyncadd.s32 @!p0 $0xFFFFD000;
	s1 =	sor.u32 @!p0 $0x1C0E, s1  }
0x52a: {  	[spmem:s6], [sflag:s1] =	dma.local @!p0 [hbm:s0], $0xC00  }
0x52b: {  	_ =	swait.ge @!p0 [sflag:s3], $0xC00  }
0x52c: {  	s0 =	sld [smem:$0x7FA]  }
0x52d: {  	s2 =	simm.s32 @!p0 $0x100;
	[sflag:s3] =	ssyncset.done @!p0 $0x0  }
0x52e: {  	s5 =	simm.s32 @!p0 $0x180;
	s4 =	simm.s32 @!p0 $0x10;
	[sflag:s3] =	ssyncadd.s32 @!p0 $0xFFFFF400  }
0x52f: {  	[hbm:s0@s5], [sflag:s1] =	dma.strided @!p0 [spmem:s6@s2], $0xC00, s4, $0x10   }
0x530: {  	_ =	swait.ge @!p0 [sflag:s3], $0xC00  }
0x531: {  	[sflag:s3] =	ssyncset.done @!p0 $0x0  }
0x532: {  	[sflag:s3] =	ssyncadd.s32 @!p0 $0xFFFFF400  }
0x533: {  	_ =	sfence.sel $0x180000  }
0x534: {  	[bflag:$0x0] =	sbarrier.arrive $0xFFFF  }
0x535: {  	_ =	strace $0x90000047  }
0x536: {  	s31 =	stileid.u32;
	[bflag:$0x2] =	sbarrier.arrive $0xFFFF  }
0x537: {  	p0 =	sne.s32 s31, $0x0;
	s0 =	rddreg [dreg:$0x5]  }
0x538: {  	s0 =	sadd.s32 @!p0 $0x100000, s0  }
0x539: {  	[sflag:s0] =	ssyncadd.tile.s32 @!p0 $0x1;
	_ =	shalt  }
.LBB2_2:
.Ltmp3:
0x53a: {  	(pc) =	sbr.rel .LBB2_5-.Ltmp3, $3  }
0x53b: {  	_ =	sdelay $0x1  }
0x53c: {  	s21 =	simm.s32 $0x780;
	s18 =	simm.s32 $0x700;
	s11 =	simm.s32 $0x3C00  }
0x53d: {  	s13 =	simm.s32 $0x680;
	s2 =	simm.s32 $0x280;
	s3 =	sld [smem:$0x7BA]  }
.Lfunc_end2:
_tile_overlayer_lowered:
.L_overlay_start_2:
0x53e: {  	(tag) =	ssettag $0x2  }
0x53f: {  	s0 =	rddreg [dreg:$0x0];
	s2 =	stileid.u32  }
0x540: {  	s1 =	rddreg [dreg:$0x1];
	p0 =	sne.s32 s2, $0x0  }
0x541: {  	s3 =	rddreg [dreg:$0x2];
	[bflag:$0x3] =	sbarrier.arrive $0xFFFF;
	s2 =	simm.s32 @!p0 $0x1C0E  }
0x542: {  	[timem:s3], [sflag:s2] =	dma.local @!p0 [hbm:s0], s1  }
0x543: {  	s0 =	simm.s32 @!p0 $0xE  }
0x544: {  	_ =	swait.ge @!p0 [sflag:s0], s1  }
0x545: {  	s1 =	ssub.s32 @!p0 $0x0, s1;
	[sflag:s0] =	ssyncset.done @!p0 $0x0  }
0x546: {  	[sflag:s0] =	ssyncadd.s32 @!p0 s1  }
0x547: {  	[bflag:$0x3] =	sbarrier.arrive $0xFFFF  }
0x548: {  	_ =	shalt  }

</sc_bundles>
